<compile_context>
chip_gen: v7x
topology: tpu7x:2x2x1
jax: 0.10.2.dev20260603
libtpu: 0.0.44.dev20260713+nightly
codegen_flags: <defaults>
</compile_context>

<pallas_src>
import functools

import jax
import jax.numpy as jnp
from jax import lax
from jax.experimental import pallas as pl
from jax.experimental.pallas import tpu as pltpu
from jax.experimental.pallas import tpu_sc as plsc

VOCAB = 100000
BATCH = 16384
DIM = 300

NC = 2
NS = 16
NW = NC * NS
MAXK = (DIM + NW - 1) // NW
REM = DIM - (MAXK - 1) * NW
OUT_CHUNK = 4096
VEC = 16
NCHUNK = BATCH // OUT_CHUNK

_mesh = plsc.VectorSubcoreMesh(core_axis_name="c", subcore_axis_name="s")


@functools.partial(
    pl.kernel,
    mesh=_mesh,
    out_type=jax.ShapeDtypeStruct((DIM, BATCH), jnp.float32),
    scratch_types=[
        pltpu.VMEM((BATCH,), jnp.int32),
        pltpu.VMEM((VOCAB,), jnp.float32),
        pltpu.VMEM((2, OUT_CHUNK), jnp.float32),
        pltpu.SemaphoreType.DMA,
        pltpu.SemaphoreType.DMA,
    ],
    compiler_params=pltpu.CompilerParams(needs_layout_passes=False),
)
def _gather_rows_kernel(tabT, poses_hbm, out_hbm, poses_v, row_v, obuf,
                        rsem, wsem):
    wid = lax.axis_index("s") * NC + lax.axis_index("c")
    pltpu.sync_copy(poses_hbm, poses_v)

    def do_row(row, carry, drain):
        load = pltpu.async_copy(tabT.at[row], row_v, rsem)
        for cp in carry:
            cp.wait()
        load.wait()
        pend = []
        for c in range(NCHUNK):
            if c >= 2:
                pend[c - 2].wait()

            def body(i, _, c=c):
                idx = poses_v[pl.ds(c * OUT_CHUNK + i * VEC, VEC)]
                obuf[c % 2, pl.ds(i * VEC, VEC)] = plsc.load_gather(
                    row_v, [idx])
                return _

            lax.fori_loop(0, OUT_CHUNK // VEC, body, None)
            pend.append(pltpu.async_copy(
                obuf.at[c % 2],
                out_hbm.at[row, pl.ds(c * OUT_CHUNK, OUT_CHUNK)], wsem))
        if drain:
            pend[-2].wait()
            pend[-1].wait()
            return []
        return pend[-2:]

    carry = []
    for k in range(MAXK - 1):
        carry = do_row(wid + k * NW, carry, drain=(k == MAXK - 2))

    @pl.when(wid < REM)
    def _():
        do_row(wid + (MAXK - 1) * NW, [], drain=True)


def kernel(pretrained, poses):
    outT = _gather_rows_kernel(pretrained.T, poses.astype(jnp.int32))
    return outT.T

# --- scband reference (transcript-rebuilt; emitter-appended) ---
"""Pipeline reference for scband-mapping-encoding-83408264888705 (READ-ONLY COPY).

The authoritative reference and input builder live on the scoring server;
editing this copy changes nothing except your own understanding.
"""

import jax, jax.numpy as jnp
import numpy as np

VOCAB = 100000
BATCH = 16384
TOTAL_DIM = 300
BOUNDS = [0, 44, 88, 132, 177, 221, 255, 300]


def setup_inputs(seed: int = 0) -> dict:
    key = jax.random.key(seed)
    k1, k2 = jax.random.split(key)
    pretrained = jax.random.normal(k1, (VOCAB, TOTAL_DIM), dtype=jnp.float32)
    poses = jax.random.randint(k2, (BATCH,), 0, VOCAB)
    return {"pretrained": pretrained, "poses": poses}


def reference(pretrained, poses):
    # Faithful translation: the module slices the pretrained table into 7
    # column blocks (one per device), performs an embedding lookup in each,
    # and concatenates the results along dim=1.
    poses = poses.astype(jnp.int32)
    tables = [pretrained[:, BOUNDS[i]:BOUNDS[i + 1]] for i in range(7)]
    reses = [jnp.take(t, poses, axis=0) for t in tables]
    return jnp.concatenate(reses, axis=1)

if __name__ == "__main__":
    import jax
    _d = setup_inputs()
    print(jax.jit(kernel)(*tuple(_d.values())))

</pallas_src>

<mosaic_0001>
#map = affine_map<(d0, d1) -> (0, 0)>
#map1 = affine_map<(d0, d1) -> (0)>
module attributes {stable_mosaic.version = 14 : i64} {
  func.func @_gather_rows_kernel(%arg0: i32, %arg1: i32, %arg2: memref<300x100000xf32, #tpu.memory_space<hbm>>, %arg3: memref<16384xi32, #tpu.memory_space<hbm>>, %arg4: memref<300x16384xf32, #tpu.memory_space<hbm>>, %arg5: memref<16384xi32, #tpu.memory_space<vmem>>, %arg6: memref<100000xf32, #tpu.memory_space<vmem>>, %arg7: memref<2x4096xf32, #tpu.memory_space<vmem>>, %arg8: memref<!tpu.dma_semaphore, #tpu.memory_space<semaphore_mem>>, %arg9: memref<!tpu.dma_semaphore, #tpu.memory_space<semaphore_mem>>) attributes {dimension_semantics = [#tpu.dimension_semantics<core_parallel>, #tpu.dimension_semantics<subcore_parallel>], iteration_bounds = array<i64: 2, 16>, scalar_prefetch = 0 : i64, scratch_operands = 5 : i64, tpu.core_type = #tpu.core_type<sc_vector_subcore>, window_params = [{transform_indices = #map}, {transform_indices = #map1}, {transform_indices = #map}]} {
    %mul3A = arith.constant 2 : i32
    %mul3A_0 = arith.muli %arg1, %mul3A : i32
    %add3A = arith.addi %mul3A_0, %arg0 : i32
    "tpu.region"() ({
      %run_scoped3A = tpu.sem_alloc : memref<!tpu.dma_semaphore, #tpu.memory_space<semaphore_mem>>
      tpu.enqueue_dma source(%arg3 : memref<16384xi32, #tpu.memory_space<hbm>>) target(%arg5 : memref<16384xi32, #tpu.memory_space<vmem>>) target_semaphore(%run_scoped3A : memref<!tpu.dma_semaphore, #tpu.memory_space<semaphore_mem>>)
      tpu.wait_dma2 semaphore(%run_scoped3A : memref<!tpu.dma_semaphore, #tpu.memory_space<semaphore_mem>>) src(%arg3 : memref<16384xi32, #tpu.memory_space<hbm>>) dst(%arg5 : memref<16384xi32, #tpu.memory_space<vmem>>)
      tpu.yield
    }) : () -> ()
    %add3A_1 = arith.constant 0 : i32
    %add3A_2 = arith.addi %add3A, %add3A_1 : i32
    %dma_start3A = arith.constant 0 : i32
    %dma_start3A_3 = tpu.memref_slice %arg2[%add3A_2, %dma_start3A] : memref<300x100000xf32, #tpu.memory_space<hbm>> -> memref<1x100000xf32, #tpu.memory_space<hbm>>
    %dma_start3A_4 = tpu.memref_squeeze %dma_start3A_3 : memref<1x100000xf32, #tpu.memory_space<hbm>> -> memref<100000xf32, #tpu.memory_space<hbm>>
    %dma_start3A_5 = arith.constant 0 : i32
    %dma_start3A_6 = tpu.memref_slice %arg2[%add3A_2, %dma_start3A_5] : memref<300x100000xf32, #tpu.memory_space<hbm>> -> memref<1x100000xf32, #tpu.memory_space<hbm>>
    %dma_start3A_7 = tpu.memref_squeeze %dma_start3A_6 : memref<1x100000xf32, #tpu.memory_space<hbm>> -> memref<100000xf32, #tpu.memory_space<hbm>>
    tpu.enqueue_dma source(%dma_start3A_7 : memref<100000xf32, #tpu.memory_space<hbm>>) target(%arg6 : memref<100000xf32, #tpu.memory_space<vmem>>) target_semaphore(%arg8 : memref<!tpu.dma_semaphore, #tpu.memory_space<semaphore_mem>>)
    %dma_wait3A = arith.constant 0 : i32
    %dma_wait3A_8 = tpu.memref_slice %arg2[%add3A_2, %dma_wait3A] : memref<300x100000xf32, #tpu.memory_space<hbm>> -> memref<1x100000xf32, #tpu.memory_space<hbm>>
    %dma_wait3A_9 = tpu.memref_squeeze %dma_wait3A_8 : memref<1x100000xf32, #tpu.memory_space<hbm>> -> memref<100000xf32, #tpu.memory_space<hbm>>
    %dma_wait3A_10 = arith.constant 0 : i32
    %dma_wait3A_11 = tpu.memref_slice %arg2[%add3A_2, %dma_wait3A_10] : memref<300x100000xf32, #tpu.memory_space<hbm>> -> memref<1x100000xf32, #tpu.memory_space<hbm>>
    %dma_wait3A_12 = tpu.memref_squeeze %dma_wait3A_11 : memref<1x100000xf32, #tpu.memory_space<hbm>> -> memref<100000xf32, #tpu.memory_space<hbm>>
    tpu.wait_dma2 semaphore(%arg8 : memref<!tpu.dma_semaphore, #tpu.memory_space<semaphore_mem>>) src(%dma_wait3A_12 : memref<100000xf32, #tpu.memory_space<hbm>>) dst(%arg6 : memref<100000xf32, #tpu.memory_space<vmem>>)
    %scan3A = arith.constant 0 : i32
    %scan3A_13 = arith.constant 256 : i32
    %scan3A_14 = arith.addi %scan3A, %scan3A_13 : i32
    %scan3A_15 = arith.constant 1 : i32
    scf.for %scan3A_1242 = %scan3A to %scan3A_14 step %scan3A_15  : i32 {
      %mul3A_1243 = arith.constant 16 : i32
      %mul3A_1244 = arith.muli %scan3A_1242, %mul3A_1243 : i32
      %add3A_1245 = arith.constant 0 : i32
      %add3A_1246 = arith.addi %add3A_1245, %mul3A_1244 : i32
      %get3A = arith.index_cast %add3A_1246 : i32 to index
      %get3A_1247 = tpu.vector_load %arg5[%get3A] {strides = array<i32>} : memref<16384xi32, #tpu.memory_space<vmem>>, vector<16xi32>,
      %gather3A = tpu.vector_load_idx %arg6[%get3A_1247] : memref<100000xf32, #tpu.memory_space<vmem>>[vector<16xi32>], vector<16xf32>,
      %mul3A_1248 = arith.constant 16 : i32
      %mul3A_1249 = arith.muli %scan3A_1242, %mul3A_1248 : i32
      %swap3A = arith.constant 0 : i32
      %swap3A_1250 = arith.index_cast %swap3A : i32 to index
      %swap3A_1251 = arith.index_cast %mul3A_1249 : i32 to index
      %swap3A_1252 = tpu.vector_load %arg7[%swap3A_1250, %swap3A_1251] {strides = array<i32>} : memref<2x4096xf32, #tpu.memory_space<vmem>>, vector<16xf32>,
      tpu.vector_store %arg7[%swap3A_1250, %swap3A_1251], %gather3A {strides = array<i32>} : memref<2x4096xf32, #tpu.memory_space<vmem>>, vector<16xf32>,
    }
    %scan3A_16 = arith.constant 256 : i32
    %dma_start3A_17 = arith.constant 0 : i32
    %dma_start3A_18 = arith.constant 0 : i32
    %dma_start3A_19 = tpu.memref_slice %arg7[%dma_start3A_17, %dma_start3A_18] : memref<2x4096xf32, #tpu.memory_space<vmem>> -> memref<1x4096xf32, #tpu.memory_space<vmem>>
    %dma_start3A_20 = tpu.memref_squeeze %dma_start3A_19 : memref<1x4096xf32, #tpu.memory_space<vmem>> -> memref<4096xf32, #tpu.memory_space<vmem>>
    %dma_start3A_21 = arith.constant 0 : i32
    %dma_start3A_22 = tpu.memref_slice %arg4[%add3A_2, %dma_start3A_21] : memref<300x16384xf32, #tpu.memory_space<hbm>> -> memref<1x4096xf32, #tpu.memory_space<hbm>>
    %dma_start3A_23 = tpu.memref_squeeze %dma_start3A_22 : memref<1x4096xf32, #tpu.memory_space<hbm>> -> memref<4096xf32, #tpu.memory_space<hbm>>
    %dma_start3A_24 = arith.constant 0 : i32
    %dma_start3A_25 = tpu.memref_slice %arg4[%add3A_2, %dma_start3A_24] : memref<300x16384xf32, #tpu.memory_space<hbm>> -> memref<1x4096xf32, #tpu.memory_space<hbm>>
    %dma_start3A_26 = tpu.memref_squeeze %dma_start3A_25 : memref<1x4096xf32, #tpu.memory_space<hbm>> -> memref<4096xf32, #tpu.memory_space<hbm>>
    %dma_start3A_27 = arith.constant 0 : i32
    %dma_start3A_28 = tpu.memref_slice %arg7[%dma_start3A_17, %dma_start3A_27] : memref<2x4096xf32, #tpu.memory_space<vmem>> -> memref<1x4096xf32, #tpu.memory_space<vmem>>
    %dma_start3A_29 = tpu.memref_squeeze %dma_start3A_28 : memref<1x4096xf32, #tpu.memory_space<vmem>> -> memref<4096xf32, #tpu.memory_space<vmem>>
    tpu.enqueue_dma source(%dma_start3A_29 : memref<4096xf32, #tpu.memory_space<vmem>>) target(%dma_start3A_26 : memref<4096xf32, #tpu.memory_space<hbm>>) target_semaphore(%arg9 : memref<!tpu.dma_semaphore, #tpu.memory_space<semaphore_mem>>)
    %scan3A_30 = arith.constant 0 : i32
    %scan3A_31 = arith.constant 256 : i32
    %scan3A_32 = arith.addi %scan3A_30, %scan3A_31 : i32
    %scan3A_33 = arith.constant 1 : i32
    scf.for %scan3A_1242 = %scan3A_30 to %scan3A_32 step %scan3A_33  : i32 {
      %mul3A_1243 = arith.constant 16 : i32
      %mul3A_1244 = arith.muli %scan3A_1242, %mul3A_1243 : i32
      %add3A_1245 = arith.constant 4096 : i32
      %add3A_1246 = arith.addi %add3A_1245, %mul3A_1244 : i32
      %get3A = arith.index_cast %add3A_1246 : i32 to index
      %get3A_1247 = tpu.vector_load %arg5[%get3A] {strides = array<i32>} : memref<16384xi32, #tpu.memory_space<vmem>>, vector<16xi32>,
      %gather3A = tpu.vector_load_idx %arg6[%get3A_1247] : memref<100000xf32, #tpu.memory_space<vmem>>[vector<16xi32>], vector<16xf32>,
      %mul3A_1248 = arith.constant 16 : i32
      %mul3A_1249 = arith.muli %scan3A_1242, %mul3A_1248 : i32
      %swap3A = arith.constant 1 : i32
      %swap3A_1250 = arith.index_cast %swap3A : i32 to index
      %swap3A_1251 = arith.index_cast %mul3A_1249 : i32 to index
      %swap3A_1252 = tpu.vector_load %arg7[%swap3A_1250, %swap3A_1251] {strides = array<i32>} : memref<2x4096xf32, #tpu.memory_space<vmem>>, vector<16xf32>,
      tpu.vector_store %arg7[%swap3A_1250, %swap3A_1251], %gather3A {strides = array<i32>} : memref<2x4096xf32, #tpu.memory_space<vmem>>, vector<16xf32>,
    }
    %scan3A_34 = arith.constant 256 : i32
    %dma_start3A_35 = arith.constant 1 : i32
    %dma_start3A_36 = arith.constant 0 : i32
    %dma_start3A_37 = tpu.memref_slice %arg7[%dma_start3A_35, %dma_start3A_36] : memref<2x4096xf32, #tpu.memory_space<vmem>> -> memref<1x4096xf32, #tpu.memory_space<vmem>>
    %dma_start3A_38 = tpu.memref_squeeze %dma_start3A_37 : memref<1x4096xf32, #tpu.memory_space<vmem>> -> memref<4096xf32, #tpu.memory_space<vmem>>
    %dma_start3A_39 = arith.constant 4096 : i32
    %dma_start3A_40 = tpu.memref_slice %arg4[%add3A_2, %dma_start3A_39] : memref<300x16384xf32, #tpu.memory_space<hbm>> -> memref<1x4096xf32, #tpu.memory_space<hbm>>
    %dma_start3A_41 = tpu.memref_squeeze %dma_start3A_40 : memref<1x4096xf32, #tpu.memory_space<hbm>> -> memref<4096xf32, #tpu.memory_space<hbm>>
    %dma_start3A_42 = arith.constant 4096 : i32
    %dma_start3A_43 = tpu.memref_slice %arg4[%add3A_2, %dma_start3A_42] : memref<300x16384xf32, #tpu.memory_space<hbm>> -> memref<1x4096xf32, #tpu.memory_space<hbm>>
    %dma_start3A_44 = tpu.memref_squeeze %dma_start3A_43 : memref<1x4096xf32, #tpu.memory_space<hbm>> -> memref<4096xf32, #tpu.memory_space<hbm>>
    %dma_start3A_45 = arith.constant 0 : i32
    %dma_start3A_46 = tpu.memref_slice %arg7[%dma_start3A_35, %dma_start3A_45] : memref<2x4096xf32, #tpu.memory_space<vmem>> -> memref<1x4096xf32, #tpu.memory_space<vmem>>
    %dma_start3A_47 = tpu.memref_squeeze %dma_start3A_46 : memref<1x4096xf32, #tpu.memory_space<vmem>> -> memref<4096xf32, #tpu.memory_space<vmem>>
    tpu.enqueue_dma source(%dma_start3A_47 : memref<4096xf32, #tpu.memory_space<vmem>>) target(%dma_start3A_44 : memref<4096xf32, #tpu.memory_space<hbm>>) target_semaphore(%arg9 : memref<!tpu.dma_semaphore, #tpu.memory_space<semaphore_mem>>)
    %dma_wait3A_48 = arith.constant 0 : i32
    %dma_wait3A_49 = arith.constant 0 : i32
    %dma_wait3A_50 = tpu.memref_slice %arg7[%dma_wait3A_48, %dma_wait3A_49] : memref<2x4096xf32, #tpu.memory_space<vmem>> -> memref<1x4096xf32, #tpu.memory_space<vmem>>
    %dma_wait3A_51 = tpu.memref_squeeze %dma_wait3A_50 : memref<1x4096xf32, #tpu.memory_space<vmem>> -> memref<4096xf32, #tpu.memory_space<vmem>>
    %dma_wait3A_52 = arith.constant 0 : i32
    %dma_wait3A_53 = tpu.memref_slice %arg4[%add3A_2, %dma_wait3A_52] : memref<300x16384xf32, #tpu.memory_space<hbm>> -> memref<1x4096xf32, #tpu.memory_space<hbm>>
    %dma_wait3A_54 = tpu.memref_squeeze %dma_wait3A_53 : memref<1x4096xf32, #tpu.memory_space<hbm>> -> memref<4096xf32, #tpu.memory_space<hbm>>
    %dma_wait3A_55 = arith.constant 0 : i32
    %dma_wait3A_56 = tpu.memref_slice %arg4[%add3A_2, %dma_wait3A_55] : memref<300x16384xf32, #tpu.memory_space<hbm>> -> memref<1x4096xf32, #tpu.memory_space<hbm>>
    %dma_wait3A_57 = tpu.memref_squeeze %dma_wait3A_56 : memref<1x4096xf32, #tpu.memory_space<hbm>> -> memref<4096xf32, #tpu.memory_space<hbm>>
    %dma_wait3A_58 = arith.constant 0 : i32
    %dma_wait3A_59 = tpu.memref_slice %arg7[%dma_wait3A_48, %dma_wait3A_58] : memref<2x4096xf32, #tpu.memory_space<vmem>> -> memref<1x4096xf32, #tpu.memory_space<vmem>>
    %dma_wait3A_60 = tpu.memref_squeeze %dma_wait3A_59 : memref<1x4096xf32, #tpu.memory_space<vmem>> -> memref<4096xf32, #tpu.memory_space<vmem>>
    tpu.wait_dma2 semaphore(%arg9 : memref<!tpu.dma_semaphore, #tpu.memory_space<semaphore_mem>>) src(%dma_wait3A_60 : memref<4096xf32, #tpu.memory_space<vmem>>) dst(%dma_wait3A_57 : memref<4096xf32, #tpu.memory_space<hbm>>)
    %scan3A_61 = arith.constant 0 : i32
    %scan3A_62 = arith.constant 256 : i32
    %scan3A_63 = arith.addi %scan3A_61, %scan3A_62 : i32
    %scan3A_64 = arith.constant 1 : i32
    scf.for %scan3A_1242 = %scan3A_61 to %scan3A_63 step %scan3A_64  : i32 {
      %mul3A_1243 = arith.constant 16 : i32
      %mul3A_1244 = arith.muli %scan3A_1242, %mul3A_1243 : i32
      %add3A_1245 = arith.constant 8192 : i32
      %add3A_1246 = arith.addi %add3A_1245, %mul3A_1244 : i32
      %get3A = arith.index_cast %add3A_1246 : i32 to index
      %get3A_1247 = tpu.vector_load %arg5[%get3A] {strides = array<i32>} : memref<16384xi32, #tpu.memory_space<vmem>>, vector<16xi32>,
      %gather3A = tpu.vector_load_idx %arg6[%get3A_1247] : memref<100000xf32, #tpu.memory_space<vmem>>[vector<16xi32>], vector<16xf32>,
      %mul3A_1248 = arith.constant 16 : i32
      %mul3A_1249 = arith.muli %scan3A_1242, %mul3A_1248 : i32
      %swap3A = arith.constant 0 : i32
      %swap3A_1250 = arith.index_cast %swap3A : i32 to index
      %swap3A_1251 = arith.index_cast %mul3A_1249 : i32 to index
      %swap3A_1252 = tpu.vector_load %arg7[%swap3A_1250, %swap3A_1251] {strides = array<i32>} : memref<2x4096xf32, #tpu.memory_space<vmem>>, vector<16xf32>,
      tpu.vector_store %arg7[%swap3A_1250, %swap3A_1251], %gather3A {strides = array<i32>} : memref<2x4096xf32, #tpu.memory_space<vmem>>, vector<16xf32>,
    }
    %scan3A_65 = arith.constant 256 : i32
    %dma_start3A_66 = arith.constant 0 : i32
    %dma_start3A_67 = arith.constant 0 : i32
    %dma_start3A_68 = tpu.memref_slice %arg7[%dma_start3A_66, %dma_start3A_67] : memref<2x4096xf32, #tpu.memory_space<vmem>> -> memref<1x4096xf32, #tpu.memory_space<vmem>>
    %dma_start3A_69 = tpu.memref_squeeze %dma_start3A_68 : memref<1x4096xf32, #tpu.memory_space<vmem>> -> memref<4096xf32, #tpu.memory_space<vmem>>
    %dma_start3A_70 = arith.constant 8192 : i32
    %dma_start3A_71 = tpu.memref_slice %arg4[%add3A_2, %dma_start3A_70] : memref<300x16384xf32, #tpu.memory_space<hbm>> -> memref<1x4096xf32, #tpu.memory_space<hbm>>
    %dma_start3A_72 = tpu.memref_squeeze %dma_start3A_71 : memref<1x4096xf32, #tpu.memory_space<hbm>> -> memref<4096xf32, #tpu.memory_space<hbm>>
    %dma_start3A_73 = arith.constant 8192 : i32
    %dma_start3A_74 = tpu.memref_slice %arg4[%add3A_2, %dma_start3A_73] : memref<300x16384xf32, #tpu.memory_space<hbm>> -> memref<1x4096xf32, #tpu.memory_space<hbm>>
    %dma_start3A_75 = tpu.memref_squeeze %dma_start3A_74 : memref<1x4096xf32, #tpu.memory_space<hbm>> -> memref<4096xf32, #tpu.memory_space<hbm>>
    %dma_start3A_76 = arith.constant 0 : i32
    %dma_start3A_77 = tpu.memref_slice %arg7[%dma_start3A_66, %dma_start3A_76] : memref<2x4096xf32, #tpu.memory_space<vmem>> -> memref<1x4096xf32, #tpu.memory_space<vmem>>
    %dma_start3A_78 = tpu.memref_squeeze %dma_start3A_77 : memref<1x4096xf32, #tpu.memory_space<vmem>> -> memref<4096xf32, #tpu.memory_space<vmem>>
    tpu.enqueue_dma source(%dma_start3A_78 : memref<4096xf32, #tpu.memory_space<vmem>>) target(%dma_start3A_75 : memref<4096xf32, #tpu.memory_space<hbm>>) target_semaphore(%arg9 : memref<!tpu.dma_semaphore, #tpu.memory_space<semaphore_mem>>)
    %dma_wait3A_79 = arith.constant 1 : i32
    %dma_wait3A_80 = arith.constant 0 : i32
    %dma_wait3A_81 = tpu.memref_slice %arg7[%dma_wait3A_79, %dma_wait3A_80] : memref<2x4096xf32, #tpu.memory_space<vmem>> -> memref<1x4096xf32, #tpu.memory_space<vmem>>
    %dma_wait3A_82 = tpu.memref_squeeze %dma_wait3A_81 : memref<1x4096xf32, #tpu.memory_space<vmem>> -> memref<4096xf32, #tpu.memory_space<vmem>>
    %dma_wait3A_83 = arith.constant 4096 : i32
    %dma_wait3A_84 = tpu.memref_slice %arg4[%add3A_2, %dma_wait3A_83] : memref<300x16384xf32, #tpu.memory_space<hbm>> -> memref<1x4096xf32, #tpu.memory_space<hbm>>
    %dma_wait3A_85 = tpu.memref_squeeze %dma_wait3A_84 : memref<1x4096xf32, #tpu.memory_space<hbm>> -> memref<4096xf32, #tpu.memory_space<hbm>>
    %dma_wait3A_86 = arith.constant 4096 : i32
    %dma_wait3A_87 = tpu.memref_slice %arg4[%add3A_2, %dma_wait3A_86] : memref<300x16384xf32, #tpu.memory_space<hbm>> -> memref<1x4096xf32, #tpu.memory_space<hbm>>
    %dma_wait3A_88 = tpu.memref_squeeze %dma_wait3A_87 : memref<1x4096xf32, #tpu.memory_space<hbm>> -> memref<4096xf32, #tpu.memory_space<hbm>>
    %dma_wait3A_89 = arith.constant 0 : i32
    %dma_wait3A_90 = tpu.memref_slice %arg7[%dma_wait3A_79, %dma_wait3A_89] : memref<2x4096xf32, #tpu.memory_space<vmem>> -> memref<1x4096xf32, #tpu.memory_space<vmem>>
    %dma_wait3A_91 = tpu.memref_squeeze %dma_wait3A_90 : memref<1x4096xf32, #tpu.memory_space<vmem>> -> memref<4096xf32, #tpu.memory_space<vmem>>
    tpu.wait_dma2 semaphore(%arg9 : memref<!tpu.dma_semaphore, #tpu.memory_space<semaphore_mem>>) src(%dma_wait3A_91 : memref<4096xf32, #tpu.memory_space<vmem>>) dst(%dma_wait3A_88 : memref<4096xf32, #tpu.memory_space<hbm>>)
    %scan3A_92 = arith.constant 0 : i32
    %scan3A_93 = arith.constant 256 : i32
    %scan3A_94 = arith.addi %scan3A_92, %scan3A_93 : i32
    %scan3A_95 = arith.constant 1 : i32
    scf.for %scan3A_1242 = %scan3A_92 to %scan3A_94 step %scan3A_95  : i32 {
      %mul3A_1243 = arith.constant 16 : i32
      %mul3A_1244 = arith.muli %scan3A_1242, %mul3A_1243 : i32
      %add3A_1245 = arith.constant 12288 : i32
      %add3A_1246 = arith.addi %add3A_1245, %mul3A_1244 : i32
      %get3A = arith.index_cast %add3A_1246 : i32 to index
      %get3A_1247 = tpu.vector_load %arg5[%get3A] {strides = array<i32>} : memref<16384xi32, #tpu.memory_space<vmem>>, vector<16xi32>,
      %gather3A = tpu.vector_load_idx %arg6[%get3A_1247] : memref<100000xf32, #tpu.memory_space<vmem>>[vector<16xi32>], vector<16xf32>,
      %mul3A_1248 = arith.constant 16 : i32
      %mul3A_1249 = arith.muli %scan3A_1242, %mul3A_1248 : i32
      %swap3A = arith.constant 1 : i32
      %swap3A_1250 = arith.index_cast %swap3A : i32 to index
      %swap3A_1251 = arith.index_cast %mul3A_1249 : i32 to index
      %swap3A_1252 = tpu.vector_load %arg7[%swap3A_1250, %swap3A_1251] {strides = array<i32>} : memref<2x4096xf32, #tpu.memory_space<vmem>>, vector<16xf32>,
      tpu.vector_store %arg7[%swap3A_1250, %swap3A_1251], %gather3A {strides = array<i32>} : memref<2x4096xf32, #tpu.memory_space<vmem>>, vector<16xf32>,
    }
    %scan3A_96 = arith.constant 256 : i32
    %dma_start3A_97 = arith.constant 1 : i32
    %dma_start3A_98 = arith.constant 0 : i32
    %dma_start3A_99 = tpu.memref_slice %arg7[%dma_start3A_97, %dma_start3A_98] : memref<2x4096xf32, #tpu.memory_space<vmem>> -> memref<1x4096xf32, #tpu.memory_space<vmem>>
    %dma_start3A_100 = tpu.memref_squeeze %dma_start3A_99 : memref<1x4096xf32, #tpu.memory_space<vmem>> -> memref<4096xf32, #tpu.memory_space<vmem>>
    %dma_start3A_101 = arith.constant 12288 : i32
    %dma_start3A_102 = tpu.memref_slice %arg4[%add3A_2, %dma_start3A_101] : memref<300x16384xf32, #tpu.memory_space<hbm>> -> memref<1x4096xf32, #tpu.memory_space<hbm>>
    %dma_start3A_103 = tpu.memref_squeeze %dma_start3A_102 : memref<1x4096xf32, #tpu.memory_space<hbm>> -> memref<4096xf32, #tpu.memory_space<hbm>>
    %dma_start3A_104 = arith.constant 12288 : i32
    %dma_start3A_105 = tpu.memref_slice %arg4[%add3A_2, %dma_start3A_104] : memref<300x16384xf32, #tpu.memory_space<hbm>> -> memref<1x4096xf32, #tpu.memory_space<hbm>>
    %dma_start3A_106 = tpu.memref_squeeze %dma_start3A_105 : memref<1x4096xf32, #tpu.memory_space<hbm>> -> memref<4096xf32, #tpu.memory_space<hbm>>
    %dma_start3A_107 = arith.constant 0 : i32
    %dma_start3A_108 = tpu.memref_slice %arg7[%dma_start3A_97, %dma_start3A_107] : memref<2x4096xf32, #tpu.memory_space<vmem>> -> memref<1x4096xf32, #tpu.memory_space<vmem>>
    %dma_start3A_109 = tpu.memref_squeeze %dma_start3A_108 : memref<1x4096xf32, #tpu.memory_space<vmem>> -> memref<4096xf32, #tpu.memory_space<vmem>>
    tpu.enqueue_dma source(%dma_start3A_109 : memref<4096xf32, #tpu.memory_space<vmem>>) target(%dma_start3A_106 : memref<4096xf32, #tpu.memory_space<hbm>>) target_semaphore(%arg9 : memref<!tpu.dma_semaphore, #tpu.memory_space<semaphore_mem>>)
    %add3A_110 = arith.constant 32 : i32
    %add3A_111 = arith.addi %add3A, %add3A_110 : i32
    %dma_start3A_112 = arith.constant 0 : i32
    %dma_start3A_113 = tpu.memref_slice %arg2[%add3A_111, %dma_start3A_112] : memref<300x100000xf32, #tpu.memory_space<hbm>> -> memref<1x100000xf32, #tpu.memory_space<hbm>>
    %dma_start3A_114 = tpu.memref_squeeze %dma_start3A_113 : memref<1x100000xf32, #tpu.memory_space<hbm>> -> memref<100000xf32, #tpu.memory_space<hbm>>
    %dma_start3A_115 = arith.constant 0 : i32
    %dma_start3A_116 = tpu.memref_slice %arg2[%add3A_111, %dma_start3A_115] : memref<300x100000xf32, #tpu.memory_space<hbm>> -> memref<1x100000xf32, #tpu.memory_space<hbm>>
    %dma_start3A_117 = tpu.memref_squeeze %dma_start3A_116 : memref<1x100000xf32, #tpu.memory_space<hbm>> -> memref<100000xf32, #tpu.memory_space<hbm>>
    tpu.enqueue_dma source(%dma_start3A_117 : memref<100000xf32, #tpu.memory_space<hbm>>) target(%arg6 : memref<100000xf32, #tpu.memory_space<vmem>>) target_semaphore(%arg8 : memref<!tpu.dma_semaphore, #tpu.memory_space<semaphore_mem>>)
    %dma_wait3A_118 = arith.constant 0 : i32
    %dma_wait3A_119 = arith.constant 0 : i32
    %dma_wait3A_120 = tpu.memref_slice %arg7[%dma_wait3A_118, %dma_wait3A_119] : memref<2x4096xf32, #tpu.memory_space<vmem>> -> memref<1x4096xf32, #tpu.memory_space<vmem>>
    %dma_wait3A_121 = tpu.memref_squeeze %dma_wait3A_120 : memref<1x4096xf32, #tpu.memory_space<vmem>> -> memref<4096xf32, #tpu.memory_space<vmem>>
    %dma_wait3A_122 = arith.constant 8192 : i32
    %dma_wait3A_123 = tpu.memref_slice %arg4[%add3A_2, %dma_wait3A_122] : memref<300x16384xf32, #tpu.memory_space<hbm>> -> memref<1x4096xf32, #tpu.memory_space<hbm>>
    %dma_wait3A_124 = tpu.memref_squeeze %dma_wait3A_123 : memref<1x4096xf32, #tpu.memory_space<hbm>> -> memref<4096xf32, #tpu.memory_space<hbm>>
    %dma_wait3A_125 = arith.constant 8192 : i32
    %dma_wait3A_126 = tpu.memref_slice %arg4[%add3A_2, %dma_wait3A_125] : memref<300x16384xf32, #tpu.memory_space<hbm>> -> memref<1x4096xf32, #tpu.memory_space<hbm>>
    %dma_wait3A_127 = tpu.memref_squeeze %dma_wait3A_126 : memref<1x4096xf32, #tpu.memory_space<hbm>> -> memref<4096xf32, #tpu.memory_space<hbm>>
    %dma_wait3A_128 = arith.constant 0 : i32
    %dma_wait3A_129 = tpu.memref_slice %arg7[%dma_wait3A_118, %dma_wait3A_128] : memref<2x4096xf32, #tpu.memory_space<vmem>> -> memref<1x4096xf32, #tpu.memory_space<vmem>>
    %dma_wait3A_130 = tpu.memref_squeeze %dma_wait3A_129 : memref<1x4096xf32, #tpu.memory_space<vmem>> -> memref<4096xf32, #tpu.memory_space<vmem>>
    tpu.wait_dma2 semaphore(%arg9 : memref<!tpu.dma_semaphore, #tpu.memory_space<semaphore_mem>>) src(%dma_wait3A_130 : memref<4096xf32, #tpu.memory_space<vmem>>) dst(%dma_wait3A_127 : memref<4096xf32, #tpu.memory_space<hbm>>)
    %dma_wait3A_131 = arith.constant 1 : i32
    %dma_wait3A_132 = arith.constant 0 : i32
    %dma_wait3A_133 = tpu.memref_slice %arg7[%dma_wait3A_131, %dma_wait3A_132] : memref<2x4096xf32, #tpu.memory_space<vmem>> -> memref<1x4096xf32, #tpu.memory_space<vmem>>
    %dma_wait3A_134 = tpu.memref_squeeze %dma_wait3A_133 : memref<1x4096xf32, #tpu.memory_space<vmem>> -> memref<4096xf32, #tpu.memory_space<vmem>>
    %dma_wait3A_135 = arith.constant 12288 : i32
    %dma_wait3A_136 = tpu.memref_slice %arg4[%add3A_2, %dma_wait3A_135] : memref<300x16384xf32, #tpu.memory_space<hbm>> -> memref<1x4096xf32, #tpu.memory_space<hbm>>
    %dma_wait3A_137 = tpu.memref_squeeze %dma_wait3A_136 : memref<1x4096xf32, #tpu.memory_space<hbm>> -> memref<4096xf32, #tpu.memory_space<hbm>>
    %dma_wait3A_138 = arith.constant 12288 : i32
    %dma_wait3A_139 = tpu.memref_slice %arg4[%add3A_2, %dma_wait3A_138] : memref<300x16384xf32, #tpu.memory_space<hbm>> -> memref<1x4096xf32, #tpu.memory_space<hbm>>
    %dma_wait3A_140 = tpu.memref_squeeze %dma_wait3A_139 : memref<1x4096xf32, #tpu.memory_space<hbm>> -> memref<4096xf32, #tpu.memory_space<hbm>>
    %dma_wait3A_141 = arith.constant 0 : i32
    %dma_wait3A_142 = tpu.memref_slice %arg7[%dma_wait3A_131, %dma_wait3A_141] : memref<2x4096xf32, #tpu.memory_space<vmem>> -> memref<1x4096xf32, #tpu.memory_space<vmem>>
    %dma_wait3A_143 = tpu.memref_squeeze %dma_wait3A_142 : memref<1x4096xf32, #tpu.memory_space<vmem>> -> memref<4096xf32, #tpu.memory_space<vmem>>
    tpu.wait_dma2 semaphore(%arg9 : memref<!tpu.dma_semaphore, #tpu.memory_space<semaphore_mem>>) src(%dma_wait3A_143 : memref<4096xf32, #tpu.memory_space<vmem>>) dst(%dma_wait3A_140 : memref<4096xf32, #tpu.memory_space<hbm>>)
    %dma_wait3A_144 = arith.constant 0 : i32
    %dma_wait3A_145 = tpu.memref_slice %arg2[%add3A_111, %dma_wait3A_144] : memref<300x100000xf32, #tpu.memory_space<hbm>> -> memref<1x100000xf32, #tpu.memory_space<hbm>>
    %dma_wait3A_146 = tpu.memref_squeeze %dma_wait3A_145 : memref<1x100000xf32, #tpu.memory_space<hbm>> -> memref<100000xf32, #tpu.memory_space<hbm>>
    %dma_wait3A_147 = arith.constant 0 : i32
    %dma_wait3A_148 = tpu.memref_slice %arg2[%add3A_111, %dma_wait3A_147] : memref<300x100000xf32, #tpu.memory_space<hbm>> -> memref<1x100000xf32, #tpu.memory_space<hbm>>
    %dma_wait3A_149 = tpu.memref_squeeze %dma_wait3A_148 : memref<1x100000xf32, #tpu.memory_space<hbm>> -> memref<100000xf32, #tpu.memory_space<hbm>>
    tpu.wait_dma2 semaphore(%arg8 : memref<!tpu.dma_semaphore, #tpu.memory_space<semaphore_mem>>) src(%dma_wait3A_149 : memref<100000xf32, #tpu.memory_space<hbm>>) dst(%arg6 : memref<100000xf32, #tpu.memory_space<vmem>>)
    %scan3A_150 = arith.constant 0 : i32
    %scan3A_151 = arith.constant 256 : i32
    %scan3A_152 = arith.addi %scan3A_150, %scan3A_151 : i32
    %scan3A_153 = arith.constant 1 : i32
    scf.for %scan3A_1242 = %scan3A_150 to %scan3A_152 step %scan3A_153  : i32 {
      %mul3A_1243 = arith.constant 16 : i32
      %mul3A_1244 = arith.muli %scan3A_1242, %mul3A_1243 : i32
      %add3A_1245 = arith.constant 0 : i32
      %add3A_1246 = arith.addi %add3A_1245, %mul3A_1244 : i32
      %get3A = arith.index_cast %add3A_1246 : i32 to index
      %get3A_1247 = tpu.vector_load %arg5[%get3A] {strides = array<i32>} : memref<16384xi32, #tpu.memory_space<vmem>>, vector<16xi32>,
      %gather3A = tpu.vector_load_idx %arg6[%get3A_1247] : memref<100000xf32, #tpu.memory_space<vmem>>[vector<16xi32>], vector<16xf32>,
      %mul3A_1248 = arith.constant 16 : i32
      %mul3A_1249 = arith.muli %scan3A_1242, %mul3A_1248 : i32
      %swap3A = arith.constant 0 : i32
      %swap3A_1250 = arith.index_cast %swap3A : i32 to index
      %swap3A_1251 = arith.index_cast %mul3A_1249 : i32 to index
      %swap3A_1252 = tpu.vector_load %arg7[%swap3A_1250, %swap3A_1251] {strides = array<i32>} : memref<2x4096xf32, #tpu.memory_space<vmem>>, vector<16xf32>,
      tpu.vector_store %arg7[%swap3A_1250, %swap3A_1251], %gather3A {strides = array<i32>} : memref<2x4096xf32, #tpu.memory_space<vmem>>, vector<16xf32>,
    }
    %scan3A_154 = arith.constant 256 : i32
    %dma_start3A_155 = arith.constant 0 : i32
    %dma_start3A_156 = arith.constant 0 : i32
    %dma_start3A_157 = tpu.memref_slice %arg7[%dma_start3A_155, %dma_start3A_156] : memref<2x4096xf32, #tpu.memory_space<vmem>> -> memref<1x4096xf32, #tpu.memory_space<vmem>>
    %dma_start3A_158 = tpu.memref_squeeze %dma_start3A_157 : memref<1x4096xf32, #tpu.memory_space<vmem>> -> memref<4096xf32, #tpu.memory_space<vmem>>
    %dma_start3A_159 = arith.constant 0 : i32
    %dma_start3A_160 = tpu.memref_slice %arg4[%add3A_111, %dma_start3A_159] : memref<300x16384xf32, #tpu.memory_space<hbm>> -> memref<1x4096xf32, #tpu.memory_space<hbm>>
    %dma_start3A_161 = tpu.memref_squeeze %dma_start3A_160 : memref<1x4096xf32, #tpu.memory_space<hbm>> -> memref<4096xf32, #tpu.memory_space<hbm>>
    %dma_start3A_162 = arith.constant 0 : i32
    %dma_start3A_163 = tpu.memref_slice %arg4[%add3A_111, %dma_start3A_162] : memref<300x16384xf32, #tpu.memory_space<hbm>> -> memref<1x4096xf32, #tpu.memory_space<hbm>>
    %dma_start3A_164 = tpu.memref_squeeze %dma_start3A_163 : memref<1x4096xf32, #tpu.memory_space<hbm>> -> memref<4096xf32, #tpu.memory_space<hbm>>
    %dma_start3A_165 = arith.constant 0 : i32
    %dma_start3A_166 = tpu.memref_slice %arg7[%dma_start3A_155, %dma_start3A_165] : memref<2x4096xf32, #tpu.memory_space<vmem>> -> memref<1x4096xf32, #tpu.memory_space<vmem>>
    %dma_start3A_167 = tpu.memref_squeeze %dma_start3A_166 : memref<1x4096xf32, #tpu.memory_space<vmem>> -> memref<4096xf32, #tpu.memory_space<vmem>>
    tpu.enqueue_dma source(%dma_start3A_167 : memref<4096xf32, #tpu.memory_space<vmem>>) target(%dma_start3A_164 : memref<4096xf32, #tpu.memory_space<hbm>>) target_semaphore(%arg9 : memref<!tpu.dma_semaphore, #tpu.memory_space<semaphore_mem>>)
    %scan3A_168 = arith.constant 0 : i32
    %scan3A_169 = arith.constant 256 : i32
    %scan3A_170 = arith.addi %scan3A_168, %scan3A_169 : i32
    %scan3A_171 = arith.constant 1 : i32
    scf.for %scan3A_1242 = %scan3A_168 to %scan3A_170 step %scan3A_171  : i32 {
      %mul3A_1243 = arith.constant 16 : i32
      %mul3A_1244 = arith.muli %scan3A_1242, %mul3A_1243 : i32
      %add3A_1245 = arith.constant 4096 : i32
      %add3A_1246 = arith.addi %add3A_1245, %mul3A_1244 : i32
      %get3A = arith.index_cast %add3A_1246 : i32 to index
      %get3A_1247 = tpu.vector_load %arg5[%get3A] {strides = array<i32>} : memref<16384xi32, #tpu.memory_space<vmem>>, vector<16xi32>,
      %gather3A = tpu.vector_load_idx %arg6[%get3A_1247] : memref<100000xf32, #tpu.memory_space<vmem>>[vector<16xi32>], vector<16xf32>,
      %mul3A_1248 = arith.constant 16 : i32
      %mul3A_1249 = arith.muli %scan3A_1242, %mul3A_1248 : i32
      %swap3A = arith.constant 1 : i32
      %swap3A_1250 = arith.index_cast %swap3A : i32 to index
      %swap3A_1251 = arith.index_cast %mul3A_1249 : i32 to index
      %swap3A_1252 = tpu.vector_load %arg7[%swap3A_1250, %swap3A_1251] {strides = array<i32>} : memref<2x4096xf32, #tpu.memory_space<vmem>>, vector<16xf32>,
      tpu.vector_store %arg7[%swap3A_1250, %swap3A_1251], %gather3A {strides = array<i32>} : memref<2x4096xf32, #tpu.memory_space<vmem>>, vector<16xf32>,
    }
    %scan3A_172 = arith.constant 256 : i32
    %dma_start3A_173 = arith.constant 1 : i32
    %dma_start3A_174 = arith.constant 0 : i32
    %dma_start3A_175 = tpu.memref_slice %arg7[%dma_start3A_173, %dma_start3A_174] : memref<2x4096xf32, #tpu.memory_space<vmem>> -> memref<1x4096xf32, #tpu.memory_space<vmem>>
    %dma_start3A_176 = tpu.memref_squeeze %dma_start3A_175 : memref<1x4096xf32, #tpu.memory_space<vmem>> -> memref<4096xf32, #tpu.memory_space<vmem>>
    %dma_start3A_177 = arith.constant 4096 : i32
    %dma_start3A_178 = tpu.memref_slice %arg4[%add3A_111, %dma_start3A_177] : memref<300x16384xf32, #tpu.memory_space<hbm>> -> memref<1x4096xf32, #tpu.memory_space<hbm>>
    %dma_start3A_179 = tpu.memref_squeeze %dma_start3A_178 : memref<1x4096xf32, #tpu.memory_space<hbm>> -> memref<4096xf32, #tpu.memory_space<hbm>>
    %dma_start3A_180 = arith.constant 4096 : i32
    %dma_start3A_181 = tpu.memref_slice %arg4[%add3A_111, %dma_start3A_180] : memref<300x16384xf32, #tpu.memory_space<hbm>> -> memref<1x4096xf32, #tpu.memory_space<hbm>>
    %dma_start3A_182 = tpu.memref_squeeze %dma_start3A_181 : memref<1x4096xf32, #tpu.memory_space<hbm>> -> memref<4096xf32, #tpu.memory_space<hbm>>
    %dma_start3A_183 = arith.constant 0 : i32
    %dma_start3A_184 = tpu.memref_slice %arg7[%dma_start3A_173, %dma_start3A_183] : memref<2x4096xf32, #tpu.memory_space<vmem>> -> memref<1x4096xf32, #tpu.memory_space<vmem>>
    %dma_start3A_185 = tpu.memref_squeeze %dma_start3A_184 : memref<1x4096xf32, #tpu.memory_space<vmem>> -> memref<4096xf32, #tpu.memory_space<vmem>>
    tpu.enqueue_dma source(%dma_start3A_185 : memref<4096xf32, #tpu.memory_space<vmem>>) target(%dma_start3A_182 : memref<4096xf32, #tpu.memory_space<hbm>>) target_semaphore(%arg9 : memref<!tpu.dma_semaphore, #tpu.memory_space<semaphore_mem>>)
    %dma_wait3A_186 = arith.constant 0 : i32
    %dma_wait3A_187 = arith.constant 0 : i32
    %dma_wait3A_188 = tpu.memref_slice %arg7[%dma_wait3A_186, %dma_wait3A_187] : memref<2x4096xf32, #tpu.memory_space<vmem>> -> memref<1x4096xf32, #tpu.memory_space<vmem>>
    %dma_wait3A_189 = tpu.memref_squeeze %dma_wait3A_188 : memref<1x4096xf32, #tpu.memory_space<vmem>> -> memref<4096xf32, #tpu.memory_space<vmem>>
    %dma_wait3A_190 = arith.constant 0 : i32
    %dma_wait3A_191 = tpu.memref_slice %arg4[%add3A_111, %dma_wait3A_190] : memref<300x16384xf32, #tpu.memory_space<hbm>> -> memref<1x4096xf32, #tpu.memory_space<hbm>>
    %dma_wait3A_192 = tpu.memref_squeeze %dma_wait3A_191 : memref<1x4096xf32, #tpu.memory_space<hbm>> -> memref<4096xf32, #tpu.memory_space<hbm>>
    %dma_wait3A_193 = arith.constant 0 : i32
    %dma_wait3A_194 = tpu.memref_slice %arg4[%add3A_111, %dma_wait3A_193] : memref<300x16384xf32, #tpu.memory_space<hbm>> -> memref<1x4096xf32, #tpu.memory_space<hbm>>
    %dma_wait3A_195 = tpu.memref_squeeze %dma_wait3A_194 : memref<1x4096xf32, #tpu.memory_space<hbm>> -> memref<4096xf32, #tpu.memory_space<hbm>>
    %dma_wait3A_196 = arith.constant 0 : i32
    %dma_wait3A_197 = tpu.memref_slice %arg7[%dma_wait3A_186, %dma_wait3A_196] : memref<2x4096xf32, #tpu.memory_space<vmem>> -> memref<1x4096xf32, #tpu.memory_space<vmem>>
    %dma_wait3A_198 = tpu.memref_squeeze %dma_wait3A_197 : memref<1x4096xf32, #tpu.memory_space<vmem>> -> memref<4096xf32, #tpu.memory_space<vmem>>
    tpu.wait_dma2 semaphore(%arg9 : memref<!tpu.dma_semaphore, #tpu.memory_space<semaphore_mem>>) src(%dma_wait3A_198 : memref<4096xf32, #tpu.memory_space<vmem>>) dst(%dma_wait3A_195 : memref<4096xf32, #tpu.memory_space<hbm>>)
    %scan3A_199 = arith.constant 0 : i32
    %scan3A_200 = arith.constant 256 : i32
    %scan3A_201 = arith.addi %scan3A_199, %scan3A_200 : i32
    %scan3A_202 = arith.constant 1 : i32
    scf.for %scan3A_1242 = %scan3A_199 to %scan3A_201 step %scan3A_202  : i32 {
      %mul3A_1243 = arith.constant 16 : i32
      %mul3A_1244 = arith.muli %scan3A_1242, %mul3A_1243 : i32
      %add3A_1245 = arith.constant 8192 : i32
      %add3A_1246 = arith.addi %add3A_1245, %mul3A_1244 : i32
      %get3A = arith.index_cast %add3A_1246 : i32 to index
      %get3A_1247 = tpu.vector_load %arg5[%get3A] {strides = array<i32>} : memref<16384xi32, #tpu.memory_space<vmem>>, vector<16xi32>,
      %gather3A = tpu.vector_load_idx %arg6[%get3A_1247] : memref<100000xf32, #tpu.memory_space<vmem>>[vector<16xi32>], vector<16xf32>,
      %mul3A_1248 = arith.constant 16 : i32
      %mul3A_1249 = arith.muli %scan3A_1242, %mul3A_1248 : i32
      %swap3A = arith.constant 0 : i32
      %swap3A_1250 = arith.index_cast %swap3A : i32 to index
      %swap3A_1251 = arith.index_cast %mul3A_1249 : i32 to index
      %swap3A_1252 = tpu.vector_load %arg7[%swap3A_1250, %swap3A_1251] {strides = array<i32>} : memref<2x4096xf32, #tpu.memory_space<vmem>>, vector<16xf32>,
      tpu.vector_store %arg7[%swap3A_1250, %swap3A_1251], %gather3A {strides = array<i32>} : memref<2x4096xf32, #tpu.memory_space<vmem>>, vector<16xf32>,
    }
    %scan3A_203 = arith.constant 256 : i32
    %dma_start3A_204 = arith.constant 0 : i32
    %dma_start3A_205 = arith.constant 0 : i32
    %dma_start3A_206 = tpu.memref_slice %arg7[%dma_start3A_204, %dma_start3A_205] : memref<2x4096xf32, #tpu.memory_space<vmem>> -> memref<1x4096xf32, #tpu.memory_space<vmem>>
    %dma_start3A_207 = tpu.memref_squeeze %dma_start3A_206 : memref<1x4096xf32, #tpu.memory_space<vmem>> -> memref<4096xf32, #tpu.memory_space<vmem>>
    %dma_start3A_208 = arith.constant 8192 : i32
    %dma_start3A_209 = tpu.memref_slice %arg4[%add3A_111, %dma_start3A_208] : memref<300x16384xf32, #tpu.memory_space<hbm>> -> memref<1x4096xf32, #tpu.memory_space<hbm>>
    %dma_start3A_210 = tpu.memref_squeeze %dma_start3A_209 : memref<1x4096xf32, #tpu.memory_space<hbm>> -> memref<4096xf32, #tpu.memory_space<hbm>>
    %dma_start3A_211 = arith.constant 8192 : i32
    %dma_start3A_212 = tpu.memref_slice %arg4[%add3A_111, %dma_start3A_211] : memref<300x16384xf32, #tpu.memory_space<hbm>> -> memref<1x4096xf32, #tpu.memory_space<hbm>>
    %dma_start3A_213 = tpu.memref_squeeze %dma_start3A_212 : memref<1x4096xf32, #tpu.memory_space<hbm>> -> memref<4096xf32, #tpu.memory_space<hbm>>
    %dma_start3A_214 = arith.constant 0 : i32
    %dma_start3A_215 = tpu.memref_slice %arg7[%dma_start3A_204, %dma_start3A_214] : memref<2x4096xf32, #tpu.memory_space<vmem>> -> memref<1x4096xf32, #tpu.memory_space<vmem>>
    %dma_start3A_216 = tpu.memref_squeeze %dma_start3A_215 : memref<1x4096xf32, #tpu.memory_space<vmem>> -> memref<4096xf32, #tpu.memory_space<vmem>>
    tpu.enqueue_dma source(%dma_start3A_216 : memref<4096xf32, #tpu.memory_space<vmem>>) target(%dma_start3A_213 : memref<4096xf32, #tpu.memory_space<hbm>>) target_semaphore(%arg9 : memref<!tpu.dma_semaphore, #tpu.memory_space<semaphore_mem>>)
    %dma_wait3A_217 = arith.constant 1 : i32
    %dma_wait3A_218 = arith.constant 0 : i32
    %dma_wait3A_219 = tpu.memref_slice %arg7[%dma_wait3A_217, %dma_wait3A_218] : memref<2x4096xf32, #tpu.memory_space<vmem>> -> memref<1x4096xf32, #tpu.memory_space<vmem>>
    %dma_wait3A_220 = tpu.memref_squeeze %dma_wait3A_219 : memref<1x4096xf32, #tpu.memory_space<vmem>> -> memref<4096xf32, #tpu.memory_space<vmem>>
    %dma_wait3A_221 = arith.constant 4096 : i32
    %dma_wait3A_222 = tpu.memref_slice %arg4[%add3A_111, %dma_wait3A_221] : memref<300x16384xf32, #tpu.memory_space<hbm>> -> memref<1x4096xf32, #tpu.memory_space<hbm>>
    %dma_wait3A_223 = tpu.memref_squeeze %dma_wait3A_222 : memref<1x4096xf32, #tpu.memory_space<hbm>> -> memref<4096xf32, #tpu.memory_space<hbm>>
    %dma_wait3A_224 = arith.constant 4096 : i32
    %dma_wait3A_225 = tpu.memref_slice %arg4[%add3A_111, %dma_wait3A_224] : memref<300x16384xf32, #tpu.memory_space<hbm>> -> memref<1x4096xf32, #tpu.memory_space<hbm>>
    %dma_wait3A_226 = tpu.memref_squeeze %dma_wait3A_225 : memref<1x4096xf32, #tpu.memory_space<hbm>> -> memref<4096xf32, #tpu.memory_space<hbm>>
    %dma_wait3A_227 = arith.constant 0 : i32
    %dma_wait3A_228 = tpu.memref_slice %arg7[%dma_wait3A_217, %dma_wait3A_227] : memref<2x4096xf32, #tpu.memory_space<vmem>> -> memref<1x4096xf32, #tpu.memory_space<vmem>>
    %dma_wait3A_229 = tpu.memref_squeeze %dma_wait3A_228 : memref<1x4096xf32, #tpu.memory_space<vmem>> -> memref<4096xf32, #tpu.memory_space<vmem>>
    tpu.wait_dma2 semaphore(%arg9 : memref<!tpu.dma_semaphore, #tpu.memory_space<semaphore_mem>>) src(%dma_wait3A_229 : memref<4096xf32, #tpu.memory_space<vmem>>) dst(%dma_wait3A_226 : memref<4096xf32, #tpu.memory_space<hbm>>)
    %scan3A_230 = arith.constant 0 : i32
    %scan3A_231 = arith.constant 256 : i32
    %scan3A_232 = arith.addi %scan3A_230, %scan3A_231 : i32
    %scan3A_233 = arith.constant 1 : i32
    scf.for %scan3A_1242 = %scan3A_230 to %scan3A_232 step %scan3A_233  : i32 {
      %mul3A_1243 = arith.constant 16 : i32
      %mul3A_1244 = arith.muli %scan3A_1242, %mul3A_1243 : i32
      %add3A_1245 = arith.constant 12288 : i32
      %add3A_1246 = arith.addi %add3A_1245, %mul3A_1244 : i32
      %get3A = arith.index_cast %add3A_1246 : i32 to index
      %get3A_1247 = tpu.vector_load %arg5[%get3A] {strides = array<i32>} : memref<16384xi32, #tpu.memory_space<vmem>>, vector<16xi32>,
      %gather3A = tpu.vector_load_idx %arg6[%get3A_1247] : memref<100000xf32, #tpu.memory_space<vmem>>[vector<16xi32>], vector<16xf32>,
      %mul3A_1248 = arith.constant 16 : i32
      %mul3A_1249 = arith.muli %scan3A_1242, %mul3A_1248 : i32
      %swap3A = arith.constant 1 : i32
      %swap3A_1250 = arith.index_cast %swap3A : i32 to index
      %swap3A_1251 = arith.index_cast %mul3A_1249 : i32 to index
      %swap3A_1252 = tpu.vector_load %arg7[%swap3A_1250, %swap3A_1251] {strides = array<i32>} : memref<2x4096xf32, #tpu.memory_space<vmem>>, vector<16xf32>,
      tpu.vector_store %arg7[%swap3A_1250, %swap3A_1251], %gather3A {strides = array<i32>} : memref<2x4096xf32, #tpu.memory_space<vmem>>, vector<16xf32>,
    }
    %scan3A_234 = arith.constant 256 : i32
    %dma_start3A_235 = arith.constant 1 : i32
    %dma_start3A_236 = arith.constant 0 : i32
    %dma_start3A_237 = tpu.memref_slice %arg7[%dma_start3A_235, %dma_start3A_236] : memref<2x4096xf32, #tpu.memory_space<vmem>> -> memref<1x4096xf32, #tpu.memory_space<vmem>>
    %dma_start3A_238 = tpu.memref_squeeze %dma_start3A_237 : memref<1x4096xf32, #tpu.memory_space<vmem>> -> memref<4096xf32, #tpu.memory_space<vmem>>
    %dma_start3A_239 = arith.constant 12288 : i32
    %dma_start3A_240 = tpu.memref_slice %arg4[%add3A_111, %dma_start3A_239] : memref<300x16384xf32, #tpu.memory_space<hbm>> -> memref<1x4096xf32, #tpu.memory_space<hbm>>
    %dma_start3A_241 = tpu.memref_squeeze %dma_start3A_240 : memref<1x4096xf32, #tpu.memory_space<hbm>> -> memref<4096xf32, #tpu.memory_space<hbm>>
    %dma_start3A_242 = arith.constant 12288 : i32
    %dma_start3A_243 = tpu.memref_slice %arg4[%add3A_111, %dma_start3A_242] : memref<300x16384xf32, #tpu.memory_space<hbm>> -> memref<1x4096xf32, #tpu.memory_space<hbm>>
    %dma_start3A_244 = tpu.memref_squeeze %dma_start3A_243 : memref<1x4096xf32, #tpu.memory_space<hbm>> -> memref<4096xf32, #tpu.memory_space<hbm>>
    %dma_start3A_245 = arith.constant 0 : i32
    %dma_start3A_246 = tpu.memref_slice %arg7[%dma_start3A_235, %dma_start3A_245] : memref<2x4096xf32, #tpu.memory_space<vmem>> -> memref<1x4096xf32, #tpu.memory_space<vmem>>
    %dma_start3A_247 = tpu.memref_squeeze %dma_start3A_246 : memref<1x4096xf32, #tpu.memory_space<vmem>> -> memref<4096xf32, #tpu.memory_space<vmem>>
    tpu.enqueue_dma source(%dma_start3A_247 : memref<4096xf32, #tpu.memory_space<vmem>>) target(%dma_start3A_244 : memref<4096xf32, #tpu.memory_space<hbm>>) target_semaphore(%arg9 : memref<!tpu.dma_semaphore, #tpu.memory_space<semaphore_mem>>)
    %add3A_248 = arith.constant 64 : i32
    %add3A_249 = arith.addi %add3A, %add3A_248 : i32
    %dma_start3A_250 = arith.constant 0 : i32
    %dma_start3A_251 = tpu.memref_slice %arg2[%add3A_249, %dma_start3A_250] : memref<300x100000xf32, #tpu.memory_space<hbm>> -> memref<1x100000xf32, #tpu.memory_space<hbm>>
    %dma_start3A_252 = tpu.memref_squeeze %dma_start3A_251 : memref<1x100000xf32, #tpu.memory_space<hbm>> -> memref<100000xf32, #tpu.memory_space<hbm>>
    %dma_start3A_253 = arith.constant 0 : i32
    %dma_start3A_254 = tpu.memref_slice %arg2[%add3A_249, %dma_start3A_253] : memref<300x100000xf32, #tpu.memory_space<hbm>> -> memref<1x100000xf32, #tpu.memory_space<hbm>>
    %dma_start3A_255 = tpu.memref_squeeze %dma_start3A_254 : memref<1x100000xf32, #tpu.memory_space<hbm>> -> memref<100000xf32, #tpu.memory_space<hbm>>
    tpu.enqueue_dma source(%dma_start3A_255 : memref<100000xf32, #tpu.memory_space<hbm>>) target(%arg6 : memref<100000xf32, #tpu.memory_space<vmem>>) target_semaphore(%arg8 : memref<!tpu.dma_semaphore, #tpu.memory_space<semaphore_mem>>)
    %dma_wait3A_256 = arith.constant 0 : i32
    %dma_wait3A_257 = arith.constant 0 : i32
    %dma_wait3A_258 = tpu.memref_slice %arg7[%dma_wait3A_256, %dma_wait3A_257] : memref<2x4096xf32, #tpu.memory_space<vmem>> -> memref<1x4096xf32, #tpu.memory_space<vmem>>
    %dma_wait3A_259 = tpu.memref_squeeze %dma_wait3A_258 : memref<1x4096xf32, #tpu.memory_space<vmem>> -> memref<4096xf32, #tpu.memory_space<vmem>>
    %dma_wait3A_260 = arith.constant 8192 : i32
    %dma_wait3A_261 = tpu.memref_slice %arg4[%add3A_111, %dma_wait3A_260] : memref<300x16384xf32, #tpu.memory_space<hbm>> -> memref<1x4096xf32, #tpu.memory_space<hbm>>
    %dma_wait3A_262 = tpu.memref_squeeze %dma_wait3A_261 : memref<1x4096xf32, #tpu.memory_space<hbm>> -> memref<4096xf32, #tpu.memory_space<hbm>>
    %dma_wait3A_263 = arith.constant 8192 : i32
    %dma_wait3A_264 = tpu.memref_slice %arg4[%add3A_111, %dma_wait3A_263] : memref<300x16384xf32, #tpu.memory_space<hbm>> -> memref<1x4096xf32, #tpu.memory_space<hbm>>
    %dma_wait3A_265 = tpu.memref_squeeze %dma_wait3A_264 : memref<1x4096xf32, #tpu.memory_space<hbm>> -> memref<4096xf32, #tpu.memory_space<hbm>>
    %dma_wait3A_266 = arith.constant 0 : i32
    %dma_wait3A_267 = tpu.memref_slice %arg7[%dma_wait3A_256, %dma_wait3A_266] : memref<2x4096xf32, #tpu.memory_space<vmem>> -> memref<1x4096xf32, #tpu.memory_space<vmem>>
    %dma_wait3A_268 = tpu.memref_squeeze %dma_wait3A_267 : memref<1x4096xf32, #tpu.memory_space<vmem>> -> memref<4096xf32, #tpu.memory_space<vmem>>
    tpu.wait_dma2 semaphore(%arg9 : memref<!tpu.dma_semaphore, #tpu.memory_space<semaphore_mem>>) src(%dma_wait3A_268 : memref<4096xf32, #tpu.memory_space<vmem>>) dst(%dma_wait3A_265 : memref<4096xf32, #tpu.memory_space<hbm>>)
    %dma_wait3A_269 = arith.constant 1 : i32
    %dma_wait3A_270 = arith.constant 0 : i32
    %dma_wait3A_271 = tpu.memref_slice %arg7[%dma_wait3A_269, %dma_wait3A_270] : memref<2x4096xf32, #tpu.memory_space<vmem>> -> memref<1x4096xf32, #tpu.memory_space<vmem>>
    %dma_wait3A_272 = tpu.memref_squeeze %dma_wait3A_271 : memref<1x4096xf32, #tpu.memory_space<vmem>> -> memref<4096xf32, #tpu.memory_space<vmem>>
    %dma_wait3A_273 = arith.constant 12288 : i32
    %dma_wait3A_274 = tpu.memref_slice %arg4[%add3A_111, %dma_wait3A_273] : memref<300x16384xf32, #tpu.memory_space<hbm>> -> memref<1x4096xf32, #tpu.memory_space<hbm>>
    %dma_wait3A_275 = tpu.memref_squeeze %dma_wait3A_274 : memref<1x4096xf32, #tpu.memory_space<hbm>> -> memref<4096xf32, #tpu.memory_space<hbm>>
    %dma_wait3A_276 = arith.constant 12288 : i32
    %dma_wait3A_277 = tpu.memref_slice %arg4[%add3A_111, %dma_wait3A_276] : memref<300x16384xf32, #tpu.memory_space<hbm>> -> memref<1x4096xf32, #tpu.memory_space<hbm>>
    %dma_wait3A_278 = tpu.memref_squeeze %dma_wait3A_277 : memref<1x4096xf32, #tpu.memory_space<hbm>> -> memref<4096xf32, #tpu.memory_space<hbm>>
    %dma_wait3A_279 = arith.constant 0 : i32
    %dma_wait3A_280 = tpu.memref_slice %arg7[%dma_wait3A_269, %dma_wait3A_279] : memref<2x4096xf32, #tpu.memory_space<vmem>> -> memref<1x4096xf32, #tpu.memory_space<vmem>>
    %dma_wait3A_281 = tpu.memref_squeeze %dma_wait3A_280 : memref<1x4096xf32, #tpu.memory_space<vmem>> -> memref<4096xf32, #tpu.memory_space<vmem>>
    tpu.wait_dma2 semaphore(%arg9 : memref<!tpu.dma_semaphore, #tpu.memory_space<semaphore_mem>>) src(%dma_wait3A_281 : memref<4096xf32, #tpu.memory_space<vmem>>) dst(%dma_wait3A_278 : memref<4096xf32, #tpu.memory_space<hbm>>)
    %dma_wait3A_282 = arith.constant 0 : i32
    %dma_wait3A_283 = tpu.memref_slice %arg2[%add3A_249, %dma_wait3A_282] : memref<300x100000xf32, #tpu.memory_space<hbm>> -> memref<1x100000xf32, #tpu.memory_space<hbm>>
    %dma_wait3A_284 = tpu.memref_squeeze %dma_wait3A_283 : memref<1x100000xf32, #tpu.memory_space<hbm>> -> memref<100000xf32, #tpu.memory_space<hbm>>
    %dma_wait3A_285 = arith.constant 0 : i32
    %dma_wait3A_286 = tpu.memref_slice %arg2[%add3A_249, %dma_wait3A_285] : memref<300x100000xf32, #tpu.memory_space<hbm>> -> memref<1x100000xf32, #tpu.memory_space<hbm>>
    %dma_wait3A_287 = tpu.memref_squeeze %dma_wait3A_286 : memref<1x100000xf32, #tpu.memory_space<hbm>> -> memref<100000xf32, #tpu.memory_space<hbm>>
    tpu.wait_dma2 semaphore(%arg8 : memref<!tpu.dma_semaphore, #tpu.memory_space<semaphore_mem>>) src(%dma_wait3A_287 : memref<100000xf32, #tpu.memory_space<hbm>>) dst(%arg6 : memref<100000xf32, #tpu.memory_space<vmem>>)
    %scan3A_288 = arith.constant 0 : i32
    %scan3A_289 = arith.constant 256 : i32
    %scan3A_290 = arith.addi %scan3A_288, %scan3A_289 : i32
    %scan3A_291 = arith.constant 1 : i32
    scf.for %scan3A_1242 = %scan3A_288 to %scan3A_290 step %scan3A_291  : i32 {
      %mul3A_1243 = arith.constant 16 : i32
      %mul3A_1244 = arith.muli %scan3A_1242, %mul3A_1243 : i32
      %add3A_1245 = arith.constant 0 : i32
      %add3A_1246 = arith.addi %add3A_1245, %mul3A_1244 : i32
      %get3A = arith.index_cast %add3A_1246 : i32 to index
      %get3A_1247 = tpu.vector_load %arg5[%get3A] {strides = array<i32>} : memref<16384xi32, #tpu.memory_space<vmem>>, vector<16xi32>,
      %gather3A = tpu.vector_load_idx %arg6[%get3A_1247] : memref<100000xf32, #tpu.memory_space<vmem>>[vector<16xi32>], vector<16xf32>,
      %mul3A_1248 = arith.constant 16 : i32
      %mul3A_1249 = arith.muli %scan3A_1242, %mul3A_1248 : i32
      %swap3A = arith.constant 0 : i32
      %swap3A_1250 = arith.index_cast %swap3A : i32 to index
      %swap3A_1251 = arith.index_cast %mul3A_1249 : i32 to index
      %swap3A_1252 = tpu.vector_load %arg7[%swap3A_1250, %swap3A_1251] {strides = array<i32>} : memref<2x4096xf32, #tpu.memory_space<vmem>>, vector<16xf32>,
      tpu.vector_store %arg7[%swap3A_1250, %swap3A_1251], %gather3A {strides = array<i32>} : memref<2x4096xf32, #tpu.memory_space<vmem>>, vector<16xf32>,
    }
    %scan3A_292 = arith.constant 256 : i32
    %dma_start3A_293 = arith.constant 0 : i32
    %dma_start3A_294 = arith.constant 0 : i32
    %dma_start3A_295 = tpu.memref_slice %arg7[%dma_start3A_293, %dma_start3A_294] : memref<2x4096xf32, #tpu.memory_space<vmem>> -> memref<1x4096xf32, #tpu.memory_space<vmem>>
    %dma_start3A_296 = tpu.memref_squeeze %dma_start3A_295 : memref<1x4096xf32, #tpu.memory_space<vmem>> -> memref<4096xf32, #tpu.memory_space<vmem>>
    %dma_start3A_297 = arith.constant 0 : i32
    %dma_start3A_298 = tpu.memref_slice %arg4[%add3A_249, %dma_start3A_297] : memref<300x16384xf32, #tpu.memory_space<hbm>> -> memref<1x4096xf32, #tpu.memory_space<hbm>>
    %dma_start3A_299 = tpu.memref_squeeze %dma_start3A_298 : memref<1x4096xf32, #tpu.memory_space<hbm>> -> memref<4096xf32, #tpu.memory_space<hbm>>
    %dma_start3A_300 = arith.constant 0 : i32
    %dma_start3A_301 = tpu.memref_slice %arg4[%add3A_249, %dma_start3A_300] : memref<300x16384xf32, #tpu.memory_space<hbm>> -> memref<1x4096xf32, #tpu.memory_space<hbm>>
    %dma_start3A_302 = tpu.memref_squeeze %dma_start3A_301 : memref<1x4096xf32, #tpu.memory_space<hbm>> -> memref<4096xf32, #tpu.memory_space<hbm>>
    %dma_start3A_303 = arith.constant 0 : i32
    %dma_start3A_304 = tpu.memref_slice %arg7[%dma_start3A_293, %dma_start3A_303] : memref<2x4096xf32, #tpu.memory_space<vmem>> -> memref<1x4096xf32, #tpu.memory_space<vmem>>
    %dma_start3A_305 = tpu.memref_squeeze %dma_start3A_304 : memref<1x4096xf32, #tpu.memory_space<vmem>> -> memref<4096xf32, #tpu.memory_space<vmem>>
    tpu.enqueue_dma source(%dma_start3A_305 : memref<4096xf32, #tpu.memory_space<vmem>>) target(%dma_start3A_302 : memref<4096xf32, #tpu.memory_space<hbm>>) target_semaphore(%arg9 : memref<!tpu.dma_semaphore, #tpu.memory_space<semaphore_mem>>)
    %scan3A_306 = arith.constant 0 : i32
    %scan3A_307 = arith.constant 256 : i32
    %scan3A_308 = arith.addi %scan3A_306, %scan3A_307 : i32
    %scan3A_309 = arith.constant 1 : i32
    scf.for %scan3A_1242 = %scan3A_306 to %scan3A_308 step %scan3A_309  : i32 {
      %mul3A_1243 = arith.constant 16 : i32
      %mul3A_1244 = arith.muli %scan3A_1242, %mul3A_1243 : i32
      %add3A_1245 = arith.constant 4096 : i32
      %add3A_1246 = arith.addi %add3A_1245, %mul3A_1244 : i32
      %get3A = arith.index_cast %add3A_1246 : i32 to index
      %get3A_1247 = tpu.vector_load %arg5[%get3A] {strides = array<i32>} : memref<16384xi32, #tpu.memory_space<vmem>>, vector<16xi32>,
      %gather3A = tpu.vector_load_idx %arg6[%get3A_1247] : memref<100000xf32, #tpu.memory_space<vmem>>[vector<16xi32>], vector<16xf32>,
      %mul3A_1248 = arith.constant 16 : i32
      %mul3A_1249 = arith.muli %scan3A_1242, %mul3A_1248 : i32
      %swap3A = arith.constant 1 : i32
      %swap3A_1250 = arith.index_cast %swap3A : i32 to index
      %swap3A_1251 = arith.index_cast %mul3A_1249 : i32 to index
      %swap3A_1252 = tpu.vector_load %arg7[%swap3A_1250, %swap3A_1251] {strides = array<i32>} : memref<2x4096xf32, #tpu.memory_space<vmem>>, vector<16xf32>,
      tpu.vector_store %arg7[%swap3A_1250, %swap3A_1251], %gather3A {strides = array<i32>} : memref<2x4096xf32, #tpu.memory_space<vmem>>, vector<16xf32>,
    }
    %scan3A_310 = arith.constant 256 : i32
    %dma_start3A_311 = arith.constant 1 : i32
    %dma_start3A_312 = arith.constant 0 : i32
    %dma_start3A_313 = tpu.memref_slice %arg7[%dma_start3A_311, %dma_start3A_312] : memref<2x4096xf32, #tpu.memory_space<vmem>> -> memref<1x4096xf32, #tpu.memory_space<vmem>>
    %dma_start3A_314 = tpu.memref_squeeze %dma_start3A_313 : memref<1x4096xf32, #tpu.memory_space<vmem>> -> memref<4096xf32, #tpu.memory_space<vmem>>
    %dma_start3A_315 = arith.constant 4096 : i32
    %dma_start3A_316 = tpu.memref_slice %arg4[%add3A_249, %dma_start3A_315] : memref<300x16384xf32, #tpu.memory_space<hbm>> -> memref<1x4096xf32, #tpu.memory_space<hbm>>
    %dma_start3A_317 = tpu.memref_squeeze %dma_start3A_316 : memref<1x4096xf32, #tpu.memory_space<hbm>> -> memref<4096xf32, #tpu.memory_space<hbm>>
    %dma_start3A_318 = arith.constant 4096 : i32
    %dma_start3A_319 = tpu.memref_slice %arg4[%add3A_249, %dma_start3A_318] : memref<300x16384xf32, #tpu.memory_space<hbm>> -> memref<1x4096xf32, #tpu.memory_space<hbm>>
    %dma_start3A_320 = tpu.memref_squeeze %dma_start3A_319 : memref<1x4096xf32, #tpu.memory_space<hbm>> -> memref<4096xf32, #tpu.memory_space<hbm>>
    %dma_start3A_321 = arith.constant 0 : i32
    %dma_start3A_322 = tpu.memref_slice %arg7[%dma_start3A_311, %dma_start3A_321] : memref<2x4096xf32, #tpu.memory_space<vmem>> -> memref<1x4096xf32, #tpu.memory_space<vmem>>
    %dma_start3A_323 = tpu.memref_squeeze %dma_start3A_322 : memref<1x4096xf32, #tpu.memory_space<vmem>> -> memref<4096xf32, #tpu.memory_space<vmem>>
    tpu.enqueue_dma source(%dma_start3A_323 : memref<4096xf32, #tpu.memory_space<vmem>>) target(%dma_start3A_320 : memref<4096xf32, #tpu.memory_space<hbm>>) target_semaphore(%arg9 : memref<!tpu.dma_semaphore, #tpu.memory_space<semaphore_mem>>)
    %dma_wait3A_324 = arith.constant 0 : i32
    %dma_wait3A_325 = arith.constant 0 : i32
    %dma_wait3A_326 = tpu.memref_slice %arg7[%dma_wait3A_324, %dma_wait3A_325] : memref<2x4096xf32, #tpu.memory_space<vmem>> -> memref<1x4096xf32, #tpu.memory_space<vmem>>
    %dma_wait3A_327 = tpu.memref_squeeze %dma_wait3A_326 : memref<1x4096xf32, #tpu.memory_space<vmem>> -> memref<4096xf32, #tpu.memory_space<vmem>>
    %dma_wait3A_328 = arith.constant 0 : i32
    %dma_wait3A_329 = tpu.memref_slice %arg4[%add3A_249, %dma_wait3A_328] : memref<300x16384xf32, #tpu.memory_space<hbm>> -> memref<1x4096xf32, #tpu.memory_space<hbm>>
    %dma_wait3A_330 = tpu.memref_squeeze %dma_wait3A_329 : memref<1x4096xf32, #tpu.memory_space<hbm>> -> memref<4096xf32, #tpu.memory_space<hbm>>
    %dma_wait3A_331 = arith.constant 0 : i32
    %dma_wait3A_332 = tpu.memref_slice %arg4[%add3A_249, %dma_wait3A_331] : memref<300x16384xf32, #tpu.memory_space<hbm>> -> memref<1x4096xf32, #tpu.memory_space<hbm>>
    %dma_wait3A_333 = tpu.memref_squeeze %dma_wait3A_332 : memref<1x4096xf32, #tpu.memory_space<hbm>> -> memref<4096xf32, #tpu.memory_space<hbm>>
    %dma_wait3A_334 = arith.constant 0 : i32
    %dma_wait3A_335 = tpu.memref_slice %arg7[%dma_wait3A_324, %dma_wait3A_334] : memref<2x4096xf32, #tpu.memory_space<vmem>> -> memref<1x4096xf32, #tpu.memory_space<vmem>>
    %dma_wait3A_336 = tpu.memref_squeeze %dma_wait3A_335 : memref<1x4096xf32, #tpu.memory_space<vmem>> -> memref<4096xf32, #tpu.memory_space<vmem>>
    tpu.wait_dma2 semaphore(%arg9 : memref<!tpu.dma_semaphore, #tpu.memory_space<semaphore_mem>>) src(%dma_wait3A_336 : memref<4096xf32, #tpu.memory_space<vmem>>) dst(%dma_wait3A_333 : memref<4096xf32, #tpu.memory_space<hbm>>)
    %scan3A_337 = arith.constant 0 : i32
    %scan3A_338 = arith.constant 256 : i32
    %scan3A_339 = arith.addi %scan3A_337, %scan3A_338 : i32
    %scan3A_340 = arith.constant 1 : i32
    scf.for %scan3A_1242 = %scan3A_337 to %scan3A_339 step %scan3A_340  : i32 {
      %mul3A_1243 = arith.constant 16 : i32
      %mul3A_1244 = arith.muli %scan3A_1242, %mul3A_1243 : i32
      %add3A_1245 = arith.constant 8192 : i32
      %add3A_1246 = arith.addi %add3A_1245, %mul3A_1244 : i32
      %get3A = arith.index_cast %add3A_1246 : i32 to index
      %get3A_1247 = tpu.vector_load %arg5[%get3A] {strides = array<i32>} : memref<16384xi32, #tpu.memory_space<vmem>>, vector<16xi32>,
      %gather3A = tpu.vector_load_idx %arg6[%get3A_1247] : memref<100000xf32, #tpu.memory_space<vmem>>[vector<16xi32>], vector<16xf32>,
      %mul3A_1248 = arith.constant 16 : i32
      %mul3A_1249 = arith.muli %scan3A_1242, %mul3A_1248 : i32
      %swap3A = arith.constant 0 : i32
      %swap3A_1250 = arith.index_cast %swap3A : i32 to index
      %swap3A_1251 = arith.index_cast %mul3A_1249 : i32 to index
      %swap3A_1252 = tpu.vector_load %arg7[%swap3A_1250, %swap3A_1251] {strides = array<i32>} : memref<2x4096xf32, #tpu.memory_space<vmem>>, vector<16xf32>,
      tpu.vector_store %arg7[%swap3A_1250, %swap3A_1251], %gather3A {strides = array<i32>} : memref<2x4096xf32, #tpu.memory_space<vmem>>, vector<16xf32>,
    }
    %scan3A_341 = arith.constant 256 : i32
    %dma_start3A_342 = arith.constant 0 : i32
    %dma_start3A_343 = arith.constant 0 : i32
    %dma_start3A_344 = tpu.memref_slice %arg7[%dma_start3A_342, %dma_start3A_343] : memref<2x4096xf32, #tpu.memory_space<vmem>> -> memref<1x4096xf32, #tpu.memory_space<vmem>>
    %dma_start3A_345 = tpu.memref_squeeze %dma_start3A_344 : memref<1x4096xf32, #tpu.memory_space<vmem>> -> memref<4096xf32, #tpu.memory_space<vmem>>
    %dma_start3A_346 = arith.constant 8192 : i32
    %dma_start3A_347 = tpu.memref_slice %arg4[%add3A_249, %dma_start3A_346] : memref<300x16384xf32, #tpu.memory_space<hbm>> -> memref<1x4096xf32, #tpu.memory_space<hbm>>
    %dma_start3A_348 = tpu.memref_squeeze %dma_start3A_347 : memref<1x4096xf32, #tpu.memory_space<hbm>> -> memref<4096xf32, #tpu.memory_space<hbm>>
    %dma_start3A_349 = arith.constant 8192 : i32
    %dma_start3A_350 = tpu.memref_slice %arg4[%add3A_249, %dma_start3A_349] : memref<300x16384xf32, #tpu.memory_space<hbm>> -> memref<1x4096xf32, #tpu.memory_space<hbm>>
    %dma_start3A_351 = tpu.memref_squeeze %dma_start3A_350 : memref<1x4096xf32, #tpu.memory_space<hbm>> -> memref<4096xf32, #tpu.memory_space<hbm>>
    %dma_start3A_352 = arith.constant 0 : i32
    %dma_start3A_353 = tpu.memref_slice %arg7[%dma_start3A_342, %dma_start3A_352] : memref<2x4096xf32, #tpu.memory_space<vmem>> -> memref<1x4096xf32, #tpu.memory_space<vmem>>
    %dma_start3A_354 = tpu.memref_squeeze %dma_start3A_353 : memref<1x4096xf32, #tpu.memory_space<vmem>> -> memref<4096xf32, #tpu.memory_space<vmem>>
    tpu.enqueue_dma source(%dma_start3A_354 : memref<4096xf32, #tpu.memory_space<vmem>>) target(%dma_start3A_351 : memref<4096xf32, #tpu.memory_space<hbm>>) target_semaphore(%arg9 : memref<!tpu.dma_semaphore, #tpu.memory_space<semaphore_mem>>)
    %dma_wait3A_355 = arith.constant 1 : i32
    %dma_wait3A_356 = arith.constant 0 : i32
    %dma_wait3A_357 = tpu.memref_slice %arg7[%dma_wait3A_355, %dma_wait3A_356] : memref<2x4096xf32, #tpu.memory_space<vmem>> -> memref<1x4096xf32, #tpu.memory_space<vmem>>
    %dma_wait3A_358 = tpu.memref_squeeze %dma_wait3A_357 : memref<1x4096xf32, #tpu.memory_space<vmem>> -> memref<4096xf32, #tpu.memory_space<vmem>>
    %dma_wait3A_359 = arith.constant 4096 : i32
    %dma_wait3A_360 = tpu.memref_slice %arg4[%add3A_249, %dma_wait3A_359] : memref<300x16384xf32, #tpu.memory_space<hbm>> -> memref<1x4096xf32, #tpu.memory_space<hbm>>
    %dma_wait3A_361 = tpu.memref_squeeze %dma_wait3A_360 : memref<1x4096xf32, #tpu.memory_space<hbm>> -> memref<4096xf32, #tpu.memory_space<hbm>>
    %dma_wait3A_362 = arith.constant 4096 : i32
    %dma_wait3A_363 = tpu.memref_slice %arg4[%add3A_249, %dma_wait3A_362] : memref<300x16384xf32, #tpu.memory_space<hbm>> -> memref<1x4096xf32, #tpu.memory_space<hbm>>
    %dma_wait3A_364 = tpu.memref_squeeze %dma_wait3A_363 : memref<1x4096xf32, #tpu.memory_space<hbm>> -> memref<4096xf32, #tpu.memory_space<hbm>>
    %dma_wait3A_365 = arith.constant 0 : i32
    %dma_wait3A_366 = tpu.memref_slice %arg7[%dma_wait3A_355, %dma_wait3A_365] : memref<2x4096xf32, #tpu.memory_space<vmem>> -> memref<1x4096xf32, #tpu.memory_space<vmem>>
    %dma_wait3A_367 = tpu.memref_squeeze %dma_wait3A_366 : memref<1x4096xf32, #tpu.memory_space<vmem>> -> memref<4096xf32, #tpu.memory_space<vmem>>
    tpu.wait_dma2 semaphore(%arg9 : memref<!tpu.dma_semaphore, #tpu.memory_space<semaphore_mem>>) src(%dma_wait3A_367 : memref<4096xf32, #tpu.memory_space<vmem>>) dst(%dma_wait3A_364 : memref<4096xf32, #tpu.memory_space<hbm>>)
    %scan3A_368 = arith.constant 0 : i32
    %scan3A_369 = arith.constant 256 : i32
    %scan3A_370 = arith.addi %scan3A_368, %scan3A_369 : i32
    %scan3A_371 = arith.constant 1 : i32
    scf.for %scan3A_1242 = %scan3A_368 to %scan3A_370 step %scan3A_371  : i32 {
      %mul3A_1243 = arith.constant 16 : i32
      %mul3A_1244 = arith.muli %scan3A_1242, %mul3A_1243 : i32
      %add3A_1245 = arith.constant 12288 : i32
      %add3A_1246 = arith.addi %add3A_1245, %mul3A_1244 : i32
      %get3A = arith.index_cast %add3A_1246 : i32 to index
      %get3A_1247 = tpu.vector_load %arg5[%get3A] {strides = array<i32>} : memref<16384xi32, #tpu.memory_space<vmem>>, vector<16xi32>,
      %gather3A = tpu.vector_load_idx %arg6[%get3A_1247] : memref<100000xf32, #tpu.memory_space<vmem>>[vector<16xi32>], vector<16xf32>,
      %mul3A_1248 = arith.constant 16 : i32
      %mul3A_1249 = arith.muli %scan3A_1242, %mul3A_1248 : i32
      %swap3A = arith.constant 1 : i32
      %swap3A_1250 = arith.index_cast %swap3A : i32 to index
      %swap3A_1251 = arith.index_cast %mul3A_1249 : i32 to index
      %swap3A_1252 = tpu.vector_load %arg7[%swap3A_1250, %swap3A_1251] {strides = array<i32>} : memref<2x4096xf32, #tpu.memory_space<vmem>>, vector<16xf32>,
      tpu.vector_store %arg7[%swap3A_1250, %swap3A_1251], %gather3A {strides = array<i32>} : memref<2x4096xf32, #tpu.memory_space<vmem>>, vector<16xf32>,
    }
    %scan3A_372 = arith.constant 256 : i32
    %dma_start3A_373 = arith.constant 1 : i32
    %dma_start3A_374 = arith.constant 0 : i32
    %dma_start3A_375 = tpu.memref_slice %arg7[%dma_start3A_373, %dma_start3A_374] : memref<2x4096xf32, #tpu.memory_space<vmem>> -> memref<1x4096xf32, #tpu.memory_space<vmem>>
    %dma_start3A_376 = tpu.memref_squeeze %dma_start3A_375 : memref<1x4096xf32, #tpu.memory_space<vmem>> -> memref<4096xf32, #tpu.memory_space<vmem>>
    %dma_start3A_377 = arith.constant 12288 : i32
    %dma_start3A_378 = tpu.memref_slice %arg4[%add3A_249, %dma_start3A_377] : memref<300x16384xf32, #tpu.memory_space<hbm>> -> memref<1x4096xf32, #tpu.memory_space<hbm>>
    %dma_start3A_379 = tpu.memref_squeeze %dma_start3A_378 : memref<1x4096xf32, #tpu.memory_space<hbm>> -> memref<4096xf32, #tpu.memory_space<hbm>>
    %dma_start3A_380 = arith.constant 12288 : i32
    %dma_start3A_381 = tpu.memref_slice %arg4[%add3A_249, %dma_start3A_380] : memref<300x16384xf32, #tpu.memory_space<hbm>> -> memref<1x4096xf32, #tpu.memory_space<hbm>>
    %dma_start3A_382 = tpu.memref_squeeze %dma_start3A_381 : memref<1x4096xf32, #tpu.memory_space<hbm>> -> memref<4096xf32, #tpu.memory_space<hbm>>
    %dma_start3A_383 = arith.constant 0 : i32
    %dma_start3A_384 = tpu.memref_slice %arg7[%dma_start3A_373, %dma_start3A_383] : memref<2x4096xf32, #tpu.memory_space<vmem>> -> memref<1x4096xf32, #tpu.memory_space<vmem>>
    %dma_start3A_385 = tpu.memref_squeeze %dma_start3A_384 : memref<1x4096xf32, #tpu.memory_space<vmem>> -> memref<4096xf32, #tpu.memory_space<vmem>>
    tpu.enqueue_dma source(%dma_start3A_385 : memref<4096xf32, #tpu.memory_space<vmem>>) target(%dma_start3A_382 : memref<4096xf32, #tpu.memory_space<hbm>>) target_semaphore(%arg9 : memref<!tpu.dma_semaphore, #tpu.memory_space<semaphore_mem>>)
    %add3A_386 = arith.constant 96 : i32
    %add3A_387 = arith.addi %add3A, %add3A_386 : i32
    %dma_start3A_388 = arith.constant 0 : i32
    %dma_start3A_389 = tpu.memref_slice %arg2[%add3A_387, %dma_start3A_388] : memref<300x100000xf32, #tpu.memory_space<hbm>> -> memref<1x100000xf32, #tpu.memory_space<hbm>>
    %dma_start3A_390 = tpu.memref_squeeze %dma_start3A_389 : memref<1x100000xf32, #tpu.memory_space<hbm>> -> memref<100000xf32, #tpu.memory_space<hbm>>
    %dma_start3A_391 = arith.constant 0 : i32
    %dma_start3A_392 = tpu.memref_slice %arg2[%add3A_387, %dma_start3A_391] : memref<300x100000xf32, #tpu.memory_space<hbm>> -> memref<1x100000xf32, #tpu.memory_space<hbm>>
    %dma_start3A_393 = tpu.memref_squeeze %dma_start3A_392 : memref<1x100000xf32, #tpu.memory_space<hbm>> -> memref<100000xf32, #tpu.memory_space<hbm>>
    tpu.enqueue_dma source(%dma_start3A_393 : memref<100000xf32, #tpu.memory_space<hbm>>) target(%arg6 : memref<100000xf32, #tpu.memory_space<vmem>>) target_semaphore(%arg8 : memref<!tpu.dma_semaphore, #tpu.memory_space<semaphore_mem>>)
    %dma_wait3A_394 = arith.constant 0 : i32
    %dma_wait3A_395 = arith.constant 0 : i32
    %dma_wait3A_396 = tpu.memref_slice %arg7[%dma_wait3A_394, %dma_wait3A_395] : memref<2x4096xf32, #tpu.memory_space<vmem>> -> memref<1x4096xf32, #tpu.memory_space<vmem>>
    %dma_wait3A_397 = tpu.memref_squeeze %dma_wait3A_396 : memref<1x4096xf32, #tpu.memory_space<vmem>> -> memref<4096xf32, #tpu.memory_space<vmem>>
    %dma_wait3A_398 = arith.constant 8192 : i32
    %dma_wait3A_399 = tpu.memref_slice %arg4[%add3A_249, %dma_wait3A_398] : memref<300x16384xf32, #tpu.memory_space<hbm>> -> memref<1x4096xf32, #tpu.memory_space<hbm>>
    %dma_wait3A_400 = tpu.memref_squeeze %dma_wait3A_399 : memref<1x4096xf32, #tpu.memory_space<hbm>> -> memref<4096xf32, #tpu.memory_space<hbm>>
    %dma_wait3A_401 = arith.constant 8192 : i32
    %dma_wait3A_402 = tpu.memref_slice %arg4[%add3A_249, %dma_wait3A_401] : memref<300x16384xf32, #tpu.memory_space<hbm>> -> memref<1x4096xf32, #tpu.memory_space<hbm>>
    %dma_wait3A_403 = tpu.memref_squeeze %dma_wait3A_402 : memref<1x4096xf32, #tpu.memory_space<hbm>> -> memref<4096xf32, #tpu.memory_space<hbm>>
    %dma_wait3A_404 = arith.constant 0 : i32
    %dma_wait3A_405 = tpu.memref_slice %arg7[%dma_wait3A_394, %dma_wait3A_404] : memref<2x4096xf32, #tpu.memory_space<vmem>> -> memref<1x4096xf32, #tpu.memory_space<vmem>>
    %dma_wait3A_406 = tpu.memref_squeeze %dma_wait3A_405 : memref<1x4096xf32, #tpu.memory_space<vmem>> -> memref<4096xf32, #tpu.memory_space<vmem>>
    tpu.wait_dma2 semaphore(%arg9 : memref<!tpu.dma_semaphore, #tpu.memory_space<semaphore_mem>>) src(%dma_wait3A_406 : memref<4096xf32, #tpu.memory_space<vmem>>) dst(%dma_wait3A_403 : memref<4096xf32, #tpu.memory_space<hbm>>)
    %dma_wait3A_407 = arith.constant 1 : i32
    %dma_wait3A_408 = arith.constant 0 : i32
    %dma_wait3A_409 = tpu.memref_slice %arg7[%dma_wait3A_407, %dma_wait3A_408] : memref<2x4096xf32, #tpu.memory_space<vmem>> -> memref<1x4096xf32, #tpu.memory_space<vmem>>
    %dma_wait3A_410 = tpu.memref_squeeze %dma_wait3A_409 : memref<1x4096xf32, #tpu.memory_space<vmem>> -> memref<4096xf32, #tpu.memory_space<vmem>>
    %dma_wait3A_411 = arith.constant 12288 : i32
    %dma_wait3A_412 = tpu.memref_slice %arg4[%add3A_249, %dma_wait3A_411] : memref<300x16384xf32, #tpu.memory_space<hbm>> -> memref<1x4096xf32, #tpu.memory_space<hbm>>
    %dma_wait3A_413 = tpu.memref_squeeze %dma_wait3A_412 : memref<1x4096xf32, #tpu.memory_space<hbm>> -> memref<4096xf32, #tpu.memory_space<hbm>>
    %dma_wait3A_414 = arith.constant 12288 : i32
    %dma_wait3A_415 = tpu.memref_slice %arg4[%add3A_249, %dma_wait3A_414] : memref<300x16384xf32, #tpu.memory_space<hbm>> -> memref<1x4096xf32, #tpu.memory_space<hbm>>
    %dma_wait3A_416 = tpu.memref_squeeze %dma_wait3A_415 : memref<1x4096xf32, #tpu.memory_space<hbm>> -> memref<4096xf32, #tpu.memory_space<hbm>>
    %dma_wait3A_417 = arith.constant 0 : i32
    %dma_wait3A_418 = tpu.memref_slice %arg7[%dma_wait3A_407, %dma_wait3A_417] : memref<2x4096xf32, #tpu.memory_space<vmem>> -> memref<1x4096xf32, #tpu.memory_space<vmem>>
    %dma_wait3A_419 = tpu.memref_squeeze %dma_wait3A_418 : memref<1x4096xf32, #tpu.memory_space<vmem>> -> memref<4096xf32, #tpu.memory_space<vmem>>
    tpu.wait_dma2 semaphore(%arg9 : memref<!tpu.dma_semaphore, #tpu.memory_space<semaphore_mem>>) src(%dma_wait3A_419 : memref<4096xf32, #tpu.memory_space<vmem>>) dst(%dma_wait3A_416 : memref<4096xf32, #tpu.memory_space<hbm>>)
    %dma_wait3A_420 = arith.constant 0 : i32
    %dma_wait3A_421 = tpu.memref_slice %arg2[%add3A_387, %dma_wait3A_420] : memref<300x100000xf32, #tpu.memory_space<hbm>> -> memref<1x100000xf32, #tpu.memory_space<hbm>>
    %dma_wait3A_422 = tpu.memref_squeeze %dma_wait3A_421 : memref<1x100000xf32, #tpu.memory_space<hbm>> -> memref<100000xf32, #tpu.memory_space<hbm>>
    %dma_wait3A_423 = arith.constant 0 : i32
    %dma_wait3A_424 = tpu.memref_slice %arg2[%add3A_387, %dma_wait3A_423] : memref<300x100000xf32, #tpu.memory_space<hbm>> -> memref<1x100000xf32, #tpu.memory_space<hbm>>
    %dma_wait3A_425 = tpu.memref_squeeze %dma_wait3A_424 : memref<1x100000xf32, #tpu.memory_space<hbm>> -> memref<100000xf32, #tpu.memory_space<hbm>>
    tpu.wait_dma2 semaphore(%arg8 : memref<!tpu.dma_semaphore, #tpu.memory_space<semaphore_mem>>) src(%dma_wait3A_425 : memref<100000xf32, #tpu.memory_space<hbm>>) dst(%arg6 : memref<100000xf32, #tpu.memory_space<vmem>>)
    %scan3A_426 = arith.constant 0 : i32
    %scan3A_427 = arith.constant 256 : i32
    %scan3A_428 = arith.addi %scan3A_426, %scan3A_427 : i32
    %scan3A_429 = arith.constant 1 : i32
    scf.for %scan3A_1242 = %scan3A_426 to %scan3A_428 step %scan3A_429  : i32 {
      %mul3A_1243 = arith.constant 16 : i32
      %mul3A_1244 = arith.muli %scan3A_1242, %mul3A_1243 : i32
      %add3A_1245 = arith.constant 0 : i32
      %add3A_1246 = arith.addi %add3A_1245, %mul3A_1244 : i32
      %get3A = arith.index_cast %add3A_1246 : i32 to index
      %get3A_1247 = tpu.vector_load %arg5[%get3A] {strides = array<i32>} : memref<16384xi32, #tpu.memory_space<vmem>>, vector<16xi32>,
      %gather3A = tpu.vector_load_idx %arg6[%get3A_1247] : memref<100000xf32, #tpu.memory_space<vmem>>[vector<16xi32>], vector<16xf32>,
      %mul3A_1248 = arith.constant 16 : i32
      %mul3A_1249 = arith.muli %scan3A_1242, %mul3A_1248 : i32
      %swap3A = arith.constant 0 : i32
      %swap3A_1250 = arith.index_cast %swap3A : i32 to index
      %swap3A_1251 = arith.index_cast %mul3A_1249 : i32 to index
      %swap3A_1252 = tpu.vector_load %arg7[%swap3A_1250, %swap3A_1251] {strides = array<i32>} : memref<2x4096xf32, #tpu.memory_space<vmem>>, vector<16xf32>,
      tpu.vector_store %arg7[%swap3A_1250, %swap3A_1251], %gather3A {strides = array<i32>} : memref<2x4096xf32, #tpu.memory_space<vmem>>, vector<16xf32>,
    }
    %scan3A_430 = arith.constant 256 : i32
    %dma_start3A_431 = arith.constant 0 : i32
    %dma_start3A_432 = arith.constant 0 : i32
    %dma_start3A_433 = tpu.memref_slice %arg7[%dma_start3A_431, %dma_start3A_432] : memref<2x4096xf32, #tpu.memory_space<vmem>> -> memref<1x4096xf32, #tpu.memory_space<vmem>>
    %dma_start3A_434 = tpu.memref_squeeze %dma_start3A_433 : memref<1x4096xf32, #tpu.memory_space<vmem>> -> memref<4096xf32, #tpu.memory_space<vmem>>
    %dma_start3A_435 = arith.constant 0 : i32
    %dma_start3A_436 = tpu.memref_slice %arg4[%add3A_387, %dma_start3A_435] : memref<300x16384xf32, #tpu.memory_space<hbm>> -> memref<1x4096xf32, #tpu.memory_space<hbm>>
    %dma_start3A_437 = tpu.memref_squeeze %dma_start3A_436 : memref<1x4096xf32, #tpu.memory_space<hbm>> -> memref<4096xf32, #tpu.memory_space<hbm>>
    %dma_start3A_438 = arith.constant 0 : i32
    %dma_start3A_439 = tpu.memref_slice %arg4[%add3A_387, %dma_start3A_438] : memref<300x16384xf32, #tpu.memory_space<hbm>> -> memref<1x4096xf32, #tpu.memory_space<hbm>>
    %dma_start3A_440 = tpu.memref_squeeze %dma_start3A_439 : memref<1x4096xf32, #tpu.memory_space<hbm>> -> memref<4096xf32, #tpu.memory_space<hbm>>
    %dma_start3A_441 = arith.constant 0 : i32
    %dma_start3A_442 = tpu.memref_slice %arg7[%dma_start3A_431, %dma_start3A_441] : memref<2x4096xf32, #tpu.memory_space<vmem>> -> memref<1x4096xf32, #tpu.memory_space<vmem>>
    %dma_start3A_443 = tpu.memref_squeeze %dma_start3A_442 : memref<1x4096xf32, #tpu.memory_space<vmem>> -> memref<4096xf32, #tpu.memory_space<vmem>>
    tpu.enqueue_dma source(%dma_start3A_443 : memref<4096xf32, #tpu.memory_space<vmem>>) target(%dma_start3A_440 : memref<4096xf32, #tpu.memory_space<hbm>>) target_semaphore(%arg9 : memref<!tpu.dma_semaphore, #tpu.memory_space<semaphore_mem>>)
    %scan3A_444 = arith.constant 0 : i32
    %scan3A_445 = arith.constant 256 : i32
    %scan3A_446 = arith.addi %scan3A_444, %scan3A_445 : i32
    %scan3A_447 = arith.constant 1 : i32
    scf.for %scan3A_1242 = %scan3A_444 to %scan3A_446 step %scan3A_447  : i32 {
      %mul3A_1243 = arith.constant 16 : i32
      %mul3A_1244 = arith.muli %scan3A_1242, %mul3A_1243 : i32
      %add3A_1245 = arith.constant 4096 : i32
      %add3A_1246 = arith.addi %add3A_1245, %mul3A_1244 : i32
      %get3A = arith.index_cast %add3A_1246 : i32 to index
      %get3A_1247 = tpu.vector_load %arg5[%get3A] {strides = array<i32>} : memref<16384xi32, #tpu.memory_space<vmem>>, vector<16xi32>,
      %gather3A = tpu.vector_load_idx %arg6[%get3A_1247] : memref<100000xf32, #tpu.memory_space<vmem>>[vector<16xi32>], vector<16xf32>,
      %mul3A_1248 = arith.constant 16 : i32
      %mul3A_1249 = arith.muli %scan3A_1242, %mul3A_1248 : i32
      %swap3A = arith.constant 1 : i32
      %swap3A_1250 = arith.index_cast %swap3A : i32 to index
      %swap3A_1251 = arith.index_cast %mul3A_1249 : i32 to index
      %swap3A_1252 = tpu.vector_load %arg7[%swap3A_1250, %swap3A_1251] {strides = array<i32>} : memref<2x4096xf32, #tpu.memory_space<vmem>>, vector<16xf32>,
      tpu.vector_store %arg7[%swap3A_1250, %swap3A_1251], %gather3A {strides = array<i32>} : memref<2x4096xf32, #tpu.memory_space<vmem>>, vector<16xf32>,
    }
    %scan3A_448 = arith.constant 256 : i32
    %dma_start3A_449 = arith.constant 1 : i32
    %dma_start3A_450 = arith.constant 0 : i32
    %dma_start3A_451 = tpu.memref_slice %arg7[%dma_start3A_449, %dma_start3A_450] : memref<2x4096xf32, #tpu.memory_space<vmem>> -> memref<1x4096xf32, #tpu.memory_space<vmem>>
    %dma_start3A_452 = tpu.memref_squeeze %dma_start3A_451 : memref<1x4096xf32, #tpu.memory_space<vmem>> -> memref<4096xf32, #tpu.memory_space<vmem>>
    %dma_start3A_453 = arith.constant 4096 : i32
    %dma_start3A_454 = tpu.memref_slice %arg4[%add3A_387, %dma_start3A_453] : memref<300x16384xf32, #tpu.memory_space<hbm>> -> memref<1x4096xf32, #tpu.memory_space<hbm>>
    %dma_start3A_455 = tpu.memref_squeeze %dma_start3A_454 : memref<1x4096xf32, #tpu.memory_space<hbm>> -> memref<4096xf32, #tpu.memory_space<hbm>>
    %dma_start3A_456 = arith.constant 4096 : i32
    %dma_start3A_457 = tpu.memref_slice %arg4[%add3A_387, %dma_start3A_456] : memref<300x16384xf32, #tpu.memory_space<hbm>> -> memref<1x4096xf32, #tpu.memory_space<hbm>>
    %dma_start3A_458 = tpu.memref_squeeze %dma_start3A_457 : memref<1x4096xf32, #tpu.memory_space<hbm>> -> memref<4096xf32, #tpu.memory_space<hbm>>
    %dma_start3A_459 = arith.constant 0 : i32
    %dma_start3A_460 = tpu.memref_slice %arg7[%dma_start3A_449, %dma_start3A_459] : memref<2x4096xf32, #tpu.memory_space<vmem>> -> memref<1x4096xf32, #tpu.memory_space<vmem>>
    %dma_start3A_461 = tpu.memref_squeeze %dma_start3A_460 : memref<1x4096xf32, #tpu.memory_space<vmem>> -> memref<4096xf32, #tpu.memory_space<vmem>>
    tpu.enqueue_dma source(%dma_start3A_461 : memref<4096xf32, #tpu.memory_space<vmem>>) target(%dma_start3A_458 : memref<4096xf32, #tpu.memory_space<hbm>>) target_semaphore(%arg9 : memref<!tpu.dma_semaphore, #tpu.memory_space<semaphore_mem>>)
    %dma_wait3A_462 = arith.constant 0 : i32
    %dma_wait3A_463 = arith.constant 0 : i32
    %dma_wait3A_464 = tpu.memref_slice %arg7[%dma_wait3A_462, %dma_wait3A_463] : memref<2x4096xf32, #tpu.memory_space<vmem>> -> memref<1x4096xf32, #tpu.memory_space<vmem>>
    %dma_wait3A_465 = tpu.memref_squeeze %dma_wait3A_464 : memref<1x4096xf32, #tpu.memory_space<vmem>> -> memref<4096xf32, #tpu.memory_space<vmem>>
    %dma_wait3A_466 = arith.constant 0 : i32
    %dma_wait3A_467 = tpu.memref_slice %arg4[%add3A_387, %dma_wait3A_466] : memref<300x16384xf32, #tpu.memory_space<hbm>> -> memref<1x4096xf32, #tpu.memory_space<hbm>>
    %dma_wait3A_468 = tpu.memref_squeeze %dma_wait3A_467 : memref<1x4096xf32, #tpu.memory_space<hbm>> -> memref<4096xf32, #tpu.memory_space<hbm>>
    %dma_wait3A_469 = arith.constant 0 : i32
    %dma_wait3A_470 = tpu.memref_slice %arg4[%add3A_387, %dma_wait3A_469] : memref<300x16384xf32, #tpu.memory_space<hbm>> -> memref<1x4096xf32, #tpu.memory_space<hbm>>
    %dma_wait3A_471 = tpu.memref_squeeze %dma_wait3A_470 : memref<1x4096xf32, #tpu.memory_space<hbm>> -> memref<4096xf32, #tpu.memory_space<hbm>>
    %dma_wait3A_472 = arith.constant 0 : i32
    %dma_wait3A_473 = tpu.memref_slice %arg7[%dma_wait3A_462, %dma_wait3A_472] : memref<2x4096xf32, #tpu.memory_space<vmem>> -> memref<1x4096xf32, #tpu.memory_space<vmem>>
    %dma_wait3A_474 = tpu.memref_squeeze %dma_wait3A_473 : memref<1x4096xf32, #tpu.memory_space<vmem>> -> memref<4096xf32, #tpu.memory_space<vmem>>
    tpu.wait_dma2 semaphore(%arg9 : memref<!tpu.dma_semaphore, #tpu.memory_space<semaphore_mem>>) src(%dma_wait3A_474 : memref<4096xf32, #tpu.memory_space<vmem>>) dst(%dma_wait3A_471 : memref<4096xf32, #tpu.memory_space<hbm>>)
    %scan3A_475 = arith.constant 0 : i32
    %scan3A_476 = arith.constant 256 : i32
    %scan3A_477 = arith.addi %scan3A_475, %scan3A_476 : i32
    %scan3A_478 = arith.constant 1 : i32
    scf.for %scan3A_1242 = %scan3A_475 to %scan3A_477 step %scan3A_478  : i32 {
      %mul3A_1243 = arith.constant 16 : i32
      %mul3A_1244 = arith.muli %scan3A_1242, %mul3A_1243 : i32
      %add3A_1245 = arith.constant 8192 : i32
      %add3A_1246 = arith.addi %add3A_1245, %mul3A_1244 : i32
      %get3A = arith.index_cast %add3A_1246 : i32 to index
      %get3A_1247 = tpu.vector_load %arg5[%get3A] {strides = array<i32>} : memref<16384xi32, #tpu.memory_space<vmem>>, vector<16xi32>,
      %gather3A = tpu.vector_load_idx %arg6[%get3A_1247] : memref<100000xf32, #tpu.memory_space<vmem>>[vector<16xi32>], vector<16xf32>,
      %mul3A_1248 = arith.constant 16 : i32
      %mul3A_1249 = arith.muli %scan3A_1242, %mul3A_1248 : i32
      %swap3A = arith.constant 0 : i32
      %swap3A_1250 = arith.index_cast %swap3A : i32 to index
      %swap3A_1251 = arith.index_cast %mul3A_1249 : i32 to index
      %swap3A_1252 = tpu.vector_load %arg7[%swap3A_1250, %swap3A_1251] {strides = array<i32>} : memref<2x4096xf32, #tpu.memory_space<vmem>>, vector<16xf32>,
      tpu.vector_store %arg7[%swap3A_1250, %swap3A_1251], %gather3A {strides = array<i32>} : memref<2x4096xf32, #tpu.memory_space<vmem>>, vector<16xf32>,
    }
    %scan3A_479 = arith.constant 256 : i32
    %dma_start3A_480 = arith.constant 0 : i32
    %dma_start3A_481 = arith.constant 0 : i32
    %dma_start3A_482 = tpu.memref_slice %arg7[%dma_start3A_480, %dma_start3A_481] : memref<2x4096xf32, #tpu.memory_space<vmem>> -> memref<1x4096xf32, #tpu.memory_space<vmem>>
    %dma_start3A_483 = tpu.memref_squeeze %dma_start3A_482 : memref<1x4096xf32, #tpu.memory_space<vmem>> -> memref<4096xf32, #tpu.memory_space<vmem>>
    %dma_start3A_484 = arith.constant 8192 : i32
    %dma_start3A_485 = tpu.memref_slice %arg4[%add3A_387, %dma_start3A_484] : memref<300x16384xf32, #tpu.memory_space<hbm>> -> memref<1x4096xf32, #tpu.memory_space<hbm>>
    %dma_start3A_486 = tpu.memref_squeeze %dma_start3A_485 : memref<1x4096xf32, #tpu.memory_space<hbm>> -> memref<4096xf32, #tpu.memory_space<hbm>>
    %dma_start3A_487 = arith.constant 8192 : i32
    %dma_start3A_488 = tpu.memref_slice %arg4[%add3A_387, %dma_start3A_487] : memref<300x16384xf32, #tpu.memory_space<hbm>> -> memref<1x4096xf32, #tpu.memory_space<hbm>>
    %dma_start3A_489 = tpu.memref_squeeze %dma_start3A_488 : memref<1x4096xf32, #tpu.memory_space<hbm>> -> memref<4096xf32, #tpu.memory_space<hbm>>
    %dma_start3A_490 = arith.constant 0 : i32
    %dma_start3A_491 = tpu.memref_slice %arg7[%dma_start3A_480, %dma_start3A_490] : memref<2x4096xf32, #tpu.memory_space<vmem>> -> memref<1x4096xf32, #tpu.memory_space<vmem>>
    %dma_start3A_492 = tpu.memref_squeeze %dma_start3A_491 : memref<1x4096xf32, #tpu.memory_space<vmem>> -> memref<4096xf32, #tpu.memory_space<vmem>>
    tpu.enqueue_dma source(%dma_start3A_492 : memref<4096xf32, #tpu.memory_space<vmem>>) target(%dma_start3A_489 : memref<4096xf32, #tpu.memory_space<hbm>>) target_semaphore(%arg9 : memref<!tpu.dma_semaphore, #tpu.memory_space<semaphore_mem>>)
    %dma_wait3A_493 = arith.constant 1 : i32
    %dma_wait3A_494 = arith.constant 0 : i32
    %dma_wait3A_495 = tpu.memref_slice %arg7[%dma_wait3A_493, %dma_wait3A_494] : memref<2x4096xf32, #tpu.memory_space<vmem>> -> memref<1x4096xf32, #tpu.memory_space<vmem>>
    %dma_wait3A_496 = tpu.memref_squeeze %dma_wait3A_495 : memref<1x4096xf32, #tpu.memory_space<vmem>> -> memref<4096xf32, #tpu.memory_space<vmem>>
    %dma_wait3A_497 = arith.constant 4096 : i32
    %dma_wait3A_498 = tpu.memref_slice %arg4[%add3A_387, %dma_wait3A_497] : memref<300x16384xf32, #tpu.memory_space<hbm>> -> memref<1x4096xf32, #tpu.memory_space<hbm>>
    %dma_wait3A_499 = tpu.memref_squeeze %dma_wait3A_498 : memref<1x4096xf32, #tpu.memory_space<hbm>> -> memref<4096xf32, #tpu.memory_space<hbm>>
    %dma_wait3A_500 = arith.constant 4096 : i32
    %dma_wait3A_501 = tpu.memref_slice %arg4[%add3A_387, %dma_wait3A_500] : memref<300x16384xf32, #tpu.memory_space<hbm>> -> memref<1x4096xf32, #tpu.memory_space<hbm>>
    %dma_wait3A_502 = tpu.memref_squeeze %dma_wait3A_501 : memref<1x4096xf32, #tpu.memory_space<hbm>> -> memref<4096xf32, #tpu.memory_space<hbm>>
    %dma_wait3A_503 = arith.constant 0 : i32
    %dma_wait3A_504 = tpu.memref_slice %arg7[%dma_wait3A_493, %dma_wait3A_503] : memref<2x4096xf32, #tpu.memory_space<vmem>> -> memref<1x4096xf32, #tpu.memory_space<vmem>>
    %dma_wait3A_505 = tpu.memref_squeeze %dma_wait3A_504 : memref<1x4096xf32, #tpu.memory_space<vmem>> -> memref<4096xf32, #tpu.memory_space<vmem>>
    tpu.wait_dma2 semaphore(%arg9 : memref<!tpu.dma_semaphore, #tpu.memory_space<semaphore_mem>>) src(%dma_wait3A_505 : memref<4096xf32, #tpu.memory_space<vmem>>) dst(%dma_wait3A_502 : memref<4096xf32, #tpu.memory_space<hbm>>)
    %scan3A_506 = arith.constant 0 : i32
    %scan3A_507 = arith.constant 256 : i32
    %scan3A_508 = arith.addi %scan3A_506, %scan3A_507 : i32
    %scan3A_509 = arith.constant 1 : i32
    scf.for %scan3A_1242 = %scan3A_506 to %scan3A_508 step %scan3A_509  : i32 {
      %mul3A_1243 = arith.constant 16 : i32
      %mul3A_1244 = arith.muli %scan3A_1242, %mul3A_1243 : i32
      %add3A_1245 = arith.constant 12288 : i32
      %add3A_1246 = arith.addi %add3A_1245, %mul3A_1244 : i32
      %get3A = arith.index_cast %add3A_1246 : i32 to index
      %get3A_1247 = tpu.vector_load %arg5[%get3A] {strides = array<i32>} : memref<16384xi32, #tpu.memory_space<vmem>>, vector<16xi32>,
      %gather3A = tpu.vector_load_idx %arg6[%get3A_1247] : memref<100000xf32, #tpu.memory_space<vmem>>[vector<16xi32>], vector<16xf32>,
      %mul3A_1248 = arith.constant 16 : i32
      %mul3A_1249 = arith.muli %scan3A_1242, %mul3A_1248 : i32
      %swap3A = arith.constant 1 : i32
      %swap3A_1250 = arith.index_cast %swap3A : i32 to index
      %swap3A_1251 = arith.index_cast %mul3A_1249 : i32 to index
      %swap3A_1252 = tpu.vector_load %arg7[%swap3A_1250, %swap3A_1251] {strides = array<i32>} : memref<2x4096xf32, #tpu.memory_space<vmem>>, vector<16xf32>,
      tpu.vector_store %arg7[%swap3A_1250, %swap3A_1251], %gather3A {strides = array<i32>} : memref<2x4096xf32, #tpu.memory_space<vmem>>, vector<16xf32>,
    }
    %scan3A_510 = arith.constant 256 : i32
    %dma_start3A_511 = arith.constant 1 : i32
    %dma_start3A_512 = arith.constant 0 : i32
    %dma_start3A_513 = tpu.memref_slice %arg7[%dma_start3A_511, %dma_start3A_512] : memref<2x4096xf32, #tpu.memory_space<vmem>> -> memref<1x4096xf32, #tpu.memory_space<vmem>>
    %dma_start3A_514 = tpu.memref_squeeze %dma_start3A_513 : memref<1x4096xf32, #tpu.memory_space<vmem>> -> memref<4096xf32, #tpu.memory_space<vmem>>
    %dma_start3A_515 = arith.constant 12288 : i32
    %dma_start3A_516 = tpu.memref_slice %arg4[%add3A_387, %dma_start3A_515] : memref<300x16384xf32, #tpu.memory_space<hbm>> -> memref<1x4096xf32, #tpu.memory_space<hbm>>
    %dma_start3A_517 = tpu.memref_squeeze %dma_start3A_516 : memref<1x4096xf32, #tpu.memory_space<hbm>> -> memref<4096xf32, #tpu.memory_space<hbm>>
    %dma_start3A_518 = arith.constant 12288 : i32
    %dma_start3A_519 = tpu.memref_slice %arg4[%add3A_387, %dma_start3A_518] : memref<300x16384xf32, #tpu.memory_space<hbm>> -> memref<1x4096xf32, #tpu.memory_space<hbm>>
    %dma_start3A_520 = tpu.memref_squeeze %dma_start3A_519 : memref<1x4096xf32, #tpu.memory_space<hbm>> -> memref<4096xf32, #tpu.memory_space<hbm>>
    %dma_start3A_521 = arith.constant 0 : i32
    %dma_start3A_522 = tpu.memref_slice %arg7[%dma_start3A_511, %dma_start3A_521] : memref<2x4096xf32, #tpu.memory_space<vmem>> -> memref<1x4096xf32, #tpu.memory_space<vmem>>
    %dma_start3A_523 = tpu.memref_squeeze %dma_start3A_522 : memref<1x4096xf32, #tpu.memory_space<vmem>> -> memref<4096xf32, #tpu.memory_space<vmem>>
    tpu.enqueue_dma source(%dma_start3A_523 : memref<4096xf32, #tpu.memory_space<vmem>>) target(%dma_start3A_520 : memref<4096xf32, #tpu.memory_space<hbm>>) target_semaphore(%arg9 : memref<!tpu.dma_semaphore, #tpu.memory_space<semaphore_mem>>)
    %add3A_524 = arith.constant 128 : i32
    %add3A_525 = arith.addi %add3A, %add3A_524 : i32
    %dma_start3A_526 = arith.constant 0 : i32
    %dma_start3A_527 = tpu.memref_slice %arg2[%add3A_525, %dma_start3A_526] : memref<300x100000xf32, #tpu.memory_space<hbm>> -> memref<1x100000xf32, #tpu.memory_space<hbm>>
    %dma_start3A_528 = tpu.memref_squeeze %dma_start3A_527 : memref<1x100000xf32, #tpu.memory_space<hbm>> -> memref<100000xf32, #tpu.memory_space<hbm>>
    %dma_start3A_529 = arith.constant 0 : i32
    %dma_start3A_530 = tpu.memref_slice %arg2[%add3A_525, %dma_start3A_529] : memref<300x100000xf32, #tpu.memory_space<hbm>> -> memref<1x100000xf32, #tpu.memory_space<hbm>>
    %dma_start3A_531 = tpu.memref_squeeze %dma_start3A_530 : memref<1x100000xf32, #tpu.memory_space<hbm>> -> memref<100000xf32, #tpu.memory_space<hbm>>
    tpu.enqueue_dma source(%dma_start3A_531 : memref<100000xf32, #tpu.memory_space<hbm>>) target(%arg6 : memref<100000xf32, #tpu.memory_space<vmem>>) target_semaphore(%arg8 : memref<!tpu.dma_semaphore, #tpu.memory_space<semaphore_mem>>)
    %dma_wait3A_532 = arith.constant 0 : i32
    %dma_wait3A_533 = arith.constant 0 : i32
    %dma_wait3A_534 = tpu.memref_slice %arg7[%dma_wait3A_532, %dma_wait3A_533] : memref<2x4096xf32, #tpu.memory_space<vmem>> -> memref<1x4096xf32, #tpu.memory_space<vmem>>
    %dma_wait3A_535 = tpu.memref_squeeze %dma_wait3A_534 : memref<1x4096xf32, #tpu.memory_space<vmem>> -> memref<4096xf32, #tpu.memory_space<vmem>>
    %dma_wait3A_536 = arith.constant 8192 : i32
    %dma_wait3A_537 = tpu.memref_slice %arg4[%add3A_387, %dma_wait3A_536] : memref<300x16384xf32, #tpu.memory_space<hbm>> -> memref<1x4096xf32, #tpu.memory_space<hbm>>
    %dma_wait3A_538 = tpu.memref_squeeze %dma_wait3A_537 : memref<1x4096xf32, #tpu.memory_space<hbm>> -> memref<4096xf32, #tpu.memory_space<hbm>>
    %dma_wait3A_539 = arith.constant 8192 : i32
    %dma_wait3A_540 = tpu.memref_slice %arg4[%add3A_387, %dma_wait3A_539] : memref<300x16384xf32, #tpu.memory_space<hbm>> -> memref<1x4096xf32, #tpu.memory_space<hbm>>
    %dma_wait3A_541 = tpu.memref_squeeze %dma_wait3A_540 : memref<1x4096xf32, #tpu.memory_space<hbm>> -> memref<4096xf32, #tpu.memory_space<hbm>>
    %dma_wait3A_542 = arith.constant 0 : i32
    %dma_wait3A_543 = tpu.memref_slice %arg7[%dma_wait3A_532, %dma_wait3A_542] : memref<2x4096xf32, #tpu.memory_space<vmem>> -> memref<1x4096xf32, #tpu.memory_space<vmem>>
    %dma_wait3A_544 = tpu.memref_squeeze %dma_wait3A_543 : memref<1x4096xf32, #tpu.memory_space<vmem>> -> memref<4096xf32, #tpu.memory_space<vmem>>
    tpu.wait_dma2 semaphore(%arg9 : memref<!tpu.dma_semaphore, #tpu.memory_space<semaphore_mem>>) src(%dma_wait3A_544 : memref<4096xf32, #tpu.memory_space<vmem>>) dst(%dma_wait3A_541 : memref<4096xf32, #tpu.memory_space<hbm>>)
    %dma_wait3A_545 = arith.constant 1 : i32
    %dma_wait3A_546 = arith.constant 0 : i32
    %dma_wait3A_547 = tpu.memref_slice %arg7[%dma_wait3A_545, %dma_wait3A_546] : memref<2x4096xf32, #tpu.memory_space<vmem>> -> memref<1x4096xf32, #tpu.memory_space<vmem>>
    %dma_wait3A_548 = tpu.memref_squeeze %dma_wait3A_547 : memref<1x4096xf32, #tpu.memory_space<vmem>> -> memref<4096xf32, #tpu.memory_space<vmem>>
    %dma_wait3A_549 = arith.constant 12288 : i32
    %dma_wait3A_550 = tpu.memref_slice %arg4[%add3A_387, %dma_wait3A_549] : memref<300x16384xf32, #tpu.memory_space<hbm>> -> memref<1x4096xf32, #tpu.memory_space<hbm>>
    %dma_wait3A_551 = tpu.memref_squeeze %dma_wait3A_550 : memref<1x4096xf32, #tpu.memory_space<hbm>> -> memref<4096xf32, #tpu.memory_space<hbm>>
    %dma_wait3A_552 = arith.constant 12288 : i32
    %dma_wait3A_553 = tpu.memref_slice %arg4[%add3A_387, %dma_wait3A_552] : memref<300x16384xf32, #tpu.memory_space<hbm>> -> memref<1x4096xf32, #tpu.memory_space<hbm>>
    %dma_wait3A_554 = tpu.memref_squeeze %dma_wait3A_553 : memref<1x4096xf32, #tpu.memory_space<hbm>> -> memref<4096xf32, #tpu.memory_space<hbm>>
    %dma_wait3A_555 = arith.constant 0 : i32
    %dma_wait3A_556 = tpu.memref_slice %arg7[%dma_wait3A_545, %dma_wait3A_555] : memref<2x4096xf32, #tpu.memory_space<vmem>> -> memref<1x4096xf32, #tpu.memory_space<vmem>>
    %dma_wait3A_557 = tpu.memref_squeeze %dma_wait3A_556 : memref<1x4096xf32, #tpu.memory_space<vmem>> -> memref<4096xf32, #tpu.memory_space<vmem>>
    tpu.wait_dma2 semaphore(%arg9 : memref<!tpu.dma_semaphore, #tpu.memory_space<semaphore_mem>>) src(%dma_wait3A_557 : memref<4096xf32, #tpu.memory_space<vmem>>) dst(%dma_wait3A_554 : memref<4096xf32, #tpu.memory_space<hbm>>)
    %dma_wait3A_558 = arith.constant 0 : i32
    %dma_wait3A_559 = tpu.memref_slice %arg2[%add3A_525, %dma_wait3A_558] : memref<300x100000xf32, #tpu.memory_space<hbm>> -> memref<1x100000xf32, #tpu.memory_space<hbm>>
    %dma_wait3A_560 = tpu.memref_squeeze %dma_wait3A_559 : memref<1x100000xf32, #tpu.memory_space<hbm>> -> memref<100000xf32, #tpu.memory_space<hbm>>
    %dma_wait3A_561 = arith.constant 0 : i32
    %dma_wait3A_562 = tpu.memref_slice %arg2[%add3A_525, %dma_wait3A_561] : memref<300x100000xf32, #tpu.memory_space<hbm>> -> memref<1x100000xf32, #tpu.memory_space<hbm>>
    %dma_wait3A_563 = tpu.memref_squeeze %dma_wait3A_562 : memref<1x100000xf32, #tpu.memory_space<hbm>> -> memref<100000xf32, #tpu.memory_space<hbm>>
    tpu.wait_dma2 semaphore(%arg8 : memref<!tpu.dma_semaphore, #tpu.memory_space<semaphore_mem>>) src(%dma_wait3A_563 : memref<100000xf32, #tpu.memory_space<hbm>>) dst(%arg6 : memref<100000xf32, #tpu.memory_space<vmem>>)
    %scan3A_564 = arith.constant 0 : i32
    %scan3A_565 = arith.constant 256 : i32
    %scan3A_566 = arith.addi %scan3A_564, %scan3A_565 : i32
    %scan3A_567 = arith.constant 1 : i32
    scf.for %scan3A_1242 = %scan3A_564 to %scan3A_566 step %scan3A_567  : i32 {
      %mul3A_1243 = arith.constant 16 : i32
      %mul3A_1244 = arith.muli %scan3A_1242, %mul3A_1243 : i32
      %add3A_1245 = arith.constant 0 : i32
      %add3A_1246 = arith.addi %add3A_1245, %mul3A_1244 : i32
      %get3A = arith.index_cast %add3A_1246 : i32 to index
      %get3A_1247 = tpu.vector_load %arg5[%get3A] {strides = array<i32>} : memref<16384xi32, #tpu.memory_space<vmem>>, vector<16xi32>,
      %gather3A = tpu.vector_load_idx %arg6[%get3A_1247] : memref<100000xf32, #tpu.memory_space<vmem>>[vector<16xi32>], vector<16xf32>,
      %mul3A_1248 = arith.constant 16 : i32
      %mul3A_1249 = arith.muli %scan3A_1242, %mul3A_1248 : i32
      %swap3A = arith.constant 0 : i32
      %swap3A_1250 = arith.index_cast %swap3A : i32 to index
      %swap3A_1251 = arith.index_cast %mul3A_1249 : i32 to index
      %swap3A_1252 = tpu.vector_load %arg7[%swap3A_1250, %swap3A_1251] {strides = array<i32>} : memref<2x4096xf32, #tpu.memory_space<vmem>>, vector<16xf32>,
      tpu.vector_store %arg7[%swap3A_1250, %swap3A_1251], %gather3A {strides = array<i32>} : memref<2x4096xf32, #tpu.memory_space<vmem>>, vector<16xf32>,
    }
    %scan3A_568 = arith.constant 256 : i32
    %dma_start3A_569 = arith.constant 0 : i32
    %dma_start3A_570 = arith.constant 0 : i32
    %dma_start3A_571 = tpu.memref_slice %arg7[%dma_start3A_569, %dma_start3A_570] : memref<2x4096xf32, #tpu.memory_space<vmem>> -> memref<1x4096xf32, #tpu.memory_space<vmem>>
    %dma_start3A_572 = tpu.memref_squeeze %dma_start3A_571 : memref<1x4096xf32, #tpu.memory_space<vmem>> -> memref<4096xf32, #tpu.memory_space<vmem>>
    %dma_start3A_573 = arith.constant 0 : i32
    %dma_start3A_574 = tpu.memref_slice %arg4[%add3A_525, %dma_start3A_573] : memref<300x16384xf32, #tpu.memory_space<hbm>> -> memref<1x4096xf32, #tpu.memory_space<hbm>>
    %dma_start3A_575 = tpu.memref_squeeze %dma_start3A_574 : memref<1x4096xf32, #tpu.memory_space<hbm>> -> memref<4096xf32, #tpu.memory_space<hbm>>
    %dma_start3A_576 = arith.constant 0 : i32
    %dma_start3A_577 = tpu.memref_slice %arg4[%add3A_525, %dma_start3A_576] : memref<300x16384xf32, #tpu.memory_space<hbm>> -> memref<1x4096xf32, #tpu.memory_space<hbm>>
    %dma_start3A_578 = tpu.memref_squeeze %dma_start3A_577 : memref<1x4096xf32, #tpu.memory_space<hbm>> -> memref<4096xf32, #tpu.memory_space<hbm>>
    %dma_start3A_579 = arith.constant 0 : i32
    %dma_start3A_580 = tpu.memref_slice %arg7[%dma_start3A_569, %dma_start3A_579] : memref<2x4096xf32, #tpu.memory_space<vmem>> -> memref<1x4096xf32, #tpu.memory_space<vmem>>
    %dma_start3A_581 = tpu.memref_squeeze %dma_start3A_580 : memref<1x4096xf32, #tpu.memory_space<vmem>> -> memref<4096xf32, #tpu.memory_space<vmem>>
    tpu.enqueue_dma source(%dma_start3A_581 : memref<4096xf32, #tpu.memory_space<vmem>>) target(%dma_start3A_578 : memref<4096xf32, #tpu.memory_space<hbm>>) target_semaphore(%arg9 : memref<!tpu.dma_semaphore, #tpu.memory_space<semaphore_mem>>)
    %scan3A_582 = arith.constant 0 : i32
    %scan3A_583 = arith.constant 256 : i32
    %scan3A_584 = arith.addi %scan3A_582, %scan3A_583 : i32
    %scan3A_585 = arith.constant 1 : i32
    scf.for %scan3A_1242 = %scan3A_582 to %scan3A_584 step %scan3A_585  : i32 {
      %mul3A_1243 = arith.constant 16 : i32
      %mul3A_1244 = arith.muli %scan3A_1242, %mul3A_1243 : i32
      %add3A_1245 = arith.constant 4096 : i32
      %add3A_1246 = arith.addi %add3A_1245, %mul3A_1244 : i32
      %get3A = arith.index_cast %add3A_1246 : i32 to index
      %get3A_1247 = tpu.vector_load %arg5[%get3A] {strides = array<i32>} : memref<16384xi32, #tpu.memory_space<vmem>>, vector<16xi32>,
      %gather3A = tpu.vector_load_idx %arg6[%get3A_1247] : memref<100000xf32, #tpu.memory_space<vmem>>[vector<16xi32>], vector<16xf32>,
      %mul3A_1248 = arith.constant 16 : i32
      %mul3A_1249 = arith.muli %scan3A_1242, %mul3A_1248 : i32
      %swap3A = arith.constant 1 : i32
      %swap3A_1250 = arith.index_cast %swap3A : i32 to index
      %swap3A_1251 = arith.index_cast %mul3A_1249 : i32 to index
      %swap3A_1252 = tpu.vector_load %arg7[%swap3A_1250, %swap3A_1251] {strides = array<i32>} : memref<2x4096xf32, #tpu.memory_space<vmem>>, vector<16xf32>,
      tpu.vector_store %arg7[%swap3A_1250, %swap3A_1251], %gather3A {strides = array<i32>} : memref<2x4096xf32, #tpu.memory_space<vmem>>, vector<16xf32>,
    }
    %scan3A_586 = arith.constant 256 : i32
    %dma_start3A_587 = arith.constant 1 : i32
    %dma_start3A_588 = arith.constant 0 : i32
    %dma_start3A_589 = tpu.memref_slice %arg7[%dma_start3A_587, %dma_start3A_588] : memref<2x4096xf32, #tpu.memory_space<vmem>> -> memref<1x4096xf32, #tpu.memory_space<vmem>>
    %dma_start3A_590 = tpu.memref_squeeze %dma_start3A_589 : memref<1x4096xf32, #tpu.memory_space<vmem>> -> memref<4096xf32, #tpu.memory_space<vmem>>
    %dma_start3A_591 = arith.constant 4096 : i32
    %dma_start3A_592 = tpu.memref_slice %arg4[%add3A_525, %dma_start3A_591] : memref<300x16384xf32, #tpu.memory_space<hbm>> -> memref<1x4096xf32, #tpu.memory_space<hbm>>
    %dma_start3A_593 = tpu.memref_squeeze %dma_start3A_592 : memref<1x4096xf32, #tpu.memory_space<hbm>> -> memref<4096xf32, #tpu.memory_space<hbm>>
    %dma_start3A_594 = arith.constant 4096 : i32
    %dma_start3A_595 = tpu.memref_slice %arg4[%add3A_525, %dma_start3A_594] : memref<300x16384xf32, #tpu.memory_space<hbm>> -> memref<1x4096xf32, #tpu.memory_space<hbm>>
    %dma_start3A_596 = tpu.memref_squeeze %dma_start3A_595 : memref<1x4096xf32, #tpu.memory_space<hbm>> -> memref<4096xf32, #tpu.memory_space<hbm>>
    %dma_start3A_597 = arith.constant 0 : i32
    %dma_start3A_598 = tpu.memref_slice %arg7[%dma_start3A_587, %dma_start3A_597] : memref<2x4096xf32, #tpu.memory_space<vmem>> -> memref<1x4096xf32, #tpu.memory_space<vmem>>
    %dma_start3A_599 = tpu.memref_squeeze %dma_start3A_598 : memref<1x4096xf32, #tpu.memory_space<vmem>> -> memref<4096xf32, #tpu.memory_space<vmem>>
    tpu.enqueue_dma source(%dma_start3A_599 : memref<4096xf32, #tpu.memory_space<vmem>>) target(%dma_start3A_596 : memref<4096xf32, #tpu.memory_space<hbm>>) target_semaphore(%arg9 : memref<!tpu.dma_semaphore, #tpu.memory_space<semaphore_mem>>)
    %dma_wait3A_600 = arith.constant 0 : i32
    %dma_wait3A_601 = arith.constant 0 : i32
    %dma_wait3A_602 = tpu.memref_slice %arg7[%dma_wait3A_600, %dma_wait3A_601] : memref<2x4096xf32, #tpu.memory_space<vmem>> -> memref<1x4096xf32, #tpu.memory_space<vmem>>
    %dma_wait3A_603 = tpu.memref_squeeze %dma_wait3A_602 : memref<1x4096xf32, #tpu.memory_space<vmem>> -> memref<4096xf32, #tpu.memory_space<vmem>>
    %dma_wait3A_604 = arith.constant 0 : i32
    %dma_wait3A_605 = tpu.memref_slice %arg4[%add3A_525, %dma_wait3A_604] : memref<300x16384xf32, #tpu.memory_space<hbm>> -> memref<1x4096xf32, #tpu.memory_space<hbm>>
    %dma_wait3A_606 = tpu.memref_squeeze %dma_wait3A_605 : memref<1x4096xf32, #tpu.memory_space<hbm>> -> memref<4096xf32, #tpu.memory_space<hbm>>
    %dma_wait3A_607 = arith.constant 0 : i32
    %dma_wait3A_608 = tpu.memref_slice %arg4[%add3A_525, %dma_wait3A_607] : memref<300x16384xf32, #tpu.memory_space<hbm>> -> memref<1x4096xf32, #tpu.memory_space<hbm>>
    %dma_wait3A_609 = tpu.memref_squeeze %dma_wait3A_608 : memref<1x4096xf32, #tpu.memory_space<hbm>> -> memref<4096xf32, #tpu.memory_space<hbm>>
    %dma_wait3A_610 = arith.constant 0 : i32
    %dma_wait3A_611 = tpu.memref_slice %arg7[%dma_wait3A_600, %dma_wait3A_610] : memref<2x4096xf32, #tpu.memory_space<vmem>> -> memref<1x4096xf32, #tpu.memory_space<vmem>>
    %dma_wait3A_612 = tpu.memref_squeeze %dma_wait3A_611 : memref<1x4096xf32, #tpu.memory_space<vmem>> -> memref<4096xf32, #tpu.memory_space<vmem>>
    tpu.wait_dma2 semaphore(%arg9 : memref<!tpu.dma_semaphore, #tpu.memory_space<semaphore_mem>>) src(%dma_wait3A_612 : memref<4096xf32, #tpu.memory_space<vmem>>) dst(%dma_wait3A_609 : memref<4096xf32, #tpu.memory_space<hbm>>)
    %scan3A_613 = arith.constant 0 : i32
    %scan3A_614 = arith.constant 256 : i32
    %scan3A_615 = arith.addi %scan3A_613, %scan3A_614 : i32
    %scan3A_616 = arith.constant 1 : i32
    scf.for %scan3A_1242 = %scan3A_613 to %scan3A_615 step %scan3A_616  : i32 {
      %mul3A_1243 = arith.constant 16 : i32
      %mul3A_1244 = arith.muli %scan3A_1242, %mul3A_1243 : i32
      %add3A_1245 = arith.constant 8192 : i32
      %add3A_1246 = arith.addi %add3A_1245, %mul3A_1244 : i32
      %get3A = arith.index_cast %add3A_1246 : i32 to index
      %get3A_1247 = tpu.vector_load %arg5[%get3A] {strides = array<i32>} : memref<16384xi32, #tpu.memory_space<vmem>>, vector<16xi32>,
      %gather3A = tpu.vector_load_idx %arg6[%get3A_1247] : memref<100000xf32, #tpu.memory_space<vmem>>[vector<16xi32>], vector<16xf32>,
      %mul3A_1248 = arith.constant 16 : i32
      %mul3A_1249 = arith.muli %scan3A_1242, %mul3A_1248 : i32
      %swap3A = arith.constant 0 : i32
      %swap3A_1250 = arith.index_cast %swap3A : i32 to index
      %swap3A_1251 = arith.index_cast %mul3A_1249 : i32 to index
      %swap3A_1252 = tpu.vector_load %arg7[%swap3A_1250, %swap3A_1251] {strides = array<i32>} : memref<2x4096xf32, #tpu.memory_space<vmem>>, vector<16xf32>,
      tpu.vector_store %arg7[%swap3A_1250, %swap3A_1251], %gather3A {strides = array<i32>} : memref<2x4096xf32, #tpu.memory_space<vmem>>, vector<16xf32>,
    }
    %scan3A_617 = arith.constant 256 : i32
    %dma_start3A_618 = arith.constant 0 : i32
    %dma_start3A_619 = arith.constant 0 : i32
    %dma_start3A_620 = tpu.memref_slice %arg7[%dma_start3A_618, %dma_start3A_619] : memref<2x4096xf32, #tpu.memory_space<vmem>> -> memref<1x4096xf32, #tpu.memory_space<vmem>>
    %dma_start3A_621 = tpu.memref_squeeze %dma_start3A_620 : memref<1x4096xf32, #tpu.memory_space<vmem>> -> memref<4096xf32, #tpu.memory_space<vmem>>
    %dma_start3A_622 = arith.constant 8192 : i32
    %dma_start3A_623 = tpu.memref_slice %arg4[%add3A_525, %dma_start3A_622] : memref<300x16384xf32, #tpu.memory_space<hbm>> -> memref<1x4096xf32, #tpu.memory_space<hbm>>
    %dma_start3A_624 = tpu.memref_squeeze %dma_start3A_623 : memref<1x4096xf32, #tpu.memory_space<hbm>> -> memref<4096xf32, #tpu.memory_space<hbm>>
    %dma_start3A_625 = arith.constant 8192 : i32
    %dma_start3A_626 = tpu.memref_slice %arg4[%add3A_525, %dma_start3A_625] : memref<300x16384xf32, #tpu.memory_space<hbm>> -> memref<1x4096xf32, #tpu.memory_space<hbm>>
    %dma_start3A_627 = tpu.memref_squeeze %dma_start3A_626 : memref<1x4096xf32, #tpu.memory_space<hbm>> -> memref<4096xf32, #tpu.memory_space<hbm>>
    %dma_start3A_628 = arith.constant 0 : i32
    %dma_start3A_629 = tpu.memref_slice %arg7[%dma_start3A_618, %dma_start3A_628] : memref<2x4096xf32, #tpu.memory_space<vmem>> -> memref<1x4096xf32, #tpu.memory_space<vmem>>
    %dma_start3A_630 = tpu.memref_squeeze %dma_start3A_629 : memref<1x4096xf32, #tpu.memory_space<vmem>> -> memref<4096xf32, #tpu.memory_space<vmem>>
    tpu.enqueue_dma source(%dma_start3A_630 : memref<4096xf32, #tpu.memory_space<vmem>>) target(%dma_start3A_627 : memref<4096xf32, #tpu.memory_space<hbm>>) target_semaphore(%arg9 : memref<!tpu.dma_semaphore, #tpu.memory_space<semaphore_mem>>)
    %dma_wait3A_631 = arith.constant 1 : i32
    %dma_wait3A_632 = arith.constant 0 : i32
    %dma_wait3A_633 = tpu.memref_slice %arg7[%dma_wait3A_631, %dma_wait3A_632] : memref<2x4096xf32, #tpu.memory_space<vmem>> -> memref<1x4096xf32, #tpu.memory_space<vmem>>
    %dma_wait3A_634 = tpu.memref_squeeze %dma_wait3A_633 : memref<1x4096xf32, #tpu.memory_space<vmem>> -> memref<4096xf32, #tpu.memory_space<vmem>>
    %dma_wait3A_635 = arith.constant 4096 : i32
    %dma_wait3A_636 = tpu.memref_slice %arg4[%add3A_525, %dma_wait3A_635] : memref<300x16384xf32, #tpu.memory_space<hbm>> -> memref<1x4096xf32, #tpu.memory_space<hbm>>
    %dma_wait3A_637 = tpu.memref_squeeze %dma_wait3A_636 : memref<1x4096xf32, #tpu.memory_space<hbm>> -> memref<4096xf32, #tpu.memory_space<hbm>>
    %dma_wait3A_638 = arith.constant 4096 : i32
    %dma_wait3A_639 = tpu.memref_slice %arg4[%add3A_525, %dma_wait3A_638] : memref<300x16384xf32, #tpu.memory_space<hbm>> -> memref<1x4096xf32, #tpu.memory_space<hbm>>
    %dma_wait3A_640 = tpu.memref_squeeze %dma_wait3A_639 : memref<1x4096xf32, #tpu.memory_space<hbm>> -> memref<4096xf32, #tpu.memory_space<hbm>>
    %dma_wait3A_641 = arith.constant 0 : i32
    %dma_wait3A_642 = tpu.memref_slice %arg7[%dma_wait3A_631, %dma_wait3A_641] : memref<2x4096xf32, #tpu.memory_space<vmem>> -> memref<1x4096xf32, #tpu.memory_space<vmem>>
    %dma_wait3A_643 = tpu.memref_squeeze %dma_wait3A_642 : memref<1x4096xf32, #tpu.memory_space<vmem>> -> memref<4096xf32, #tpu.memory_space<vmem>>
    tpu.wait_dma2 semaphore(%arg9 : memref<!tpu.dma_semaphore, #tpu.memory_space<semaphore_mem>>) src(%dma_wait3A_643 : memref<4096xf32, #tpu.memory_space<vmem>>) dst(%dma_wait3A_640 : memref<4096xf32, #tpu.memory_space<hbm>>)
    %scan3A_644 = arith.constant 0 : i32
    %scan3A_645 = arith.constant 256 : i32
    %scan3A_646 = arith.addi %scan3A_644, %scan3A_645 : i32
    %scan3A_647 = arith.constant 1 : i32
    scf.for %scan3A_1242 = %scan3A_644 to %scan3A_646 step %scan3A_647  : i32 {
      %mul3A_1243 = arith.constant 16 : i32
      %mul3A_1244 = arith.muli %scan3A_1242, %mul3A_1243 : i32
      %add3A_1245 = arith.constant 12288 : i32
      %add3A_1246 = arith.addi %add3A_1245, %mul3A_1244 : i32
      %get3A = arith.index_cast %add3A_1246 : i32 to index
      %get3A_1247 = tpu.vector_load %arg5[%get3A] {strides = array<i32>} : memref<16384xi32, #tpu.memory_space<vmem>>, vector<16xi32>,
      %gather3A = tpu.vector_load_idx %arg6[%get3A_1247] : memref<100000xf32, #tpu.memory_space<vmem>>[vector<16xi32>], vector<16xf32>,
      %mul3A_1248 = arith.constant 16 : i32
      %mul3A_1249 = arith.muli %scan3A_1242, %mul3A_1248 : i32
      %swap3A = arith.constant 1 : i32
      %swap3A_1250 = arith.index_cast %swap3A : i32 to index
      %swap3A_1251 = arith.index_cast %mul3A_1249 : i32 to index
      %swap3A_1252 = tpu.vector_load %arg7[%swap3A_1250, %swap3A_1251] {strides = array<i32>} : memref<2x4096xf32, #tpu.memory_space<vmem>>, vector<16xf32>,
      tpu.vector_store %arg7[%swap3A_1250, %swap3A_1251], %gather3A {strides = array<i32>} : memref<2x4096xf32, #tpu.memory_space<vmem>>, vector<16xf32>,
    }
    %scan3A_648 = arith.constant 256 : i32
    %dma_start3A_649 = arith.constant 1 : i32
    %dma_start3A_650 = arith.constant 0 : i32
    %dma_start3A_651 = tpu.memref_slice %arg7[%dma_start3A_649, %dma_start3A_650] : memref<2x4096xf32, #tpu.memory_space<vmem>> -> memref<1x4096xf32, #tpu.memory_space<vmem>>
    %dma_start3A_652 = tpu.memref_squeeze %dma_start3A_651 : memref<1x4096xf32, #tpu.memory_space<vmem>> -> memref<4096xf32, #tpu.memory_space<vmem>>
    %dma_start3A_653 = arith.constant 12288 : i32
    %dma_start3A_654 = tpu.memref_slice %arg4[%add3A_525, %dma_start3A_653] : memref<300x16384xf32, #tpu.memory_space<hbm>> -> memref<1x4096xf32, #tpu.memory_space<hbm>>
    %dma_start3A_655 = tpu.memref_squeeze %dma_start3A_654 : memref<1x4096xf32, #tpu.memory_space<hbm>> -> memref<4096xf32, #tpu.memory_space<hbm>>
    %dma_start3A_656 = arith.constant 12288 : i32
    %dma_start3A_657 = tpu.memref_slice %arg4[%add3A_525, %dma_start3A_656] : memref<300x16384xf32, #tpu.memory_space<hbm>> -> memref<1x4096xf32, #tpu.memory_space<hbm>>
    %dma_start3A_658 = tpu.memref_squeeze %dma_start3A_657 : memref<1x4096xf32, #tpu.memory_space<hbm>> -> memref<4096xf32, #tpu.memory_space<hbm>>
    %dma_start3A_659 = arith.constant 0 : i32
    %dma_start3A_660 = tpu.memref_slice %arg7[%dma_start3A_649, %dma_start3A_659] : memref<2x4096xf32, #tpu.memory_space<vmem>> -> memref<1x4096xf32, #tpu.memory_space<vmem>>
    %dma_start3A_661 = tpu.memref_squeeze %dma_start3A_660 : memref<1x4096xf32, #tpu.memory_space<vmem>> -> memref<4096xf32, #tpu.memory_space<vmem>>
    tpu.enqueue_dma source(%dma_start3A_661 : memref<4096xf32, #tpu.memory_space<vmem>>) target(%dma_start3A_658 : memref<4096xf32, #tpu.memory_space<hbm>>) target_semaphore(%arg9 : memref<!tpu.dma_semaphore, #tpu.memory_space<semaphore_mem>>)
    %add3A_662 = arith.constant 160 : i32
    %add3A_663 = arith.addi %add3A, %add3A_662 : i32
    %dma_start3A_664 = arith.constant 0 : i32
    %dma_start3A_665 = tpu.memref_slice %arg2[%add3A_663, %dma_start3A_664] : memref<300x100000xf32, #tpu.memory_space<hbm>> -> memref<1x100000xf32, #tpu.memory_space<hbm>>
    %dma_start3A_666 = tpu.memref_squeeze %dma_start3A_665 : memref<1x100000xf32, #tpu.memory_space<hbm>> -> memref<100000xf32, #tpu.memory_space<hbm>>
    %dma_start3A_667 = arith.constant 0 : i32
    %dma_start3A_668 = tpu.memref_slice %arg2[%add3A_663, %dma_start3A_667] : memref<300x100000xf32, #tpu.memory_space<hbm>> -> memref<1x100000xf32, #tpu.memory_space<hbm>>
    %dma_start3A_669 = tpu.memref_squeeze %dma_start3A_668 : memref<1x100000xf32, #tpu.memory_space<hbm>> -> memref<100000xf32, #tpu.memory_space<hbm>>
    tpu.enqueue_dma source(%dma_start3A_669 : memref<100000xf32, #tpu.memory_space<hbm>>) target(%arg6 : memref<100000xf32, #tpu.memory_space<vmem>>) target_semaphore(%arg8 : memref<!tpu.dma_semaphore, #tpu.memory_space<semaphore_mem>>)
    %dma_wait3A_670 = arith.constant 0 : i32
    %dma_wait3A_671 = arith.constant 0 : i32
    %dma_wait3A_672 = tpu.memref_slice %arg7[%dma_wait3A_670, %dma_wait3A_671] : memref<2x4096xf32, #tpu.memory_space<vmem>> -> memref<1x4096xf32, #tpu.memory_space<vmem>>
    %dma_wait3A_673 = tpu.memref_squeeze %dma_wait3A_672 : memref<1x4096xf32, #tpu.memory_space<vmem>> -> memref<4096xf32, #tpu.memory_space<vmem>>
    %dma_wait3A_674 = arith.constant 8192 : i32
    %dma_wait3A_675 = tpu.memref_slice %arg4[%add3A_525, %dma_wait3A_674] : memref<300x16384xf32, #tpu.memory_space<hbm>> -> memref<1x4096xf32, #tpu.memory_space<hbm>>
    %dma_wait3A_676 = tpu.memref_squeeze %dma_wait3A_675 : memref<1x4096xf32, #tpu.memory_space<hbm>> -> memref<4096xf32, #tpu.memory_space<hbm>>
    %dma_wait3A_677 = arith.constant 8192 : i32
    %dma_wait3A_678 = tpu.memref_slice %arg4[%add3A_525, %dma_wait3A_677] : memref<300x16384xf32, #tpu.memory_space<hbm>> -> memref<1x4096xf32, #tpu.memory_space<hbm>>
    %dma_wait3A_679 = tpu.memref_squeeze %dma_wait3A_678 : memref<1x4096xf32, #tpu.memory_space<hbm>> -> memref<4096xf32, #tpu.memory_space<hbm>>
    %dma_wait3A_680 = arith.constant 0 : i32
    %dma_wait3A_681 = tpu.memref_slice %arg7[%dma_wait3A_670, %dma_wait3A_680] : memref<2x4096xf32, #tpu.memory_space<vmem>> -> memref<1x4096xf32, #tpu.memory_space<vmem>>
    %dma_wait3A_682 = tpu.memref_squeeze %dma_wait3A_681 : memref<1x4096xf32, #tpu.memory_space<vmem>> -> memref<4096xf32, #tpu.memory_space<vmem>>
    tpu.wait_dma2 semaphore(%arg9 : memref<!tpu.dma_semaphore, #tpu.memory_space<semaphore_mem>>) src(%dma_wait3A_682 : memref<4096xf32, #tpu.memory_space<vmem>>) dst(%dma_wait3A_679 : memref<4096xf32, #tpu.memory_space<hbm>>)
    %dma_wait3A_683 = arith.constant 1 : i32
    %dma_wait3A_684 = arith.constant 0 : i32
    %dma_wait3A_685 = tpu.memref_slice %arg7[%dma_wait3A_683, %dma_wait3A_684] : memref<2x4096xf32, #tpu.memory_space<vmem>> -> memref<1x4096xf32, #tpu.memory_space<vmem>>
    %dma_wait3A_686 = tpu.memref_squeeze %dma_wait3A_685 : memref<1x4096xf32, #tpu.memory_space<vmem>> -> memref<4096xf32, #tpu.memory_space<vmem>>
    %dma_wait3A_687 = arith.constant 12288 : i32
    %dma_wait3A_688 = tpu.memref_slice %arg4[%add3A_525, %dma_wait3A_687] : memref<300x16384xf32, #tpu.memory_space<hbm>> -> memref<1x4096xf32, #tpu.memory_space<hbm>>
    %dma_wait3A_689 = tpu.memref_squeeze %dma_wait3A_688 : memref<1x4096xf32, #tpu.memory_space<hbm>> -> memref<4096xf32, #tpu.memory_space<hbm>>
    %dma_wait3A_690 = arith.constant 12288 : i32
    %dma_wait3A_691 = tpu.memref_slice %arg4[%add3A_525, %dma_wait3A_690] : memref<300x16384xf32, #tpu.memory_space<hbm>> -> memref<1x4096xf32, #tpu.memory_space<hbm>>
    %dma_wait3A_692 = tpu.memref_squeeze %dma_wait3A_691 : memref<1x4096xf32, #tpu.memory_space<hbm>> -> memref<4096xf32, #tpu.memory_space<hbm>>
    %dma_wait3A_693 = arith.constant 0 : i32
    %dma_wait3A_694 = tpu.memref_slice %arg7[%dma_wait3A_683, %dma_wait3A_693] : memref<2x4096xf32, #tpu.memory_space<vmem>> -> memref<1x4096xf32, #tpu.memory_space<vmem>>
    %dma_wait3A_695 = tpu.memref_squeeze %dma_wait3A_694 : memref<1x4096xf32, #tpu.memory_space<vmem>> -> memref<4096xf32, #tpu.memory_space<vmem>>
    tpu.wait_dma2 semaphore(%arg9 : memref<!tpu.dma_semaphore, #tpu.memory_space<semaphore_mem>>) src(%dma_wait3A_695 : memref<4096xf32, #tpu.memory_space<vmem>>) dst(%dma_wait3A_692 : memref<4096xf32, #tpu.memory_space<hbm>>)
    %dma_wait3A_696 = arith.constant 0 : i32
    %dma_wait3A_697 = tpu.memref_slice %arg2[%add3A_663, %dma_wait3A_696] : memref<300x100000xf32, #tpu.memory_space<hbm>> -> memref<1x100000xf32, #tpu.memory_space<hbm>>
    %dma_wait3A_698 = tpu.memref_squeeze %dma_wait3A_697 : memref<1x100000xf32, #tpu.memory_space<hbm>> -> memref<100000xf32, #tpu.memory_space<hbm>>
    %dma_wait3A_699 = arith.constant 0 : i32
    %dma_wait3A_700 = tpu.memref_slice %arg2[%add3A_663, %dma_wait3A_699] : memref<300x100000xf32, #tpu.memory_space<hbm>> -> memref<1x100000xf32, #tpu.memory_space<hbm>>
    %dma_wait3A_701 = tpu.memref_squeeze %dma_wait3A_700 : memref<1x100000xf32, #tpu.memory_space<hbm>> -> memref<100000xf32, #tpu.memory_space<hbm>>
    tpu.wait_dma2 semaphore(%arg8 : memref<!tpu.dma_semaphore, #tpu.memory_space<semaphore_mem>>) src(%dma_wait3A_701 : memref<100000xf32, #tpu.memory_space<hbm>>) dst(%arg6 : memref<100000xf32, #tpu.memory_space<vmem>>)
    %scan3A_702 = arith.constant 0 : i32
    %scan3A_703 = arith.constant 256 : i32
    %scan3A_704 = arith.addi %scan3A_702, %scan3A_703 : i32
    %scan3A_705 = arith.constant 1 : i32
    scf.for %scan3A_1242 = %scan3A_702 to %scan3A_704 step %scan3A_705  : i32 {
      %mul3A_1243 = arith.constant 16 : i32
      %mul3A_1244 = arith.muli %scan3A_1242, %mul3A_1243 : i32
      %add3A_1245 = arith.constant 0 : i32
      %add3A_1246 = arith.addi %add3A_1245, %mul3A_1244 : i32
      %get3A = arith.index_cast %add3A_1246 : i32 to index
      %get3A_1247 = tpu.vector_load %arg5[%get3A] {strides = array<i32>} : memref<16384xi32, #tpu.memory_space<vmem>>, vector<16xi32>,
      %gather3A = tpu.vector_load_idx %arg6[%get3A_1247] : memref<100000xf32, #tpu.memory_space<vmem>>[vector<16xi32>], vector<16xf32>,
      %mul3A_1248 = arith.constant 16 : i32
      %mul3A_1249 = arith.muli %scan3A_1242, %mul3A_1248 : i32
      %swap3A = arith.constant 0 : i32
      %swap3A_1250 = arith.index_cast %swap3A : i32 to index
      %swap3A_1251 = arith.index_cast %mul3A_1249 : i32 to index
      %swap3A_1252 = tpu.vector_load %arg7[%swap3A_1250, %swap3A_1251] {strides = array<i32>} : memref<2x4096xf32, #tpu.memory_space<vmem>>, vector<16xf32>,
      tpu.vector_store %arg7[%swap3A_1250, %swap3A_1251], %gather3A {strides = array<i32>} : memref<2x4096xf32, #tpu.memory_space<vmem>>, vector<16xf32>,
    }
    %scan3A_706 = arith.constant 256 : i32
    %dma_start3A_707 = arith.constant 0 : i32
    %dma_start3A_708 = arith.constant 0 : i32
    %dma_start3A_709 = tpu.memref_slice %arg7[%dma_start3A_707, %dma_start3A_708] : memref<2x4096xf32, #tpu.memory_space<vmem>> -> memref<1x4096xf32, #tpu.memory_space<vmem>>
    %dma_start3A_710 = tpu.memref_squeeze %dma_start3A_709 : memref<1x4096xf32, #tpu.memory_space<vmem>> -> memref<4096xf32, #tpu.memory_space<vmem>>
    %dma_start3A_711 = arith.constant 0 : i32
    %dma_start3A_712 = tpu.memref_slice %arg4[%add3A_663, %dma_start3A_711] : memref<300x16384xf32, #tpu.memory_space<hbm>> -> memref<1x4096xf32, #tpu.memory_space<hbm>>
    %dma_start3A_713 = tpu.memref_squeeze %dma_start3A_712 : memref<1x4096xf32, #tpu.memory_space<hbm>> -> memref<4096xf32, #tpu.memory_space<hbm>>
    %dma_start3A_714 = arith.constant 0 : i32
    %dma_start3A_715 = tpu.memref_slice %arg4[%add3A_663, %dma_start3A_714] : memref<300x16384xf32, #tpu.memory_space<hbm>> -> memref<1x4096xf32, #tpu.memory_space<hbm>>
    %dma_start3A_716 = tpu.memref_squeeze %dma_start3A_715 : memref<1x4096xf32, #tpu.memory_space<hbm>> -> memref<4096xf32, #tpu.memory_space<hbm>>
    %dma_start3A_717 = arith.constant 0 : i32
    %dma_start3A_718 = tpu.memref_slice %arg7[%dma_start3A_707, %dma_start3A_717] : memref<2x4096xf32, #tpu.memory_space<vmem>> -> memref<1x4096xf32, #tpu.memory_space<vmem>>
    %dma_start3A_719 = tpu.memref_squeeze %dma_start3A_718 : memref<1x4096xf32, #tpu.memory_space<vmem>> -> memref<4096xf32, #tpu.memory_space<vmem>>
    tpu.enqueue_dma source(%dma_start3A_719 : memref<4096xf32, #tpu.memory_space<vmem>>) target(%dma_start3A_716 : memref<4096xf32, #tpu.memory_space<hbm>>) target_semaphore(%arg9 : memref<!tpu.dma_semaphore, #tpu.memory_space<semaphore_mem>>)
    %scan3A_720 = arith.constant 0 : i32
    %scan3A_721 = arith.constant 256 : i32
    %scan3A_722 = arith.addi %scan3A_720, %scan3A_721 : i32
    %scan3A_723 = arith.constant 1 : i32
    scf.for %scan3A_1242 = %scan3A_720 to %scan3A_722 step %scan3A_723  : i32 {
      %mul3A_1243 = arith.constant 16 : i32
      %mul3A_1244 = arith.muli %scan3A_1242, %mul3A_1243 : i32
      %add3A_1245 = arith.constant 4096 : i32
      %add3A_1246 = arith.addi %add3A_1245, %mul3A_1244 : i32
      %get3A = arith.index_cast %add3A_1246 : i32 to index
      %get3A_1247 = tpu.vector_load %arg5[%get3A] {strides = array<i32>} : memref<16384xi32, #tpu.memory_space<vmem>>, vector<16xi32>,
      %gather3A = tpu.vector_load_idx %arg6[%get3A_1247] : memref<100000xf32, #tpu.memory_space<vmem>>[vector<16xi32>], vector<16xf32>,
      %mul3A_1248 = arith.constant 16 : i32
      %mul3A_1249 = arith.muli %scan3A_1242, %mul3A_1248 : i32
      %swap3A = arith.constant 1 : i32
      %swap3A_1250 = arith.index_cast %swap3A : i32 to index
      %swap3A_1251 = arith.index_cast %mul3A_1249 : i32 to index
      %swap3A_1252 = tpu.vector_load %arg7[%swap3A_1250, %swap3A_1251] {strides = array<i32>} : memref<2x4096xf32, #tpu.memory_space<vmem>>, vector<16xf32>,
      tpu.vector_store %arg7[%swap3A_1250, %swap3A_1251], %gather3A {strides = array<i32>} : memref<2x4096xf32, #tpu.memory_space<vmem>>, vector<16xf32>,
    }
    %scan3A_724 = arith.constant 256 : i32
    %dma_start3A_725 = arith.constant 1 : i32
    %dma_start3A_726 = arith.constant 0 : i32
    %dma_start3A_727 = tpu.memref_slice %arg7[%dma_start3A_725, %dma_start3A_726] : memref<2x4096xf32, #tpu.memory_space<vmem>> -> memref<1x4096xf32, #tpu.memory_space<vmem>>
    %dma_start3A_728 = tpu.memref_squeeze %dma_start3A_727 : memref<1x4096xf32, #tpu.memory_space<vmem>> -> memref<4096xf32, #tpu.memory_space<vmem>>
    %dma_start3A_729 = arith.constant 4096 : i32
    %dma_start3A_730 = tpu.memref_slice %arg4[%add3A_663, %dma_start3A_729] : memref<300x16384xf32, #tpu.memory_space<hbm>> -> memref<1x4096xf32, #tpu.memory_space<hbm>>
    %dma_start3A_731 = tpu.memref_squeeze %dma_start3A_730 : memref<1x4096xf32, #tpu.memory_space<hbm>> -> memref<4096xf32, #tpu.memory_space<hbm>>
    %dma_start3A_732 = arith.constant 4096 : i32
    %dma_start3A_733 = tpu.memref_slice %arg4[%add3A_663, %dma_start3A_732] : memref<300x16384xf32, #tpu.memory_space<hbm>> -> memref<1x4096xf32, #tpu.memory_space<hbm>>
    %dma_start3A_734 = tpu.memref_squeeze %dma_start3A_733 : memref<1x4096xf32, #tpu.memory_space<hbm>> -> memref<4096xf32, #tpu.memory_space<hbm>>
    %dma_start3A_735 = arith.constant 0 : i32
    %dma_start3A_736 = tpu.memref_slice %arg7[%dma_start3A_725, %dma_start3A_735] : memref<2x4096xf32, #tpu.memory_space<vmem>> -> memref<1x4096xf32, #tpu.memory_space<vmem>>
    %dma_start3A_737 = tpu.memref_squeeze %dma_start3A_736 : memref<1x4096xf32, #tpu.memory_space<vmem>> -> memref<4096xf32, #tpu.memory_space<vmem>>
    tpu.enqueue_dma source(%dma_start3A_737 : memref<4096xf32, #tpu.memory_space<vmem>>) target(%dma_start3A_734 : memref<4096xf32, #tpu.memory_space<hbm>>) target_semaphore(%arg9 : memref<!tpu.dma_semaphore, #tpu.memory_space<semaphore_mem>>)
    %dma_wait3A_738 = arith.constant 0 : i32
    %dma_wait3A_739 = arith.constant 0 : i32
    %dma_wait3A_740 = tpu.memref_slice %arg7[%dma_wait3A_738, %dma_wait3A_739] : memref<2x4096xf32, #tpu.memory_space<vmem>> -> memref<1x4096xf32, #tpu.memory_space<vmem>>
    %dma_wait3A_741 = tpu.memref_squeeze %dma_wait3A_740 : memref<1x4096xf32, #tpu.memory_space<vmem>> -> memref<4096xf32, #tpu.memory_space<vmem>>
    %dma_wait3A_742 = arith.constant 0 : i32
    %dma_wait3A_743 = tpu.memref_slice %arg4[%add3A_663, %dma_wait3A_742] : memref<300x16384xf32, #tpu.memory_space<hbm>> -> memref<1x4096xf32, #tpu.memory_space<hbm>>
    %dma_wait3A_744 = tpu.memref_squeeze %dma_wait3A_743 : memref<1x4096xf32, #tpu.memory_space<hbm>> -> memref<4096xf32, #tpu.memory_space<hbm>>
    %dma_wait3A_745 = arith.constant 0 : i32
    %dma_wait3A_746 = tpu.memref_slice %arg4[%add3A_663, %dma_wait3A_745] : memref<300x16384xf32, #tpu.memory_space<hbm>> -> memref<1x4096xf32, #tpu.memory_space<hbm>>
    %dma_wait3A_747 = tpu.memref_squeeze %dma_wait3A_746 : memref<1x4096xf32, #tpu.memory_space<hbm>> -> memref<4096xf32, #tpu.memory_space<hbm>>
    %dma_wait3A_748 = arith.constant 0 : i32
    %dma_wait3A_749 = tpu.memref_slice %arg7[%dma_wait3A_738, %dma_wait3A_748] : memref<2x4096xf32, #tpu.memory_space<vmem>> -> memref<1x4096xf32, #tpu.memory_space<vmem>>
    %dma_wait3A_750 = tpu.memref_squeeze %dma_wait3A_749 : memref<1x4096xf32, #tpu.memory_space<vmem>> -> memref<4096xf32, #tpu.memory_space<vmem>>
    tpu.wait_dma2 semaphore(%arg9 : memref<!tpu.dma_semaphore, #tpu.memory_space<semaphore_mem>>) src(%dma_wait3A_750 : memref<4096xf32, #tpu.memory_space<vmem>>) dst(%dma_wait3A_747 : memref<4096xf32, #tpu.memory_space<hbm>>)
    %scan3A_751 = arith.constant 0 : i32
    %scan3A_752 = arith.constant 256 : i32
    %scan3A_753 = arith.addi %scan3A_751, %scan3A_752 : i32
    %scan3A_754 = arith.constant 1 : i32
    scf.for %scan3A_1242 = %scan3A_751 to %scan3A_753 step %scan3A_754  : i32 {
      %mul3A_1243 = arith.constant 16 : i32
      %mul3A_1244 = arith.muli %scan3A_1242, %mul3A_1243 : i32
      %add3A_1245 = arith.constant 8192 : i32
      %add3A_1246 = arith.addi %add3A_1245, %mul3A_1244 : i32
      %get3A = arith.index_cast %add3A_1246 : i32 to index
      %get3A_1247 = tpu.vector_load %arg5[%get3A] {strides = array<i32>} : memref<16384xi32, #tpu.memory_space<vmem>>, vector<16xi32>,
      %gather3A = tpu.vector_load_idx %arg6[%get3A_1247] : memref<100000xf32, #tpu.memory_space<vmem>>[vector<16xi32>], vector<16xf32>,
      %mul3A_1248 = arith.constant 16 : i32
      %mul3A_1249 = arith.muli %scan3A_1242, %mul3A_1248 : i32
      %swap3A = arith.constant 0 : i32
      %swap3A_1250 = arith.index_cast %swap3A : i32 to index
      %swap3A_1251 = arith.index_cast %mul3A_1249 : i32 to index
      %swap3A_1252 = tpu.vector_load %arg7[%swap3A_1250, %swap3A_1251] {strides = array<i32>} : memref<2x4096xf32, #tpu.memory_space<vmem>>, vector<16xf32>,
      tpu.vector_store %arg7[%swap3A_1250, %swap3A_1251], %gather3A {strides = array<i32>} : memref<2x4096xf32, #tpu.memory_space<vmem>>, vector<16xf32>,
    }
    %scan3A_755 = arith.constant 256 : i32
    %dma_start3A_756 = arith.constant 0 : i32
    %dma_start3A_757 = arith.constant 0 : i32
    %dma_start3A_758 = tpu.memref_slice %arg7[%dma_start3A_756, %dma_start3A_757] : memref<2x4096xf32, #tpu.memory_space<vmem>> -> memref<1x4096xf32, #tpu.memory_space<vmem>>
    %dma_start3A_759 = tpu.memref_squeeze %dma_start3A_758 : memref<1x4096xf32, #tpu.memory_space<vmem>> -> memref<4096xf32, #tpu.memory_space<vmem>>
    %dma_start3A_760 = arith.constant 8192 : i32
    %dma_start3A_761 = tpu.memref_slice %arg4[%add3A_663, %dma_start3A_760] : memref<300x16384xf32, #tpu.memory_space<hbm>> -> memref<1x4096xf32, #tpu.memory_space<hbm>>
    %dma_start3A_762 = tpu.memref_squeeze %dma_start3A_761 : memref<1x4096xf32, #tpu.memory_space<hbm>> -> memref<4096xf32, #tpu.memory_space<hbm>>
    %dma_start3A_763 = arith.constant 8192 : i32
    %dma_start3A_764 = tpu.memref_slice %arg4[%add3A_663, %dma_start3A_763] : memref<300x16384xf32, #tpu.memory_space<hbm>> -> memref<1x4096xf32, #tpu.memory_space<hbm>>
    %dma_start3A_765 = tpu.memref_squeeze %dma_start3A_764 : memref<1x4096xf32, #tpu.memory_space<hbm>> -> memref<4096xf32, #tpu.memory_space<hbm>>
    %dma_start3A_766 = arith.constant 0 : i32
    %dma_start3A_767 = tpu.memref_slice %arg7[%dma_start3A_756, %dma_start3A_766] : memref<2x4096xf32, #tpu.memory_space<vmem>> -> memref<1x4096xf32, #tpu.memory_space<vmem>>
    %dma_start3A_768 = tpu.memref_squeeze %dma_start3A_767 : memref<1x4096xf32, #tpu.memory_space<vmem>> -> memref<4096xf32, #tpu.memory_space<vmem>>
    tpu.enqueue_dma source(%dma_start3A_768 : memref<4096xf32, #tpu.memory_space<vmem>>) target(%dma_start3A_765 : memref<4096xf32, #tpu.memory_space<hbm>>) target_semaphore(%arg9 : memref<!tpu.dma_semaphore, #tpu.memory_space<semaphore_mem>>)
    %dma_wait3A_769 = arith.constant 1 : i32
    %dma_wait3A_770 = arith.constant 0 : i32
    %dma_wait3A_771 = tpu.memref_slice %arg7[%dma_wait3A_769, %dma_wait3A_770] : memref<2x4096xf32, #tpu.memory_space<vmem>> -> memref<1x4096xf32, #tpu.memory_space<vmem>>
    %dma_wait3A_772 = tpu.memref_squeeze %dma_wait3A_771 : memref<1x4096xf32, #tpu.memory_space<vmem>> -> memref<4096xf32, #tpu.memory_space<vmem>>
    %dma_wait3A_773 = arith.constant 4096 : i32
    %dma_wait3A_774 = tpu.memref_slice %arg4[%add3A_663, %dma_wait3A_773] : memref<300x16384xf32, #tpu.memory_space<hbm>> -> memref<1x4096xf32, #tpu.memory_space<hbm>>
    %dma_wait3A_775 = tpu.memref_squeeze %dma_wait3A_774 : memref<1x4096xf32, #tpu.memory_space<hbm>> -> memref<4096xf32, #tpu.memory_space<hbm>>
    %dma_wait3A_776 = arith.constant 4096 : i32
    %dma_wait3A_777 = tpu.memref_slice %arg4[%add3A_663, %dma_wait3A_776] : memref<300x16384xf32, #tpu.memory_space<hbm>> -> memref<1x4096xf32, #tpu.memory_space<hbm>>
    %dma_wait3A_778 = tpu.memref_squeeze %dma_wait3A_777 : memref<1x4096xf32, #tpu.memory_space<hbm>> -> memref<4096xf32, #tpu.memory_space<hbm>>
    %dma_wait3A_779 = arith.constant 0 : i32
    %dma_wait3A_780 = tpu.memref_slice %arg7[%dma_wait3A_769, %dma_wait3A_779] : memref<2x4096xf32, #tpu.memory_space<vmem>> -> memref<1x4096xf32, #tpu.memory_space<vmem>>
    %dma_wait3A_781 = tpu.memref_squeeze %dma_wait3A_780 : memref<1x4096xf32, #tpu.memory_space<vmem>> -> memref<4096xf32, #tpu.memory_space<vmem>>
    tpu.wait_dma2 semaphore(%arg9 : memref<!tpu.dma_semaphore, #tpu.memory_space<semaphore_mem>>) src(%dma_wait3A_781 : memref<4096xf32, #tpu.memory_space<vmem>>) dst(%dma_wait3A_778 : memref<4096xf32, #tpu.memory_space<hbm>>)
    %scan3A_782 = arith.constant 0 : i32
    %scan3A_783 = arith.constant 256 : i32
    %scan3A_784 = arith.addi %scan3A_782, %scan3A_783 : i32
    %scan3A_785 = arith.constant 1 : i32
    scf.for %scan3A_1242 = %scan3A_782 to %scan3A_784 step %scan3A_785  : i32 {
      %mul3A_1243 = arith.constant 16 : i32
      %mul3A_1244 = arith.muli %scan3A_1242, %mul3A_1243 : i32
      %add3A_1245 = arith.constant 12288 : i32
      %add3A_1246 = arith.addi %add3A_1245, %mul3A_1244 : i32
      %get3A = arith.index_cast %add3A_1246 : i32 to index
      %get3A_1247 = tpu.vector_load %arg5[%get3A] {strides = array<i32>} : memref<16384xi32, #tpu.memory_space<vmem>>, vector<16xi32>,
      %gather3A = tpu.vector_load_idx %arg6[%get3A_1247] : memref<100000xf32, #tpu.memory_space<vmem>>[vector<16xi32>], vector<16xf32>,
      %mul3A_1248 = arith.constant 16 : i32
      %mul3A_1249 = arith.muli %scan3A_1242, %mul3A_1248 : i32
      %swap3A = arith.constant 1 : i32
      %swap3A_1250 = arith.index_cast %swap3A : i32 to index
      %swap3A_1251 = arith.index_cast %mul3A_1249 : i32 to index
      %swap3A_1252 = tpu.vector_load %arg7[%swap3A_1250, %swap3A_1251] {strides = array<i32>} : memref<2x4096xf32, #tpu.memory_space<vmem>>, vector<16xf32>,
      tpu.vector_store %arg7[%swap3A_1250, %swap3A_1251], %gather3A {strides = array<i32>} : memref<2x4096xf32, #tpu.memory_space<vmem>>, vector<16xf32>,
    }
    %scan3A_786 = arith.constant 256 : i32
    %dma_start3A_787 = arith.constant 1 : i32
    %dma_start3A_788 = arith.constant 0 : i32
    %dma_start3A_789 = tpu.memref_slice %arg7[%dma_start3A_787, %dma_start3A_788] : memref<2x4096xf32, #tpu.memory_space<vmem>> -> memref<1x4096xf32, #tpu.memory_space<vmem>>
    %dma_start3A_790 = tpu.memref_squeeze %dma_start3A_789 : memref<1x4096xf32, #tpu.memory_space<vmem>> -> memref<4096xf32, #tpu.memory_space<vmem>>
    %dma_start3A_791 = arith.constant 12288 : i32
    %dma_start3A_792 = tpu.memref_slice %arg4[%add3A_663, %dma_start3A_791] : memref<300x16384xf32, #tpu.memory_space<hbm>> -> memref<1x4096xf32, #tpu.memory_space<hbm>>
    %dma_start3A_793 = tpu.memref_squeeze %dma_start3A_792 : memref<1x4096xf32, #tpu.memory_space<hbm>> -> memref<4096xf32, #tpu.memory_space<hbm>>
    %dma_start3A_794 = arith.constant 12288 : i32
    %dma_start3A_795 = tpu.memref_slice %arg4[%add3A_663, %dma_start3A_794] : memref<300x16384xf32, #tpu.memory_space<hbm>> -> memref<1x4096xf32, #tpu.memory_space<hbm>>
    %dma_start3A_796 = tpu.memref_squeeze %dma_start3A_795 : memref<1x4096xf32, #tpu.memory_space<hbm>> -> memref<4096xf32, #tpu.memory_space<hbm>>
    %dma_start3A_797 = arith.constant 0 : i32
    %dma_start3A_798 = tpu.memref_slice %arg7[%dma_start3A_787, %dma_start3A_797] : memref<2x4096xf32, #tpu.memory_space<vmem>> -> memref<1x4096xf32, #tpu.memory_space<vmem>>
    %dma_start3A_799 = tpu.memref_squeeze %dma_start3A_798 : memref<1x4096xf32, #tpu.memory_space<vmem>> -> memref<4096xf32, #tpu.memory_space<vmem>>
    tpu.enqueue_dma source(%dma_start3A_799 : memref<4096xf32, #tpu.memory_space<vmem>>) target(%dma_start3A_796 : memref<4096xf32, #tpu.memory_space<hbm>>) target_semaphore(%arg9 : memref<!tpu.dma_semaphore, #tpu.memory_space<semaphore_mem>>)
    %add3A_800 = arith.constant 192 : i32
    %add3A_801 = arith.addi %add3A, %add3A_800 : i32
    %dma_start3A_802 = arith.constant 0 : i32
    %dma_start3A_803 = tpu.memref_slice %arg2[%add3A_801, %dma_start3A_802] : memref<300x100000xf32, #tpu.memory_space<hbm>> -> memref<1x100000xf32, #tpu.memory_space<hbm>>
    %dma_start3A_804 = tpu.memref_squeeze %dma_start3A_803 : memref<1x100000xf32, #tpu.memory_space<hbm>> -> memref<100000xf32, #tpu.memory_space<hbm>>
    %dma_start3A_805 = arith.constant 0 : i32
    %dma_start3A_806 = tpu.memref_slice %arg2[%add3A_801, %dma_start3A_805] : memref<300x100000xf32, #tpu.memory_space<hbm>> -> memref<1x100000xf32, #tpu.memory_space<hbm>>
    %dma_start3A_807 = tpu.memref_squeeze %dma_start3A_806 : memref<1x100000xf32, #tpu.memory_space<hbm>> -> memref<100000xf32, #tpu.memory_space<hbm>>
    tpu.enqueue_dma source(%dma_start3A_807 : memref<100000xf32, #tpu.memory_space<hbm>>) target(%arg6 : memref<100000xf32, #tpu.memory_space<vmem>>) target_semaphore(%arg8 : memref<!tpu.dma_semaphore, #tpu.memory_space<semaphore_mem>>)
    %dma_wait3A_808 = arith.constant 0 : i32
    %dma_wait3A_809 = arith.constant 0 : i32
    %dma_wait3A_810 = tpu.memref_slice %arg7[%dma_wait3A_808, %dma_wait3A_809] : memref<2x4096xf32, #tpu.memory_space<vmem>> -> memref<1x4096xf32, #tpu.memory_space<vmem>>
    %dma_wait3A_811 = tpu.memref_squeeze %dma_wait3A_810 : memref<1x4096xf32, #tpu.memory_space<vmem>> -> memref<4096xf32, #tpu.memory_space<vmem>>
    %dma_wait3A_812 = arith.constant 8192 : i32
    %dma_wait3A_813 = tpu.memref_slice %arg4[%add3A_663, %dma_wait3A_812] : memref<300x16384xf32, #tpu.memory_space<hbm>> -> memref<1x4096xf32, #tpu.memory_space<hbm>>
    %dma_wait3A_814 = tpu.memref_squeeze %dma_wait3A_813 : memref<1x4096xf32, #tpu.memory_space<hbm>> -> memref<4096xf32, #tpu.memory_space<hbm>>
    %dma_wait3A_815 = arith.constant 8192 : i32
    %dma_wait3A_816 = tpu.memref_slice %arg4[%add3A_663, %dma_wait3A_815] : memref<300x16384xf32, #tpu.memory_space<hbm>> -> memref<1x4096xf32, #tpu.memory_space<hbm>>
    %dma_wait3A_817 = tpu.memref_squeeze %dma_wait3A_816 : memref<1x4096xf32, #tpu.memory_space<hbm>> -> memref<4096xf32, #tpu.memory_space<hbm>>
    %dma_wait3A_818 = arith.constant 0 : i32
    %dma_wait3A_819 = tpu.memref_slice %arg7[%dma_wait3A_808, %dma_wait3A_818] : memref<2x4096xf32, #tpu.memory_space<vmem>> -> memref<1x4096xf32, #tpu.memory_space<vmem>>
    %dma_wait3A_820 = tpu.memref_squeeze %dma_wait3A_819 : memref<1x4096xf32, #tpu.memory_space<vmem>> -> memref<4096xf32, #tpu.memory_space<vmem>>
    tpu.wait_dma2 semaphore(%arg9 : memref<!tpu.dma_semaphore, #tpu.memory_space<semaphore_mem>>) src(%dma_wait3A_820 : memref<4096xf32, #tpu.memory_space<vmem>>) dst(%dma_wait3A_817 : memref<4096xf32, #tpu.memory_space<hbm>>)
    %dma_wait3A_821 = arith.constant 1 : i32
    %dma_wait3A_822 = arith.constant 0 : i32
    %dma_wait3A_823 = tpu.memref_slice %arg7[%dma_wait3A_821, %dma_wait3A_822] : memref<2x4096xf32, #tpu.memory_space<vmem>> -> memref<1x4096xf32, #tpu.memory_space<vmem>>
    %dma_wait3A_824 = tpu.memref_squeeze %dma_wait3A_823 : memref<1x4096xf32, #tpu.memory_space<vmem>> -> memref<4096xf32, #tpu.memory_space<vmem>>
    %dma_wait3A_825 = arith.constant 12288 : i32
    %dma_wait3A_826 = tpu.memref_slice %arg4[%add3A_663, %dma_wait3A_825] : memref<300x16384xf32, #tpu.memory_space<hbm>> -> memref<1x4096xf32, #tpu.memory_space<hbm>>
    %dma_wait3A_827 = tpu.memref_squeeze %dma_wait3A_826 : memref<1x4096xf32, #tpu.memory_space<hbm>> -> memref<4096xf32, #tpu.memory_space<hbm>>
    %dma_wait3A_828 = arith.constant 12288 : i32
    %dma_wait3A_829 = tpu.memref_slice %arg4[%add3A_663, %dma_wait3A_828] : memref<300x16384xf32, #tpu.memory_space<hbm>> -> memref<1x4096xf32, #tpu.memory_space<hbm>>
    %dma_wait3A_830 = tpu.memref_squeeze %dma_wait3A_829 : memref<1x4096xf32, #tpu.memory_space<hbm>> -> memref<4096xf32, #tpu.memory_space<hbm>>
    %dma_wait3A_831 = arith.constant 0 : i32
    %dma_wait3A_832 = tpu.memref_slice %arg7[%dma_wait3A_821, %dma_wait3A_831] : memref<2x4096xf32, #tpu.memory_space<vmem>> -> memref<1x4096xf32, #tpu.memory_space<vmem>>
    %dma_wait3A_833 = tpu.memref_squeeze %dma_wait3A_832 : memref<1x4096xf32, #tpu.memory_space<vmem>> -> memref<4096xf32, #tpu.memory_space<vmem>>
    tpu.wait_dma2 semaphore(%arg9 : memref<!tpu.dma_semaphore, #tpu.memory_space<semaphore_mem>>) src(%dma_wait3A_833 : memref<4096xf32, #tpu.memory_space<vmem>>) dst(%dma_wait3A_830 : memref<4096xf32, #tpu.memory_space<hbm>>)
    %dma_wait3A_834 = arith.constant 0 : i32
    %dma_wait3A_835 = tpu.memref_slice %arg2[%add3A_801, %dma_wait3A_834] : memref<300x100000xf32, #tpu.memory_space<hbm>> -> memref<1x100000xf32, #tpu.memory_space<hbm>>
    %dma_wait3A_836 = tpu.memref_squeeze %dma_wait3A_835 : memref<1x100000xf32, #tpu.memory_space<hbm>> -> memref<100000xf32, #tpu.memory_space<hbm>>
    %dma_wait3A_837 = arith.constant 0 : i32
    %dma_wait3A_838 = tpu.memref_slice %arg2[%add3A_801, %dma_wait3A_837] : memref<300x100000xf32, #tpu.memory_space<hbm>> -> memref<1x100000xf32, #tpu.memory_space<hbm>>
    %dma_wait3A_839 = tpu.memref_squeeze %dma_wait3A_838 : memref<1x100000xf32, #tpu.memory_space<hbm>> -> memref<100000xf32, #tpu.memory_space<hbm>>
    tpu.wait_dma2 semaphore(%arg8 : memref<!tpu.dma_semaphore, #tpu.memory_space<semaphore_mem>>) src(%dma_wait3A_839 : memref<100000xf32, #tpu.memory_space<hbm>>) dst(%arg6 : memref<100000xf32, #tpu.memory_space<vmem>>)
    %scan3A_840 = arith.constant 0 : i32
    %scan3A_841 = arith.constant 256 : i32
    %scan3A_842 = arith.addi %scan3A_840, %scan3A_841 : i32
    %scan3A_843 = arith.constant 1 : i32
    scf.for %scan3A_1242 = %scan3A_840 to %scan3A_842 step %scan3A_843  : i32 {
      %mul3A_1243 = arith.constant 16 : i32
      %mul3A_1244 = arith.muli %scan3A_1242, %mul3A_1243 : i32
      %add3A_1245 = arith.constant 0 : i32
      %add3A_1246 = arith.addi %add3A_1245, %mul3A_1244 : i32
      %get3A = arith.index_cast %add3A_1246 : i32 to index
      %get3A_1247 = tpu.vector_load %arg5[%get3A] {strides = array<i32>} : memref<16384xi32, #tpu.memory_space<vmem>>, vector<16xi32>,
      %gather3A = tpu.vector_load_idx %arg6[%get3A_1247] : memref<100000xf32, #tpu.memory_space<vmem>>[vector<16xi32>], vector<16xf32>,
      %mul3A_1248 = arith.constant 16 : i32
      %mul3A_1249 = arith.muli %scan3A_1242, %mul3A_1248 : i32
      %swap3A = arith.constant 0 : i32
      %swap3A_1250 = arith.index_cast %swap3A : i32 to index
      %swap3A_1251 = arith.index_cast %mul3A_1249 : i32 to index
      %swap3A_1252 = tpu.vector_load %arg7[%swap3A_1250, %swap3A_1251] {strides = array<i32>} : memref<2x4096xf32, #tpu.memory_space<vmem>>, vector<16xf32>,
      tpu.vector_store %arg7[%swap3A_1250, %swap3A_1251], %gather3A {strides = array<i32>} : memref<2x4096xf32, #tpu.memory_space<vmem>>, vector<16xf32>,
    }
    %scan3A_844 = arith.constant 256 : i32
    %dma_start3A_845 = arith.constant 0 : i32
    %dma_start3A_846 = arith.constant 0 : i32
    %dma_start3A_847 = tpu.memref_slice %arg7[%dma_start3A_845, %dma_start3A_846] : memref<2x4096xf32, #tpu.memory_space<vmem>> -> memref<1x4096xf32, #tpu.memory_space<vmem>>
    %dma_start3A_848 = tpu.memref_squeeze %dma_start3A_847 : memref<1x4096xf32, #tpu.memory_space<vmem>> -> memref<4096xf32, #tpu.memory_space<vmem>>
    %dma_start3A_849 = arith.constant 0 : i32
    %dma_start3A_850 = tpu.memref_slice %arg4[%add3A_801, %dma_start3A_849] : memref<300x16384xf32, #tpu.memory_space<hbm>> -> memref<1x4096xf32, #tpu.memory_space<hbm>>
    %dma_start3A_851 = tpu.memref_squeeze %dma_start3A_850 : memref<1x4096xf32, #tpu.memory_space<hbm>> -> memref<4096xf32, #tpu.memory_space<hbm>>
    %dma_start3A_852 = arith.constant 0 : i32
    %dma_start3A_853 = tpu.memref_slice %arg4[%add3A_801, %dma_start3A_852] : memref<300x16384xf32, #tpu.memory_space<hbm>> -> memref<1x4096xf32, #tpu.memory_space<hbm>>
    %dma_start3A_854 = tpu.memref_squeeze %dma_start3A_853 : memref<1x4096xf32, #tpu.memory_space<hbm>> -> memref<4096xf32, #tpu.memory_space<hbm>>
    %dma_start3A_855 = arith.constant 0 : i32
    %dma_start3A_856 = tpu.memref_slice %arg7[%dma_start3A_845, %dma_start3A_855] : memref<2x4096xf32, #tpu.memory_space<vmem>> -> memref<1x4096xf32, #tpu.memory_space<vmem>>
    %dma_start3A_857 = tpu.memref_squeeze %dma_start3A_856 : memref<1x4096xf32, #tpu.memory_space<vmem>> -> memref<4096xf32, #tpu.memory_space<vmem>>
    tpu.enqueue_dma source(%dma_start3A_857 : memref<4096xf32, #tpu.memory_space<vmem>>) target(%dma_start3A_854 : memref<4096xf32, #tpu.memory_space<hbm>>) target_semaphore(%arg9 : memref<!tpu.dma_semaphore, #tpu.memory_space<semaphore_mem>>)
    %scan3A_858 = arith.constant 0 : i32
    %scan3A_859 = arith.constant 256 : i32
    %scan3A_860 = arith.addi %scan3A_858, %scan3A_859 : i32
    %scan3A_861 = arith.constant 1 : i32
    scf.for %scan3A_1242 = %scan3A_858 to %scan3A_860 step %scan3A_861  : i32 {
      %mul3A_1243 = arith.constant 16 : i32
      %mul3A_1244 = arith.muli %scan3A_1242, %mul3A_1243 : i32
      %add3A_1245 = arith.constant 4096 : i32
      %add3A_1246 = arith.addi %add3A_1245, %mul3A_1244 : i32
      %get3A = arith.index_cast %add3A_1246 : i32 to index
      %get3A_1247 = tpu.vector_load %arg5[%get3A] {strides = array<i32>} : memref<16384xi32, #tpu.memory_space<vmem>>, vector<16xi32>,
      %gather3A = tpu.vector_load_idx %arg6[%get3A_1247] : memref<100000xf32, #tpu.memory_space<vmem>>[vector<16xi32>], vector<16xf32>,
      %mul3A_1248 = arith.constant 16 : i32
      %mul3A_1249 = arith.muli %scan3A_1242, %mul3A_1248 : i32
      %swap3A = arith.constant 1 : i32
      %swap3A_1250 = arith.index_cast %swap3A : i32 to index
      %swap3A_1251 = arith.index_cast %mul3A_1249 : i32 to index
      %swap3A_1252 = tpu.vector_load %arg7[%swap3A_1250, %swap3A_1251] {strides = array<i32>} : memref<2x4096xf32, #tpu.memory_space<vmem>>, vector<16xf32>,
      tpu.vector_store %arg7[%swap3A_1250, %swap3A_1251], %gather3A {strides = array<i32>} : memref<2x4096xf32, #tpu.memory_space<vmem>>, vector<16xf32>,
    }
    %scan3A_862 = arith.constant 256 : i32
    %dma_start3A_863 = arith.constant 1 : i32
    %dma_start3A_864 = arith.constant 0 : i32
    %dma_start3A_865 = tpu.memref_slice %arg7[%dma_start3A_863, %dma_start3A_864] : memref<2x4096xf32, #tpu.memory_space<vmem>> -> memref<1x4096xf32, #tpu.memory_space<vmem>>
    %dma_start3A_866 = tpu.memref_squeeze %dma_start3A_865 : memref<1x4096xf32, #tpu.memory_space<vmem>> -> memref<4096xf32, #tpu.memory_space<vmem>>
    %dma_start3A_867 = arith.constant 4096 : i32
    %dma_start3A_868 = tpu.memref_slice %arg4[%add3A_801, %dma_start3A_867] : memref<300x16384xf32, #tpu.memory_space<hbm>> -> memref<1x4096xf32, #tpu.memory_space<hbm>>
    %dma_start3A_869 = tpu.memref_squeeze %dma_start3A_868 : memref<1x4096xf32, #tpu.memory_space<hbm>> -> memref<4096xf32, #tpu.memory_space<hbm>>
    %dma_start3A_870 = arith.constant 4096 : i32
    %dma_start3A_871 = tpu.memref_slice %arg4[%add3A_801, %dma_start3A_870] : memref<300x16384xf32, #tpu.memory_space<hbm>> -> memref<1x4096xf32, #tpu.memory_space<hbm>>
    %dma_start3A_872 = tpu.memref_squeeze %dma_start3A_871 : memref<1x4096xf32, #tpu.memory_space<hbm>> -> memref<4096xf32, #tpu.memory_space<hbm>>
    %dma_start3A_873 = arith.constant 0 : i32
    %dma_start3A_874 = tpu.memref_slice %arg7[%dma_start3A_863, %dma_start3A_873] : memref<2x4096xf32, #tpu.memory_space<vmem>> -> memref<1x4096xf32, #tpu.memory_space<vmem>>
    %dma_start3A_875 = tpu.memref_squeeze %dma_start3A_874 : memref<1x4096xf32, #tpu.memory_space<vmem>> -> memref<4096xf32, #tpu.memory_space<vmem>>
    tpu.enqueue_dma source(%dma_start3A_875 : memref<4096xf32, #tpu.memory_space<vmem>>) target(%dma_start3A_872 : memref<4096xf32, #tpu.memory_space<hbm>>) target_semaphore(%arg9 : memref<!tpu.dma_semaphore, #tpu.memory_space<semaphore_mem>>)
    %dma_wait3A_876 = arith.constant 0 : i32
    %dma_wait3A_877 = arith.constant 0 : i32
    %dma_wait3A_878 = tpu.memref_slice %arg7[%dma_wait3A_876, %dma_wait3A_877] : memref<2x4096xf32, #tpu.memory_space<vmem>> -> memref<1x4096xf32, #tpu.memory_space<vmem>>
    %dma_wait3A_879 = tpu.memref_squeeze %dma_wait3A_878 : memref<1x4096xf32, #tpu.memory_space<vmem>> -> memref<4096xf32, #tpu.memory_space<vmem>>
    %dma_wait3A_880 = arith.constant 0 : i32
    %dma_wait3A_881 = tpu.memref_slice %arg4[%add3A_801, %dma_wait3A_880] : memref<300x16384xf32, #tpu.memory_space<hbm>> -> memref<1x4096xf32, #tpu.memory_space<hbm>>
    %dma_wait3A_882 = tpu.memref_squeeze %dma_wait3A_881 : memref<1x4096xf32, #tpu.memory_space<hbm>> -> memref<4096xf32, #tpu.memory_space<hbm>>
    %dma_wait3A_883 = arith.constant 0 : i32
    %dma_wait3A_884 = tpu.memref_slice %arg4[%add3A_801, %dma_wait3A_883] : memref<300x16384xf32, #tpu.memory_space<hbm>> -> memref<1x4096xf32, #tpu.memory_space<hbm>>
    %dma_wait3A_885 = tpu.memref_squeeze %dma_wait3A_884 : memref<1x4096xf32, #tpu.memory_space<hbm>> -> memref<4096xf32, #tpu.memory_space<hbm>>
    %dma_wait3A_886 = arith.constant 0 : i32
    %dma_wait3A_887 = tpu.memref_slice %arg7[%dma_wait3A_876, %dma_wait3A_886] : memref<2x4096xf32, #tpu.memory_space<vmem>> -> memref<1x4096xf32, #tpu.memory_space<vmem>>
    %dma_wait3A_888 = tpu.memref_squeeze %dma_wait3A_887 : memref<1x4096xf32, #tpu.memory_space<vmem>> -> memref<4096xf32, #tpu.memory_space<vmem>>
    tpu.wait_dma2 semaphore(%arg9 : memref<!tpu.dma_semaphore, #tpu.memory_space<semaphore_mem>>) src(%dma_wait3A_888 : memref<4096xf32, #tpu.memory_space<vmem>>) dst(%dma_wait3A_885 : memref<4096xf32, #tpu.memory_space<hbm>>)
    %scan3A_889 = arith.constant 0 : i32
    %scan3A_890 = arith.constant 256 : i32
    %scan3A_891 = arith.addi %scan3A_889, %scan3A_890 : i32
    %scan3A_892 = arith.constant 1 : i32
    scf.for %scan3A_1242 = %scan3A_889 to %scan3A_891 step %scan3A_892  : i32 {
      %mul3A_1243 = arith.constant 16 : i32
      %mul3A_1244 = arith.muli %scan3A_1242, %mul3A_1243 : i32
      %add3A_1245 = arith.constant 8192 : i32
      %add3A_1246 = arith.addi %add3A_1245, %mul3A_1244 : i32
      %get3A = arith.index_cast %add3A_1246 : i32 to index
      %get3A_1247 = tpu.vector_load %arg5[%get3A] {strides = array<i32>} : memref<16384xi32, #tpu.memory_space<vmem>>, vector<16xi32>,
      %gather3A = tpu.vector_load_idx %arg6[%get3A_1247] : memref<100000xf32, #tpu.memory_space<vmem>>[vector<16xi32>], vector<16xf32>,
      %mul3A_1248 = arith.constant 16 : i32
      %mul3A_1249 = arith.muli %scan3A_1242, %mul3A_1248 : i32
      %swap3A = arith.constant 0 : i32
      %swap3A_1250 = arith.index_cast %swap3A : i32 to index
      %swap3A_1251 = arith.index_cast %mul3A_1249 : i32 to index
      %swap3A_1252 = tpu.vector_load %arg7[%swap3A_1250, %swap3A_1251] {strides = array<i32>} : memref<2x4096xf32, #tpu.memory_space<vmem>>, vector<16xf32>,
      tpu.vector_store %arg7[%swap3A_1250, %swap3A_1251], %gather3A {strides = array<i32>} : memref<2x4096xf32, #tpu.memory_space<vmem>>, vector<16xf32>,
    }
    %scan3A_893 = arith.constant 256 : i32
    %dma_start3A_894 = arith.constant 0 : i32
    %dma_start3A_895 = arith.constant 0 : i32
    %dma_start3A_896 = tpu.memref_slice %arg7[%dma_start3A_894, %dma_start3A_895] : memref<2x4096xf32, #tpu.memory_space<vmem>> -> memref<1x4096xf32, #tpu.memory_space<vmem>>
    %dma_start3A_897 = tpu.memref_squeeze %dma_start3A_896 : memref<1x4096xf32, #tpu.memory_space<vmem>> -> memref<4096xf32, #tpu.memory_space<vmem>>
    %dma_start3A_898 = arith.constant 8192 : i32
    %dma_start3A_899 = tpu.memref_slice %arg4[%add3A_801, %dma_start3A_898] : memref<300x16384xf32, #tpu.memory_space<hbm>> -> memref<1x4096xf32, #tpu.memory_space<hbm>>
    %dma_start3A_900 = tpu.memref_squeeze %dma_start3A_899 : memref<1x4096xf32, #tpu.memory_space<hbm>> -> memref<4096xf32, #tpu.memory_space<hbm>>
    %dma_start3A_901 = arith.constant 8192 : i32
    %dma_start3A_902 = tpu.memref_slice %arg4[%add3A_801, %dma_start3A_901] : memref<300x16384xf32, #tpu.memory_space<hbm>> -> memref<1x4096xf32, #tpu.memory_space<hbm>>
    %dma_start3A_903 = tpu.memref_squeeze %dma_start3A_902 : memref<1x4096xf32, #tpu.memory_space<hbm>> -> memref<4096xf32, #tpu.memory_space<hbm>>
    %dma_start3A_904 = arith.constant 0 : i32
    %dma_start3A_905 = tpu.memref_slice %arg7[%dma_start3A_894, %dma_start3A_904] : memref<2x4096xf32, #tpu.memory_space<vmem>> -> memref<1x4096xf32, #tpu.memory_space<vmem>>
    %dma_start3A_906 = tpu.memref_squeeze %dma_start3A_905 : memref<1x4096xf32, #tpu.memory_space<vmem>> -> memref<4096xf32, #tpu.memory_space<vmem>>
    tpu.enqueue_dma source(%dma_start3A_906 : memref<4096xf32, #tpu.memory_space<vmem>>) target(%dma_start3A_903 : memref<4096xf32, #tpu.memory_space<hbm>>) target_semaphore(%arg9 : memref<!tpu.dma_semaphore, #tpu.memory_space<semaphore_mem>>)
    %dma_wait3A_907 = arith.constant 1 : i32
    %dma_wait3A_908 = arith.constant 0 : i32
    %dma_wait3A_909 = tpu.memref_slice %arg7[%dma_wait3A_907, %dma_wait3A_908] : memref<2x4096xf32, #tpu.memory_space<vmem>> -> memref<1x4096xf32, #tpu.memory_space<vmem>>
    %dma_wait3A_910 = tpu.memref_squeeze %dma_wait3A_909 : memref<1x4096xf32, #tpu.memory_space<vmem>> -> memref<4096xf32, #tpu.memory_space<vmem>>
    %dma_wait3A_911 = arith.constant 4096 : i32
    %dma_wait3A_912 = tpu.memref_slice %arg4[%add3A_801, %dma_wait3A_911] : memref<300x16384xf32, #tpu.memory_space<hbm>> -> memref<1x4096xf32, #tpu.memory_space<hbm>>
    %dma_wait3A_913 = tpu.memref_squeeze %dma_wait3A_912 : memref<1x4096xf32, #tpu.memory_space<hbm>> -> memref<4096xf32, #tpu.memory_space<hbm>>
    %dma_wait3A_914 = arith.constant 4096 : i32
    %dma_wait3A_915 = tpu.memref_slice %arg4[%add3A_801, %dma_wait3A_914] : memref<300x16384xf32, #tpu.memory_space<hbm>> -> memref<1x4096xf32, #tpu.memory_space<hbm>>
    %dma_wait3A_916 = tpu.memref_squeeze %dma_wait3A_915 : memref<1x4096xf32, #tpu.memory_space<hbm>> -> memref<4096xf32, #tpu.memory_space<hbm>>
    %dma_wait3A_917 = arith.constant 0 : i32
    %dma_wait3A_918 = tpu.memref_slice %arg7[%dma_wait3A_907, %dma_wait3A_917] : memref<2x4096xf32, #tpu.memory_space<vmem>> -> memref<1x4096xf32, #tpu.memory_space<vmem>>
    %dma_wait3A_919 = tpu.memref_squeeze %dma_wait3A_918 : memref<1x4096xf32, #tpu.memory_space<vmem>> -> memref<4096xf32, #tpu.memory_space<vmem>>
    tpu.wait_dma2 semaphore(%arg9 : memref<!tpu.dma_semaphore, #tpu.memory_space<semaphore_mem>>) src(%dma_wait3A_919 : memref<4096xf32, #tpu.memory_space<vmem>>) dst(%dma_wait3A_916 : memref<4096xf32, #tpu.memory_space<hbm>>)
    %scan3A_920 = arith.constant 0 : i32
    %scan3A_921 = arith.constant 256 : i32
    %scan3A_922 = arith.addi %scan3A_920, %scan3A_921 : i32
    %scan3A_923 = arith.constant 1 : i32
    scf.for %scan3A_1242 = %scan3A_920 to %scan3A_922 step %scan3A_923  : i32 {
      %mul3A_1243 = arith.constant 16 : i32
      %mul3A_1244 = arith.muli %scan3A_1242, %mul3A_1243 : i32
      %add3A_1245 = arith.constant 12288 : i32
      %add3A_1246 = arith.addi %add3A_1245, %mul3A_1244 : i32
      %get3A = arith.index_cast %add3A_1246 : i32 to index
      %get3A_1247 = tpu.vector_load %arg5[%get3A] {strides = array<i32>} : memref<16384xi32, #tpu.memory_space<vmem>>, vector<16xi32>,
      %gather3A = tpu.vector_load_idx %arg6[%get3A_1247] : memref<100000xf32, #tpu.memory_space<vmem>>[vector<16xi32>], vector<16xf32>,
      %mul3A_1248 = arith.constant 16 : i32
      %mul3A_1249 = arith.muli %scan3A_1242, %mul3A_1248 : i32
      %swap3A = arith.constant 1 : i32
      %swap3A_1250 = arith.index_cast %swap3A : i32 to index
      %swap3A_1251 = arith.index_cast %mul3A_1249 : i32 to index
      %swap3A_1252 = tpu.vector_load %arg7[%swap3A_1250, %swap3A_1251] {strides = array<i32>} : memref<2x4096xf32, #tpu.memory_space<vmem>>, vector<16xf32>,
      tpu.vector_store %arg7[%swap3A_1250, %swap3A_1251], %gather3A {strides = array<i32>} : memref<2x4096xf32, #tpu.memory_space<vmem>>, vector<16xf32>,
    }
    %scan3A_924 = arith.constant 256 : i32
    %dma_start3A_925 = arith.constant 1 : i32
    %dma_start3A_926 = arith.constant 0 : i32
    %dma_start3A_927 = tpu.memref_slice %arg7[%dma_start3A_925, %dma_start3A_926] : memref<2x4096xf32, #tpu.memory_space<vmem>> -> memref<1x4096xf32, #tpu.memory_space<vmem>>
    %dma_start3A_928 = tpu.memref_squeeze %dma_start3A_927 : memref<1x4096xf32, #tpu.memory_space<vmem>> -> memref<4096xf32, #tpu.memory_space<vmem>>
    %dma_start3A_929 = arith.constant 12288 : i32
    %dma_start3A_930 = tpu.memref_slice %arg4[%add3A_801, %dma_start3A_929] : memref<300x16384xf32, #tpu.memory_space<hbm>> -> memref<1x4096xf32, #tpu.memory_space<hbm>>
    %dma_start3A_931 = tpu.memref_squeeze %dma_start3A_930 : memref<1x4096xf32, #tpu.memory_space<hbm>> -> memref<4096xf32, #tpu.memory_space<hbm>>
    %dma_start3A_932 = arith.constant 12288 : i32
    %dma_start3A_933 = tpu.memref_slice %arg4[%add3A_801, %dma_start3A_932] : memref<300x16384xf32, #tpu.memory_space<hbm>> -> memref<1x4096xf32, #tpu.memory_space<hbm>>
    %dma_start3A_934 = tpu.memref_squeeze %dma_start3A_933 : memref<1x4096xf32, #tpu.memory_space<hbm>> -> memref<4096xf32, #tpu.memory_space<hbm>>
    %dma_start3A_935 = arith.constant 0 : i32
    %dma_start3A_936 = tpu.memref_slice %arg7[%dma_start3A_925, %dma_start3A_935] : memref<2x4096xf32, #tpu.memory_space<vmem>> -> memref<1x4096xf32, #tpu.memory_space<vmem>>
    %dma_start3A_937 = tpu.memref_squeeze %dma_start3A_936 : memref<1x4096xf32, #tpu.memory_space<vmem>> -> memref<4096xf32, #tpu.memory_space<vmem>>
    tpu.enqueue_dma source(%dma_start3A_937 : memref<4096xf32, #tpu.memory_space<vmem>>) target(%dma_start3A_934 : memref<4096xf32, #tpu.memory_space<hbm>>) target_semaphore(%arg9 : memref<!tpu.dma_semaphore, #tpu.memory_space<semaphore_mem>>)
    %add3A_938 = arith.constant 224 : i32
    %add3A_939 = arith.addi %add3A, %add3A_938 : i32
    %dma_start3A_940 = arith.constant 0 : i32
    %dma_start3A_941 = tpu.memref_slice %arg2[%add3A_939, %dma_start3A_940] : memref<300x100000xf32, #tpu.memory_space<hbm>> -> memref<1x100000xf32, #tpu.memory_space<hbm>>
    %dma_start3A_942 = tpu.memref_squeeze %dma_start3A_941 : memref<1x100000xf32, #tpu.memory_space<hbm>> -> memref<100000xf32, #tpu.memory_space<hbm>>
    %dma_start3A_943 = arith.constant 0 : i32
    %dma_start3A_944 = tpu.memref_slice %arg2[%add3A_939, %dma_start3A_943] : memref<300x100000xf32, #tpu.memory_space<hbm>> -> memref<1x100000xf32, #tpu.memory_space<hbm>>
    %dma_start3A_945 = tpu.memref_squeeze %dma_start3A_944 : memref<1x100000xf32, #tpu.memory_space<hbm>> -> memref<100000xf32, #tpu.memory_space<hbm>>
    tpu.enqueue_dma source(%dma_start3A_945 : memref<100000xf32, #tpu.memory_space<hbm>>) target(%arg6 : memref<100000xf32, #tpu.memory_space<vmem>>) target_semaphore(%arg8 : memref<!tpu.dma_semaphore, #tpu.memory_space<semaphore_mem>>)
    %dma_wait3A_946 = arith.constant 0 : i32
    %dma_wait3A_947 = arith.constant 0 : i32
    %dma_wait3A_948 = tpu.memref_slice %arg7[%dma_wait3A_946, %dma_wait3A_947] : memref<2x4096xf32, #tpu.memory_space<vmem>> -> memref<1x4096xf32, #tpu.memory_space<vmem>>
    %dma_wait3A_949 = tpu.memref_squeeze %dma_wait3A_948 : memref<1x4096xf32, #tpu.memory_space<vmem>> -> memref<4096xf32, #tpu.memory_space<vmem>>
    %dma_wait3A_950 = arith.constant 8192 : i32
    %dma_wait3A_951 = tpu.memref_slice %arg4[%add3A_801, %dma_wait3A_950] : memref<300x16384xf32, #tpu.memory_space<hbm>> -> memref<1x4096xf32, #tpu.memory_space<hbm>>
    %dma_wait3A_952 = tpu.memref_squeeze %dma_wait3A_951 : memref<1x4096xf32, #tpu.memory_space<hbm>> -> memref<4096xf32, #tpu.memory_space<hbm>>
    %dma_wait3A_953 = arith.constant 8192 : i32
    %dma_wait3A_954 = tpu.memref_slice %arg4[%add3A_801, %dma_wait3A_953] : memref<300x16384xf32, #tpu.memory_space<hbm>> -> memref<1x4096xf32, #tpu.memory_space<hbm>>
    %dma_wait3A_955 = tpu.memref_squeeze %dma_wait3A_954 : memref<1x4096xf32, #tpu.memory_space<hbm>> -> memref<4096xf32, #tpu.memory_space<hbm>>
    %dma_wait3A_956 = arith.constant 0 : i32
    %dma_wait3A_957 = tpu.memref_slice %arg7[%dma_wait3A_946, %dma_wait3A_956] : memref<2x4096xf32, #tpu.memory_space<vmem>> -> memref<1x4096xf32, #tpu.memory_space<vmem>>
    %dma_wait3A_958 = tpu.memref_squeeze %dma_wait3A_957 : memref<1x4096xf32, #tpu.memory_space<vmem>> -> memref<4096xf32, #tpu.memory_space<vmem>>
    tpu.wait_dma2 semaphore(%arg9 : memref<!tpu.dma_semaphore, #tpu.memory_space<semaphore_mem>>) src(%dma_wait3A_958 : memref<4096xf32, #tpu.memory_space<vmem>>) dst(%dma_wait3A_955 : memref<4096xf32, #tpu.memory_space<hbm>>)
    %dma_wait3A_959 = arith.constant 1 : i32
    %dma_wait3A_960 = arith.constant 0 : i32
    %dma_wait3A_961 = tpu.memref_slice %arg7[%dma_wait3A_959, %dma_wait3A_960] : memref<2x4096xf32, #tpu.memory_space<vmem>> -> memref<1x4096xf32, #tpu.memory_space<vmem>>
    %dma_wait3A_962 = tpu.memref_squeeze %dma_wait3A_961 : memref<1x4096xf32, #tpu.memory_space<vmem>> -> memref<4096xf32, #tpu.memory_space<vmem>>
    %dma_wait3A_963 = arith.constant 12288 : i32
    %dma_wait3A_964 = tpu.memref_slice %arg4[%add3A_801, %dma_wait3A_963] : memref<300x16384xf32, #tpu.memory_space<hbm>> -> memref<1x4096xf32, #tpu.memory_space<hbm>>
    %dma_wait3A_965 = tpu.memref_squeeze %dma_wait3A_964 : memref<1x4096xf32, #tpu.memory_space<hbm>> -> memref<4096xf32, #tpu.memory_space<hbm>>
    %dma_wait3A_966 = arith.constant 12288 : i32
    %dma_wait3A_967 = tpu.memref_slice %arg4[%add3A_801, %dma_wait3A_966] : memref<300x16384xf32, #tpu.memory_space<hbm>> -> memref<1x4096xf32, #tpu.memory_space<hbm>>
    %dma_wait3A_968 = tpu.memref_squeeze %dma_wait3A_967 : memref<1x4096xf32, #tpu.memory_space<hbm>> -> memref<4096xf32, #tpu.memory_space<hbm>>
    %dma_wait3A_969 = arith.constant 0 : i32
    %dma_wait3A_970 = tpu.memref_slice %arg7[%dma_wait3A_959, %dma_wait3A_969] : memref<2x4096xf32, #tpu.memory_space<vmem>> -> memref<1x4096xf32, #tpu.memory_space<vmem>>
    %dma_wait3A_971 = tpu.memref_squeeze %dma_wait3A_970 : memref<1x4096xf32, #tpu.memory_space<vmem>> -> memref<4096xf32, #tpu.memory_space<vmem>>
    tpu.wait_dma2 semaphore(%arg9 : memref<!tpu.dma_semaphore, #tpu.memory_space<semaphore_mem>>) src(%dma_wait3A_971 : memref<4096xf32, #tpu.memory_space<vmem>>) dst(%dma_wait3A_968 : memref<4096xf32, #tpu.memory_space<hbm>>)
    %dma_wait3A_972 = arith.constant 0 : i32
    %dma_wait3A_973 = tpu.memref_slice %arg2[%add3A_939, %dma_wait3A_972] : memref<300x100000xf32, #tpu.memory_space<hbm>> -> memref<1x100000xf32, #tpu.memory_space<hbm>>
    %dma_wait3A_974 = tpu.memref_squeeze %dma_wait3A_973 : memref<1x100000xf32, #tpu.memory_space<hbm>> -> memref<100000xf32, #tpu.memory_space<hbm>>
    %dma_wait3A_975 = arith.constant 0 : i32
    %dma_wait3A_976 = tpu.memref_slice %arg2[%add3A_939, %dma_wait3A_975] : memref<300x100000xf32, #tpu.memory_space<hbm>> -> memref<1x100000xf32, #tpu.memory_space<hbm>>
    %dma_wait3A_977 = tpu.memref_squeeze %dma_wait3A_976 : memref<1x100000xf32, #tpu.memory_space<hbm>> -> memref<100000xf32, #tpu.memory_space<hbm>>
    tpu.wait_dma2 semaphore(%arg8 : memref<!tpu.dma_semaphore, #tpu.memory_space<semaphore_mem>>) src(%dma_wait3A_977 : memref<100000xf32, #tpu.memory_space<hbm>>) dst(%arg6 : memref<100000xf32, #tpu.memory_space<vmem>>)
    %scan3A_978 = arith.constant 0 : i32
    %scan3A_979 = arith.constant 256 : i32
    %scan3A_980 = arith.addi %scan3A_978, %scan3A_979 : i32
    %scan3A_981 = arith.constant 1 : i32
    scf.for %scan3A_1242 = %scan3A_978 to %scan3A_980 step %scan3A_981  : i32 {
      %mul3A_1243 = arith.constant 16 : i32
      %mul3A_1244 = arith.muli %scan3A_1242, %mul3A_1243 : i32
      %add3A_1245 = arith.constant 0 : i32
      %add3A_1246 = arith.addi %add3A_1245, %mul3A_1244 : i32
      %get3A = arith.index_cast %add3A_1246 : i32 to index
      %get3A_1247 = tpu.vector_load %arg5[%get3A] {strides = array<i32>} : memref<16384xi32, #tpu.memory_space<vmem>>, vector<16xi32>,
      %gather3A = tpu.vector_load_idx %arg6[%get3A_1247] : memref<100000xf32, #tpu.memory_space<vmem>>[vector<16xi32>], vector<16xf32>,
      %mul3A_1248 = arith.constant 16 : i32
      %mul3A_1249 = arith.muli %scan3A_1242, %mul3A_1248 : i32
      %swap3A = arith.constant 0 : i32
      %swap3A_1250 = arith.index_cast %swap3A : i32 to index
      %swap3A_1251 = arith.index_cast %mul3A_1249 : i32 to index
      %swap3A_1252 = tpu.vector_load %arg7[%swap3A_1250, %swap3A_1251] {strides = array<i32>} : memref<2x4096xf32, #tpu.memory_space<vmem>>, vector<16xf32>,
      tpu.vector_store %arg7[%swap3A_1250, %swap3A_1251], %gather3A {strides = array<i32>} : memref<2x4096xf32, #tpu.memory_space<vmem>>, vector<16xf32>,
    }
    %scan3A_982 = arith.constant 256 : i32
    %dma_start3A_983 = arith.constant 0 : i32
    %dma_start3A_984 = arith.constant 0 : i32
    %dma_start3A_985 = tpu.memref_slice %arg7[%dma_start3A_983, %dma_start3A_984] : memref<2x4096xf32, #tpu.memory_space<vmem>> -> memref<1x4096xf32, #tpu.memory_space<vmem>>
    %dma_start3A_986 = tpu.memref_squeeze %dma_start3A_985 : memref<1x4096xf32, #tpu.memory_space<vmem>> -> memref<4096xf32, #tpu.memory_space<vmem>>
    %dma_start3A_987 = arith.constant 0 : i32
    %dma_start3A_988 = tpu.memref_slice %arg4[%add3A_939, %dma_start3A_987] : memref<300x16384xf32, #tpu.memory_space<hbm>> -> memref<1x4096xf32, #tpu.memory_space<hbm>>
    %dma_start3A_989 = tpu.memref_squeeze %dma_start3A_988 : memref<1x4096xf32, #tpu.memory_space<hbm>> -> memref<4096xf32, #tpu.memory_space<hbm>>
    %dma_start3A_990 = arith.constant 0 : i32
    %dma_start3A_991 = tpu.memref_slice %arg4[%add3A_939, %dma_start3A_990] : memref<300x16384xf32, #tpu.memory_space<hbm>> -> memref<1x4096xf32, #tpu.memory_space<hbm>>
    %dma_start3A_992 = tpu.memref_squeeze %dma_start3A_991 : memref<1x4096xf32, #tpu.memory_space<hbm>> -> memref<4096xf32, #tpu.memory_space<hbm>>
    %dma_start3A_993 = arith.constant 0 : i32
    %dma_start3A_994 = tpu.memref_slice %arg7[%dma_start3A_983, %dma_start3A_993] : memref<2x4096xf32, #tpu.memory_space<vmem>> -> memref<1x4096xf32, #tpu.memory_space<vmem>>
    %dma_start3A_995 = tpu.memref_squeeze %dma_start3A_994 : memref<1x4096xf32, #tpu.memory_space<vmem>> -> memref<4096xf32, #tpu.memory_space<vmem>>
    tpu.enqueue_dma source(%dma_start3A_995 : memref<4096xf32, #tpu.memory_space<vmem>>) target(%dma_start3A_992 : memref<4096xf32, #tpu.memory_space<hbm>>) target_semaphore(%arg9 : memref<!tpu.dma_semaphore, #tpu.memory_space<semaphore_mem>>)
    %scan3A_996 = arith.constant 0 : i32
    %scan3A_997 = arith.constant 256 : i32
    %scan3A_998 = arith.addi %scan3A_996, %scan3A_997 : i32
    %scan3A_999 = arith.constant 1 : i32
    scf.for %scan3A_1242 = %scan3A_996 to %scan3A_998 step %scan3A_999  : i32 {
      %mul3A_1243 = arith.constant 16 : i32
      %mul3A_1244 = arith.muli %scan3A_1242, %mul3A_1243 : i32
      %add3A_1245 = arith.constant 4096 : i32
      %add3A_1246 = arith.addi %add3A_1245, %mul3A_1244 : i32
      %get3A = arith.index_cast %add3A_1246 : i32 to index
      %get3A_1247 = tpu.vector_load %arg5[%get3A] {strides = array<i32>} : memref<16384xi32, #tpu.memory_space<vmem>>, vector<16xi32>,
      %gather3A = tpu.vector_load_idx %arg6[%get3A_1247] : memref<100000xf32, #tpu.memory_space<vmem>>[vector<16xi32>], vector<16xf32>,
      %mul3A_1248 = arith.constant 16 : i32
      %mul3A_1249 = arith.muli %scan3A_1242, %mul3A_1248 : i32
      %swap3A = arith.constant 1 : i32
      %swap3A_1250 = arith.index_cast %swap3A : i32 to index
      %swap3A_1251 = arith.index_cast %mul3A_1249 : i32 to index
      %swap3A_1252 = tpu.vector_load %arg7[%swap3A_1250, %swap3A_1251] {strides = array<i32>} : memref<2x4096xf32, #tpu.memory_space<vmem>>, vector<16xf32>,
      tpu.vector_store %arg7[%swap3A_1250, %swap3A_1251], %gather3A {strides = array<i32>} : memref<2x4096xf32, #tpu.memory_space<vmem>>, vector<16xf32>,
    }
    %scan3A_1000 = arith.constant 256 : i32
    %dma_start3A_1001 = arith.constant 1 : i32
    %dma_start3A_1002 = arith.constant 0 : i32
    %dma_start3A_1003 = tpu.memref_slice %arg7[%dma_start3A_1001, %dma_start3A_1002] : memref<2x4096xf32, #tpu.memory_space<vmem>> -> memref<1x4096xf32, #tpu.memory_space<vmem>>
    %dma_start3A_1004 = tpu.memref_squeeze %dma_start3A_1003 : memref<1x4096xf32, #tpu.memory_space<vmem>> -> memref<4096xf32, #tpu.memory_space<vmem>>
    %dma_start3A_1005 = arith.constant 4096 : i32
    %dma_start3A_1006 = tpu.memref_slice %arg4[%add3A_939, %dma_start3A_1005] : memref<300x16384xf32, #tpu.memory_space<hbm>> -> memref<1x4096xf32, #tpu.memory_space<hbm>>
    %dma_start3A_1007 = tpu.memref_squeeze %dma_start3A_1006 : memref<1x4096xf32, #tpu.memory_space<hbm>> -> memref<4096xf32, #tpu.memory_space<hbm>>
    %dma_start3A_1008 = arith.constant 4096 : i32
    %dma_start3A_1009 = tpu.memref_slice %arg4[%add3A_939, %dma_start3A_1008] : memref<300x16384xf32, #tpu.memory_space<hbm>> -> memref<1x4096xf32, #tpu.memory_space<hbm>>
    %dma_start3A_1010 = tpu.memref_squeeze %dma_start3A_1009 : memref<1x4096xf32, #tpu.memory_space<hbm>> -> memref<4096xf32, #tpu.memory_space<hbm>>
    %dma_start3A_1011 = arith.constant 0 : i32
    %dma_start3A_1012 = tpu.memref_slice %arg7[%dma_start3A_1001, %dma_start3A_1011] : memref<2x4096xf32, #tpu.memory_space<vmem>> -> memref<1x4096xf32, #tpu.memory_space<vmem>>
    %dma_start3A_1013 = tpu.memref_squeeze %dma_start3A_1012 : memref<1x4096xf32, #tpu.memory_space<vmem>> -> memref<4096xf32, #tpu.memory_space<vmem>>
    tpu.enqueue_dma source(%dma_start3A_1013 : memref<4096xf32, #tpu.memory_space<vmem>>) target(%dma_start3A_1010 : memref<4096xf32, #tpu.memory_space<hbm>>) target_semaphore(%arg9 : memref<!tpu.dma_semaphore, #tpu.memory_space<semaphore_mem>>)
    %dma_wait3A_1014 = arith.constant 0 : i32
    %dma_wait3A_1015 = arith.constant 0 : i32
    %dma_wait3A_1016 = tpu.memref_slice %arg7[%dma_wait3A_1014, %dma_wait3A_1015] : memref<2x4096xf32, #tpu.memory_space<vmem>> -> memref<1x4096xf32, #tpu.memory_space<vmem>>
    %dma_wait3A_1017 = tpu.memref_squeeze %dma_wait3A_1016 : memref<1x4096xf32, #tpu.memory_space<vmem>> -> memref<4096xf32, #tpu.memory_space<vmem>>
    %dma_wait3A_1018 = arith.constant 0 : i32
    %dma_wait3A_1019 = tpu.memref_slice %arg4[%add3A_939, %dma_wait3A_1018] : memref<300x16384xf32, #tpu.memory_space<hbm>> -> memref<1x4096xf32, #tpu.memory_space<hbm>>
    %dma_wait3A_1020 = tpu.memref_squeeze %dma_wait3A_1019 : memref<1x4096xf32, #tpu.memory_space<hbm>> -> memref<4096xf32, #tpu.memory_space<hbm>>
    %dma_wait3A_1021 = arith.constant 0 : i32
    %dma_wait3A_1022 = tpu.memref_slice %arg4[%add3A_939, %dma_wait3A_1021] : memref<300x16384xf32, #tpu.memory_space<hbm>> -> memref<1x4096xf32, #tpu.memory_space<hbm>>
    %dma_wait3A_1023 = tpu.memref_squeeze %dma_wait3A_1022 : memref<1x4096xf32, #tpu.memory_space<hbm>> -> memref<4096xf32, #tpu.memory_space<hbm>>
    %dma_wait3A_1024 = arith.constant 0 : i32
    %dma_wait3A_1025 = tpu.memref_slice %arg7[%dma_wait3A_1014, %dma_wait3A_1024] : memref<2x4096xf32, #tpu.memory_space<vmem>> -> memref<1x4096xf32, #tpu.memory_space<vmem>>
    %dma_wait3A_1026 = tpu.memref_squeeze %dma_wait3A_1025 : memref<1x4096xf32, #tpu.memory_space<vmem>> -> memref<4096xf32, #tpu.memory_space<vmem>>
    tpu.wait_dma2 semaphore(%arg9 : memref<!tpu.dma_semaphore, #tpu.memory_space<semaphore_mem>>) src(%dma_wait3A_1026 : memref<4096xf32, #tpu.memory_space<vmem>>) dst(%dma_wait3A_1023 : memref<4096xf32, #tpu.memory_space<hbm>>)
    %scan3A_1027 = arith.constant 0 : i32
    %scan3A_1028 = arith.constant 256 : i32
    %scan3A_1029 = arith.addi %scan3A_1027, %scan3A_1028 : i32
    %scan3A_1030 = arith.constant 1 : i32
    scf.for %scan3A_1242 = %scan3A_1027 to %scan3A_1029 step %scan3A_1030  : i32 {
      %mul3A_1243 = arith.constant 16 : i32
      %mul3A_1244 = arith.muli %scan3A_1242, %mul3A_1243 : i32
      %add3A_1245 = arith.constant 8192 : i32
      %add3A_1246 = arith.addi %add3A_1245, %mul3A_1244 : i32
      %get3A = arith.index_cast %add3A_1246 : i32 to index
      %get3A_1247 = tpu.vector_load %arg5[%get3A] {strides = array<i32>} : memref<16384xi32, #tpu.memory_space<vmem>>, vector<16xi32>,
      %gather3A = tpu.vector_load_idx %arg6[%get3A_1247] : memref<100000xf32, #tpu.memory_space<vmem>>[vector<16xi32>], vector<16xf32>,
      %mul3A_1248 = arith.constant 16 : i32
      %mul3A_1249 = arith.muli %scan3A_1242, %mul3A_1248 : i32
      %swap3A = arith.constant 0 : i32
      %swap3A_1250 = arith.index_cast %swap3A : i32 to index
      %swap3A_1251 = arith.index_cast %mul3A_1249 : i32 to index
      %swap3A_1252 = tpu.vector_load %arg7[%swap3A_1250, %swap3A_1251] {strides = array<i32>} : memref<2x4096xf32, #tpu.memory_space<vmem>>, vector<16xf32>,
      tpu.vector_store %arg7[%swap3A_1250, %swap3A_1251], %gather3A {strides = array<i32>} : memref<2x4096xf32, #tpu.memory_space<vmem>>, vector<16xf32>,
    }
    %scan3A_1031 = arith.constant 256 : i32
    %dma_start3A_1032 = arith.constant 0 : i32
    %dma_start3A_1033 = arith.constant 0 : i32
    %dma_start3A_1034 = tpu.memref_slice %arg7[%dma_start3A_1032, %dma_start3A_1033] : memref<2x4096xf32, #tpu.memory_space<vmem>> -> memref<1x4096xf32, #tpu.memory_space<vmem>>
    %dma_start3A_1035 = tpu.memref_squeeze %dma_start3A_1034 : memref<1x4096xf32, #tpu.memory_space<vmem>> -> memref<4096xf32, #tpu.memory_space<vmem>>
    %dma_start3A_1036 = arith.constant 8192 : i32
    %dma_start3A_1037 = tpu.memref_slice %arg4[%add3A_939, %dma_start3A_1036] : memref<300x16384xf32, #tpu.memory_space<hbm>> -> memref<1x4096xf32, #tpu.memory_space<hbm>>
    %dma_start3A_1038 = tpu.memref_squeeze %dma_start3A_1037 : memref<1x4096xf32, #tpu.memory_space<hbm>> -> memref<4096xf32, #tpu.memory_space<hbm>>
    %dma_start3A_1039 = arith.constant 8192 : i32
    %dma_start3A_1040 = tpu.memref_slice %arg4[%add3A_939, %dma_start3A_1039] : memref<300x16384xf32, #tpu.memory_space<hbm>> -> memref<1x4096xf32, #tpu.memory_space<hbm>>
    %dma_start3A_1041 = tpu.memref_squeeze %dma_start3A_1040 : memref<1x4096xf32, #tpu.memory_space<hbm>> -> memref<4096xf32, #tpu.memory_space<hbm>>
    %dma_start3A_1042 = arith.constant 0 : i32
    %dma_start3A_1043 = tpu.memref_slice %arg7[%dma_start3A_1032, %dma_start3A_1042] : memref<2x4096xf32, #tpu.memory_space<vmem>> -> memref<1x4096xf32, #tpu.memory_space<vmem>>
    %dma_start3A_1044 = tpu.memref_squeeze %dma_start3A_1043 : memref<1x4096xf32, #tpu.memory_space<vmem>> -> memref<4096xf32, #tpu.memory_space<vmem>>
    tpu.enqueue_dma source(%dma_start3A_1044 : memref<4096xf32, #tpu.memory_space<vmem>>) target(%dma_start3A_1041 : memref<4096xf32, #tpu.memory_space<hbm>>) target_semaphore(%arg9 : memref<!tpu.dma_semaphore, #tpu.memory_space<semaphore_mem>>)
    %dma_wait3A_1045 = arith.constant 1 : i32
    %dma_wait3A_1046 = arith.constant 0 : i32
    %dma_wait3A_1047 = tpu.memref_slice %arg7[%dma_wait3A_1045, %dma_wait3A_1046] : memref<2x4096xf32, #tpu.memory_space<vmem>> -> memref<1x4096xf32, #tpu.memory_space<vmem>>
    %dma_wait3A_1048 = tpu.memref_squeeze %dma_wait3A_1047 : memref<1x4096xf32, #tpu.memory_space<vmem>> -> memref<4096xf32, #tpu.memory_space<vmem>>
    %dma_wait3A_1049 = arith.constant 4096 : i32
    %dma_wait3A_1050 = tpu.memref_slice %arg4[%add3A_939, %dma_wait3A_1049] : memref<300x16384xf32, #tpu.memory_space<hbm>> -> memref<1x4096xf32, #tpu.memory_space<hbm>>
    %dma_wait3A_1051 = tpu.memref_squeeze %dma_wait3A_1050 : memref<1x4096xf32, #tpu.memory_space<hbm>> -> memref<4096xf32, #tpu.memory_space<hbm>>
    %dma_wait3A_1052 = arith.constant 4096 : i32
    %dma_wait3A_1053 = tpu.memref_slice %arg4[%add3A_939, %dma_wait3A_1052] : memref<300x16384xf32, #tpu.memory_space<hbm>> -> memref<1x4096xf32, #tpu.memory_space<hbm>>
    %dma_wait3A_1054 = tpu.memref_squeeze %dma_wait3A_1053 : memref<1x4096xf32, #tpu.memory_space<hbm>> -> memref<4096xf32, #tpu.memory_space<hbm>>
    %dma_wait3A_1055 = arith.constant 0 : i32
    %dma_wait3A_1056 = tpu.memref_slice %arg7[%dma_wait3A_1045, %dma_wait3A_1055] : memref<2x4096xf32, #tpu.memory_space<vmem>> -> memref<1x4096xf32, #tpu.memory_space<vmem>>
    %dma_wait3A_1057 = tpu.memref_squeeze %dma_wait3A_1056 : memref<1x4096xf32, #tpu.memory_space<vmem>> -> memref<4096xf32, #tpu.memory_space<vmem>>
    tpu.wait_dma2 semaphore(%arg9 : memref<!tpu.dma_semaphore, #tpu.memory_space<semaphore_mem>>) src(%dma_wait3A_1057 : memref<4096xf32, #tpu.memory_space<vmem>>) dst(%dma_wait3A_1054 : memref<4096xf32, #tpu.memory_space<hbm>>)
    %scan3A_1058 = arith.constant 0 : i32
    %scan3A_1059 = arith.constant 256 : i32
    %scan3A_1060 = arith.addi %scan3A_1058, %scan3A_1059 : i32
    %scan3A_1061 = arith.constant 1 : i32
    scf.for %scan3A_1242 = %scan3A_1058 to %scan3A_1060 step %scan3A_1061  : i32 {
      %mul3A_1243 = arith.constant 16 : i32
      %mul3A_1244 = arith.muli %scan3A_1242, %mul3A_1243 : i32
      %add3A_1245 = arith.constant 12288 : i32
      %add3A_1246 = arith.addi %add3A_1245, %mul3A_1244 : i32
      %get3A = arith.index_cast %add3A_1246 : i32 to index
      %get3A_1247 = tpu.vector_load %arg5[%get3A] {strides = array<i32>} : memref<16384xi32, #tpu.memory_space<vmem>>, vector<16xi32>,
      %gather3A = tpu.vector_load_idx %arg6[%get3A_1247] : memref<100000xf32, #tpu.memory_space<vmem>>[vector<16xi32>], vector<16xf32>,
      %mul3A_1248 = arith.constant 16 : i32
      %mul3A_1249 = arith.muli %scan3A_1242, %mul3A_1248 : i32
      %swap3A = arith.constant 1 : i32
      %swap3A_1250 = arith.index_cast %swap3A : i32 to index
      %swap3A_1251 = arith.index_cast %mul3A_1249 : i32 to index
      %swap3A_1252 = tpu.vector_load %arg7[%swap3A_1250, %swap3A_1251] {strides = array<i32>} : memref<2x4096xf32, #tpu.memory_space<vmem>>, vector<16xf32>,
      tpu.vector_store %arg7[%swap3A_1250, %swap3A_1251], %gather3A {strides = array<i32>} : memref<2x4096xf32, #tpu.memory_space<vmem>>, vector<16xf32>,
    }
    %scan3A_1062 = arith.constant 256 : i32
    %dma_start3A_1063 = arith.constant 1 : i32
    %dma_start3A_1064 = arith.constant 0 : i32
    %dma_start3A_1065 = tpu.memref_slice %arg7[%dma_start3A_1063, %dma_start3A_1064] : memref<2x4096xf32, #tpu.memory_space<vmem>> -> memref<1x4096xf32, #tpu.memory_space<vmem>>
    %dma_start3A_1066 = tpu.memref_squeeze %dma_start3A_1065 : memref<1x4096xf32, #tpu.memory_space<vmem>> -> memref<4096xf32, #tpu.memory_space<vmem>>
    %dma_start3A_1067 = arith.constant 12288 : i32
    %dma_start3A_1068 = tpu.memref_slice %arg4[%add3A_939, %dma_start3A_1067] : memref<300x16384xf32, #tpu.memory_space<hbm>> -> memref<1x4096xf32, #tpu.memory_space<hbm>>
    %dma_start3A_1069 = tpu.memref_squeeze %dma_start3A_1068 : memref<1x4096xf32, #tpu.memory_space<hbm>> -> memref<4096xf32, #tpu.memory_space<hbm>>
    %dma_start3A_1070 = arith.constant 12288 : i32
    %dma_start3A_1071 = tpu.memref_slice %arg4[%add3A_939, %dma_start3A_1070] : memref<300x16384xf32, #tpu.memory_space<hbm>> -> memref<1x4096xf32, #tpu.memory_space<hbm>>
    %dma_start3A_1072 = tpu.memref_squeeze %dma_start3A_1071 : memref<1x4096xf32, #tpu.memory_space<hbm>> -> memref<4096xf32, #tpu.memory_space<hbm>>
    %dma_start3A_1073 = arith.constant 0 : i32
    %dma_start3A_1074 = tpu.memref_slice %arg7[%dma_start3A_1063, %dma_start3A_1073] : memref<2x4096xf32, #tpu.memory_space<vmem>> -> memref<1x4096xf32, #tpu.memory_space<vmem>>
    %dma_start3A_1075 = tpu.memref_squeeze %dma_start3A_1074 : memref<1x4096xf32, #tpu.memory_space<vmem>> -> memref<4096xf32, #tpu.memory_space<vmem>>
    tpu.enqueue_dma source(%dma_start3A_1075 : memref<4096xf32, #tpu.memory_space<vmem>>) target(%dma_start3A_1072 : memref<4096xf32, #tpu.memory_space<hbm>>) target_semaphore(%arg9 : memref<!tpu.dma_semaphore, #tpu.memory_space<semaphore_mem>>)
    %add3A_1076 = arith.constant 256 : i32
    %add3A_1077 = arith.addi %add3A, %add3A_1076 : i32
    %dma_start3A_1078 = arith.constant 0 : i32
    %dma_start3A_1079 = tpu.memref_slice %arg2[%add3A_1077, %dma_start3A_1078] : memref<300x100000xf32, #tpu.memory_space<hbm>> -> memref<1x100000xf32, #tpu.memory_space<hbm>>
    %dma_start3A_1080 = tpu.memref_squeeze %dma_start3A_1079 : memref<1x100000xf32, #tpu.memory_space<hbm>> -> memref<100000xf32, #tpu.memory_space<hbm>>
    %dma_start3A_1081 = arith.constant 0 : i32
    %dma_start3A_1082 = tpu.memref_slice %arg2[%add3A_1077, %dma_start3A_1081] : memref<300x100000xf32, #tpu.memory_space<hbm>> -> memref<1x100000xf32, #tpu.memory_space<hbm>>
    %dma_start3A_1083 = tpu.memref_squeeze %dma_start3A_1082 : memref<1x100000xf32, #tpu.memory_space<hbm>> -> memref<100000xf32, #tpu.memory_space<hbm>>
    tpu.enqueue_dma source(%dma_start3A_1083 : memref<100000xf32, #tpu.memory_space<hbm>>) target(%arg6 : memref<100000xf32, #tpu.memory_space<vmem>>) target_semaphore(%arg8 : memref<!tpu.dma_semaphore, #tpu.memory_space<semaphore_mem>>)
    %dma_wait3A_1084 = arith.constant 0 : i32
    %dma_wait3A_1085 = arith.constant 0 : i32
    %dma_wait3A_1086 = tpu.memref_slice %arg7[%dma_wait3A_1084, %dma_wait3A_1085] : memref<2x4096xf32, #tpu.memory_space<vmem>> -> memref<1x4096xf32, #tpu.memory_space<vmem>>
    %dma_wait3A_1087 = tpu.memref_squeeze %dma_wait3A_1086 : memref<1x4096xf32, #tpu.memory_space<vmem>> -> memref<4096xf32, #tpu.memory_space<vmem>>
    %dma_wait3A_1088 = arith.constant 8192 : i32
    %dma_wait3A_1089 = tpu.memref_slice %arg4[%add3A_939, %dma_wait3A_1088] : memref<300x16384xf32, #tpu.memory_space<hbm>> -> memref<1x4096xf32, #tpu.memory_space<hbm>>
    %dma_wait3A_1090 = tpu.memref_squeeze %dma_wait3A_1089 : memref<1x4096xf32, #tpu.memory_space<hbm>> -> memref<4096xf32, #tpu.memory_space<hbm>>
    %dma_wait3A_1091 = arith.constant 8192 : i32
    %dma_wait3A_1092 = tpu.memref_slice %arg4[%add3A_939, %dma_wait3A_1091] : memref<300x16384xf32, #tpu.memory_space<hbm>> -> memref<1x4096xf32, #tpu.memory_space<hbm>>
    %dma_wait3A_1093 = tpu.memref_squeeze %dma_wait3A_1092 : memref<1x4096xf32, #tpu.memory_space<hbm>> -> memref<4096xf32, #tpu.memory_space<hbm>>
    %dma_wait3A_1094 = arith.constant 0 : i32
    %dma_wait3A_1095 = tpu.memref_slice %arg7[%dma_wait3A_1084, %dma_wait3A_1094] : memref<2x4096xf32, #tpu.memory_space<vmem>> -> memref<1x4096xf32, #tpu.memory_space<vmem>>
    %dma_wait3A_1096 = tpu.memref_squeeze %dma_wait3A_1095 : memref<1x4096xf32, #tpu.memory_space<vmem>> -> memref<4096xf32, #tpu.memory_space<vmem>>
    tpu.wait_dma2 semaphore(%arg9 : memref<!tpu.dma_semaphore, #tpu.memory_space<semaphore_mem>>) src(%dma_wait3A_1096 : memref<4096xf32, #tpu.memory_space<vmem>>) dst(%dma_wait3A_1093 : memref<4096xf32, #tpu.memory_space<hbm>>)
    %dma_wait3A_1097 = arith.constant 1 : i32
    %dma_wait3A_1098 = arith.constant 0 : i32
    %dma_wait3A_1099 = tpu.memref_slice %arg7[%dma_wait3A_1097, %dma_wait3A_1098] : memref<2x4096xf32, #tpu.memory_space<vmem>> -> memref<1x4096xf32, #tpu.memory_space<vmem>>
    %dma_wait3A_1100 = tpu.memref_squeeze %dma_wait3A_1099 : memref<1x4096xf32, #tpu.memory_space<vmem>> -> memref<4096xf32, #tpu.memory_space<vmem>>
    %dma_wait3A_1101 = arith.constant 12288 : i32
    %dma_wait3A_1102 = tpu.memref_slice %arg4[%add3A_939, %dma_wait3A_1101] : memref<300x16384xf32, #tpu.memory_space<hbm>> -> memref<1x4096xf32, #tpu.memory_space<hbm>>
    %dma_wait3A_1103 = tpu.memref_squeeze %dma_wait3A_1102 : memref<1x4096xf32, #tpu.memory_space<hbm>> -> memref<4096xf32, #tpu.memory_space<hbm>>
    %dma_wait3A_1104 = arith.constant 12288 : i32
    %dma_wait3A_1105 = tpu.memref_slice %arg4[%add3A_939, %dma_wait3A_1104] : memref<300x16384xf32, #tpu.memory_space<hbm>> -> memref<1x4096xf32, #tpu.memory_space<hbm>>
    %dma_wait3A_1106 = tpu.memref_squeeze %dma_wait3A_1105 : memref<1x4096xf32, #tpu.memory_space<hbm>> -> memref<4096xf32, #tpu.memory_space<hbm>>
    %dma_wait3A_1107 = arith.constant 0 : i32
    %dma_wait3A_1108 = tpu.memref_slice %arg7[%dma_wait3A_1097, %dma_wait3A_1107] : memref<2x4096xf32, #tpu.memory_space<vmem>> -> memref<1x4096xf32, #tpu.memory_space<vmem>>
    %dma_wait3A_1109 = tpu.memref_squeeze %dma_wait3A_1108 : memref<1x4096xf32, #tpu.memory_space<vmem>> -> memref<4096xf32, #tpu.memory_space<vmem>>
    tpu.wait_dma2 semaphore(%arg9 : memref<!tpu.dma_semaphore, #tpu.memory_space<semaphore_mem>>) src(%dma_wait3A_1109 : memref<4096xf32, #tpu.memory_space<vmem>>) dst(%dma_wait3A_1106 : memref<4096xf32, #tpu.memory_space<hbm>>)
    %dma_wait3A_1110 = arith.constant 0 : i32
    %dma_wait3A_1111 = tpu.memref_slice %arg2[%add3A_1077, %dma_wait3A_1110] : memref<300x100000xf32, #tpu.memory_space<hbm>> -> memref<1x100000xf32, #tpu.memory_space<hbm>>
    %dma_wait3A_1112 = tpu.memref_squeeze %dma_wait3A_1111 : memref<1x100000xf32, #tpu.memory_space<hbm>> -> memref<100000xf32, #tpu.memory_space<hbm>>
    %dma_wait3A_1113 = arith.constant 0 : i32
    %dma_wait3A_1114 = tpu.memref_slice %arg2[%add3A_1077, %dma_wait3A_1113] : memref<300x100000xf32, #tpu.memory_space<hbm>> -> memref<1x100000xf32, #tpu.memory_space<hbm>>
    %dma_wait3A_1115 = tpu.memref_squeeze %dma_wait3A_1114 : memref<1x100000xf32, #tpu.memory_space<hbm>> -> memref<100000xf32, #tpu.memory_space<hbm>>
    tpu.wait_dma2 semaphore(%arg8 : memref<!tpu.dma_semaphore, #tpu.memory_space<semaphore_mem>>) src(%dma_wait3A_1115 : memref<100000xf32, #tpu.memory_space<hbm>>) dst(%arg6 : memref<100000xf32, #tpu.memory_space<vmem>>)
    %scan3A_1116 = arith.constant 0 : i32
    %scan3A_1117 = arith.constant 256 : i32
    %scan3A_1118 = arith.addi %scan3A_1116, %scan3A_1117 : i32
    %scan3A_1119 = arith.constant 1 : i32
    scf.for %scan3A_1242 = %scan3A_1116 to %scan3A_1118 step %scan3A_1119  : i32 {
      %mul3A_1243 = arith.constant 16 : i32
      %mul3A_1244 = arith.muli %scan3A_1242, %mul3A_1243 : i32
      %add3A_1245 = arith.constant 0 : i32
      %add3A_1246 = arith.addi %add3A_1245, %mul3A_1244 : i32
      %get3A = arith.index_cast %add3A_1246 : i32 to index
      %get3A_1247 = tpu.vector_load %arg5[%get3A] {strides = array<i32>} : memref<16384xi32, #tpu.memory_space<vmem>>, vector<16xi32>,
      %gather3A = tpu.vector_load_idx %arg6[%get3A_1247] : memref<100000xf32, #tpu.memory_space<vmem>>[vector<16xi32>], vector<16xf32>,
      %mul3A_1248 = arith.constant 16 : i32
      %mul3A_1249 = arith.muli %scan3A_1242, %mul3A_1248 : i32
      %swap3A = arith.constant 0 : i32
      %swap3A_1250 = arith.index_cast %swap3A : i32 to index
      %swap3A_1251 = arith.index_cast %mul3A_1249 : i32 to index
      %swap3A_1252 = tpu.vector_load %arg7[%swap3A_1250, %swap3A_1251] {strides = array<i32>} : memref<2x4096xf32, #tpu.memory_space<vmem>>, vector<16xf32>,
      tpu.vector_store %arg7[%swap3A_1250, %swap3A_1251], %gather3A {strides = array<i32>} : memref<2x4096xf32, #tpu.memory_space<vmem>>, vector<16xf32>,
    }
    %scan3A_1120 = arith.constant 256 : i32
    %dma_start3A_1121 = arith.constant 0 : i32
    %dma_start3A_1122 = arith.constant 0 : i32
    %dma_start3A_1123 = tpu.memref_slice %arg7[%dma_start3A_1121, %dma_start3A_1122] : memref<2x4096xf32, #tpu.memory_space<vmem>> -> memref<1x4096xf32, #tpu.memory_space<vmem>>
    %dma_start3A_1124 = tpu.memref_squeeze %dma_start3A_1123 : memref<1x4096xf32, #tpu.memory_space<vmem>> -> memref<4096xf32, #tpu.memory_space<vmem>>
    %dma_start3A_1125 = arith.constant 0 : i32
    %dma_start3A_1126 = tpu.memref_slice %arg4[%add3A_1077, %dma_start3A_1125] : memref<300x16384xf32, #tpu.memory_space<hbm>> -> memref<1x4096xf32, #tpu.memory_space<hbm>>
    %dma_start3A_1127 = tpu.memref_squeeze %dma_start3A_1126 : memref<1x4096xf32, #tpu.memory_space<hbm>> -> memref<4096xf32, #tpu.memory_space<hbm>>
    %dma_start3A_1128 = arith.constant 0 : i32
    %dma_start3A_1129 = tpu.memref_slice %arg4[%add3A_1077, %dma_start3A_1128] : memref<300x16384xf32, #tpu.memory_space<hbm>> -> memref<1x4096xf32, #tpu.memory_space<hbm>>
    %dma_start3A_1130 = tpu.memref_squeeze %dma_start3A_1129 : memref<1x4096xf32, #tpu.memory_space<hbm>> -> memref<4096xf32, #tpu.memory_space<hbm>>
    %dma_start3A_1131 = arith.constant 0 : i32
    %dma_start3A_1132 = tpu.memref_slice %arg7[%dma_start3A_1121, %dma_start3A_1131] : memref<2x4096xf32, #tpu.memory_space<vmem>> -> memref<1x4096xf32, #tpu.memory_space<vmem>>
    %dma_start3A_1133 = tpu.memref_squeeze %dma_start3A_1132 : memref<1x4096xf32, #tpu.memory_space<vmem>> -> memref<4096xf32, #tpu.memory_space<vmem>>
    tpu.enqueue_dma source(%dma_start3A_1133 : memref<4096xf32, #tpu.memory_space<vmem>>) target(%dma_start3A_1130 : memref<4096xf32, #tpu.memory_space<hbm>>) target_semaphore(%arg9 : memref<!tpu.dma_semaphore, #tpu.memory_space<semaphore_mem>>)
    %scan3A_1134 = arith.constant 0 : i32
    %scan3A_1135 = arith.constant 256 : i32
    %scan3A_1136 = arith.addi %scan3A_1134, %scan3A_1135 : i32
    %scan3A_1137 = arith.constant 1 : i32
    scf.for %scan3A_1242 = %scan3A_1134 to %scan3A_1136 step %scan3A_1137  : i32 {
      %mul3A_1243 = arith.constant 16 : i32
      %mul3A_1244 = arith.muli %scan3A_1242, %mul3A_1243 : i32
      %add3A_1245 = arith.constant 4096 : i32
      %add3A_1246 = arith.addi %add3A_1245, %mul3A_1244 : i32
      %get3A = arith.index_cast %add3A_1246 : i32 to index
      %get3A_1247 = tpu.vector_load %arg5[%get3A] {strides = array<i32>} : memref<16384xi32, #tpu.memory_space<vmem>>, vector<16xi32>,
      %gather3A = tpu.vector_load_idx %arg6[%get3A_1247] : memref<100000xf32, #tpu.memory_space<vmem>>[vector<16xi32>], vector<16xf32>,
      %mul3A_1248 = arith.constant 16 : i32
      %mul3A_1249 = arith.muli %scan3A_1242, %mul3A_1248 : i32
      %swap3A = arith.constant 1 : i32
      %swap3A_1250 = arith.index_cast %swap3A : i32 to index
      %swap3A_1251 = arith.index_cast %mul3A_1249 : i32 to index
      %swap3A_1252 = tpu.vector_load %arg7[%swap3A_1250, %swap3A_1251] {strides = array<i32>} : memref<2x4096xf32, #tpu.memory_space<vmem>>, vector<16xf32>,
      tpu.vector_store %arg7[%swap3A_1250, %swap3A_1251], %gather3A {strides = array<i32>} : memref<2x4096xf32, #tpu.memory_space<vmem>>, vector<16xf32>,
    }
    %scan3A_1138 = arith.constant 256 : i32
    %dma_start3A_1139 = arith.constant 1 : i32
    %dma_start3A_1140 = arith.constant 0 : i32
    %dma_start3A_1141 = tpu.memref_slice %arg7[%dma_start3A_1139, %dma_start3A_1140] : memref<2x4096xf32, #tpu.memory_space<vmem>> -> memref<1x4096xf32, #tpu.memory_space<vmem>>
    %dma_start3A_1142 = tpu.memref_squeeze %dma_start3A_1141 : memref<1x4096xf32, #tpu.memory_space<vmem>> -> memref<4096xf32, #tpu.memory_space<vmem>>
    %dma_start3A_1143 = arith.constant 4096 : i32
    %dma_start3A_1144 = tpu.memref_slice %arg4[%add3A_1077, %dma_start3A_1143] : memref<300x16384xf32, #tpu.memory_space<hbm>> -> memref<1x4096xf32, #tpu.memory_space<hbm>>
    %dma_start3A_1145 = tpu.memref_squeeze %dma_start3A_1144 : memref<1x4096xf32, #tpu.memory_space<hbm>> -> memref<4096xf32, #tpu.memory_space<hbm>>
    %dma_start3A_1146 = arith.constant 4096 : i32
    %dma_start3A_1147 = tpu.memref_slice %arg4[%add3A_1077, %dma_start3A_1146] : memref<300x16384xf32, #tpu.memory_space<hbm>> -> memref<1x4096xf32, #tpu.memory_space<hbm>>
    %dma_start3A_1148 = tpu.memref_squeeze %dma_start3A_1147 : memref<1x4096xf32, #tpu.memory_space<hbm>> -> memref<4096xf32, #tpu.memory_space<hbm>>
    %dma_start3A_1149 = arith.constant 0 : i32
    %dma_start3A_1150 = tpu.memref_slice %arg7[%dma_start3A_1139, %dma_start3A_1149] : memref<2x4096xf32, #tpu.memory_space<vmem>> -> memref<1x4096xf32, #tpu.memory_space<vmem>>
    %dma_start3A_1151 = tpu.memref_squeeze %dma_start3A_1150 : memref<1x4096xf32, #tpu.memory_space<vmem>> -> memref<4096xf32, #tpu.memory_space<vmem>>
    tpu.enqueue_dma source(%dma_start3A_1151 : memref<4096xf32, #tpu.memory_space<vmem>>) target(%dma_start3A_1148 : memref<4096xf32, #tpu.memory_space<hbm>>) target_semaphore(%arg9 : memref<!tpu.dma_semaphore, #tpu.memory_space<semaphore_mem>>)
    %dma_wait3A_1152 = arith.constant 0 : i32
    %dma_wait3A_1153 = arith.constant 0 : i32
    %dma_wait3A_1154 = tpu.memref_slice %arg7[%dma_wait3A_1152, %dma_wait3A_1153] : memref<2x4096xf32, #tpu.memory_space<vmem>> -> memref<1x4096xf32, #tpu.memory_space<vmem>>
    %dma_wait3A_1155 = tpu.memref_squeeze %dma_wait3A_1154 : memref<1x4096xf32, #tpu.memory_space<vmem>> -> memref<4096xf32, #tpu.memory_space<vmem>>
    %dma_wait3A_1156 = arith.constant 0 : i32
    %dma_wait3A_1157 = tpu.memref_slice %arg4[%add3A_1077, %dma_wait3A_1156] : memref<300x16384xf32, #tpu.memory_space<hbm>> -> memref<1x4096xf32, #tpu.memory_space<hbm>>
    %dma_wait3A_1158 = tpu.memref_squeeze %dma_wait3A_1157 : memref<1x4096xf32, #tpu.memory_space<hbm>> -> memref<4096xf32, #tpu.memory_space<hbm>>
    %dma_wait3A_1159 = arith.constant 0 : i32
    %dma_wait3A_1160 = tpu.memref_slice %arg4[%add3A_1077, %dma_wait3A_1159] : memref<300x16384xf32, #tpu.memory_space<hbm>> -> memref<1x4096xf32, #tpu.memory_space<hbm>>
    %dma_wait3A_1161 = tpu.memref_squeeze %dma_wait3A_1160 : memref<1x4096xf32, #tpu.memory_space<hbm>> -> memref<4096xf32, #tpu.memory_space<hbm>>
    %dma_wait3A_1162 = arith.constant 0 : i32
    %dma_wait3A_1163 = tpu.memref_slice %arg7[%dma_wait3A_1152, %dma_wait3A_1162] : memref<2x4096xf32, #tpu.memory_space<vmem>> -> memref<1x4096xf32, #tpu.memory_space<vmem>>
    %dma_wait3A_1164 = tpu.memref_squeeze %dma_wait3A_1163 : memref<1x4096xf32, #tpu.memory_space<vmem>> -> memref<4096xf32, #tpu.memory_space<vmem>>
    tpu.wait_dma2 semaphore(%arg9 : memref<!tpu.dma_semaphore, #tpu.memory_space<semaphore_mem>>) src(%dma_wait3A_1164 : memref<4096xf32, #tpu.memory_space<vmem>>) dst(%dma_wait3A_1161 : memref<4096xf32, #tpu.memory_space<hbm>>)
    %scan3A_1165 = arith.constant 0 : i32
    %scan3A_1166 = arith.constant 256 : i32
    %scan3A_1167 = arith.addi %scan3A_1165, %scan3A_1166 : i32
    %scan3A_1168 = arith.constant 1 : i32
    scf.for %scan3A_1242 = %scan3A_1165 to %scan3A_1167 step %scan3A_1168  : i32 {
      %mul3A_1243 = arith.constant 16 : i32
      %mul3A_1244 = arith.muli %scan3A_1242, %mul3A_1243 : i32
      %add3A_1245 = arith.constant 8192 : i32
      %add3A_1246 = arith.addi %add3A_1245, %mul3A_1244 : i32
      %get3A = arith.index_cast %add3A_1246 : i32 to index
      %get3A_1247 = tpu.vector_load %arg5[%get3A] {strides = array<i32>} : memref<16384xi32, #tpu.memory_space<vmem>>, vector<16xi32>,
      %gather3A = tpu.vector_load_idx %arg6[%get3A_1247] : memref<100000xf32, #tpu.memory_space<vmem>>[vector<16xi32>], vector<16xf32>,
      %mul3A_1248 = arith.constant 16 : i32
      %mul3A_1249 = arith.muli %scan3A_1242, %mul3A_1248 : i32
      %swap3A = arith.constant 0 : i32
      %swap3A_1250 = arith.index_cast %swap3A : i32 to index
      %swap3A_1251 = arith.index_cast %mul3A_1249 : i32 to index
      %swap3A_1252 = tpu.vector_load %arg7[%swap3A_1250, %swap3A_1251] {strides = array<i32>} : memref<2x4096xf32, #tpu.memory_space<vmem>>, vector<16xf32>,
      tpu.vector_store %arg7[%swap3A_1250, %swap3A_1251], %gather3A {strides = array<i32>} : memref<2x4096xf32, #tpu.memory_space<vmem>>, vector<16xf32>,
    }
    %scan3A_1169 = arith.constant 256 : i32
    %dma_start3A_1170 = arith.constant 0 : i32
    %dma_start3A_1171 = arith.constant 0 : i32
    %dma_start3A_1172 = tpu.memref_slice %arg7[%dma_start3A_1170, %dma_start3A_1171] : memref<2x4096xf32, #tpu.memory_space<vmem>> -> memref<1x4096xf32, #tpu.memory_space<vmem>>
    %dma_start3A_1173 = tpu.memref_squeeze %dma_start3A_1172 : memref<1x4096xf32, #tpu.memory_space<vmem>> -> memref<4096xf32, #tpu.memory_space<vmem>>
    %dma_start3A_1174 = arith.constant 8192 : i32
    %dma_start3A_1175 = tpu.memref_slice %arg4[%add3A_1077, %dma_start3A_1174] : memref<300x16384xf32, #tpu.memory_space<hbm>> -> memref<1x4096xf32, #tpu.memory_space<hbm>>
    %dma_start3A_1176 = tpu.memref_squeeze %dma_start3A_1175 : memref<1x4096xf32, #tpu.memory_space<hbm>> -> memref<4096xf32, #tpu.memory_space<hbm>>
    %dma_start3A_1177 = arith.constant 8192 : i32
    %dma_start3A_1178 = tpu.memref_slice %arg4[%add3A_1077, %dma_start3A_1177] : memref<300x16384xf32, #tpu.memory_space<hbm>> -> memref<1x4096xf32, #tpu.memory_space<hbm>>
    %dma_start3A_1179 = tpu.memref_squeeze %dma_start3A_1178 : memref<1x4096xf32, #tpu.memory_space<hbm>> -> memref<4096xf32, #tpu.memory_space<hbm>>
    %dma_start3A_1180 = arith.constant 0 : i32
    %dma_start3A_1181 = tpu.memref_slice %arg7[%dma_start3A_1170, %dma_start3A_1180] : memref<2x4096xf32, #tpu.memory_space<vmem>> -> memref<1x4096xf32, #tpu.memory_space<vmem>>
    %dma_start3A_1182 = tpu.memref_squeeze %dma_start3A_1181 : memref<1x4096xf32, #tpu.memory_space<vmem>> -> memref<4096xf32, #tpu.memory_space<vmem>>
    tpu.enqueue_dma source(%dma_start3A_1182 : memref<4096xf32, #tpu.memory_space<vmem>>) target(%dma_start3A_1179 : memref<4096xf32, #tpu.memory_space<hbm>>) target_semaphore(%arg9 : memref<!tpu.dma_semaphore, #tpu.memory_space<semaphore_mem>>)
    %dma_wait3A_1183 = arith.constant 1 : i32
    %dma_wait3A_1184 = arith.constant 0 : i32
    %dma_wait3A_1185 = tpu.memref_slice %arg7[%dma_wait3A_1183, %dma_wait3A_1184] : memref<2x4096xf32, #tpu.memory_space<vmem>> -> memref<1x4096xf32, #tpu.memory_space<vmem>>
    %dma_wait3A_1186 = tpu.memref_squeeze %dma_wait3A_1185 : memref<1x4096xf32, #tpu.memory_space<vmem>> -> memref<4096xf32, #tpu.memory_space<vmem>>
    %dma_wait3A_1187 = arith.constant 4096 : i32
    %dma_wait3A_1188 = tpu.memref_slice %arg4[%add3A_1077, %dma_wait3A_1187] : memref<300x16384xf32, #tpu.memory_space<hbm>> -> memref<1x4096xf32, #tpu.memory_space<hbm>>
    %dma_wait3A_1189 = tpu.memref_squeeze %dma_wait3A_1188 : memref<1x4096xf32, #tpu.memory_space<hbm>> -> memref<4096xf32, #tpu.memory_space<hbm>>
    %dma_wait3A_1190 = arith.constant 4096 : i32
    %dma_wait3A_1191 = tpu.memref_slice %arg4[%add3A_1077, %dma_wait3A_1190] : memref<300x16384xf32, #tpu.memory_space<hbm>> -> memref<1x4096xf32, #tpu.memory_space<hbm>>
    %dma_wait3A_1192 = tpu.memref_squeeze %dma_wait3A_1191 : memref<1x4096xf32, #tpu.memory_space<hbm>> -> memref<4096xf32, #tpu.memory_space<hbm>>
    %dma_wait3A_1193 = arith.constant 0 : i32
    %dma_wait3A_1194 = tpu.memref_slice %arg7[%dma_wait3A_1183, %dma_wait3A_1193] : memref<2x4096xf32, #tpu.memory_space<vmem>> -> memref<1x4096xf32, #tpu.memory_space<vmem>>
    %dma_wait3A_1195 = tpu.memref_squeeze %dma_wait3A_1194 : memref<1x4096xf32, #tpu.memory_space<vmem>> -> memref<4096xf32, #tpu.memory_space<vmem>>
    tpu.wait_dma2 semaphore(%arg9 : memref<!tpu.dma_semaphore, #tpu.memory_space<semaphore_mem>>) src(%dma_wait3A_1195 : memref<4096xf32, #tpu.memory_space<vmem>>) dst(%dma_wait3A_1192 : memref<4096xf32, #tpu.memory_space<hbm>>)
    %scan3A_1196 = arith.constant 0 : i32
    %scan3A_1197 = arith.constant 256 : i32
    %scan3A_1198 = arith.addi %scan3A_1196, %scan3A_1197 : i32
    %scan3A_1199 = arith.constant 1 : i32
    scf.for %scan3A_1242 = %scan3A_1196 to %scan3A_1198 step %scan3A_1199  : i32 {
      %mul3A_1243 = arith.constant 16 : i32
      %mul3A_1244 = arith.muli %scan3A_1242, %mul3A_1243 : i32
      %add3A_1245 = arith.constant 12288 : i32
      %add3A_1246 = arith.addi %add3A_1245, %mul3A_1244 : i32
      %get3A = arith.index_cast %add3A_1246 : i32 to index
      %get3A_1247 = tpu.vector_load %arg5[%get3A] {strides = array<i32>} : memref<16384xi32, #tpu.memory_space<vmem>>, vector<16xi32>,
      %gather3A = tpu.vector_load_idx %arg6[%get3A_1247] : memref<100000xf32, #tpu.memory_space<vmem>>[vector<16xi32>], vector<16xf32>,
      %mul3A_1248 = arith.constant 16 : i32
      %mul3A_1249 = arith.muli %scan3A_1242, %mul3A_1248 : i32
      %swap3A = arith.constant 1 : i32
      %swap3A_1250 = arith.index_cast %swap3A : i32 to index
      %swap3A_1251 = arith.index_cast %mul3A_1249 : i32 to index
      %swap3A_1252 = tpu.vector_load %arg7[%swap3A_1250, %swap3A_1251] {strides = array<i32>} : memref<2x4096xf32, #tpu.memory_space<vmem>>, vector<16xf32>,
      tpu.vector_store %arg7[%swap3A_1250, %swap3A_1251], %gather3A {strides = array<i32>} : memref<2x4096xf32, #tpu.memory_space<vmem>>, vector<16xf32>,
    }
    %scan3A_1200 = arith.constant 256 : i32
    %dma_start3A_1201 = arith.constant 1 : i32
    %dma_start3A_1202 = arith.constant 0 : i32
    %dma_start3A_1203 = tpu.memref_slice %arg7[%dma_start3A_1201, %dma_start3A_1202] : memref<2x4096xf32, #tpu.memory_space<vmem>> -> memref<1x4096xf32, #tpu.memory_space<vmem>>
    %dma_start3A_1204 = tpu.memref_squeeze %dma_start3A_1203 : memref<1x4096xf32, #tpu.memory_space<vmem>> -> memref<4096xf32, #tpu.memory_space<vmem>>
    %dma_start3A_1205 = arith.constant 12288 : i32
    %dma_start3A_1206 = tpu.memref_slice %arg4[%add3A_1077, %dma_start3A_1205] : memref<300x16384xf32, #tpu.memory_space<hbm>> -> memref<1x4096xf32, #tpu.memory_space<hbm>>
    %dma_start3A_1207 = tpu.memref_squeeze %dma_start3A_1206 : memref<1x4096xf32, #tpu.memory_space<hbm>> -> memref<4096xf32, #tpu.memory_space<hbm>>
    %dma_start3A_1208 = arith.constant 12288 : i32
    %dma_start3A_1209 = tpu.memref_slice %arg4[%add3A_1077, %dma_start3A_1208] : memref<300x16384xf32, #tpu.memory_space<hbm>> -> memref<1x4096xf32, #tpu.memory_space<hbm>>
    %dma_start3A_1210 = tpu.memref_squeeze %dma_start3A_1209 : memref<1x4096xf32, #tpu.memory_space<hbm>> -> memref<4096xf32, #tpu.memory_space<hbm>>
    %dma_start3A_1211 = arith.constant 0 : i32
    %dma_start3A_1212 = tpu.memref_slice %arg7[%dma_start3A_1201, %dma_start3A_1211] : memref<2x4096xf32, #tpu.memory_space<vmem>> -> memref<1x4096xf32, #tpu.memory_space<vmem>>
    %dma_start3A_1213 = tpu.memref_squeeze %dma_start3A_1212 : memref<1x4096xf32, #tpu.memory_space<vmem>> -> memref<4096xf32, #tpu.memory_space<vmem>>
    tpu.enqueue_dma source(%dma_start3A_1213 : memref<4096xf32, #tpu.memory_space<vmem>>) target(%dma_start3A_1210 : memref<4096xf32, #tpu.memory_space<hbm>>) target_semaphore(%arg9 : memref<!tpu.dma_semaphore, #tpu.memory_space<semaphore_mem>>)
    %dma_wait3A_1214 = arith.constant 0 : i32
    %dma_wait3A_1215 = arith.constant 0 : i32
    %dma_wait3A_1216 = tpu.memref_slice %arg7[%dma_wait3A_1214, %dma_wait3A_1215] : memref<2x4096xf32, #tpu.memory_space<vmem>> -> memref<1x4096xf32, #tpu.memory_space<vmem>>
    %dma_wait3A_1217 = tpu.memref_squeeze %dma_wait3A_1216 : memref<1x4096xf32, #tpu.memory_space<vmem>> -> memref<4096xf32, #tpu.memory_space<vmem>>
    %dma_wait3A_1218 = arith.constant 8192 : i32
    %dma_wait3A_1219 = tpu.memref_slice %arg4[%add3A_1077, %dma_wait3A_1218] : memref<300x16384xf32, #tpu.memory_space<hbm>> -> memref<1x4096xf32, #tpu.memory_space<hbm>>
    %dma_wait3A_1220 = tpu.memref_squeeze %dma_wait3A_1219 : memref<1x4096xf32, #tpu.memory_space<hbm>> -> memref<4096xf32, #tpu.memory_space<hbm>>
    %dma_wait3A_1221 = arith.constant 8192 : i32
    %dma_wait3A_1222 = tpu.memref_slice %arg4[%add3A_1077, %dma_wait3A_1221] : memref<300x16384xf32, #tpu.memory_space<hbm>> -> memref<1x4096xf32, #tpu.memory_space<hbm>>
    %dma_wait3A_1223 = tpu.memref_squeeze %dma_wait3A_1222 : memref<1x4096xf32, #tpu.memory_space<hbm>> -> memref<4096xf32, #tpu.memory_space<hbm>>
    %dma_wait3A_1224 = arith.constant 0 : i32
    %dma_wait3A_1225 = tpu.memref_slice %arg7[%dma_wait3A_1214, %dma_wait3A_1224] : memref<2x4096xf32, #tpu.memory_space<vmem>> -> memref<1x4096xf32, #tpu.memory_space<vmem>>
    %dma_wait3A_1226 = tpu.memref_squeeze %dma_wait3A_1225 : memref<1x4096xf32, #tpu.memory_space<vmem>> -> memref<4096xf32, #tpu.memory_space<vmem>>
    tpu.wait_dma2 semaphore(%arg9 : memref<!tpu.dma_semaphore, #tpu.memory_space<semaphore_mem>>) src(%dma_wait3A_1226 : memref<4096xf32, #tpu.memory_space<vmem>>) dst(%dma_wait3A_1223 : memref<4096xf32, #tpu.memory_space<hbm>>)
    %dma_wait3A_1227 = arith.constant 1 : i32
    %dma_wait3A_1228 = arith.constant 0 : i32
    %dma_wait3A_1229 = tpu.memref_slice %arg7[%dma_wait3A_1227, %dma_wait3A_1228] : memref<2x4096xf32, #tpu.memory_space<vmem>> -> memref<1x4096xf32, #tpu.memory_space<vmem>>
    %dma_wait3A_1230 = tpu.memref_squeeze %dma_wait3A_1229 : memref<1x4096xf32, #tpu.memory_space<vmem>> -> memref<4096xf32, #tpu.memory_space<vmem>>
    %dma_wait3A_1231 = arith.constant 12288 : i32
    %dma_wait3A_1232 = tpu.memref_slice %arg4[%add3A_1077, %dma_wait3A_1231] : memref<300x16384xf32, #tpu.memory_space<hbm>> -> memref<1x4096xf32, #tpu.memory_space<hbm>>
    %dma_wait3A_1233 = tpu.memref_squeeze %dma_wait3A_1232 : memref<1x4096xf32, #tpu.memory_space<hbm>> -> memref<4096xf32, #tpu.memory_space<hbm>>
    %dma_wait3A_1234 = arith.constant 12288 : i32
    %dma_wait3A_1235 = tpu.memref_slice %arg4[%add3A_1077, %dma_wait3A_1234] : memref<300x16384xf32, #tpu.memory_space<hbm>> -> memref<1x4096xf32, #tpu.memory_space<hbm>>
    %dma_wait3A_1236 = tpu.memref_squeeze %dma_wait3A_1235 : memref<1x4096xf32, #tpu.memory_space<hbm>> -> memref<4096xf32, #tpu.memory_space<hbm>>
    %dma_wait3A_1237 = arith.constant 0 : i32
    %dma_wait3A_1238 = tpu.memref_slice %arg7[%dma_wait3A_1227, %dma_wait3A_1237] : memref<2x4096xf32, #tpu.memory_space<vmem>> -> memref<1x4096xf32, #tpu.memory_space<vmem>>
    %dma_wait3A_1239 = tpu.memref_squeeze %dma_wait3A_1238 : memref<1x4096xf32, #tpu.memory_space<vmem>> -> memref<4096xf32, #tpu.memory_space<vmem>>
    tpu.wait_dma2 semaphore(%arg9 : memref<!tpu.dma_semaphore, #tpu.memory_space<semaphore_mem>>) src(%dma_wait3A_1239 : memref<4096xf32, #tpu.memory_space<vmem>>) dst(%dma_wait3A_1236 : memref<4096xf32, #tpu.memory_space<hbm>>)
    %lt3A = arith.constant 12 : i32
    %lt3A_1240 = arith.cmpi slt, %add3A, %lt3A : i32
    %convert_element_type3A = arith.extui %lt3A_1240 : i1 to i32
    %cond3A = arith.constant 0 : i32
    %cond3A_1241 = arith.cmpi ne, %convert_element_type3A, %cond3A : i32
    scf.if %cond3A_1241 {
      %add3A_1242 = arith.constant 288 : i32
      %add3A_1243 = arith.addi %add3A, %add3A_1242 : i32
      %dma_start3A_1244 = arith.constant 0 : i32
      %dma_start3A_1245 = tpu.memref_slice %arg2[%add3A_1243, %dma_start3A_1244] : memref<300x100000xf32, #tpu.memory_space<hbm>> -> memref<1x100000xf32, #tpu.memory_space<hbm>>
      %dma_start3A_1246 = tpu.memref_squeeze %dma_start3A_1245 : memref<1x100000xf32, #tpu.memory_space<hbm>> -> memref<100000xf32, #tpu.memory_space<hbm>>
      %dma_start3A_1247 = arith.constant 0 : i32
      %dma_start3A_1248 = tpu.memref_slice %arg2[%add3A_1243, %dma_start3A_1247] : memref<300x100000xf32, #tpu.memory_space<hbm>> -> memref<1x100000xf32, #tpu.memory_space<hbm>>
      %dma_start3A_1249 = tpu.memref_squeeze %dma_start3A_1248 : memref<1x100000xf32, #tpu.memory_space<hbm>> -> memref<100000xf32, #tpu.memory_space<hbm>>
      tpu.enqueue_dma source(%dma_start3A_1249 : memref<100000xf32, #tpu.memory_space<hbm>>) target(%arg6 : memref<100000xf32, #tpu.memory_space<vmem>>) target_semaphore(%arg8 : memref<!tpu.dma_semaphore, #tpu.memory_space<semaphore_mem>>)
      %dma_wait3A_1250 = arith.constant 0 : i32
      %dma_wait3A_1251 = tpu.memref_slice %arg2[%add3A_1243, %dma_wait3A_1250] : memref<300x100000xf32, #tpu.memory_space<hbm>> -> memref<1x100000xf32, #tpu.memory_space<hbm>>
      %dma_wait3A_1252 = tpu.memref_squeeze %dma_wait3A_1251 : memref<1x100000xf32, #tpu.memory_space<hbm>> -> memref<100000xf32, #tpu.memory_space<hbm>>
      %dma_wait3A_1253 = arith.constant 0 : i32
      %dma_wait3A_1254 = tpu.memref_slice %arg2[%add3A_1243, %dma_wait3A_1253] : memref<300x100000xf32, #tpu.memory_space<hbm>> -> memref<1x100000xf32, #tpu.memory_space<hbm>>
      %dma_wait3A_1255 = tpu.memref_squeeze %dma_wait3A_1254 : memref<1x100000xf32, #tpu.memory_space<hbm>> -> memref<100000xf32, #tpu.memory_space<hbm>>
      tpu.wait_dma2 semaphore(%arg8 : memref<!tpu.dma_semaphore, #tpu.memory_space<semaphore_mem>>) src(%dma_wait3A_1255 : memref<100000xf32, #tpu.memory_space<hbm>>) dst(%arg6 : memref<100000xf32, #tpu.memory_space<vmem>>)
      %scan3A_1256 = arith.constant 0 : i32
      %scan3A_1257 = arith.constant 256 : i32
      %scan3A_1258 = arith.addi %scan3A_1256, %scan3A_1257 : i32
      %scan3A_1259 = arith.constant 1 : i32
      scf.for %scan3A_1380 = %scan3A_1256 to %scan3A_1258 step %scan3A_1259  : i32 {
        %mul3A_1381 = arith.constant 16 : i32
        %mul3A_1382 = arith.muli %scan3A_1380, %mul3A_1381 : i32
        %add3A_1383 = arith.constant 0 : i32
        %add3A_1384 = arith.addi %add3A_1383, %mul3A_1382 : i32
        %get3A = arith.index_cast %add3A_1384 : i32 to index
        %get3A_1385 = tpu.vector_load %arg5[%get3A] {strides = array<i32>} : memref<16384xi32, #tpu.memory_space<vmem>>, vector<16xi32>,
        %gather3A = tpu.vector_load_idx %arg6[%get3A_1385] : memref<100000xf32, #tpu.memory_space<vmem>>[vector<16xi32>], vector<16xf32>,
        %mul3A_1386 = arith.constant 16 : i32
        %mul3A_1387 = arith.muli %scan3A_1380, %mul3A_1386 : i32
        %swap3A = arith.constant 0 : i32
        %swap3A_1388 = arith.index_cast %swap3A : i32 to index
        %swap3A_1389 = arith.index_cast %mul3A_1387 : i32 to index
        %swap3A_1390 = tpu.vector_load %arg7[%swap3A_1388, %swap3A_1389] {strides = array<i32>} : memref<2x4096xf32, #tpu.memory_space<vmem>>, vector<16xf32>,
        tpu.vector_store %arg7[%swap3A_1388, %swap3A_1389], %gather3A {strides = array<i32>} : memref<2x4096xf32, #tpu.memory_space<vmem>>, vector<16xf32>,
      }
      %scan3A_1260 = arith.constant 256 : i32
      %dma_start3A_1261 = arith.constant 0 : i32
      %dma_start3A_1262 = arith.constant 0 : i32
      %dma_start3A_1263 = tpu.memref_slice %arg7[%dma_start3A_1261, %dma_start3A_1262] : memref<2x4096xf32, #tpu.memory_space<vmem>> -> memref<1x4096xf32, #tpu.memory_space<vmem>>
      %dma_start3A_1264 = tpu.memref_squeeze %dma_start3A_1263 : memref<1x4096xf32, #tpu.memory_space<vmem>> -> memref<4096xf32, #tpu.memory_space<vmem>>
      %dma_start3A_1265 = arith.constant 0 : i32
      %dma_start3A_1266 = tpu.memref_slice %arg4[%add3A_1243, %dma_start3A_1265] : memref<300x16384xf32, #tpu.memory_space<hbm>> -> memref<1x4096xf32, #tpu.memory_space<hbm>>
      %dma_start3A_1267 = tpu.memref_squeeze %dma_start3A_1266 : memref<1x4096xf32, #tpu.memory_space<hbm>> -> memref<4096xf32, #tpu.memory_space<hbm>>
      %dma_start3A_1268 = arith.constant 0 : i32
      %dma_start3A_1269 = tpu.memref_slice %arg4[%add3A_1243, %dma_start3A_1268] : memref<300x16384xf32, #tpu.memory_space<hbm>> -> memref<1x4096xf32, #tpu.memory_space<hbm>>
      %dma_start3A_1270 = tpu.memref_squeeze %dma_start3A_1269 : memref<1x4096xf32, #tpu.memory_space<hbm>> -> memref<4096xf32, #tpu.memory_space<hbm>>
      %dma_start3A_1271 = arith.constant 0 : i32
      %dma_start3A_1272 = tpu.memref_slice %arg7[%dma_start3A_1261, %dma_start3A_1271] : memref<2x4096xf32, #tpu.memory_space<vmem>> -> memref<1x4096xf32, #tpu.memory_space<vmem>>
      %dma_start3A_1273 = tpu.memref_squeeze %dma_start3A_1272 : memref<1x4096xf32, #tpu.memory_space<vmem>> -> memref<4096xf32, #tpu.memory_space<vmem>>
      tpu.enqueue_dma source(%dma_start3A_1273 : memref<4096xf32, #tpu.memory_space<vmem>>) target(%dma_start3A_1270 : memref<4096xf32, #tpu.memory_space<hbm>>) target_semaphore(%arg9 : memref<!tpu.dma_semaphore, #tpu.memory_space<semaphore_mem>>)
      %scan3A_1274 = arith.constant 0 : i32
      %scan3A_1275 = arith.constant 256 : i32
      %scan3A_1276 = arith.addi %scan3A_1274, %scan3A_1275 : i32
      %scan3A_1277 = arith.constant 1 : i32
      scf.for %scan3A_1380 = %scan3A_1274 to %scan3A_1276 step %scan3A_1277  : i32 {
        %mul3A_1381 = arith.constant 16 : i32
        %mul3A_1382 = arith.muli %scan3A_1380, %mul3A_1381 : i32
        %add3A_1383 = arith.constant 4096 : i32
        %add3A_1384 = arith.addi %add3A_1383, %mul3A_1382 : i32
        %get3A = arith.index_cast %add3A_1384 : i32 to index
        %get3A_1385 = tpu.vector_load %arg5[%get3A] {strides = array<i32>} : memref<16384xi32, #tpu.memory_space<vmem>>, vector<16xi32>,
        %gather3A = tpu.vector_load_idx %arg6[%get3A_1385] : memref<100000xf32, #tpu.memory_space<vmem>>[vector<16xi32>], vector<16xf32>,
        %mul3A_1386 = arith.constant 16 : i32
        %mul3A_1387 = arith.muli %scan3A_1380, %mul3A_1386 : i32
        %swap3A = arith.constant 1 : i32
        %swap3A_1388 = arith.index_cast %swap3A : i32 to index
        %swap3A_1389 = arith.index_cast %mul3A_1387 : i32 to index
        %swap3A_1390 = tpu.vector_load %arg7[%swap3A_1388, %swap3A_1389] {strides = array<i32>} : memref<2x4096xf32, #tpu.memory_space<vmem>>, vector<16xf32>,
        tpu.vector_store %arg7[%swap3A_1388, %swap3A_1389], %gather3A {strides = array<i32>} : memref<2x4096xf32, #tpu.memory_space<vmem>>, vector<16xf32>,
      }
      %scan3A_1278 = arith.constant 256 : i32
      %dma_start3A_1279 = arith.constant 1 : i32
      %dma_start3A_1280 = arith.constant 0 : i32
      %dma_start3A_1281 = tpu.memref_slice %arg7[%dma_start3A_1279, %dma_start3A_1280] : memref<2x4096xf32, #tpu.memory_space<vmem>> -> memref<1x4096xf32, #tpu.memory_space<vmem>>
      %dma_start3A_1282 = tpu.memref_squeeze %dma_start3A_1281 : memref<1x4096xf32, #tpu.memory_space<vmem>> -> memref<4096xf32, #tpu.memory_space<vmem>>
      %dma_start3A_1283 = arith.constant 4096 : i32
      %dma_start3A_1284 = tpu.memref_slice %arg4[%add3A_1243, %dma_start3A_1283] : memref<300x16384xf32, #tpu.memory_space<hbm>> -> memref<1x4096xf32, #tpu.memory_space<hbm>>
      %dma_start3A_1285 = tpu.memref_squeeze %dma_start3A_1284 : memref<1x4096xf32, #tpu.memory_space<hbm>> -> memref<4096xf32, #tpu.memory_space<hbm>>
      %dma_start3A_1286 = arith.constant 4096 : i32
      %dma_start3A_1287 = tpu.memref_slice %arg4[%add3A_1243, %dma_start3A_1286] : memref<300x16384xf32, #tpu.memory_space<hbm>> -> memref<1x4096xf32, #tpu.memory_space<hbm>>
      %dma_start3A_1288 = tpu.memref_squeeze %dma_start3A_1287 : memref<1x4096xf32, #tpu.memory_space<hbm>> -> memref<4096xf32, #tpu.memory_space<hbm>>
      %dma_start3A_1289 = arith.constant 0 : i32
      %dma_start3A_1290 = tpu.memref_slice %arg7[%dma_start3A_1279, %dma_start3A_1289] : memref<2x4096xf32, #tpu.memory_space<vmem>> -> memref<1x4096xf32, #tpu.memory_space<vmem>>
      %dma_start3A_1291 = tpu.memref_squeeze %dma_start3A_1290 : memref<1x4096xf32, #tpu.memory_space<vmem>> -> memref<4096xf32, #tpu.memory_space<vmem>>
      tpu.enqueue_dma source(%dma_start3A_1291 : memref<4096xf32, #tpu.memory_space<vmem>>) target(%dma_start3A_1288 : memref<4096xf32, #tpu.memory_space<hbm>>) target_semaphore(%arg9 : memref<!tpu.dma_semaphore, #tpu.memory_space<semaphore_mem>>)
      %dma_wait3A_1292 = arith.constant 0 : i32
      %dma_wait3A_1293 = arith.constant 0 : i32
      %dma_wait3A_1294 = tpu.memref_slice %arg7[%dma_wait3A_1292, %dma_wait3A_1293] : memref<2x4096xf32, #tpu.memory_space<vmem>> -> memref<1x4096xf32, #tpu.memory_space<vmem>>
      %dma_wait3A_1295 = tpu.memref_squeeze %dma_wait3A_1294 : memref<1x4096xf32, #tpu.memory_space<vmem>> -> memref<4096xf32, #tpu.memory_space<vmem>>
      %dma_wait3A_1296 = arith.constant 0 : i32
      %dma_wait3A_1297 = tpu.memref_slice %arg4[%add3A_1243, %dma_wait3A_1296] : memref<300x16384xf32, #tpu.memory_space<hbm>> -> memref<1x4096xf32, #tpu.memory_space<hbm>>
      %dma_wait3A_1298 = tpu.memref_squeeze %dma_wait3A_1297 : memref<1x4096xf32, #tpu.memory_space<hbm>> -> memref<4096xf32, #tpu.memory_space<hbm>>
      %dma_wait3A_1299 = arith.constant 0 : i32
      %dma_wait3A_1300 = tpu.memref_slice %arg4[%add3A_1243, %dma_wait3A_1299] : memref<300x16384xf32, #tpu.memory_space<hbm>> -> memref<1x4096xf32, #tpu.memory_space<hbm>>
      %dma_wait3A_1301 = tpu.memref_squeeze %dma_wait3A_1300 : memref<1x4096xf32, #tpu.memory_space<hbm>> -> memref<4096xf32, #tpu.memory_space<hbm>>
      %dma_wait3A_1302 = arith.constant 0 : i32
      %dma_wait3A_1303 = tpu.memref_slice %arg7[%dma_wait3A_1292, %dma_wait3A_1302] : memref<2x4096xf32, #tpu.memory_space<vmem>> -> memref<1x4096xf32, #tpu.memory_space<vmem>>
      %dma_wait3A_1304 = tpu.memref_squeeze %dma_wait3A_1303 : memref<1x4096xf32, #tpu.memory_space<vmem>> -> memref<4096xf32, #tpu.memory_space<vmem>>
      tpu.wait_dma2 semaphore(%arg9 : memref<!tpu.dma_semaphore, #tpu.memory_space<semaphore_mem>>) src(%dma_wait3A_1304 : memref<4096xf32, #tpu.memory_space<vmem>>) dst(%dma_wait3A_1301 : memref<4096xf32, #tpu.memory_space<hbm>>)
      %scan3A_1305 = arith.constant 0 : i32
      %scan3A_1306 = arith.constant 256 : i32
      %scan3A_1307 = arith.addi %scan3A_1305, %scan3A_1306 : i32
      %scan3A_1308 = arith.constant 1 : i32
      scf.for %scan3A_1380 = %scan3A_1305 to %scan3A_1307 step %scan3A_1308  : i32 {
        %mul3A_1381 = arith.constant 16 : i32
        %mul3A_1382 = arith.muli %scan3A_1380, %mul3A_1381 : i32
        %add3A_1383 = arith.constant 8192 : i32
        %add3A_1384 = arith.addi %add3A_1383, %mul3A_1382 : i32
        %get3A = arith.index_cast %add3A_1384 : i32 to index
        %get3A_1385 = tpu.vector_load %arg5[%get3A] {strides = array<i32>} : memref<16384xi32, #tpu.memory_space<vmem>>, vector<16xi32>,
        %gather3A = tpu.vector_load_idx %arg6[%get3A_1385] : memref<100000xf32, #tpu.memory_space<vmem>>[vector<16xi32>], vector<16xf32>,
        %mul3A_1386 = arith.constant 16 : i32
        %mul3A_1387 = arith.muli %scan3A_1380, %mul3A_1386 : i32
        %swap3A = arith.constant 0 : i32
        %swap3A_1388 = arith.index_cast %swap3A : i32 to index
        %swap3A_1389 = arith.index_cast %mul3A_1387 : i32 to index
        %swap3A_1390 = tpu.vector_load %arg7[%swap3A_1388, %swap3A_1389] {strides = array<i32>} : memref<2x4096xf32, #tpu.memory_space<vmem>>, vector<16xf32>,
        tpu.vector_store %arg7[%swap3A_1388, %swap3A_1389], %gather3A {strides = array<i32>} : memref<2x4096xf32, #tpu.memory_space<vmem>>, vector<16xf32>,
      }
      %scan3A_1309 = arith.constant 256 : i32
      %dma_start3A_1310 = arith.constant 0 : i32
      %dma_start3A_1311 = arith.constant 0 : i32
      %dma_start3A_1312 = tpu.memref_slice %arg7[%dma_start3A_1310, %dma_start3A_1311] : memref<2x4096xf32, #tpu.memory_space<vmem>> -> memref<1x4096xf32, #tpu.memory_space<vmem>>
      %dma_start3A_1313 = tpu.memref_squeeze %dma_start3A_1312 : memref<1x4096xf32, #tpu.memory_space<vmem>> -> memref<4096xf32, #tpu.memory_space<vmem>>
      %dma_start3A_1314 = arith.constant 8192 : i32
      %dma_start3A_1315 = tpu.memref_slice %arg4[%add3A_1243, %dma_start3A_1314] : memref<300x16384xf32, #tpu.memory_space<hbm>> -> memref<1x4096xf32, #tpu.memory_space<hbm>>
      %dma_start3A_1316 = tpu.memref_squeeze %dma_start3A_1315 : memref<1x4096xf32, #tpu.memory_space<hbm>> -> memref<4096xf32, #tpu.memory_space<hbm>>
      %dma_start3A_1317 = arith.constant 8192 : i32
      %dma_start3A_1318 = tpu.memref_slice %arg4[%add3A_1243, %dma_start3A_1317] : memref<300x16384xf32, #tpu.memory_space<hbm>> -> memref<1x4096xf32, #tpu.memory_space<hbm>>
      %dma_start3A_1319 = tpu.memref_squeeze %dma_start3A_1318 : memref<1x4096xf32, #tpu.memory_space<hbm>> -> memref<4096xf32, #tpu.memory_space<hbm>>
      %dma_start3A_1320 = arith.constant 0 : i32
      %dma_start3A_1321 = tpu.memref_slice %arg7[%dma_start3A_1310, %dma_start3A_1320] : memref<2x4096xf32, #tpu.memory_space<vmem>> -> memref<1x4096xf32, #tpu.memory_space<vmem>>
      %dma_start3A_1322 = tpu.memref_squeeze %dma_start3A_1321 : memref<1x4096xf32, #tpu.memory_space<vmem>> -> memref<4096xf32, #tpu.memory_space<vmem>>
      tpu.enqueue_dma source(%dma_start3A_1322 : memref<4096xf32, #tpu.memory_space<vmem>>) target(%dma_start3A_1319 : memref<4096xf32, #tpu.memory_space<hbm>>) target_semaphore(%arg9 : memref<!tpu.dma_semaphore, #tpu.memory_space<semaphore_mem>>)
      %dma_wait3A_1323 = arith.constant 1 : i32
      %dma_wait3A_1324 = arith.constant 0 : i32
      %dma_wait3A_1325 = tpu.memref_slice %arg7[%dma_wait3A_1323, %dma_wait3A_1324] : memref<2x4096xf32, #tpu.memory_space<vmem>> -> memref<1x4096xf32, #tpu.memory_space<vmem>>
      %dma_wait3A_1326 = tpu.memref_squeeze %dma_wait3A_1325 : memref<1x4096xf32, #tpu.memory_space<vmem>> -> memref<4096xf32, #tpu.memory_space<vmem>>
      %dma_wait3A_1327 = arith.constant 4096 : i32
      %dma_wait3A_1328 = tpu.memref_slice %arg4[%add3A_1243, %dma_wait3A_1327] : memref<300x16384xf32, #tpu.memory_space<hbm>> -> memref<1x4096xf32, #tpu.memory_space<hbm>>
      %dma_wait3A_1329 = tpu.memref_squeeze %dma_wait3A_1328 : memref<1x4096xf32, #tpu.memory_space<hbm>> -> memref<4096xf32, #tpu.memory_space<hbm>>
      %dma_wait3A_1330 = arith.constant 4096 : i32
      %dma_wait3A_1331 = tpu.memref_slice %arg4[%add3A_1243, %dma_wait3A_1330] : memref<300x16384xf32, #tpu.memory_space<hbm>> -> memref<1x4096xf32, #tpu.memory_space<hbm>>
      %dma_wait3A_1332 = tpu.memref_squeeze %dma_wait3A_1331 : memref<1x4096xf32, #tpu.memory_space<hbm>> -> memref<4096xf32, #tpu.memory_space<hbm>>
      %dma_wait3A_1333 = arith.constant 0 : i32
      %dma_wait3A_1334 = tpu.memref_slice %arg7[%dma_wait3A_1323, %dma_wait3A_1333] : memref<2x4096xf32, #tpu.memory_space<vmem>> -> memref<1x4096xf32, #tpu.memory_space<vmem>>
      %dma_wait3A_1335 = tpu.memref_squeeze %dma_wait3A_1334 : memref<1x4096xf32, #tpu.memory_space<vmem>> -> memref<4096xf32, #tpu.memory_space<vmem>>
      tpu.wait_dma2 semaphore(%arg9 : memref<!tpu.dma_semaphore, #tpu.memory_space<semaphore_mem>>) src(%dma_wait3A_1335 : memref<4096xf32, #tpu.memory_space<vmem>>) dst(%dma_wait3A_1332 : memref<4096xf32, #tpu.memory_space<hbm>>)
      %scan3A_1336 = arith.constant 0 : i32
      %scan3A_1337 = arith.constant 256 : i32
      %scan3A_1338 = arith.addi %scan3A_1336, %scan3A_1337 : i32
      %scan3A_1339 = arith.constant 1 : i32
      scf.for %scan3A_1380 = %scan3A_1336 to %scan3A_1338 step %scan3A_1339  : i32 {
        %mul3A_1381 = arith.constant 16 : i32
        %mul3A_1382 = arith.muli %scan3A_1380, %mul3A_1381 : i32
        %add3A_1383 = arith.constant 12288 : i32
        %add3A_1384 = arith.addi %add3A_1383, %mul3A_1382 : i32
        %get3A = arith.index_cast %add3A_1384 : i32 to index
        %get3A_1385 = tpu.vector_load %arg5[%get3A] {strides = array<i32>} : memref<16384xi32, #tpu.memory_space<vmem>>, vector<16xi32>,
        %gather3A = tpu.vector_load_idx %arg6[%get3A_1385] : memref<100000xf32, #tpu.memory_space<vmem>>[vector<16xi32>], vector<16xf32>,
        %mul3A_1386 = arith.constant 16 : i32
        %mul3A_1387 = arith.muli %scan3A_1380, %mul3A_1386 : i32
        %swap3A = arith.constant 1 : i32
        %swap3A_1388 = arith.index_cast %swap3A : i32 to index
        %swap3A_1389 = arith.index_cast %mul3A_1387 : i32 to index
        %swap3A_1390 = tpu.vector_load %arg7[%swap3A_1388, %swap3A_1389] {strides = array<i32>} : memref<2x4096xf32, #tpu.memory_space<vmem>>, vector<16xf32>,
        tpu.vector_store %arg7[%swap3A_1388, %swap3A_1389], %gather3A {strides = array<i32>} : memref<2x4096xf32, #tpu.memory_space<vmem>>, vector<16xf32>,
      }
      %scan3A_1340 = arith.constant 256 : i32
      %dma_start3A_1341 = arith.constant 1 : i32
      %dma_start3A_1342 = arith.constant 0 : i32
      %dma_start3A_1343 = tpu.memref_slice %arg7[%dma_start3A_1341, %dma_start3A_1342] : memref<2x4096xf32, #tpu.memory_space<vmem>> -> memref<1x4096xf32, #tpu.memory_space<vmem>>
      %dma_start3A_1344 = tpu.memref_squeeze %dma_start3A_1343 : memref<1x4096xf32, #tpu.memory_space<vmem>> -> memref<4096xf32, #tpu.memory_space<vmem>>
      %dma_start3A_1345 = arith.constant 12288 : i32
      %dma_start3A_1346 = tpu.memref_slice %arg4[%add3A_1243, %dma_start3A_1345] : memref<300x16384xf32, #tpu.memory_space<hbm>> -> memref<1x4096xf32, #tpu.memory_space<hbm>>
      %dma_start3A_1347 = tpu.memref_squeeze %dma_start3A_1346 : memref<1x4096xf32, #tpu.memory_space<hbm>> -> memref<4096xf32, #tpu.memory_space<hbm>>
      %dma_start3A_1348 = arith.constant 12288 : i32
      %dma_start3A_1349 = tpu.memref_slice %arg4[%add3A_1243, %dma_start3A_1348] : memref<300x16384xf32, #tpu.memory_space<hbm>> -> memref<1x4096xf32, #tpu.memory_space<hbm>>
      %dma_start3A_1350 = tpu.memref_squeeze %dma_start3A_1349 : memref<1x4096xf32, #tpu.memory_space<hbm>> -> memref<4096xf32, #tpu.memory_space<hbm>>
      %dma_start3A_1351 = arith.constant 0 : i32
      %dma_start3A_1352 = tpu.memref_slice %arg7[%dma_start3A_1341, %dma_start3A_1351] : memref<2x4096xf32, #tpu.memory_space<vmem>> -> memref<1x4096xf32, #tpu.memory_space<vmem>>
      %dma_start3A_1353 = tpu.memref_squeeze %dma_start3A_1352 : memref<1x4096xf32, #tpu.memory_space<vmem>> -> memref<4096xf32, #tpu.memory_space<vmem>>
      tpu.enqueue_dma source(%dma_start3A_1353 : memref<4096xf32, #tpu.memory_space<vmem>>) target(%dma_start3A_1350 : memref<4096xf32, #tpu.memory_space<hbm>>) target_semaphore(%arg9 : memref<!tpu.dma_semaphore, #tpu.memory_space<semaphore_mem>>)
      %dma_wait3A_1354 = arith.constant 0 : i32
      %dma_wait3A_1355 = arith.constant 0 : i32
      %dma_wait3A_1356 = tpu.memref_slice %arg7[%dma_wait3A_1354, %dma_wait3A_1355] : memref<2x4096xf32, #tpu.memory_space<vmem>> -> memref<1x4096xf32, #tpu.memory_space<vmem>>
      %dma_wait3A_1357 = tpu.memref_squeeze %dma_wait3A_1356 : memref<1x4096xf32, #tpu.memory_space<vmem>> -> memref<4096xf32, #tpu.memory_space<vmem>>
      %dma_wait3A_1358 = arith.constant 8192 : i32
      %dma_wait3A_1359 = tpu.memref_slice %arg4[%add3A_1243, %dma_wait3A_1358] : memref<300x16384xf32, #tpu.memory_space<hbm>> -> memref<1x4096xf32, #tpu.memory_space<hbm>>
      %dma_wait3A_1360 = tpu.memref_squeeze %dma_wait3A_1359 : memref<1x4096xf32, #tpu.memory_space<hbm>> -> memref<4096xf32, #tpu.memory_space<hbm>>
      %dma_wait3A_1361 = arith.constant 8192 : i32
      %dma_wait3A_1362 = tpu.memref_slice %arg4[%add3A_1243, %dma_wait3A_1361] : memref<300x16384xf32, #tpu.memory_space<hbm>> -> memref<1x4096xf32, #tpu.memory_space<hbm>>
      %dma_wait3A_1363 = tpu.memref_squeeze %dma_wait3A_1362 : memref<1x4096xf32, #tpu.memory_space<hbm>> -> memref<4096xf32, #tpu.memory_space<hbm>>
      %dma_wait3A_1364 = arith.constant 0 : i32
      %dma_wait3A_1365 = tpu.memref_slice %arg7[%dma_wait3A_1354, %dma_wait3A_1364] : memref<2x4096xf32, #tpu.memory_space<vmem>> -> memref<1x4096xf32, #tpu.memory_space<vmem>>
      %dma_wait3A_1366 = tpu.memref_squeeze %dma_wait3A_1365 : memref<1x4096xf32, #tpu.memory_space<vmem>> -> memref<4096xf32, #tpu.memory_space<vmem>>
      tpu.wait_dma2 semaphore(%arg9 : memref<!tpu.dma_semaphore, #tpu.memory_space<semaphore_mem>>) src(%dma_wait3A_1366 : memref<4096xf32, #tpu.memory_space<vmem>>) dst(%dma_wait3A_1363 : memref<4096xf32, #tpu.memory_space<hbm>>)
      %dma_wait3A_1367 = arith.constant 1 : i32
      %dma_wait3A_1368 = arith.constant 0 : i32
      %dma_wait3A_1369 = tpu.memref_slice %arg7[%dma_wait3A_1367, %dma_wait3A_1368] : memref<2x4096xf32, #tpu.memory_space<vmem>> -> memref<1x4096xf32, #tpu.memory_space<vmem>>
      %dma_wait3A_1370 = tpu.memref_squeeze %dma_wait3A_1369 : memref<1x4096xf32, #tpu.memory_space<vmem>> -> memref<4096xf32, #tpu.memory_space<vmem>>
      %dma_wait3A_1371 = arith.constant 12288 : i32
      %dma_wait3A_1372 = tpu.memref_slice %arg4[%add3A_1243, %dma_wait3A_1371] : memref<300x16384xf32, #tpu.memory_space<hbm>> -> memref<1x4096xf32, #tpu.memory_space<hbm>>
      %dma_wait3A_1373 = tpu.memref_squeeze %dma_wait3A_1372 : memref<1x4096xf32, #tpu.memory_space<hbm>> -> memref<4096xf32, #tpu.memory_space<hbm>>
      %dma_wait3A_1374 = arith.constant 12288 : i32
      %dma_wait3A_1375 = tpu.memref_slice %arg4[%add3A_1243, %dma_wait3A_1374] : memref<300x16384xf32, #tpu.memory_space<hbm>> -> memref<1x4096xf32, #tpu.memory_space<hbm>>
      %dma_wait3A_1376 = tpu.memref_squeeze %dma_wait3A_1375 : memref<1x4096xf32, #tpu.memory_space<hbm>> -> memref<4096xf32, #tpu.memory_space<hbm>>
      %dma_wait3A_1377 = arith.constant 0 : i32
      %dma_wait3A_1378 = tpu.memref_slice %arg7[%dma_wait3A_1367, %dma_wait3A_1377] : memref<2x4096xf32, #tpu.memory_space<vmem>> -> memref<1x4096xf32, #tpu.memory_space<vmem>>
      %dma_wait3A_1379 = tpu.memref_squeeze %dma_wait3A_1378 : memref<1x4096xf32, #tpu.memory_space<vmem>> -> memref<4096xf32, #tpu.memory_space<vmem>>
      tpu.wait_dma2 semaphore(%arg9 : memref<!tpu.dma_semaphore, #tpu.memory_space<semaphore_mem>>) src(%dma_wait3A_1379 : memref<4096xf32, #tpu.memory_space<vmem>>) dst(%dma_wait3A_1376 : memref<4096xf32, #tpu.memory_space<hbm>>)
    } else {
    }
    return
  }
}

</mosaic_0001>

<sc_bundles>
// kernel: kernel.3.cloned.1.call-start
scs
__scs_entry_jumppad:
0x0: {  	(pc) =	sbr.rel $0x88, $3  }
0x1: {  	(tag) =	ssettag $0x0;
	lr =	simm.s32 $0x1  }
0x2: {  	[smem:$0x3F9F] =	sst lr;
	_ =	strace $0xD0000000  }
0x3: {  	_ = 	snop  }
0x4: {  	_ = 	snop  }
0x5: {  	_ = 	snop  }
0x6: {  	_ = 	snop  }
0x7: {  	_ = 	snop  }
__scs_overlays_trampoline_lowered:
0x8: {  	[smem:$0x3FAE] =	sst s0  }
0x9: {  	[smem:$0x3FAF] =	sst s1  }
0xa: {  	[smem:$0x3FB0] =	sst s2  }
0xb: {  	[smem:$0x3FB1] =	sst s3  }
0xc: {  	[smem:$0x3FB2] =	sst s4  }
0xd: {  	[smem:$0x3FB3] =	sst s5  }
0xe: {  	[smem:$0x3FB4] =	sst s6  }
0xf: {  	[smem:$0x3FB5] =	sst s7  }
0x10: {  	[smem:$0x3FB6] =	sst s8  }
0x11: {  	[smem:$0x3FB7] =	sst s9;
	s0 =	simm.s32 @!p0 $0x0  }
0x12: {  	s1 =	sld [smem:$0x3F9D];
	s0 =	simm.s32 @p0 $0x1  }
0x13: {  	[smem:$0x3FB8] =	sst s0;
	s0 =	simm.s32 @!p1 $0x0  }
0x14: {  	s2 =	sld [smem:$0x3F9C];
	s0 =	simm.s32 @p1 $0x1  }
0x15: {  	[smem:$0x3FB9] =	sst s0;
	s0 =	simm.s32 @!p2 $0x0  }
0x16: {  	s3 =	sld [smem:$0x3FDB];
	s0 =	simm.s32 @p2 $0x1  }
0x17: {  	s4 =	simm.s32 $0x1BF5;
	[smem:$0x3FBB] =	sst s0  }
0x18: {  	s0 =	sld [smem:$0x3F9E];
	_ =	swait.ge [sflag:s4], $0x0  }
0x19: {  	s7 =	sld [smem:$0x3F9F]  }
0x1a: {  	s8 =	sadd.s32 $0xFFFFE003, lr  }
0x1b: {  	s9 =	sadd.s32 $0xFFFFFEF7, lr;
	s5 =	simm.s32 $0xFFFFFFFF;
	p2 =	slt.u32 s8, $0xFFFFF086  }
0x1c: {  	p1 =	slt.u32 s9, $0xF7A;
	s5 =	simm.s32 @!p2 $0x0  }
0x1d: {  	s5 =	simm.s32 @p1 $0x1;
	p0 =	seq.s32 s7, s2  }
0x1e: {  	s7 =	smul.u32 @!p0 $0xF7A, s2;
	p2 =	seq.s32 @!p0 s5, $0x0  }
0x1f: {  	s9 =	smul.u32 $0xF7A, s1;
	s8 =	simm.s32 @!p0 $0x1BF5;
	p2 =	por !p2, p0  }
0x20: {  	[sflag:s8] =	ssyncset.s32 @!p0 $0xFFFFF086;
	s6 =	sadd.s32 @!p0 s3, s7;
	s7 =	simm.s32 @!p0 $0x108  }
0x21: {  	s3 =	sadd.s32 s3, s9;
	s6 =	sadd.s32 @!p0 $0x88, s6;
	s7 =	simm.s32 @p2 $0x1082  }
0x22: {  	[simem:s7], [sflag:s8] =	dma.local @!p0 [hbm:s6], $0xF7A  }
0x23: {  	s9 =	sor.u32 $0xD0000000, s2;
	s6 =	simm.s32 $0x108;
	_ =	swait.ge @!p0 [sflag:s8], $0x0  }
0x24: {  	s3 =	sadd.s32 $0x88, s3;
	s6 =	simm.s32 @!p1 $0x1082;
	[sflag:s4] =	ssyncset.s32 $0xFFFFF086  }
0x25: {  	[simem:s6], [sflag:s4] =	dma.local [hbm:s3], $0xF7A  }
0x26: {  	[smem:$0x3F9F] =	sst s1;
	(tag) =	ssettag s2;
	_ =	strace s9  }
0x27: {  	s1 =	sld [smem:$0x3FAF]  }
0x28: {  	s2 =	sld [smem:$0x3FB0]  }
0x29: {  	s4 =	sld [smem:$0x3FB2]  }
0x2a: {  	p0 =	seq.s32 s5, $0x0;
	s5 =	sld [smem:$0x3FB3]  }
0x2b: {  	s6 =	sld [smem:$0x3FB4]  }
0x2c: {  	s7 =	sld [smem:$0x3FB5]  }
0x2d: {  	s3 =	simm.s32 $0x108;
	s8 =	sld [smem:$0x3FB6]  }
0x2e: {  	s3 =	simm.s32 @!p0 $0x1082;
	s9 =	sld [smem:$0x3FB7]  }
0x2f: {  	lr =	sadd.s32 s0, s3;
	s0 =	sld [smem:$0x3FAE]  }
0x30: {  	s3 =	sld [smem:$0x3FB1]  }
0x31: {  	[smem:$0x3FBA] =	sst s10  }
0x32: {  	s10 =	sld [smem:$0x3FB8];
	_ =	sdelay $0x3  }
0x33: {  	p0 =	seq.s32 s10, $0x1;
	s10 =	sld [smem:$0x3FBA];
	_ =	sdelay $0x3  }
0x34: {  	[smem:$0x3FBA] =	sst s10  }
0x35: {  	s10 =	sld [smem:$0x3FB9];
	_ =	sdelay $0x3  }
0x36: {  	p1 =	seq.s32 s10, $0x1;
	s10 =	sld [smem:$0x3FBA];
	_ =	sdelay $0x3  }
0x37: {  	[smem:$0x3FBA] =	sst s10  }
0x38: {  	s10 =	sld [smem:$0x3FBB]  }
0x39: {  	_ = 	snop;
	(pc) =	sbr.ind lr, $3  }
0x3a: {  	_ = 	snop  }
0x3b: {  	_ = 	snop  }
0x3c: {  	p2 =	seq.s32 s10, $0x1;
	s10 =	sld [smem:$0x3FBA]  }
0x3d: {  	_ =	shalt  }
0x3e: {  	_ =	shalt  }
0x3f: {  	_ =	shalt  }
0x40: {  	_ =	shalt  }
0x41: {  	_ =	shalt  }
0x42: {  	_ =	shalt  }
0x43: {  	_ =	shalt  }
0x44: {  	_ =	shalt  }
0x45: {  	_ =	shalt  }
0x46: {  	_ =	shalt  }
0x47: {  	_ =	shalt  }
0x48: {  	_ =	shalt  }
0x49: {  	_ =	shalt  }
0x4a: {  	_ =	shalt  }
0x4b: {  	_ =	shalt  }
0x4c: {  	_ =	shalt  }
0x4d: {  	_ =	shalt  }
0x4e: {  	_ =	shalt  }
0x4f: {  	_ =	shalt  }
0x50: {  	_ =	shalt  }
0x51: {  	_ =	shalt  }
0x52: {  	_ =	shalt  }
0x53: {  	_ =	shalt  }
0x54: {  	_ =	shalt  }
0x55: {  	_ =	shalt  }
0x56: {  	_ =	shalt  }
0x57: {  	_ =	shalt  }
0x58: {  	_ =	shalt  }
0x59: {  	_ =	shalt  }
0x5a: {  	_ =	shalt  }
0x5b: {  	_ =	shalt  }
0x5c: {  	_ =	shalt  }
0x5d: {  	_ =	shalt  }
0x5e: {  	_ =	shalt  }
0x5f: {  	_ =	shalt  }
0x60: {  	_ =	shalt  }
0x61: {  	_ =	shalt  }
0x62: {  	_ =	shalt  }
0x63: {  	_ =	shalt  }
0x64: {  	_ =	shalt  }
0x65: {  	_ =	shalt  }
0x66: {  	_ =	shalt  }
0x67: {  	_ =	shalt  }
0x68: {  	_ =	shalt  }
0x69: {  	_ =	shalt  }
0x6a: {  	_ =	shalt  }
0x6b: {  	_ =	shalt  }
0x6c: {  	_ =	shalt  }
0x6d: {  	_ =	shalt  }
0x6e: {  	_ =	shalt  }
0x6f: {  	_ =	shalt  }
0x70: {  	_ =	shalt  }
0x71: {  	_ =	shalt  }
0x72: {  	_ =	shalt  }
0x73: {  	_ =	shalt  }
0x74: {  	_ =	shalt  }
0x75: {  	_ =	shalt  }
0x76: {  	_ =	shalt  }
0x77: {  	_ =	shalt  }
0x78: {  	_ =	shalt  }
0x79: {  	_ =	shalt  }
0x7a: {  	_ =	shalt  }
0x7b: {  	_ =	shalt  }
0x7c: {  	_ =	shalt  }
0x7d: {  	_ =	shalt  }
0x7e: {  	_ =	shalt  }
0x7f: {  	_ =	shalt  }
0x80: {  	_ =	shalt  }
0x81: {  	_ =	shalt  }
0x82: {  	_ =	shalt  }
0x83: {  	_ =	shalt  }
0x84: {  	_ =	shalt  }
0x85: {  	_ =	shalt  }
0x86: {  	_ =	shalt  }
0x87: {  	_ =	shalt  }
.Lfunc_end0:
.L_simem_size_0:
called_computation_lowered:
.L_overlay_start_0:
0x88: {  	s2 =	sld [smem:$0x3FD9]  }
0x89: {  	s3 =	sld [smem:$0x3FFE];
	_ =	sdelay $0x1  }
0x8a: {  	s1 =	srdreg.scid  }
0x8b: {  	s0 =	sand.u32 $0x1, s1  }
0x8c: {  	s18 =	sshll.u32 s0, $0xA;
	s2 =	sadd.s32 s3, s2  }
0x8d: {  	s2 =	sadd.s32 s2, s18  }
0x8e: {  	[smem:$0x3FC6] =	sst s2  }
0x8f: {  	_ = 	snop  }
0x90: {  	s2 =	sld [smem:$0x3FC9]  }
0x91: {  	s19 =	sld [smem:$0x3FC8]  }
0x92: {  	s4 =	sld [smem:$0x3FD0];
	(tm) =	ssettm $0x1  }
0x93: {  	s5 =	sld [smem:$0x3FFB];
	_ =	sdelay $0x3  }
0x94: {  	_ =	strace s5  }
0x95: {  	s5 =	sld [smem:$0x3FFC];
	_ =	sdelay $0x3  }
0x96: {  	_ =	strace s5  }
0x97: {  	s5 =	sld [smem:$0x3FFD];
	_ =	sdelay $0x3  }
0x98: {  	_ =	strace s5  }
0x99: {  	_ =	strace $0x8FFFFFFF  }
0x9a: {  	s20 =	sld [smem:$0x3FDB];
	_ =	sdelay $0x1  }
0x9b: {  	s6 =	simm.s32 $_scs_section_size  }
0x9c: {  	s7 =	simm.s32 $_size__tile_overlayer_lowered;
	s8 =	simm.s32 $_tile_overlayer_lowered  }
0x9d: {  	s23 =	simm.s32 $0x1BFF;
	s22 =	sshll.u32 s8, $0x1;
	s5 =	sadd.s32 s6, s20  }
0x9e: {  	s9 =	simm.s32 $0x0;
	s21 =	sshll.u32 s7, $0x1;
	s7 =	sadd.s32 s22, s5  }
0x9f: {  	[timem:s9], [sflag:s23] =	dma.local [hbm:s7], s21  }
0xa0: {  	_ =	swait.ge [sflag:s23], s21  }
0xa1: {  	s6 =	ssub.s32 $0x0, s21;
	[sflag:s23] =	ssyncset.done $0x0  }
0xa2: {  	[sflag:s23] =	ssyncadd.s32 s6;
	_ =	sdelay $0x1  }
0xa3: {  	s24 =	simm.s32 $0x1B8B  }
0xa4: {  	_ =	swait.ge [sflag:s24], $0x1  }
0xa5: {  	[sflag:s24] =	ssyncset.done $0x0  }
0xa6: {  	s25 =	simm.s32 $0x1B8E;
	[sflag:s24] =	ssyncadd.s32 $0xFFFFFFFF  }
0xa7: {  	s26 =	simm.s32 $execute0_lowered;
	[smem:$0x3FD2] =	sst s25  }
0xa8: {  	s6 =	sshll.u32 s26, $0x1;
	_ =	strace $0x80000046;
	[dreg:$0x1] =	wrdreg $0xFFFFFFFF  }
0xa9: {  	s28 =	simm.s32 $_size_execute0_lowered;
	s5 =	sadd.s32 s5, s6;
	[dreg:$0x0] =	wrdreg $0x0  }
0xaa: {  	s6 =	sshll.u32 s28, $0x1;
	[dreg:$0x2] =	wrdreg s5  }
0xab: {  	[dreg:$0x3] =	wrdreg s6  }
0xac: {  	[dreg:$0x4] =	wrdreg $0xC0  }
0xad: {  	_ =	task [dreg:s9], $0x5FFFF  }
0xae: {  	[dreg:$0x1] =	wrdreg $0xFFFFFFFF  }
0xaf: {  	[dreg:$0x0] =	wrdreg $0x60  }
0xb0: {  	[dreg:$0x2] =	wrdreg s2  }
0xb1: {  	[dreg:$0x3] =	wrdreg s19  }
0xb2: {  	[dreg:$0x4] =	wrdreg s4  }
0xb3: {  	[dreg:$0x5] =	wrdreg $0x9  }
0xb4: {  	_ =	task.clear_ibuf [dreg:s9], $0x6FFFF;
	_ =	strace $0x90000046  }
0xb5: {  	s29 =	simm.s32 $0x9;
	_ =	strace $0x80000048  }
0xb6: {  	_ =	swait.ge [sflag:s29], $0x1  }
0xb7: {  	[sflag:s29] =	ssyncadd.s32 $0xFFFFFFFF  }
0xb8: {  	_ =	strace $0x90000048  }
0xb9: {  	_ =	sfence  }
0xba: {  	s30 =	sld [smem:$0x0];
	_ =	sdelay $0x2  }
0xbb: {  	s31 =	sshll.u32 s1, $0xD;
	s1 =	sshrl.u32 s1, $0x2  }
0xbc: {  	s3 =	sand.u32 $0x4000, s31;
	s1 =	sadd.s32 s1, s30  }
0xbd: {  	s0 =	sor.u32 s3, s0;
	s1 =	sshll.u32 s1, $0x11  }
0xbe: {  	s0 =	sor.u32 s1, s0  }
0xbf: {  	s0 =	sadd.s32 $0x8F2B, s0  }
0xc0: {  	[sflag:s0] =	ssyncadd.remote.s32 $0x1  }
0xc1: {  	_ =	sfence.sel $0xFFFF  }
0xc2: {  	[dreg:$0x0] =	wrdreg $0xFFFFFFFF;
	(pc) =	sbr.abs _section_cstart, $3  }
0xc3: {  	[dreg:$0x1] =	wrdreg $0xFFFFFFFF  }
0xc4: {  	_ =	task.clear_ibuf [dreg:s9], $0x2FFFF;
	_ =	strace $0x9FFFFFFF  }
0xc5: {  	(tm) =	ssettm $0x7FFFFFFF  }
tec
execute0_lowered:
.L_overlay_start_1:
0x0: {  	(tag) =	ssettag $0x1  }
0x1: {  	s2 =	rddreg [dreg:$0x0]  }
0x2: {  	s0 =	srdreg.scid;
	s23 =	stileid.u32  }
0x3: {  	s18 =	rddreg [dreg:$0x2];
	s3 =	sand.u32 $0x1, s0;
	s13 =	sshll.u32 s23, $0x8  }
0x4: {  	s4 =	sshrl.u32 s23, $0x2;
	s1 =	sshll.u32 s3, $0x7;
	s0 =	sand.u32 $0x300, s13  }
0x5: {  	s5 =	smul.u32 $0xC3800, s4;
	s3 =	ssub.s32 $0x2, s3;
	s15 =	sshll.u32 s4, $0x11  }
0x6: {  	s7 =	sor.u32 $0x8, s4;
	s9 =	sor.u32 $0xC, s4;
	s11 =	sor.u32 $0x10, s4  }
0x7: {  	s13 =	sor.u32 $0x1C, s4;
	s0 =	sor.u32 s1, s0;
	s8 =	smul.u32 $0xC3800, s7  }
0x8: {  	s1 =	simm.s32 $0x0;
	s6 =	sshrl.u32 s3, $0x1;
	s10 =	smul.u32 $0xC3800, s9  }
0x9: {  	s5 =	sor.u32 s5, s0;
	[smem:$0x7FF] =	sst s1;
	s3 =	ssub.s32 s3, s6  }
0xa: {  	s12 =	smul.u32 $0xC3800, s11;
	s5 =	sshrl.u32 s5, $0x3;
	[smem:$0x7FD] =	sst s3  }
0xb: {  	s3 =	sor.u32 s15, s0;
	s8 =	sor.u32 s0, s8;
	s10 =	sor.u32 s0, s10  }
0xc: {  	s20 =	sor.u32 s0, s12;
	s12 =	sor.u32 $0x18, s4;
	s15 =	sor.u32 $0x20, s4  }
0xd: {  	s14 =	sadd.s32 s2, s5;
	s5 =	sor.u32 $0x4, s4;
	s22 =	smul.u32 $0xC3800, s12  }
0xe: {  	s8 =	sshrl.u32 s8, $0x3;
	[dreg:$0x4] =	wrdreg s14;
	s16 =	smul.u32 $0xC3800, s5  }
0xf: {  	s17 =	sadd.s32 s2, s8;
	s8 =	sor.u32 $0x14, s4;
	s14 =	smul.u32 $0xC3800, s13  }
0x10: {  	s3 =	sshrl.u32 s3, $0x3;
	s4 =	sor.u32 $0x24, s4;
	s21 =	smul.u32 $0xC3800, s8  }
0x11: {  	s19 =	sshrl.u32 s10, $0x3;
	[dreg:$0x6] =	wrdreg s17;
	s17 =	smul.u32 $0xC3800, s4  }
0x12: {  	s8 =	sshll.u32 s8, $0x11;
	s4 =	sshll.u32 s4, $0x11;
	s6 =	sor.u32 s0, s16  }
0x13: {  	s16 =	smul.u32 $0xC3800, s15;
	s24 =	sor.u32 s0, s14;
	s8 =	sor.u32 s0, s8  }
0x14: {  	s6 =	sshrl.u32 s6, $0x3;
	s10 =	sor.u32 s0, s21;
	s26 =	sor.u32 s0, s17  }
0x15: {  	s17 =	sshll.u32 s5, $0x11;
	s21 =	sshll.u32 s11, $0x11;
	s6 =	sadd.s32 s2, s6  }
0x16: {  	s10 =	sshrl.u32 s10, $0x3;
	s25 =	sor.u32 s0, s16;
	s16 =	sshrl.u32 s26, $0x3  }
0x17: {  	s26 =	sshll.u32 s15, $0x11;
	[dreg:$0x5] =	wrdreg s6;
	s6 =	sadd.s32 s2, s19  }
0x18: {  	s10 =	sadd.s32 s2, s10;
	s19 =	sshll.u32 s7, $0x11;
	s7 =	sor.u32 s0, s21  }
0x19: {  	s14 =	sor.u32 s0, s26;
	s21 =	sadd.s32 $0x2000, s18;
	[dreg:$0x7] =	wrdreg s6  }
0x1a: {  	s6 =	sshrl.u32 s20, $0x3;
	[dreg:$0x9] =	wrdreg s10;
	s10 =	sshrl.u32 s25, $0x3  }
0x1b: {  	s20 =	sshll.u32 s9, $0x11;
	s5 =	sor.u32 s0, s19;
	s25 =	sshll.u32 s13, $0x11  }
0x1c: {  	s19 =	sor.u32 s0, s4;
	s13 =	sadd.s32 s3, s21;
	s6 =	sadd.s32 s2, s6  }
0x1d: {  	[dreg:$0x10] =	wrdreg s13;
	s26 =	sshrl.u32 s5, $0x3;
	s19 =	sshrl.u32 s19, $0x3  }
0x1e: {  	[dreg:$0x8] =	wrdreg s6;
	s6 =	sor.u32 s0, s22;
	s22 =	sshll.u32 s12, $0x11  }
0x1f: {  	s5 =	sadd.s32 s26, s21;
	s6 =	sshrl.u32 s6, $0x3;
	s9 =	sor.u32 s0, s22  }
0x20: {  	s22 =	sadd.s32 $0x3000, s18;
	[dreg:$0x18] =	wrdreg s5;
	s6 =	sadd.s32 s2, s6  }
0x21: {  	s15 =	sadd.s32 s3, s22;
	[dreg:$0xa] =	wrdreg s6;
	s6 =	sshrl.u32 s24, $0x3  }
0x22: {  	s24 =	sadd.s32 s18, s3;
	[dreg:$0x11] =	wrdreg s15;
	s6 =	sadd.s32 s2, s6  }
0x23: {  	[dreg:$0xb] =	wrdreg s6;
	s6 =	sadd.s32 s2, s10;
	s2 =	sadd.s32 s2, s16  }
0x24: {  	[dreg:$0xc] =	wrdreg s6;
	s6 =	sor.u32 s0, s20;
	s20 =	sadd.s32 $0x1000, s18  }
0x25: {  	s15 =	sshrl.u32 s8, $0x3;
	[dreg:$0xd] =	wrdreg s2;
	s12 =	sadd.s32 s3, s20  }
0x26: {  	s2 =	sor.u32 s0, s17;
	s3 =	sadd.s32 s18, s26;
	[dreg:$0xf] =	wrdreg s12  }
0x27: {  	s11 =	sshrl.u32 s2, $0x3;
	s4 =	sadd.s32 s26, s20;
	[dreg:$0x16] =	wrdreg s3  }
0x28: {  	s10 =	sor.u32 s0, s25;
	s16 =	sadd.s32 s18, s11;
	[dreg:$0x17] =	wrdreg s4  }
0x29: {  	s2 =	sadd.s32 s15, s20;
	s17 =	sadd.s32 s11, s20;
	[dreg:$0x12] =	wrdreg s16  }
0x2a: {  	s25 =	sadd.s32 s11, s21;
	s0 =	sadd.s32 s11, s22;
	[dreg:$0x13] =	wrdreg s17  }
0x2b: {  	s11 =	sshrl.u32 s6, $0x3;
	s12 =	sshrl.u32 s7, $0x3;
	[dreg:$0x14] =	wrdreg s25  }
0x2c: {  	s3 =	sadd.s32 s15, s21;
	s4 =	sadd.s32 s15, s22;
	[dreg:$0x15] =	wrdreg s0  }
0x2d: {  	s0 =	sadd.s32 s26, s22;
	s13 =	sadd.s32 s18, s11;
	s25 =	sadd.s32 s11, s20  }
0x2e: {  	s26 =	sadd.s32 s11, s21;
	s28 =	sadd.s32 s11, s22;
	s29 =	sadd.s32 s18, s12  }
0x2f: {  	s30 =	sadd.s32 s12, s20;
	s31 =	sadd.s32 s12, s21;
	s11 =	sadd.s32 s18, s15  }
0x30: {  	s16 =	sshrl.u32 s9, $0x3;
	s17 =	sshrl.u32 s10, $0x3;
	[dreg:$0x19] =	wrdreg s0  }
0x31: {  	[dreg:$0x1a] =	wrdreg s13;
	s0 =	sadd.s32 s12, s22;
	s5 =	sadd.s32 s18, s16  }
0x32: {  	s6 =	sadd.s32 s16, s20;
	s9 =	sadd.s32 s18, s17;
	s10 =	sadd.s32 s17, s20  }
0x33: {  	s12 =	sadd.s32 s17, s21;
	s13 =	sadd.s32 s17, s22;
	s17 =	sshrl.u32 s14, $0x3  }
0x34: {  	s7 =	sadd.s32 s16, s21;
	s14 =	sadd.s32 s18, s17;
	s18 =	sadd.s32 s18, s19  }
0x35: {  	s15 =	sadd.s32 s17, s20;
	s20 =	sadd.s32 s19, s20;
	[dreg:$0x1b] =	wrdreg s18  }
0x36: {  	s8 =	sadd.s32 s16, s22;
	[dreg:$0x1c] =	wrdreg s20;
	s20 =	sadd.s32 s19, s21  }
0x37: {  	s16 =	sadd.s32 s17, s21;
	s21 =	sadd.s32 s19, s22;
	[dreg:$0x1d] =	wrdreg s20  }
0x38: {  	[dreg:$0x1e] =	wrdreg s21  }
0x39: {  	_ =	strace $0x80000047  }
.Ltmp0:
0x3a: {  	s17 =	sadd.s32 s17, s22;
	s22 =	sld [smem:$0x7FD];
	(pc) =	sbr.rel .LBB2_1-.Ltmp0, $3  }
0x3b: {  	_ =	sdelay $0x1  }
0x3c: {  	p0 =	sgt.u32 s23, $0x5;
	[dreg:$0xe] =	wrdreg s24;
	s18 =	smax.u32 s22, $0x1  }
0x3d: {  	s20 =	simm.s32 $0x0;
	[dreg:$0x1f] =	wrdreg s18;
	s18 =	simm.s32 $0x4000  }
.LBB2_162:
0x3e: {  	[hbm4b:s22+s1] =	stream.linear.scatter [tilespmem:s19], [sflag:$0x2], $0x80, $0x38;
	[tilespmem:$0x1E700] =	vst v63  }
0x3f: {  	s24 =	simm.s32 $0x2  }
0x40: {  	_ =	swait.ge [sflag:s24], $0x1000  }
0x41: {  	[sflag:s24] =	ssyncset.done $0x0  }
0x42: {  	[sflag:s24] =	ssyncadd.s32 $0xFFFFF000  }
0x43: {  	_ =	swait.ge [sflag:s24], $0x1000  }
0x44: {  	[sflag:s24] =	ssyncset.done $0x0  }
0x45: {  	s20 =	sld [smem:$0x7FC];
	[sflag:s24] =	ssyncadd.s32 $0xFFFFF000  }
.LBB2_163:
0x46: {  	_ =	sdelay $0x1  }
0x47: {  	s19 =	rddreg [dreg:$0x1f];
	s20 =	sadd.s32 $0x1, s20  }
0x48: {  	p1 =	sne.s32 s20, s19  }
.Ltmp1:
0x49: {  	_ = 	snop;
	(pc) =	sbr.rel @!p1 .LBB2_164-.Ltmp1, $1  }
0x4a: {  	_ =	sdelay $0x3  }
.LBB2_1:
0x4b: {  	[smem:$0x7FC] =	sst s20  }
0x4c: {  	s19 =	rddreg [dreg:$0x1];
	s22 =	simm.s32 $0x3  }
0x4d: {  	[tilespmem:s1], [sflag:$0x3] =	stream.linear.gather [hbm4b:s19+s1], $0x4000, $0x38;
	[tilespmem:$0x1E700] =	vst v63  }
0x4e: {  	_ =	swait.ge [sflag:s22], $0x4000  }
0x4f: {  	s24 =	simm.s32 $0x80;
	s21 =	simm.s32 $0x400;
	[sflag:s22] =	ssyncset.done $0x0  }
0x50: {  	s23 =	rddreg [dreg:$0x4];
	[sflag:s22] =	ssyncadd.s32 $0xFFFFC000;
	s22 =	simm.s32 $0x1  }
0x51: {  	[tilespmem:s18], [sflag:$0x1] =	stream.strided.gather [hbm4b:s23+s24], $0x18700, s21, s24, $0x38;
	[tilespmem:$0x1E700] =	vst v63  }
0x52: {  	_ =	swait.ge [sflag:s22], $0x18700  }
0x53: {  	[sflag:s22] =	ssyncset.done $0x0  }
0x54: {  	[sflag:s22] =	ssyncadd.s32 $0xFFFE7900  }
0x55: {  	v0 =	vld [tilespmem:s1+$0x0];
	_ =	sdelay $0x7  }
0x56: {  	v0 =	vld.idx.msk [tilespmem:v0+s18+$0x0], $0xffff;
	_ =	sdelay $0x2  }
0x57: {  	s23 =	sand.u32 $0x70, s1;
	s24 =	sand.u32 $0x1F00, s1  }
0x58: {  	s20 =	sor.u32 s23, s24  }
0x59: {  	s19 =	simm.s32 $0x10;
	[tilespmem:s20+$0x1C700] =	vst v0  }
0x5a: {  	s21 =	simm.s32 $0x20;
	s22 =	simm.s32 $0x10;
	s20 =	simm.s32 $0x0;
	v0 =	vld [tilespmem:s19+$0x0]  }
.LBB2_2:
0x5b: {  	p1 =	sne.s32 s21, $0xFF0;
	_ =	sdelay $0x6  }
0x5c: {  	v0 =	vld.idx.msk [tilespmem:v0+s18+$0x0], $0xffff;
	_ =	sdelay $0x2  }
.Ltmp2:
0x5d: {  	s20 =	sadd.s32 $0x20, s20;
	(pc) =	sbr.rel @p1 .LBB2_2-.Ltmp2, $4  }
0x5e: {  	s23 =	sand.u32 $0x70, s19;
	s19 =	smov.u32 s21;
	s24 =	sand.u32 $0x1F00, s20  }
0x5f: {  	s23 =	sor.u32 s23, s24  }
0x60: {  	s22 =	sadd.s32 $0x10, s22;
	[tilespmem:s23+$0x1C700] =	vst v0  }
0x61: {  	s21 =	sadd.s32 $0x10, s21;
	v0 =	vld [tilespmem:s22+$0x0]  }
0x62: {  	_ =	sdelay $0x7  }
0x63: {  	v0 =	vld.idx.msk [tilespmem:v0+s18+$0x0], $0xffff;
	_ =	sdelay $0x1  }
0x64: {  	s20 =	sadd.s32 $0x20, s20  }
0x65: {  	s19 =	sand.u32 $0x70, s19;
	s24 =	rddreg [dreg:$0xe];
	s20 =	sand.u32 $0x1F00, s20  }
0x66: {  	s22 =	simm.s32 $0x1C800;
	s23 =	sadd.s32 $0x0, s24;
	s21 =	sor.u32 s19, s20  }
0x67: {  	s19 =	simm.s32 $0x0;
	s20 =	simm.s32 $0x1C700;
	[tilespmem:s21+$0x1C700] =	vst v0;
	s21 =	simm.s32 $0x80  }
.LBB2_4:
0x68: {  	[hbm4b:s23+s19] =	stream.linear.scatter [tilespmem:s20], [sflag:$0x2], $0x80, $0x38;
	[tilespmem:$0x1E700] =	vst v63  }
0x69: {  	s23 =	smov.u32 s21;
	s20 =	smov.u32 s22;
	p1 =	sne.s32 s21, $0xF80  }
.Ltmp3:
0x6a: {  	s21 =	sadd.s32 $0x80, s21;
	(pc) =	sbr.rel @p1 .LBB2_4-.Ltmp3, $2  }
0x6b: {  	_ =	sdelay $0x2  }
0x6c: {  	s22 =	sadd.s32 $0x100, s22;
	s23 =	sadd.s32 s23, s24  }
0x6d: {  	[hbm4b:s23+s19] =	stream.linear.scatter [tilespmem:s20], [sflag:$0x2], $0x80, $0x38;
	[tilespmem:$0x1E700] =	vst v63  }
0x6e: {  	s23 =	sand.u32 $0xFF0, s19  }
0x6f: {  	v0 =	vld [tilespmem:s23+$0x1000];
	_ =	sdelay $0x7  }
0x70: {  	v0 =	vld.idx.msk [tilespmem:v0+s18+$0x0], $0xffff;
	_ =	sdelay $0x2  }
0x71: {  	s21 =	sand.u32 $0x70, s19;
	s22 =	sand.u32 $0x1F00, s19  }
0x72: {  	s20 =	simm.s32 $0x10;
	s24 =	sor.u32 s21, s22  }
0x73: {  	s22 =	sand.u32 $0xFF0, s20;
	s21 =	simm.s32 $0x20;
	[tilespmem:s24+$0x1C780] =	vst v0  }
.LBB2_6:
0x74: {  	p1 =	sne.s32 s21, $0xFF0;
	v0 =	vld [tilespmem:s22+$0x1000];
	_ =	sdelay $0x7  }
0x75: {  	v0 =	vld.idx.msk [tilespmem:v0+s18+$0x0], $0xffff;
	_ =	sdelay $0x1  }
.Ltmp4:
0x76: {  	(pc) =	sbr.rel @p1 .LBB2_6-.Ltmp4, $4  }
0x77: {  	s19 =	sadd.s32 $0x20, s19  }
0x78: {  	s22 =	sand.u32 $0x70, s20;
	s20 =	smov.u32 s21;
	s23 =	sand.u32 $0x1F00, s19  }
0x79: {  	s23 =	sor.u32 s22, s23  }
0x7a: {  	s21 =	sadd.s32 $0x10, s21;
	s22 =	sand.u32 $0xFF0, s20;
	[tilespmem:s23+$0x1C780] =	vst v0  }
0x7b: {  	v0 =	vld [tilespmem:s22+$0x1000];
	_ =	sdelay $0x7  }
0x7c: {  	v0 =	vld.idx.msk [tilespmem:v0+s18+$0x0], $0xffff;
	_ =	sdelay $0x1  }
0x7d: {  	s19 =	sadd.s32 $0x20, s19  }
0x7e: {  	s20 =	sand.u32 $0x70, s20;
	s23 =	rddreg [dreg:$0xf];
	s19 =	sand.u32 $0x1F00, s19  }
0x7f: {  	s21 =	simm.s32 $0x1C880;
	s24 =	simm.s32 $0x2;
	s20 =	sor.u32 s20, s19  }
0x80: {  	s22 =	sadd.s32 $0x0, s23;
	s19 =	simm.s32 $0x1C780;
	[tilespmem:s20+$0x1C780] =	vst v0;
	s20 =	simm.s32 $0x80  }
.LBB2_8:
0x81: {  	[hbm4b:s22+s1] =	stream.linear.scatter [tilespmem:s19], [sflag:$0x2], $0x80, $0x38;
	[tilespmem:$0x1E700] =	vst v63  }
0x82: {  	s22 =	smov.u32 s20;
	s19 =	smov.u32 s21;
	p1 =	sne.s32 s20, $0xF80  }
.Ltmp5:
0x83: {  	s20 =	sadd.s32 $0x80, s20;
	(pc) =	sbr.rel @p1 .LBB2_8-.Ltmp5, $2  }
0x84: {  	_ =	sdelay $0x2  }
0x85: {  	s21 =	sadd.s32 $0x100, s21;
	s22 =	sadd.s32 s22, s23  }
0x86: {  	[hbm4b:s22+s1] =	stream.linear.scatter [tilespmem:s19], [sflag:$0x2], $0x80, $0x38;
	[tilespmem:$0x1E700] =	vst v63  }
0x87: {  	_ =	swait.ge [sflag:s24], $0x1000  }
0x88: {  	s19 =	simm.s32 $0x0;
	[sflag:s24] =	ssyncset.done $0x0  }
0x89: {  	s20 =	sand.u32 $0xFF0, s19;
	[sflag:s24] =	ssyncadd.s32 $0xFFFFF000  }
0x8a: {  	v0 =	vld [tilespmem:s20+$0x2000];
	_ =	sdelay $0x7  }
0x8b: {  	v0 =	vld.idx.msk [tilespmem:v0+s18+$0x0], $0xffff;
	_ =	sdelay $0x2  }
0x8c: {  	s21 =	sand.u32 $0x70, s19;
	s23 =	sand.u32 $0x1F00, s19  }
0x8d: {  	s23 =	sor.u32 s21, s23;
	s20 =	simm.s32 $0x10  }
0x8e: {  	s21 =	simm.s32 $0x20;
	s22 =	sand.u32 $0xFF0, s20;
	[tilespmem:s23+$0x1C700] =	vst v0  }
.LBB2_10:
0x8f: {  	p1 =	sne.s32 s21, $0xFF0;
	v0 =	vld [tilespmem:s22+$0x2000];
	_ =	sdelay $0x7  }
0x90: {  	v0 =	vld.idx.msk [tilespmem:v0+s18+$0x0], $0xffff;
	_ =	sdelay $0x1  }
.Ltmp6:
0x91: {  	(pc) =	sbr.rel @p1 .LBB2_10-.Ltmp6, $4  }
0x92: {  	s19 =	sadd.s32 $0x20, s19  }
0x93: {  	s22 =	sand.u32 $0x70, s20;
	s20 =	smov.u32 s21;
	s23 =	sand.u32 $0x1F00, s19  }
0x94: {  	s23 =	sor.u32 s22, s23  }
0x95: {  	s21 =	sadd.s32 $0x10, s21;
	s22 =	sand.u32 $0xFF0, s20;
	[tilespmem:s23+$0x1C700] =	vst v0  }
0x96: {  	v0 =	vld [tilespmem:s22+$0x2000];
	_ =	sdelay $0x7  }
0x97: {  	v0 =	vld.idx.msk [tilespmem:v0+s18+$0x0], $0xffff;
	_ =	sdelay $0x1  }
0x98: {  	s19 =	sadd.s32 $0x20, s19  }
0x99: {  	s20 =	sand.u32 $0x70, s20;
	s19 =	sand.u32 $0x1F00, s19  }
0x9a: {  	s23 =	rddreg [dreg:$0x10];
	s21 =	simm.s32 $0x1C800;
	s20 =	sor.u32 s20, s19  }
0x9b: {  	s22 =	sadd.s32 $0x0, s23;
	s19 =	simm.s32 $0x1C700;
	[tilespmem:s20+$0x1C700] =	vst v0;
	s20 =	simm.s32 $0x80  }
.LBB2_12:
0x9c: {  	[hbm4b:s22+s1] =	stream.linear.scatter [tilespmem:s19], [sflag:$0x2], $0x80, $0x38;
	[tilespmem:$0x1E700] =	vst v63  }
0x9d: {  	s22 =	smov.u32 s20;
	s19 =	smov.u32 s21;
	p1 =	sne.s32 s20, $0xF80  }
.Ltmp7:
0x9e: {  	s20 =	sadd.s32 $0x80, s20;
	(pc) =	sbr.rel @p1 .LBB2_12-.Ltmp7, $2  }
0x9f: {  	_ =	sdelay $0x2  }
0xa0: {  	s21 =	sadd.s32 $0x100, s21;
	s22 =	sadd.s32 s22, s23  }
0xa1: {  	[hbm4b:s22+s1] =	stream.linear.scatter [tilespmem:s19], [sflag:$0x2], $0x80, $0x38;
	[tilespmem:$0x1E700] =	vst v63  }
0xa2: {  	_ =	swait.ge [sflag:s24], $0x1000  }
0xa3: {  	s19 =	simm.s32 $0x0;
	[sflag:s24] =	ssyncset.done $0x0  }
0xa4: {  	s20 =	sand.u32 $0xFF0, s19;
	[sflag:s24] =	ssyncadd.s32 $0xFFFFF000  }
0xa5: {  	v0 =	vld [tilespmem:s20+$0x3000];
	_ =	sdelay $0x7  }
0xa6: {  	v0 =	vld.idx.msk [tilespmem:v0+s18+$0x0], $0xffff;
	_ =	sdelay $0x2  }
0xa7: {  	s21 =	sand.u32 $0x70, s19;
	s23 =	sand.u32 $0x1F00, s19  }
0xa8: {  	s23 =	sor.u32 s21, s23;
	s20 =	simm.s32 $0x10  }
0xa9: {  	s21 =	simm.s32 $0x20;
	s22 =	sand.u32 $0xFF0, s20;
	[tilespmem:s23+$0x1C780] =	vst v0  }
.LBB2_14:
0xaa: {  	p1 =	sne.s32 s21, $0xFF0;
	v0 =	vld [tilespmem:s22+$0x3000];
	_ =	sdelay $0x7  }
0xab: {  	v0 =	vld.idx.msk [tilespmem:v0+s18+$0x0], $0xffff;
	_ =	sdelay $0x1  }
.Ltmp8:
0xac: {  	(pc) =	sbr.rel @p1 .LBB2_14-.Ltmp8, $4  }
0xad: {  	s19 =	sadd.s32 $0x20, s19  }
0xae: {  	s22 =	sand.u32 $0x70, s20;
	s20 =	smov.u32 s21;
	s23 =	sand.u32 $0x1F00, s19  }
0xaf: {  	s23 =	sor.u32 s22, s23  }
0xb0: {  	s21 =	sadd.s32 $0x10, s21;
	s22 =	sand.u32 $0xFF0, s20;
	[tilespmem:s23+$0x1C780] =	vst v0  }
0xb1: {  	v0 =	vld [tilespmem:s22+$0x3000];
	_ =	sdelay $0x7  }
0xb2: {  	v0 =	vld.idx.msk [tilespmem:v0+s18+$0x0], $0xffff;
	_ =	sdelay $0x1  }
0xb3: {  	s19 =	sadd.s32 $0x20, s19  }
0xb4: {  	s20 =	sand.u32 $0x70, s20;
	s19 =	sand.u32 $0x1F00, s19  }
0xb5: {  	s23 =	rddreg [dreg:$0x11];
	s21 =	simm.s32 $0x1C880;
	s20 =	sor.u32 s20, s19  }
0xb6: {  	s22 =	sadd.s32 $0x0, s23;
	s19 =	simm.s32 $0x1C780;
	[tilespmem:s20+$0x1C780] =	vst v0;
	s20 =	simm.s32 $0x80  }
.LBB2_16:
0xb7: {  	[hbm4b:s22+s1] =	stream.linear.scatter [tilespmem:s19], [sflag:$0x2], $0x80, $0x38;
	[tilespmem:$0x1E700] =	vst v63  }
0xb8: {  	s22 =	smov.u32 s20;
	s19 =	smov.u32 s21;
	p1 =	sne.s32 s20, $0xF80  }
.Ltmp9:
0xb9: {  	s20 =	sadd.s32 $0x80, s20;
	(pc) =	sbr.rel @p1 .LBB2_16-.Ltmp9, $2  }
0xba: {  	_ =	sdelay $0x2  }
0xbb: {  	s21 =	sadd.s32 $0x100, s21;
	s22 =	sadd.s32 s22, s23  }
0xbc: {  	[hbm4b:s22+s1] =	stream.linear.scatter [tilespmem:s19], [sflag:$0x2], $0x80, $0x38;
	[tilespmem:$0x1E700] =	vst v63  }
0xbd: {  	s23 =	rddreg [dreg:$0x5];
	s20 =	simm.s32 $0x80;
	s21 =	simm.s32 $0x400  }
0xbe: {  	[tilespmem:s18], [sflag:$0x1] =	stream.strided.gather [hbm4b:s23+s20], $0x18700, s21, s20, $0x38;
	[tilespmem:$0x1E700] =	vst v63  }
0xbf: {  	_ =	swait.ge [sflag:s24], $0x1000  }
0xc0: {  	[sflag:s24] =	ssyncset.done $0x0  }
0xc1: {  	[sflag:s24] =	ssyncadd.s32 $0xFFFFF000  }
0xc2: {  	_ =	swait.ge [sflag:s24], $0x1000  }
0xc3: {  	[sflag:s24] =	ssyncset.done $0x0  }
0xc4: {  	s22 =	simm.s32 $0x1;
	[sflag:s24] =	ssyncadd.s32 $0xFFFFF000  }
0xc5: {  	_ =	swait.ge [sflag:s22], $0x18700  }
0xc6: {  	[sflag:s22] =	ssyncset.done $0x0  }
0xc7: {  	s19 =	simm.s32 $0x0;
	[sflag:s22] =	ssyncadd.s32 $0xFFFE7900  }
0xc8: {  	v0 =	vld [tilespmem:s19+$0x0];
	_ =	sdelay $0x7  }
0xc9: {  	v0 =	vld.idx.msk [tilespmem:v0+s18+$0x0], $0xffff;
	_ =	sdelay $0x2  }
0xca: {  	s23 =	sand.u32 $0x70, s19;
	s24 =	sand.u32 $0x1F00, s19  }
0xcb: {  	s21 =	sor.u32 s23, s24  }
0xcc: {  	s20 =	simm.s32 $0x10;
	[tilespmem:s21+$0x1C700] =	vst v0  }
0xcd: {  	s22 =	simm.s32 $0x10;
	s21 =	simm.s32 $0x20;
	v0 =	vld [tilespmem:s20+$0x0]  }
.LBB2_18:
0xce: {  	p1 =	sne.s32 s21, $0xFF0;
	_ =	sdelay $0x6  }
0xcf: {  	v0 =	vld.idx.msk [tilespmem:v0+s18+$0x0], $0xffff;
	_ =	sdelay $0x2  }
.Ltmp10:
0xd0: {  	s19 =	sadd.s32 $0x20, s19;
	(pc) =	sbr.rel @p1 .LBB2_18-.Ltmp10, $4  }
0xd1: {  	s23 =	sand.u32 $0x70, s20;
	s20 =	smov.u32 s21;
	s24 =	sand.u32 $0x1F00, s19  }
0xd2: {  	s23 =	sor.u32 s23, s24  }
0xd3: {  	s22 =	sadd.s32 $0x10, s22;
	[tilespmem:s23+$0x1C700] =	vst v0  }
0xd4: {  	s21 =	sadd.s32 $0x10, s21;
	v0 =	vld [tilespmem:s22+$0x0]  }
0xd5: {  	_ =	sdelay $0x7  }
0xd6: {  	v0 =	vld.idx.msk [tilespmem:v0+s18+$0x0], $0xffff;
	_ =	sdelay $0x1  }
0xd7: {  	s19 =	sadd.s32 $0x20, s19  }
0xd8: {  	s20 =	sand.u32 $0x70, s20;
	s24 =	rddreg [dreg:$0x12];
	s19 =	sand.u32 $0x1F00, s19  }
0xd9: {  	s22 =	simm.s32 $0x1C800;
	s23 =	sadd.s32 $0x0, s24;
	s21 =	sor.u32 s20, s19  }
0xda: {  	s19 =	simm.s32 $0x0;
	s20 =	simm.s32 $0x1C700;
	[tilespmem:s21+$0x1C700] =	vst v0;
	s21 =	simm.s32 $0x80  }
.LBB2_20:
0xdb: {  	[hbm4b:s23+s19] =	stream.linear.scatter [tilespmem:s20], [sflag:$0x2], $0x80, $0x38;
	[tilespmem:$0x1E700] =	vst v63  }
0xdc: {  	s23 =	smov.u32 s21;
	s20 =	smov.u32 s22;
	p1 =	sne.s32 s21, $0xF80  }
.Ltmp11:
0xdd: {  	s21 =	sadd.s32 $0x80, s21;
	(pc) =	sbr.rel @p1 .LBB2_20-.Ltmp11, $2  }
0xde: {  	_ =	sdelay $0x2  }
0xdf: {  	s22 =	sadd.s32 $0x100, s22;
	s23 =	sadd.s32 s23, s24  }
0xe0: {  	[hbm4b:s23+s19] =	stream.linear.scatter [tilespmem:s20], [sflag:$0x2], $0x80, $0x38;
	[tilespmem:$0x1E700] =	vst v63  }
0xe1: {  	s23 =	sand.u32 $0xFF0, s19  }
0xe2: {  	v0 =	vld [tilespmem:s23+$0x1000];
	_ =	sdelay $0x7  }
0xe3: {  	v0 =	vld.idx.msk [tilespmem:v0+s18+$0x0], $0xffff;
	_ =	sdelay $0x2  }
0xe4: {  	s21 =	sand.u32 $0x70, s19;
	s22 =	sand.u32 $0x1F00, s19  }
0xe5: {  	s20 =	simm.s32 $0x10;
	s24 =	sor.u32 s21, s22  }
0xe6: {  	s22 =	sand.u32 $0xFF0, s20;
	s21 =	simm.s32 $0x20;
	[tilespmem:s24+$0x1C780] =	vst v0  }
.LBB2_22:
0xe7: {  	p1 =	sne.s32 s21, $0xFF0;
	v0 =	vld [tilespmem:s22+$0x1000];
	_ =	sdelay $0x7  }
0xe8: {  	v0 =	vld.idx.msk [tilespmem:v0+s18+$0x0], $0xffff;
	_ =	sdelay $0x1  }
.Ltmp12:
0xe9: {  	(pc) =	sbr.rel @p1 .LBB2_22-.Ltmp12, $4  }
0xea: {  	s19 =	sadd.s32 $0x20, s19  }
0xeb: {  	s22 =	sand.u32 $0x70, s20;
	s20 =	smov.u32 s21;
	s23 =	sand.u32 $0x1F00, s19  }
0xec: {  	s23 =	sor.u32 s22, s23  }
0xed: {  	s21 =	sadd.s32 $0x10, s21;
	s22 =	sand.u32 $0xFF0, s20;
	[tilespmem:s23+$0x1C780] =	vst v0  }
0xee: {  	v0 =	vld [tilespmem:s22+$0x1000];
	_ =	sdelay $0x7  }
0xef: {  	v0 =	vld.idx.msk [tilespmem:v0+s18+$0x0], $0xffff;
	_ =	sdelay $0x1  }
0xf0: {  	s19 =	sadd.s32 $0x20, s19  }
0xf1: {  	s20 =	sand.u32 $0x70, s20;
	s23 =	rddreg [dreg:$0x13];
	s19 =	sand.u32 $0x1F00, s19  }
0xf2: {  	s21 =	simm.s32 $0x1C880;
	s24 =	simm.s32 $0x2;
	s20 =	sor.u32 s20, s19  }
0xf3: {  	s22 =	sadd.s32 $0x0, s23;
	s19 =	simm.s32 $0x1C780;
	[tilespmem:s20+$0x1C780] =	vst v0;
	s20 =	simm.s32 $0x80  }
.LBB2_24:
0xf4: {  	[hbm4b:s22+s1] =	stream.linear.scatter [tilespmem:s19], [sflag:$0x2], $0x80, $0x38;
	[tilespmem:$0x1E700] =	vst v63  }
0xf5: {  	s22 =	smov.u32 s20;
	s19 =	smov.u32 s21;
	p1 =	sne.s32 s20, $0xF80  }
.Ltmp13:
0xf6: {  	s20 =	sadd.s32 $0x80, s20;
	(pc) =	sbr.rel @p1 .LBB2_24-.Ltmp13, $2  }
0xf7: {  	_ =	sdelay $0x2  }
0xf8: {  	s21 =	sadd.s32 $0x100, s21;
	s22 =	sadd.s32 s22, s23  }
0xf9: {  	[hbm4b:s22+s1] =	stream.linear.scatter [tilespmem:s19], [sflag:$0x2], $0x80, $0x38;
	[tilespmem:$0x1E700] =	vst v63  }
0xfa: {  	_ =	swait.ge [sflag:s24], $0x1000  }
0xfb: {  	s19 =	simm.s32 $0x0;
	[sflag:s24] =	ssyncset.done $0x0  }
0xfc: {  	s20 =	sand.u32 $0xFF0, s19;
	[sflag:s24] =	ssyncadd.s32 $0xFFFFF000  }
0xfd: {  	v0 =	vld [tilespmem:s20+$0x2000];
	_ =	sdelay $0x7  }
0xfe: {  	v0 =	vld.idx.msk [tilespmem:v0+s18+$0x0], $0xffff;
	_ =	sdelay $0x2  }
0xff: {  	s21 =	sand.u32 $0x70, s19;
	s23 =	sand.u32 $0x1F00, s19  }
0x100: {  	s23 =	sor.u32 s21, s23;
	s20 =	simm.s32 $0x10  }
0x101: {  	s21 =	simm.s32 $0x20;
	s22 =	sand.u32 $0xFF0, s20;
	[tilespmem:s23+$0x1C700] =	vst v0  }
.LBB2_26:
0x102: {  	p1 =	sne.s32 s21, $0xFF0;
	v0 =	vld [tilespmem:s22+$0x2000];
	_ =	sdelay $0x7  }
0x103: {  	v0 =	vld.idx.msk [tilespmem:v0+s18+$0x0], $0xffff;
	_ =	sdelay $0x1  }
.Ltmp14:
0x104: {  	(pc) =	sbr.rel @p1 .LBB2_26-.Ltmp14, $4  }
0x105: {  	s19 =	sadd.s32 $0x20, s19  }
0x106: {  	s22 =	sand.u32 $0x70, s20;
	s20 =	smov.u32 s21;
	s23 =	sand.u32 $0x1F00, s19  }
0x107: {  	s23 =	sor.u32 s22, s23  }
0x108: {  	s21 =	sadd.s32 $0x10, s21;
	s22 =	sand.u32 $0xFF0, s20;
	[tilespmem:s23+$0x1C700] =	vst v0  }
0x109: {  	v0 =	vld [tilespmem:s22+$0x2000];
	_ =	sdelay $0x7  }
0x10a: {  	v0 =	vld.idx.msk [tilespmem:v0+s18+$0x0], $0xffff;
	_ =	sdelay $0x1  }
0x10b: {  	s19 =	sadd.s32 $0x20, s19  }
0x10c: {  	s20 =	sand.u32 $0x70, s20;
	s19 =	sand.u32 $0x1F00, s19  }
0x10d: {  	s23 =	rddreg [dreg:$0x14];
	s21 =	simm.s32 $0x1C800;
	s20 =	sor.u32 s20, s19  }
0x10e: {  	s22 =	sadd.s32 $0x0, s23;
	s19 =	simm.s32 $0x1C700;
	[tilespmem:s20+$0x1C700] =	vst v0;
	s20 =	simm.s32 $0x80  }
.LBB2_28:
0x10f: {  	[hbm4b:s22+s1] =	stream.linear.scatter [tilespmem:s19], [sflag:$0x2], $0x80, $0x38;
	[tilespmem:$0x1E700] =	vst v63  }
0x110: {  	s22 =	smov.u32 s20;
	s19 =	smov.u32 s21;
	p1 =	sne.s32 s20, $0xF80  }
.Ltmp15:
0x111: {  	s20 =	sadd.s32 $0x80, s20;
	(pc) =	sbr.rel @p1 .LBB2_28-.Ltmp15, $2  }
0x112: {  	_ =	sdelay $0x2  }
0x113: {  	s21 =	sadd.s32 $0x100, s21;
	s22 =	sadd.s32 s22, s23  }
0x114: {  	[hbm4b:s22+s1] =	stream.linear.scatter [tilespmem:s19], [sflag:$0x2], $0x80, $0x38;
	[tilespmem:$0x1E700] =	vst v63  }
0x115: {  	_ =	swait.ge [sflag:s24], $0x1000  }
0x116: {  	s19 =	simm.s32 $0x0;
	[sflag:s24] =	ssyncset.done $0x0  }
0x117: {  	s20 =	sand.u32 $0xFF0, s19;
	[sflag:s24] =	ssyncadd.s32 $0xFFFFF000  }
0x118: {  	v0 =	vld [tilespmem:s20+$0x3000];
	_ =	sdelay $0x7  }
0x119: {  	v0 =	vld.idx.msk [tilespmem:v0+s18+$0x0], $0xffff;
	_ =	sdelay $0x2  }
0x11a: {  	s21 =	sand.u32 $0x70, s19;
	s23 =	sand.u32 $0x1F00, s19  }
0x11b: {  	s23 =	sor.u32 s21, s23;
	s20 =	simm.s32 $0x10  }
0x11c: {  	s21 =	simm.s32 $0x20;
	s22 =	sand.u32 $0xFF0, s20;
	[tilespmem:s23+$0x1C780] =	vst v0  }
.LBB2_30:
0x11d: {  	p1 =	sne.s32 s21, $0xFF0;
	v0 =	vld [tilespmem:s22+$0x3000];
	_ =	sdelay $0x7  }
0x11e: {  	v0 =	vld.idx.msk [tilespmem:v0+s18+$0x0], $0xffff;
	_ =	sdelay $0x1  }
.Ltmp16:
0x11f: {  	(pc) =	sbr.rel @p1 .LBB2_30-.Ltmp16, $4  }
0x120: {  	s19 =	sadd.s32 $0x20, s19  }
0x121: {  	s22 =	sand.u32 $0x70, s20;
	s20 =	smov.u32 s21;
	s23 =	sand.u32 $0x1F00, s19  }
0x122: {  	s23 =	sor.u32 s22, s23  }
0x123: {  	s21 =	sadd.s32 $0x10, s21;
	s22 =	sand.u32 $0xFF0, s20;
	[tilespmem:s23+$0x1C780] =	vst v0  }
0x124: {  	v0 =	vld [tilespmem:s22+$0x3000];
	_ =	sdelay $0x7  }
0x125: {  	v0 =	vld.idx.msk [tilespmem:v0+s18+$0x0], $0xffff;
	_ =	sdelay $0x1  }
0x126: {  	s19 =	sadd.s32 $0x20, s19  }
0x127: {  	s20 =	sand.u32 $0x70, s20;
	s19 =	sand.u32 $0x1F00, s19  }
0x128: {  	s23 =	rddreg [dreg:$0x15];
	s21 =	simm.s32 $0x1C880;
	s20 =	sor.u32 s20, s19  }
0x129: {  	s22 =	sadd.s32 $0x0, s23;
	s19 =	simm.s32 $0x1C780;
	[tilespmem:s20+$0x1C780] =	vst v0;
	s20 =	simm.s32 $0x80  }
.LBB2_32:
0x12a: {  	[hbm4b:s22+s1] =	stream.linear.scatter [tilespmem:s19], [sflag:$0x2], $0x80, $0x38;
	[tilespmem:$0x1E700] =	vst v63  }
0x12b: {  	s22 =	smov.u32 s20;
	s19 =	smov.u32 s21;
	p1 =	sne.s32 s20, $0xF80  }
.Ltmp17:
0x12c: {  	s20 =	sadd.s32 $0x80, s20;
	(pc) =	sbr.rel @p1 .LBB2_32-.Ltmp17, $2  }
0x12d: {  	_ =	sdelay $0x2  }
0x12e: {  	s21 =	sadd.s32 $0x100, s21;
	s22 =	sadd.s32 s22, s23  }
0x12f: {  	[hbm4b:s22+s1] =	stream.linear.scatter [tilespmem:s19], [sflag:$0x2], $0x80, $0x38;
	[tilespmem:$0x1E700] =	vst v63  }
0x130: {  	s23 =	rddreg [dreg:$0x6];
	s20 =	simm.s32 $0x80;
	s21 =	simm.s32 $0x400  }
0x131: {  	[tilespmem:s18], [sflag:$0x1] =	stream.strided.gather [hbm4b:s23+s20], $0x18700, s21, s20, $0x38;
	[tilespmem:$0x1E700] =	vst v63  }
0x132: {  	_ =	swait.ge [sflag:s24], $0x1000  }
0x133: {  	[sflag:s24] =	ssyncset.done $0x0  }
0x134: {  	[sflag:s24] =	ssyncadd.s32 $0xFFFFF000  }
0x135: {  	_ =	swait.ge [sflag:s24], $0x1000  }
0x136: {  	[sflag:s24] =	ssyncset.done $0x0  }
0x137: {  	s22 =	simm.s32 $0x1;
	[sflag:s24] =	ssyncadd.s32 $0xFFFFF000  }
0x138: {  	_ =	swait.ge [sflag:s22], $0x18700  }
0x139: {  	[sflag:s22] =	ssyncset.done $0x0  }
0x13a: {  	s19 =	simm.s32 $0x0;
	[sflag:s22] =	ssyncadd.s32 $0xFFFE7900  }
0x13b: {  	v0 =	vld [tilespmem:s19+$0x0];
	_ =	sdelay $0x7  }
0x13c: {  	v0 =	vld.idx.msk [tilespmem:v0+s18+$0x0], $0xffff;
	_ =	sdelay $0x2  }
0x13d: {  	s23 =	sand.u32 $0x70, s19;
	s24 =	sand.u32 $0x1F00, s19  }
0x13e: {  	s21 =	sor.u32 s23, s24  }
0x13f: {  	s20 =	simm.s32 $0x10;
	[tilespmem:s21+$0x1C700] =	vst v0  }
0x140: {  	s22 =	simm.s32 $0x10;
	s21 =	simm.s32 $0x20;
	v0 =	vld [tilespmem:s20+$0x0]  }
.LBB2_34:
0x141: {  	p1 =	sne.s32 s21, $0xFF0;
	_ =	sdelay $0x6  }
0x142: {  	v0 =	vld.idx.msk [tilespmem:v0+s18+$0x0], $0xffff;
	_ =	sdelay $0x2  }
.Ltmp18:
0x143: {  	s19 =	sadd.s32 $0x20, s19;
	(pc) =	sbr.rel @p1 .LBB2_34-.Ltmp18, $4  }
0x144: {  	s23 =	sand.u32 $0x70, s20;
	s20 =	smov.u32 s21;
	s24 =	sand.u32 $0x1F00, s19  }
0x145: {  	s23 =	sor.u32 s23, s24  }
0x146: {  	s22 =	sadd.s32 $0x10, s22;
	[tilespmem:s23+$0x1C700] =	vst v0  }
0x147: {  	s21 =	sadd.s32 $0x10, s21;
	v0 =	vld [tilespmem:s22+$0x0]  }
0x148: {  	_ =	sdelay $0x7  }
0x149: {  	v0 =	vld.idx.msk [tilespmem:v0+s18+$0x0], $0xffff;
	_ =	sdelay $0x1  }
0x14a: {  	s19 =	sadd.s32 $0x20, s19  }
0x14b: {  	s20 =	sand.u32 $0x70, s20;
	s24 =	rddreg [dreg:$0x16];
	s19 =	sand.u32 $0x1F00, s19  }
0x14c: {  	s22 =	simm.s32 $0x1C800;
	s23 =	sadd.s32 $0x0, s24;
	s21 =	sor.u32 s20, s19  }
0x14d: {  	s19 =	simm.s32 $0x0;
	s20 =	simm.s32 $0x1C700;
	[tilespmem:s21+$0x1C700] =	vst v0;
	s21 =	simm.s32 $0x80  }
.LBB2_36:
0x14e: {  	[hbm4b:s23+s19] =	stream.linear.scatter [tilespmem:s20], [sflag:$0x2], $0x80, $0x38;
	[tilespmem:$0x1E700] =	vst v63  }
0x14f: {  	s23 =	smov.u32 s21;
	s20 =	smov.u32 s22;
	p1 =	sne.s32 s21, $0xF80  }
.Ltmp19:
0x150: {  	s21 =	sadd.s32 $0x80, s21;
	(pc) =	sbr.rel @p1 .LBB2_36-.Ltmp19, $2  }
0x151: {  	_ =	sdelay $0x2  }
0x152: {  	s22 =	sadd.s32 $0x100, s22;
	s23 =	sadd.s32 s23, s24  }
0x153: {  	[hbm4b:s23+s19] =	stream.linear.scatter [tilespmem:s20], [sflag:$0x2], $0x80, $0x38;
	[tilespmem:$0x1E700] =	vst v63  }
0x154: {  	s23 =	sand.u32 $0xFF0, s19  }
0x155: {  	v0 =	vld [tilespmem:s23+$0x1000];
	_ =	sdelay $0x7  }
0x156: {  	v0 =	vld.idx.msk [tilespmem:v0+s18+$0x0], $0xffff;
	_ =	sdelay $0x2  }
0x157: {  	s21 =	sand.u32 $0x70, s19;
	s22 =	sand.u32 $0x1F00, s19  }
0x158: {  	s20 =	simm.s32 $0x10;
	s24 =	sor.u32 s21, s22  }
0x159: {  	s22 =	sand.u32 $0xFF0, s20;
	s21 =	simm.s32 $0x20;
	[tilespmem:s24+$0x1C780] =	vst v0  }
.LBB2_38:
0x15a: {  	p1 =	sne.s32 s21, $0xFF0;
	v0 =	vld [tilespmem:s22+$0x1000];
	_ =	sdelay $0x7  }
0x15b: {  	v0 =	vld.idx.msk [tilespmem:v0+s18+$0x0], $0xffff;
	_ =	sdelay $0x1  }
.Ltmp20:
0x15c: {  	(pc) =	sbr.rel @p1 .LBB2_38-.Ltmp20, $4  }
0x15d: {  	s19 =	sadd.s32 $0x20, s19  }
0x15e: {  	s22 =	sand.u32 $0x70, s20;
	s20 =	smov.u32 s21;
	s23 =	sand.u32 $0x1F00, s19  }
0x15f: {  	s23 =	sor.u32 s22, s23  }
0x160: {  	s21 =	sadd.s32 $0x10, s21;
	s22 =	sand.u32 $0xFF0, s20;
	[tilespmem:s23+$0x1C780] =	vst v0  }
0x161: {  	v0 =	vld [tilespmem:s22+$0x1000];
	_ =	sdelay $0x7  }
0x162: {  	v0 =	vld.idx.msk [tilespmem:v0+s18+$0x0], $0xffff;
	_ =	sdelay $0x1  }
0x163: {  	s19 =	sadd.s32 $0x20, s19  }
0x164: {  	s20 =	sand.u32 $0x70, s20;
	s23 =	rddreg [dreg:$0x17];
	s19 =	sand.u32 $0x1F00, s19  }
0x165: {  	s21 =	simm.s32 $0x1C880;
	s24 =	simm.s32 $0x2;
	s20 =	sor.u32 s20, s19  }
0x166: {  	s22 =	sadd.s32 $0x0, s23;
	s19 =	simm.s32 $0x1C780;
	[tilespmem:s20+$0x1C780] =	vst v0;
	s20 =	simm.s32 $0x80  }
.LBB2_40:
0x167: {  	[hbm4b:s22+s1] =	stream.linear.scatter [tilespmem:s19], [sflag:$0x2], $0x80, $0x38;
	[tilespmem:$0x1E700] =	vst v63  }
0x168: {  	s22 =	smov.u32 s20;
	s19 =	smov.u32 s21;
	p1 =	sne.s32 s20, $0xF80  }
.Ltmp21:
0x169: {  	s20 =	sadd.s32 $0x80, s20;
	(pc) =	sbr.rel @p1 .LBB2_40-.Ltmp21, $2  }
0x16a: {  	_ =	sdelay $0x2  }
0x16b: {  	s21 =	sadd.s32 $0x100, s21;
	s22 =	sadd.s32 s22, s23  }
0x16c: {  	[hbm4b:s22+s1] =	stream.linear.scatter [tilespmem:s19], [sflag:$0x2], $0x80, $0x38;
	[tilespmem:$0x1E700] =	vst v63  }
0x16d: {  	_ =	swait.ge [sflag:s24], $0x1000  }
0x16e: {  	s19 =	simm.s32 $0x0;
	[sflag:s24] =	ssyncset.done $0x0  }
0x16f: {  	s20 =	sand.u32 $0xFF0, s19;
	[sflag:s24] =	ssyncadd.s32 $0xFFFFF000  }
0x170: {  	v0 =	vld [tilespmem:s20+$0x2000];
	_ =	sdelay $0x7  }
0x171: {  	v0 =	vld.idx.msk [tilespmem:v0+s18+$0x0], $0xffff;
	_ =	sdelay $0x2  }
0x172: {  	s21 =	sand.u32 $0x70, s19;
	s23 =	sand.u32 $0x1F00, s19  }
0x173: {  	s23 =	sor.u32 s21, s23;
	s20 =	simm.s32 $0x10  }
0x174: {  	s21 =	simm.s32 $0x20;
	s22 =	sand.u32 $0xFF0, s20;
	[tilespmem:s23+$0x1C700] =	vst v0  }
.LBB2_42:
0x175: {  	p1 =	sne.s32 s21, $0xFF0;
	v0 =	vld [tilespmem:s22+$0x2000];
	_ =	sdelay $0x7  }
0x176: {  	v0 =	vld.idx.msk [tilespmem:v0+s18+$0x0], $0xffff;
	_ =	sdelay $0x1  }
.Ltmp22:
0x177: {  	(pc) =	sbr.rel @p1 .LBB2_42-.Ltmp22, $4  }
0x178: {  	s19 =	sadd.s32 $0x20, s19  }
0x179: {  	s22 =	sand.u32 $0x70, s20;
	s20 =	smov.u32 s21;
	s23 =	sand.u32 $0x1F00, s19  }
0x17a: {  	s23 =	sor.u32 s22, s23  }
0x17b: {  	s21 =	sadd.s32 $0x10, s21;
	s22 =	sand.u32 $0xFF0, s20;
	[tilespmem:s23+$0x1C700] =	vst v0  }
0x17c: {  	v0 =	vld [tilespmem:s22+$0x2000];
	_ =	sdelay $0x7  }
0x17d: {  	v0 =	vld.idx.msk [tilespmem:v0+s18+$0x0], $0xffff;
	_ =	sdelay $0x1  }
0x17e: {  	s19 =	sadd.s32 $0x20, s19  }
0x17f: {  	s20 =	sand.u32 $0x70, s20;
	s19 =	sand.u32 $0x1F00, s19  }
0x180: {  	s23 =	rddreg [dreg:$0x18];
	s21 =	simm.s32 $0x1C800;
	s20 =	sor.u32 s20, s19  }
0x181: {  	s22 =	sadd.s32 $0x0, s23;
	s19 =	simm.s32 $0x1C700;
	[tilespmem:s20+$0x1C700] =	vst v0;
	s20 =	simm.s32 $0x80  }
.LBB2_44:
0x182: {  	[hbm4b:s22+s1] =	stream.linear.scatter [tilespmem:s19], [sflag:$0x2], $0x80, $0x38;
	[tilespmem:$0x1E700] =	vst v63  }
0x183: {  	s22 =	smov.u32 s20;
	s19 =	smov.u32 s21;
	p1 =	sne.s32 s20, $0xF80  }
.Ltmp23:
0x184: {  	s20 =	sadd.s32 $0x80, s20;
	(pc) =	sbr.rel @p1 .LBB2_44-.Ltmp23, $2  }
0x185: {  	_ =	sdelay $0x2  }
0x186: {  	s21 =	sadd.s32 $0x100, s21;
	s22 =	sadd.s32 s22, s23  }
0x187: {  	[hbm4b:s22+s1] =	stream.linear.scatter [tilespmem:s19], [sflag:$0x2], $0x80, $0x38;
	[tilespmem:$0x1E700] =	vst v63  }
0x188: {  	_ =	swait.ge [sflag:s24], $0x1000  }
0x189: {  	s19 =	simm.s32 $0x0;
	[sflag:s24] =	ssyncset.done $0x0  }
0x18a: {  	s20 =	sand.u32 $0xFF0, s19;
	[sflag:s24] =	ssyncadd.s32 $0xFFFFF000  }
0x18b: {  	v0 =	vld [tilespmem:s20+$0x3000];
	_ =	sdelay $0x7  }
0x18c: {  	v0 =	vld.idx.msk [tilespmem:v0+s18+$0x0], $0xffff;
	_ =	sdelay $0x2  }
0x18d: {  	s21 =	sand.u32 $0x70, s19;
	s23 =	sand.u32 $0x1F00, s19  }
0x18e: {  	s23 =	sor.u32 s21, s23;
	s20 =	simm.s32 $0x10  }
0x18f: {  	s21 =	simm.s32 $0x20;
	s22 =	sand.u32 $0xFF0, s20;
	[tilespmem:s23+$0x1C780] =	vst v0  }
.LBB2_46:
0x190: {  	p1 =	sne.s32 s21, $0xFF0;
	v0 =	vld [tilespmem:s22+$0x3000];
	_ =	sdelay $0x7  }
0x191: {  	v0 =	vld.idx.msk [tilespmem:v0+s18+$0x0], $0xffff;
	_ =	sdelay $0x1  }
.Ltmp24:
0x192: {  	(pc) =	sbr.rel @p1 .LBB2_46-.Ltmp24, $4  }
0x193: {  	s19 =	sadd.s32 $0x20, s19  }
0x194: {  	s22 =	sand.u32 $0x70, s20;
	s20 =	smov.u32 s21;
	s23 =	sand.u32 $0x1F00, s19  }
0x195: {  	s23 =	sor.u32 s22, s23  }
0x196: {  	s21 =	sadd.s32 $0x10, s21;
	s22 =	sand.u32 $0xFF0, s20;
	[tilespmem:s23+$0x1C780] =	vst v0  }
0x197: {  	v0 =	vld [tilespmem:s22+$0x3000];
	_ =	sdelay $0x7  }
0x198: {  	v0 =	vld.idx.msk [tilespmem:v0+s18+$0x0], $0xffff;
	_ =	sdelay $0x1  }
0x199: {  	s19 =	sadd.s32 $0x20, s19  }
0x19a: {  	s20 =	sand.u32 $0x70, s20;
	s19 =	sand.u32 $0x1F00, s19  }
0x19b: {  	s23 =	rddreg [dreg:$0x19];
	s21 =	simm.s32 $0x1C880;
	s20 =	sor.u32 s20, s19  }
0x19c: {  	s22 =	sadd.s32 $0x0, s23;
	s19 =	simm.s32 $0x1C780;
	[tilespmem:s20+$0x1C780] =	vst v0;
	s20 =	simm.s32 $0x80  }
.LBB2_48:
0x19d: {  	[hbm4b:s22+s1] =	stream.linear.scatter [tilespmem:s19], [sflag:$0x2], $0x80, $0x38;
	[tilespmem:$0x1E700] =	vst v63  }
0x19e: {  	s22 =	smov.u32 s20;
	s19 =	smov.u32 s21;
	p1 =	sne.s32 s20, $0xF80  }
.Ltmp25:
0x19f: {  	s20 =	sadd.s32 $0x80, s20;
	(pc) =	sbr.rel @p1 .LBB2_48-.Ltmp25, $2  }
0x1a0: {  	_ =	sdelay $0x2  }
0x1a1: {  	s21 =	sadd.s32 $0x100, s21;
	s22 =	sadd.s32 s22, s23  }
0x1a2: {  	[hbm4b:s22+s1] =	stream.linear.scatter [tilespmem:s19], [sflag:$0x2], $0x80, $0x38;
	[tilespmem:$0x1E700] =	vst v63  }
0x1a3: {  	s23 =	rddreg [dreg:$0x7];
	s20 =	simm.s32 $0x80;
	s21 =	simm.s32 $0x400  }
0x1a4: {  	[tilespmem:s18], [sflag:$0x1] =	stream.strided.gather [hbm4b:s23+s20], $0x18700, s21, s20, $0x38;
	[tilespmem:$0x1E700] =	vst v63  }
0x1a5: {  	_ =	swait.ge [sflag:s24], $0x1000  }
0x1a6: {  	[sflag:s24] =	ssyncset.done $0x0  }
0x1a7: {  	[sflag:s24] =	ssyncadd.s32 $0xFFFFF000  }
0x1a8: {  	_ =	swait.ge [sflag:s24], $0x1000  }
0x1a9: {  	[sflag:s24] =	ssyncset.done $0x0  }
0x1aa: {  	s22 =	simm.s32 $0x1;
	[sflag:s24] =	ssyncadd.s32 $0xFFFFF000  }
0x1ab: {  	_ =	swait.ge [sflag:s22], $0x18700  }
0x1ac: {  	[sflag:s22] =	ssyncset.done $0x0  }
0x1ad: {  	s19 =	simm.s32 $0x0;
	[sflag:s22] =	ssyncadd.s32 $0xFFFE7900  }
0x1ae: {  	v0 =	vld [tilespmem:s19+$0x0];
	_ =	sdelay $0x7  }
0x1af: {  	v0 =	vld.idx.msk [tilespmem:v0+s18+$0x0], $0xffff;
	_ =	sdelay $0x2  }
0x1b0: {  	s23 =	sand.u32 $0x70, s19;
	s24 =	sand.u32 $0x1F00, s19  }
0x1b1: {  	s21 =	sor.u32 s23, s24  }
0x1b2: {  	s20 =	simm.s32 $0x10;
	[tilespmem:s21+$0x1C700] =	vst v0  }
0x1b3: {  	s22 =	simm.s32 $0x10;
	s21 =	simm.s32 $0x20;
	v0 =	vld [tilespmem:s20+$0x0]  }
.LBB2_50:
0x1b4: {  	p1 =	sne.s32 s21, $0xFF0;
	_ =	sdelay $0x6  }
0x1b5: {  	v0 =	vld.idx.msk [tilespmem:v0+s18+$0x0], $0xffff;
	_ =	sdelay $0x2  }
.Ltmp26:
0x1b6: {  	s19 =	sadd.s32 $0x20, s19;
	(pc) =	sbr.rel @p1 .LBB2_50-.Ltmp26, $4  }
0x1b7: {  	s23 =	sand.u32 $0x70, s20;
	s20 =	smov.u32 s21;
	s24 =	sand.u32 $0x1F00, s19  }
0x1b8: {  	s23 =	sor.u32 s23, s24  }
0x1b9: {  	s22 =	sadd.s32 $0x10, s22;
	[tilespmem:s23+$0x1C700] =	vst v0  }
0x1ba: {  	s21 =	sadd.s32 $0x10, s21;
	v0 =	vld [tilespmem:s22+$0x0]  }
0x1bb: {  	_ =	sdelay $0x7  }
0x1bc: {  	v0 =	vld.idx.msk [tilespmem:v0+s18+$0x0], $0xffff;
	_ =	sdelay $0x1  }
0x1bd: {  	s19 =	sadd.s32 $0x20, s19  }
0x1be: {  	s20 =	sand.u32 $0x70, s20;
	s24 =	rddreg [dreg:$0x1a];
	s19 =	sand.u32 $0x1F00, s19  }
0x1bf: {  	s22 =	simm.s32 $0x1C800;
	s23 =	sadd.s32 $0x0, s24;
	s21 =	sor.u32 s20, s19  }
0x1c0: {  	s19 =	simm.s32 $0x0;
	s20 =	simm.s32 $0x1C700;
	[tilespmem:s21+$0x1C700] =	vst v0;
	s21 =	simm.s32 $0x80  }
.LBB2_52:
0x1c1: {  	[hbm4b:s23+s19] =	stream.linear.scatter [tilespmem:s20], [sflag:$0x2], $0x80, $0x38;
	[tilespmem:$0x1E700] =	vst v63  }
0x1c2: {  	s23 =	smov.u32 s21;
	s20 =	smov.u32 s22;
	p1 =	sne.s32 s21, $0xF80  }
.Ltmp27:
0x1c3: {  	s21 =	sadd.s32 $0x80, s21;
	(pc) =	sbr.rel @p1 .LBB2_52-.Ltmp27, $2  }
0x1c4: {  	_ =	sdelay $0x2  }
0x1c5: {  	s22 =	sadd.s32 $0x100, s22;
	s23 =	sadd.s32 s23, s24  }
0x1c6: {  	[hbm4b:s23+s19] =	stream.linear.scatter [tilespmem:s20], [sflag:$0x2], $0x80, $0x38;
	[tilespmem:$0x1E700] =	vst v63  }
0x1c7: {  	s23 =	sand.u32 $0xFF0, s19  }
0x1c8: {  	v0 =	vld [tilespmem:s23+$0x1000];
	_ =	sdelay $0x7  }
0x1c9: {  	v0 =	vld.idx.msk [tilespmem:v0+s18+$0x0], $0xffff;
	_ =	sdelay $0x2  }
0x1ca: {  	s21 =	sand.u32 $0x70, s19;
	s22 =	sand.u32 $0x1F00, s19  }
0x1cb: {  	s20 =	simm.s32 $0x10;
	s24 =	sor.u32 s21, s22  }
0x1cc: {  	s22 =	sand.u32 $0xFF0, s20;
	s21 =	simm.s32 $0x20;
	[tilespmem:s24+$0x1C780] =	vst v0  }
.LBB2_54:
0x1cd: {  	p1 =	sne.s32 s21, $0xFF0;
	v0 =	vld [tilespmem:s22+$0x1000];
	_ =	sdelay $0x7  }
0x1ce: {  	v0 =	vld.idx.msk [tilespmem:v0+s18+$0x0], $0xffff;
	_ =	sdelay $0x1  }
.Ltmp28:
0x1cf: {  	(pc) =	sbr.rel @p1 .LBB2_54-.Ltmp28, $4  }
0x1d0: {  	s19 =	sadd.s32 $0x20, s19  }
0x1d1: {  	s22 =	sand.u32 $0x70, s20;
	s20 =	smov.u32 s21;
	s23 =	sand.u32 $0x1F00, s19  }
0x1d2: {  	s23 =	sor.u32 s22, s23  }
0x1d3: {  	s21 =	sadd.s32 $0x10, s21;
	s22 =	sand.u32 $0xFF0, s20;
	[tilespmem:s23+$0x1C780] =	vst v0  }
0x1d4: {  	v0 =	vld [tilespmem:s22+$0x1000];
	_ =	sdelay $0x7  }
0x1d5: {  	v0 =	vld.idx.msk [tilespmem:v0+s18+$0x0], $0xffff;
	_ =	sdelay $0x1  }
0x1d6: {  	s19 =	sadd.s32 $0x20, s19  }
0x1d7: {  	s20 =	sand.u32 $0x70, s20;
	s19 =	sand.u32 $0x1F00, s19  }
0x1d8: {  	s22 =	sadd.s32 $0x0, s25;
	s21 =	simm.s32 $0x1C880;
	s20 =	sor.u32 s20, s19  }
0x1d9: {  	s24 =	simm.s32 $0x2;
	s19 =	simm.s32 $0x1C780;
	[tilespmem:s20+$0x1C780] =	vst v0;
	s20 =	simm.s32 $0x80  }
.LBB2_56:
0x1da: {  	[hbm4b:s22+s1] =	stream.linear.scatter [tilespmem:s19], [sflag:$0x2], $0x80, $0x38;
	[tilespmem:$0x1E700] =	vst v63  }
0x1db: {  	s22 =	smov.u32 s20;
	s19 =	smov.u32 s21;
	p1 =	sne.s32 s20, $0xF80  }
.Ltmp29:
0x1dc: {  	s20 =	sadd.s32 $0x80, s20;
	(pc) =	sbr.rel @p1 .LBB2_56-.Ltmp29, $2  }
0x1dd: {  	_ =	sdelay $0x2  }
0x1de: {  	s21 =	sadd.s32 $0x100, s21;
	s22 =	sadd.s32 s22, s25  }
0x1df: {  	[hbm4b:s22+s1] =	stream.linear.scatter [tilespmem:s19], [sflag:$0x2], $0x80, $0x38;
	[tilespmem:$0x1E700] =	vst v63  }
0x1e0: {  	_ =	swait.ge [sflag:s24], $0x1000  }
0x1e1: {  	s19 =	simm.s32 $0x0;
	[sflag:s24] =	ssyncset.done $0x0  }
0x1e2: {  	s20 =	sand.u32 $0xFF0, s19;
	[sflag:s24] =	ssyncadd.s32 $0xFFFFF000  }
0x1e3: {  	v0 =	vld [tilespmem:s20+$0x2000];
	_ =	sdelay $0x7  }
0x1e4: {  	v0 =	vld.idx.msk [tilespmem:v0+s18+$0x0], $0xffff;
	_ =	sdelay $0x2  }
0x1e5: {  	s21 =	sand.u32 $0x70, s19;
	s23 =	sand.u32 $0x1F00, s19  }
0x1e6: {  	s23 =	sor.u32 s21, s23;
	s20 =	simm.s32 $0x10  }
0x1e7: {  	s21 =	simm.s32 $0x20;
	s22 =	sand.u32 $0xFF0, s20;
	[tilespmem:s23+$0x1C700] =	vst v0  }
.LBB2_58:
0x1e8: {  	p1 =	sne.s32 s21, $0xFF0;
	v0 =	vld [tilespmem:s22+$0x2000];
	_ =	sdelay $0x7  }
0x1e9: {  	v0 =	vld.idx.msk [tilespmem:v0+s18+$0x0], $0xffff;
	_ =	sdelay $0x1  }
.Ltmp30:
0x1ea: {  	(pc) =	sbr.rel @p1 .LBB2_58-.Ltmp30, $4  }
0x1eb: {  	s19 =	sadd.s32 $0x20, s19  }
0x1ec: {  	s22 =	sand.u32 $0x70, s20;
	s20 =	smov.u32 s21;
	s23 =	sand.u32 $0x1F00, s19  }
0x1ed: {  	s23 =	sor.u32 s22, s23  }
0x1ee: {  	s21 =	sadd.s32 $0x10, s21;
	s22 =	sand.u32 $0xFF0, s20;
	[tilespmem:s23+$0x1C700] =	vst v0  }
0x1ef: {  	v0 =	vld [tilespmem:s22+$0x2000];
	_ =	sdelay $0x7  }
0x1f0: {  	v0 =	vld.idx.msk [tilespmem:v0+s18+$0x0], $0xffff;
	_ =	sdelay $0x1  }
0x1f1: {  	s19 =	sadd.s32 $0x20, s19  }
0x1f2: {  	s20 =	sand.u32 $0x70, s20;
	s19 =	sand.u32 $0x1F00, s19  }
0x1f3: {  	s22 =	sadd.s32 $0x0, s26;
	s20 =	sor.u32 s20, s19  }
0x1f4: {  	s21 =	simm.s32 $0x1C800;
	s19 =	simm.s32 $0x1C700;
	[tilespmem:s20+$0x1C700] =	vst v0;
	s20 =	simm.s32 $0x80  }
.LBB2_60:
0x1f5: {  	[hbm4b:s22+s1] =	stream.linear.scatter [tilespmem:s19], [sflag:$0x2], $0x80, $0x38;
	[tilespmem:$0x1E700] =	vst v63  }
0x1f6: {  	s22 =	smov.u32 s20;
	s19 =	smov.u32 s21;
	p1 =	sne.s32 s20, $0xF80  }
.Ltmp31:
0x1f7: {  	s20 =	sadd.s32 $0x80, s20;
	(pc) =	sbr.rel @p1 .LBB2_60-.Ltmp31, $2  }
0x1f8: {  	_ =	sdelay $0x2  }
0x1f9: {  	s21 =	sadd.s32 $0x100, s21;
	s22 =	sadd.s32 s22, s26  }
0x1fa: {  	[hbm4b:s22+s1] =	stream.linear.scatter [tilespmem:s19], [sflag:$0x2], $0x80, $0x38;
	[tilespmem:$0x1E700] =	vst v63  }
0x1fb: {  	_ =	swait.ge [sflag:s24], $0x1000  }
0x1fc: {  	s19 =	simm.s32 $0x0;
	[sflag:s24] =	ssyncset.done $0x0  }
0x1fd: {  	s20 =	sand.u32 $0xFF0, s19;
	[sflag:s24] =	ssyncadd.s32 $0xFFFFF000  }
0x1fe: {  	v0 =	vld [tilespmem:s20+$0x3000];
	_ =	sdelay $0x7  }
0x1ff: {  	v0 =	vld.idx.msk [tilespmem:v0+s18+$0x0], $0xffff;
	_ =	sdelay $0x2  }
0x200: {  	s21 =	sand.u32 $0x70, s19;
	s23 =	sand.u32 $0x1F00, s19  }
0x201: {  	s23 =	sor.u32 s21, s23;
	s20 =	simm.s32 $0x10  }
0x202: {  	s21 =	simm.s32 $0x20;
	s22 =	sand.u32 $0xFF0, s20;
	[tilespmem:s23+$0x1C780] =	vst v0  }
.LBB2_62:
0x203: {  	p1 =	sne.s32 s21, $0xFF0;
	v0 =	vld [tilespmem:s22+$0x3000];
	_ =	sdelay $0x7  }
0x204: {  	v0 =	vld.idx.msk [tilespmem:v0+s18+$0x0], $0xffff;
	_ =	sdelay $0x1  }
.Ltmp32:
0x205: {  	(pc) =	sbr.rel @p1 .LBB2_62-.Ltmp32, $4  }
0x206: {  	s19 =	sadd.s32 $0x20, s19  }
0x207: {  	s22 =	sand.u32 $0x70, s20;
	s20 =	smov.u32 s21;
	s23 =	sand.u32 $0x1F00, s19  }
0x208: {  	s23 =	sor.u32 s22, s23  }
0x209: {  	s21 =	sadd.s32 $0x10, s21;
	s22 =	sand.u32 $0xFF0, s20;
	[tilespmem:s23+$0x1C780] =	vst v0  }
0x20a: {  	v0 =	vld [tilespmem:s22+$0x3000];
	_ =	sdelay $0x7  }
0x20b: {  	v0 =	vld.idx.msk [tilespmem:v0+s18+$0x0], $0xffff;
	_ =	sdelay $0x1  }
0x20c: {  	s19 =	sadd.s32 $0x20, s19  }
0x20d: {  	s20 =	sand.u32 $0x70, s20;
	s19 =	sand.u32 $0x1F00, s19  }
0x20e: {  	s22 =	sadd.s32 $0x0, s28;
	s20 =	sor.u32 s20, s19  }
0x20f: {  	s21 =	simm.s32 $0x1C880;
	s19 =	simm.s32 $0x1C780;
	[tilespmem:s20+$0x1C780] =	vst v0;
	s20 =	simm.s32 $0x80  }
.LBB2_64:
0x210: {  	[hbm4b:s22+s1] =	stream.linear.scatter [tilespmem:s19], [sflag:$0x2], $0x80, $0x38;
	[tilespmem:$0x1E700] =	vst v63  }
0x211: {  	s22 =	smov.u32 s20;
	s19 =	smov.u32 s21;
	p1 =	sne.s32 s20, $0xF80  }
.Ltmp33:
0x212: {  	s20 =	sadd.s32 $0x80, s20;
	(pc) =	sbr.rel @p1 .LBB2_64-.Ltmp33, $2  }
0x213: {  	_ =	sdelay $0x2  }
0x214: {  	s21 =	sadd.s32 $0x100, s21;
	s22 =	sadd.s32 s22, s28  }
0x215: {  	[hbm4b:s22+s1] =	stream.linear.scatter [tilespmem:s19], [sflag:$0x2], $0x80, $0x38;
	[tilespmem:$0x1E700] =	vst v63  }
0x216: {  	s23 =	rddreg [dreg:$0x8];
	s20 =	simm.s32 $0x80;
	s21 =	simm.s32 $0x400  }
0x217: {  	[tilespmem:s18], [sflag:$0x1] =	stream.strided.gather [hbm4b:s23+s20], $0x18700, s21, s20, $0x38;
	[tilespmem:$0x1E700] =	vst v63  }
0x218: {  	_ =	swait.ge [sflag:s24], $0x1000  }
0x219: {  	[sflag:s24] =	ssyncset.done $0x0  }
0x21a: {  	[sflag:s24] =	ssyncadd.s32 $0xFFFFF000  }
0x21b: {  	_ =	swait.ge [sflag:s24], $0x1000  }
0x21c: {  	[sflag:s24] =	ssyncset.done $0x0  }
0x21d: {  	s22 =	simm.s32 $0x1;
	[sflag:s24] =	ssyncadd.s32 $0xFFFFF000  }
0x21e: {  	_ =	swait.ge [sflag:s22], $0x18700  }
0x21f: {  	[sflag:s22] =	ssyncset.done $0x0  }
0x220: {  	s19 =	simm.s32 $0x0;
	[sflag:s22] =	ssyncadd.s32 $0xFFFE7900  }
0x221: {  	v0 =	vld [tilespmem:s19+$0x0];
	_ =	sdelay $0x7  }
0x222: {  	v0 =	vld.idx.msk [tilespmem:v0+s18+$0x0], $0xffff;
	_ =	sdelay $0x2  }
0x223: {  	s23 =	sand.u32 $0x70, s19;
	s24 =	sand.u32 $0x1F00, s19  }
0x224: {  	s21 =	sor.u32 s23, s24  }
0x225: {  	s20 =	simm.s32 $0x10;
	[tilespmem:s21+$0x1C700] =	vst v0  }
0x226: {  	s22 =	simm.s32 $0x10;
	s21 =	simm.s32 $0x20;
	v0 =	vld [tilespmem:s20+$0x0]  }
.LBB2_66:
0x227: {  	p1 =	sne.s32 s21, $0xFF0;
	_ =	sdelay $0x6  }
0x228: {  	v0 =	vld.idx.msk [tilespmem:v0+s18+$0x0], $0xffff;
	_ =	sdelay $0x2  }
.Ltmp34:
0x229: {  	s19 =	sadd.s32 $0x20, s19;
	(pc) =	sbr.rel @p1 .LBB2_66-.Ltmp34, $4  }
0x22a: {  	s23 =	sand.u32 $0x70, s20;
	s20 =	smov.u32 s21;
	s24 =	sand.u32 $0x1F00, s19  }
0x22b: {  	s23 =	sor.u32 s23, s24  }
0x22c: {  	s22 =	sadd.s32 $0x10, s22;
	[tilespmem:s23+$0x1C700] =	vst v0  }
0x22d: {  	s21 =	sadd.s32 $0x10, s21;
	v0 =	vld [tilespmem:s22+$0x0]  }
0x22e: {  	_ =	sdelay $0x7  }
0x22f: {  	v0 =	vld.idx.msk [tilespmem:v0+s18+$0x0], $0xffff;
	_ =	sdelay $0x1  }
0x230: {  	s19 =	sadd.s32 $0x20, s19  }
0x231: {  	s20 =	sand.u32 $0x70, s20;
	s19 =	sand.u32 $0x1F00, s19  }
0x232: {  	s23 =	sadd.s32 $0x0, s29;
	s22 =	simm.s32 $0x1C800;
	s21 =	sor.u32 s20, s19  }
0x233: {  	s19 =	simm.s32 $0x0;
	s20 =	simm.s32 $0x1C700;
	[tilespmem:s21+$0x1C700] =	vst v0;
	s21 =	simm.s32 $0x80  }
.LBB2_68:
0x234: {  	[hbm4b:s23+s19] =	stream.linear.scatter [tilespmem:s20], [sflag:$0x2], $0x80, $0x38;
	[tilespmem:$0x1E700] =	vst v63  }
0x235: {  	s23 =	smov.u32 s21;
	s20 =	smov.u32 s22;
	p1 =	sne.s32 s21, $0xF80  }
.Ltmp35:
0x236: {  	s21 =	sadd.s32 $0x80, s21;
	(pc) =	sbr.rel @p1 .LBB2_68-.Ltmp35, $2  }
0x237: {  	_ =	sdelay $0x2  }
0x238: {  	s22 =	sadd.s32 $0x100, s22;
	s23 =	sadd.s32 s23, s29  }
0x239: {  	[hbm4b:s23+s19] =	stream.linear.scatter [tilespmem:s20], [sflag:$0x2], $0x80, $0x38;
	[tilespmem:$0x1E700] =	vst v63  }
0x23a: {  	s23 =	sand.u32 $0xFF0, s19  }
0x23b: {  	v0 =	vld [tilespmem:s23+$0x1000];
	_ =	sdelay $0x7  }
0x23c: {  	v0 =	vld.idx.msk [tilespmem:v0+s18+$0x0], $0xffff;
	_ =	sdelay $0x2  }
0x23d: {  	s21 =	sand.u32 $0x70, s19;
	s22 =	sand.u32 $0x1F00, s19  }
0x23e: {  	s20 =	simm.s32 $0x10;
	s24 =	sor.u32 s21, s22  }
0x23f: {  	s22 =	sand.u32 $0xFF0, s20;
	s21 =	simm.s32 $0x20;
	[tilespmem:s24+$0x1C780] =	vst v0  }
.LBB2_70:
0x240: {  	p1 =	sne.s32 s21, $0xFF0;
	v0 =	vld [tilespmem:s22+$0x1000];
	_ =	sdelay $0x7  }
0x241: {  	v0 =	vld.idx.msk [tilespmem:v0+s18+$0x0], $0xffff;
	_ =	sdelay $0x1  }
.Ltmp36:
0x242: {  	(pc) =	sbr.rel @p1 .LBB2_70-.Ltmp36, $4  }
0x243: {  	s19 =	sadd.s32 $0x20, s19  }
0x244: {  	s22 =	sand.u32 $0x70, s20;
	s20 =	smov.u32 s21;
	s23 =	sand.u32 $0x1F00, s19  }
0x245: {  	s23 =	sor.u32 s22, s23  }
0x246: {  	s21 =	sadd.s32 $0x10, s21;
	s22 =	sand.u32 $0xFF0, s20;
	[tilespmem:s23+$0x1C780] =	vst v0  }
0x247: {  	v0 =	vld [tilespmem:s22+$0x1000];
	_ =	sdelay $0x7  }
0x248: {  	v0 =	vld.idx.msk [tilespmem:v0+s18+$0x0], $0xffff;
	_ =	sdelay $0x1  }
0x249: {  	s19 =	sadd.s32 $0x20, s19  }
0x24a: {  	s20 =	sand.u32 $0x70, s20;
	s19 =	sand.u32 $0x1F00, s19  }
0x24b: {  	s22 =	sadd.s32 $0x0, s30;
	s21 =	simm.s32 $0x1C880;
	s20 =	sor.u32 s20, s19  }
0x24c: {  	s24 =	simm.s32 $0x2;
	s19 =	simm.s32 $0x1C780;
	[tilespmem:s20+$0x1C780] =	vst v0;
	s20 =	simm.s32 $0x80  }
.LBB2_72:
0x24d: {  	[hbm4b:s22+s1] =	stream.linear.scatter [tilespmem:s19], [sflag:$0x2], $0x80, $0x38;
	[tilespmem:$0x1E700] =	vst v63  }
0x24e: {  	s22 =	smov.u32 s20;
	s19 =	smov.u32 s21;
	p1 =	sne.s32 s20, $0xF80  }
.Ltmp37:
0x24f: {  	s20 =	sadd.s32 $0x80, s20;
	(pc) =	sbr.rel @p1 .LBB2_72-.Ltmp37, $2  }
0x250: {  	_ =	sdelay $0x2  }
0x251: {  	s21 =	sadd.s32 $0x100, s21;
	s22 =	sadd.s32 s22, s30  }
0x252: {  	[hbm4b:s22+s1] =	stream.linear.scatter [tilespmem:s19], [sflag:$0x2], $0x80, $0x38;
	[tilespmem:$0x1E700] =	vst v63  }
0x253: {  	_ =	swait.ge [sflag:s24], $0x1000  }
0x254: {  	s19 =	simm.s32 $0x0;
	[sflag:s24] =	ssyncset.done $0x0  }
0x255: {  	s20 =	sand.u32 $0xFF0, s19;
	[sflag:s24] =	ssyncadd.s32 $0xFFFFF000  }
0x256: {  	v0 =	vld [tilespmem:s20+$0x2000];
	_ =	sdelay $0x7  }
0x257: {  	v0 =	vld.idx.msk [tilespmem:v0+s18+$0x0], $0xffff;
	_ =	sdelay $0x2  }
0x258: {  	s21 =	sand.u32 $0x70, s19;
	s23 =	sand.u32 $0x1F00, s19  }
0x259: {  	s23 =	sor.u32 s21, s23;
	s20 =	simm.s32 $0x10  }
0x25a: {  	s21 =	simm.s32 $0x20;
	s22 =	sand.u32 $0xFF0, s20;
	[tilespmem:s23+$0x1C700] =	vst v0  }
.LBB2_74:
0x25b: {  	p1 =	sne.s32 s21, $0xFF0;
	v0 =	vld [tilespmem:s22+$0x2000];
	_ =	sdelay $0x7  }
0x25c: {  	v0 =	vld.idx.msk [tilespmem:v0+s18+$0x0], $0xffff;
	_ =	sdelay $0x1  }
.Ltmp38:
0x25d: {  	(pc) =	sbr.rel @p1 .LBB2_74-.Ltmp38, $4  }
0x25e: {  	s19 =	sadd.s32 $0x20, s19  }
0x25f: {  	s22 =	sand.u32 $0x70, s20;
	s20 =	smov.u32 s21;
	s23 =	sand.u32 $0x1F00, s19  }
0x260: {  	s23 =	sor.u32 s22, s23  }
0x261: {  	s21 =	sadd.s32 $0x10, s21;
	s22 =	sand.u32 $0xFF0, s20;
	[tilespmem:s23+$0x1C700] =	vst v0  }
0x262: {  	v0 =	vld [tilespmem:s22+$0x2000];
	_ =	sdelay $0x7  }
0x263: {  	v0 =	vld.idx.msk [tilespmem:v0+s18+$0x0], $0xffff;
	_ =	sdelay $0x1  }
0x264: {  	s19 =	sadd.s32 $0x20, s19  }
0x265: {  	s20 =	sand.u32 $0x70, s20;
	s19 =	sand.u32 $0x1F00, s19  }
0x266: {  	s22 =	sadd.s32 $0x0, s31;
	s20 =	sor.u32 s20, s19  }
0x267: {  	s21 =	simm.s32 $0x1C800;
	s19 =	simm.s32 $0x1C700;
	[tilespmem:s20+$0x1C700] =	vst v0;
	s20 =	simm.s32 $0x80  }
.LBB2_76:
0x268: {  	[hbm4b:s22+s1] =	stream.linear.scatter [tilespmem:s19], [sflag:$0x2], $0x80, $0x38;
	[tilespmem:$0x1E700] =	vst v63  }
0x269: {  	s22 =	smov.u32 s20;
	s19 =	smov.u32 s21;
	p1 =	sne.s32 s20, $0xF80  }
.Ltmp39:
0x26a: {  	s20 =	sadd.s32 $0x80, s20;
	(pc) =	sbr.rel @p1 .LBB2_76-.Ltmp39, $2  }
0x26b: {  	_ =	sdelay $0x2  }
0x26c: {  	s21 =	sadd.s32 $0x100, s21;
	s22 =	sadd.s32 s22, s31  }
0x26d: {  	[hbm4b:s22+s1] =	stream.linear.scatter [tilespmem:s19], [sflag:$0x2], $0x80, $0x38;
	[tilespmem:$0x1E700] =	vst v63  }
0x26e: {  	_ =	swait.ge [sflag:s24], $0x1000  }
0x26f: {  	s19 =	simm.s32 $0x0;
	[sflag:s24] =	ssyncset.done $0x0  }
0x270: {  	s20 =	sand.u32 $0xFF0, s19;
	[sflag:s24] =	ssyncadd.s32 $0xFFFFF000  }
0x271: {  	v0 =	vld [tilespmem:s20+$0x3000];
	_ =	sdelay $0x7  }
0x272: {  	v0 =	vld.idx.msk [tilespmem:v0+s18+$0x0], $0xffff;
	_ =	sdelay $0x2  }
0x273: {  	s21 =	sand.u32 $0x70, s19;
	s23 =	sand.u32 $0x1F00, s19  }
0x274: {  	s23 =	sor.u32 s21, s23;
	s20 =	simm.s32 $0x10  }
0x275: {  	s21 =	simm.s32 $0x20;
	s22 =	sand.u32 $0xFF0, s20;
	[tilespmem:s23+$0x1C780] =	vst v0  }
.LBB2_78:
0x276: {  	p1 =	sne.s32 s21, $0xFF0;
	v0 =	vld [tilespmem:s22+$0x3000];
	_ =	sdelay $0x7  }
0x277: {  	v0 =	vld.idx.msk [tilespmem:v0+s18+$0x0], $0xffff;
	_ =	sdelay $0x1  }
.Ltmp40:
0x278: {  	(pc) =	sbr.rel @p1 .LBB2_78-.Ltmp40, $4  }
0x279: {  	s19 =	sadd.s32 $0x20, s19  }
0x27a: {  	s22 =	sand.u32 $0x70, s20;
	s20 =	smov.u32 s21;
	s23 =	sand.u32 $0x1F00, s19  }
0x27b: {  	s23 =	sor.u32 s22, s23  }
0x27c: {  	s21 =	sadd.s32 $0x10, s21;
	s22 =	sand.u32 $0xFF0, s20;
	[tilespmem:s23+$0x1C780] =	vst v0  }
0x27d: {  	v0 =	vld [tilespmem:s22+$0x3000];
	_ =	sdelay $0x7  }
0x27e: {  	v0 =	vld.idx.msk [tilespmem:v0+s18+$0x0], $0xffff;
	_ =	sdelay $0x1  }
0x27f: {  	s19 =	sadd.s32 $0x20, s19  }
0x280: {  	s20 =	sand.u32 $0x70, s20;
	s19 =	sand.u32 $0x1F00, s19  }
0x281: {  	s22 =	sadd.s32 $0x0, s0;
	s20 =	sor.u32 s20, s19  }
0x282: {  	s21 =	simm.s32 $0x1C880;
	s19 =	simm.s32 $0x1C780;
	[tilespmem:s20+$0x1C780] =	vst v0;
	s20 =	simm.s32 $0x80  }
.LBB2_80:
0x283: {  	[hbm4b:s22+s1] =	stream.linear.scatter [tilespmem:s19], [sflag:$0x2], $0x80, $0x38;
	[tilespmem:$0x1E700] =	vst v63  }
0x284: {  	s22 =	smov.u32 s20;
	s19 =	smov.u32 s21;
	p1 =	sne.s32 s20, $0xF80  }
.Ltmp41:
0x285: {  	s20 =	sadd.s32 $0x80, s20;
	(pc) =	sbr.rel @p1 .LBB2_80-.Ltmp41, $2  }
0x286: {  	_ =	sdelay $0x2  }
0x287: {  	s21 =	sadd.s32 $0x100, s21;
	s22 =	sadd.s32 s22, s0  }
0x288: {  	[hbm4b:s22+s1] =	stream.linear.scatter [tilespmem:s19], [sflag:$0x2], $0x80, $0x38;
	[tilespmem:$0x1E700] =	vst v63  }
0x289: {  	s23 =	rddreg [dreg:$0x9];
	s20 =	simm.s32 $0x80;
	s21 =	simm.s32 $0x400  }
0x28a: {  	[tilespmem:s18], [sflag:$0x1] =	stream.strided.gather [hbm4b:s23+s20], $0x18700, s21, s20, $0x38;
	[tilespmem:$0x1E700] =	vst v63  }
0x28b: {  	_ =	swait.ge [sflag:s24], $0x1000  }
0x28c: {  	[sflag:s24] =	ssyncset.done $0x0  }
0x28d: {  	[sflag:s24] =	ssyncadd.s32 $0xFFFFF000  }
0x28e: {  	_ =	swait.ge [sflag:s24], $0x1000  }
0x28f: {  	[sflag:s24] =	ssyncset.done $0x0  }
0x290: {  	s22 =	simm.s32 $0x1;
	[sflag:s24] =	ssyncadd.s32 $0xFFFFF000  }
0x291: {  	_ =	swait.ge [sflag:s22], $0x18700  }
0x292: {  	[sflag:s22] =	ssyncset.done $0x0  }
0x293: {  	s19 =	simm.s32 $0x0;
	[sflag:s22] =	ssyncadd.s32 $0xFFFE7900  }
0x294: {  	v0 =	vld [tilespmem:s19+$0x0];
	_ =	sdelay $0x7  }
0x295: {  	v0 =	vld.idx.msk [tilespmem:v0+s18+$0x0], $0xffff;
	_ =	sdelay $0x2  }
0x296: {  	s23 =	sand.u32 $0x70, s19;
	s24 =	sand.u32 $0x1F00, s19  }
0x297: {  	s21 =	sor.u32 s23, s24  }
0x298: {  	s20 =	simm.s32 $0x10;
	[tilespmem:s21+$0x1C700] =	vst v0  }
0x299: {  	s22 =	simm.s32 $0x10;
	s21 =	simm.s32 $0x20;
	v0 =	vld [tilespmem:s20+$0x0]  }
.LBB2_82:
0x29a: {  	p1 =	sne.s32 s21, $0xFF0;
	_ =	sdelay $0x6  }
0x29b: {  	v0 =	vld.idx.msk [tilespmem:v0+s18+$0x0], $0xffff;
	_ =	sdelay $0x2  }
.Ltmp42:
0x29c: {  	s19 =	sadd.s32 $0x20, s19;
	(pc) =	sbr.rel @p1 .LBB2_82-.Ltmp42, $4  }
0x29d: {  	s23 =	sand.u32 $0x70, s20;
	s20 =	smov.u32 s21;
	s24 =	sand.u32 $0x1F00, s19  }
0x29e: {  	s23 =	sor.u32 s23, s24  }
0x29f: {  	s22 =	sadd.s32 $0x10, s22;
	[tilespmem:s23+$0x1C700] =	vst v0  }
0x2a0: {  	s21 =	sadd.s32 $0x10, s21;
	v0 =	vld [tilespmem:s22+$0x0]  }
0x2a1: {  	_ =	sdelay $0x7  }
0x2a2: {  	v0 =	vld.idx.msk [tilespmem:v0+s18+$0x0], $0xffff;
	_ =	sdelay $0x1  }
0x2a3: {  	s19 =	sadd.s32 $0x20, s19  }
0x2a4: {  	s20 =	sand.u32 $0x70, s20;
	s19 =	sand.u32 $0x1F00, s19  }
0x2a5: {  	s23 =	sadd.s32 $0x0, s11;
	s22 =	simm.s32 $0x1C800;
	s21 =	sor.u32 s20, s19  }
0x2a6: {  	s19 =	simm.s32 $0x0;
	s20 =	simm.s32 $0x1C700;
	[tilespmem:s21+$0x1C700] =	vst v0;
	s21 =	simm.s32 $0x80  }
.LBB2_84:
0x2a7: {  	[hbm4b:s23+s19] =	stream.linear.scatter [tilespmem:s20], [sflag:$0x2], $0x80, $0x38;
	[tilespmem:$0x1E700] =	vst v63  }
0x2a8: {  	s23 =	smov.u32 s21;
	s20 =	smov.u32 s22;
	p1 =	sne.s32 s21, $0xF80  }
.Ltmp43:
0x2a9: {  	s21 =	sadd.s32 $0x80, s21;
	(pc) =	sbr.rel @p1 .LBB2_84-.Ltmp43, $2  }
0x2aa: {  	_ =	sdelay $0x2  }
0x2ab: {  	s22 =	sadd.s32 $0x100, s22;
	s23 =	sadd.s32 s23, s11  }
0x2ac: {  	[hbm4b:s23+s19] =	stream.linear.scatter [tilespmem:s20], [sflag:$0x2], $0x80, $0x38;
	[tilespmem:$0x1E700] =	vst v63  }
0x2ad: {  	s23 =	sand.u32 $0xFF0, s19  }
0x2ae: {  	v0 =	vld [tilespmem:s23+$0x1000];
	_ =	sdelay $0x7  }
0x2af: {  	v0 =	vld.idx.msk [tilespmem:v0+s18+$0x0], $0xffff;
	_ =	sdelay $0x2  }
0x2b0: {  	s21 =	sand.u32 $0x70, s19;
	s22 =	sand.u32 $0x1F00, s19  }
0x2b1: {  	s20 =	simm.s32 $0x10;
	s24 =	sor.u32 s21, s22  }
0x2b2: {  	s22 =	sand.u32 $0xFF0, s20;
	s21 =	simm.s32 $0x20;
	[tilespmem:s24+$0x1C780] =	vst v0  }
.LBB2_86:
0x2b3: {  	p1 =	sne.s32 s21, $0xFF0;
	v0 =	vld [tilespmem:s22+$0x1000];
	_ =	sdelay $0x7  }
0x2b4: {  	v0 =	vld.idx.msk [tilespmem:v0+s18+$0x0], $0xffff;
	_ =	sdelay $0x1  }
.Ltmp44:
0x2b5: {  	(pc) =	sbr.rel @p1 .LBB2_86-.Ltmp44, $4  }
0x2b6: {  	s19 =	sadd.s32 $0x20, s19  }
0x2b7: {  	s22 =	sand.u32 $0x70, s20;
	s20 =	smov.u32 s21;
	s23 =	sand.u32 $0x1F00, s19  }
0x2b8: {  	s23 =	sor.u32 s22, s23  }
0x2b9: {  	s21 =	sadd.s32 $0x10, s21;
	s22 =	sand.u32 $0xFF0, s20;
	[tilespmem:s23+$0x1C780] =	vst v0  }
0x2ba: {  	v0 =	vld [tilespmem:s22+$0x1000];
	_ =	sdelay $0x7  }
0x2bb: {  	v0 =	vld.idx.msk [tilespmem:v0+s18+$0x0], $0xffff;
	_ =	sdelay $0x1  }
0x2bc: {  	s19 =	sadd.s32 $0x20, s19  }
0x2bd: {  	s20 =	sand.u32 $0x70, s20;
	s19 =	sand.u32 $0x1F00, s19  }
0x2be: {  	s22 =	sadd.s32 $0x0, s2;
	s21 =	simm.s32 $0x1C880;
	s20 =	sor.u32 s20, s19  }
0x2bf: {  	s24 =	simm.s32 $0x2;
	s19 =	simm.s32 $0x1C780;
	[tilespmem:s20+$0x1C780] =	vst v0;
	s20 =	simm.s32 $0x80  }
.LBB2_88:
0x2c0: {  	[hbm4b:s22+s1] =	stream.linear.scatter [tilespmem:s19], [sflag:$0x2], $0x80, $0x38;
	[tilespmem:$0x1E700] =	vst v63  }
0x2c1: {  	s22 =	smov.u32 s20;
	s19 =	smov.u32 s21;
	p1 =	sne.s32 s20, $0xF80  }
.Ltmp45:
0x2c2: {  	s20 =	sadd.s32 $0x80, s20;
	(pc) =	sbr.rel @p1 .LBB2_88-.Ltmp45, $2  }
0x2c3: {  	_ =	sdelay $0x2  }
0x2c4: {  	s21 =	sadd.s32 $0x100, s21;
	s22 =	sadd.s32 s22, s2  }
0x2c5: {  	[hbm4b:s22+s1] =	stream.linear.scatter [tilespmem:s19], [sflag:$0x2], $0x80, $0x38;
	[tilespmem:$0x1E700] =	vst v63  }
0x2c6: {  	_ =	swait.ge [sflag:s24], $0x1000  }
0x2c7: {  	s19 =	simm.s32 $0x0;
	[sflag:s24] =	ssyncset.done $0x0  }
0x2c8: {  	s20 =	sand.u32 $0xFF0, s19;
	[sflag:s24] =	ssyncadd.s32 $0xFFFFF000  }
0x2c9: {  	v0 =	vld [tilespmem:s20+$0x2000];
	_ =	sdelay $0x7  }
0x2ca: {  	v0 =	vld.idx.msk [tilespmem:v0+s18+$0x0], $0xffff;
	_ =	sdelay $0x2  }
0x2cb: {  	s21 =	sand.u32 $0x70, s19;
	s23 =	sand.u32 $0x1F00, s19  }
0x2cc: {  	s23 =	sor.u32 s21, s23;
	s20 =	simm.s32 $0x10  }
0x2cd: {  	s21 =	simm.s32 $0x20;
	s22 =	sand.u32 $0xFF0, s20;
	[tilespmem:s23+$0x1C700] =	vst v0  }
.LBB2_90:
0x2ce: {  	p1 =	sne.s32 s21, $0xFF0;
	v0 =	vld [tilespmem:s22+$0x2000];
	_ =	sdelay $0x7  }
0x2cf: {  	v0 =	vld.idx.msk [tilespmem:v0+s18+$0x0], $0xffff;
	_ =	sdelay $0x1  }
.Ltmp46:
0x2d0: {  	(pc) =	sbr.rel @p1 .LBB2_90-.Ltmp46, $4  }
0x2d1: {  	s19 =	sadd.s32 $0x20, s19  }
0x2d2: {  	s22 =	sand.u32 $0x70, s20;
	s20 =	smov.u32 s21;
	s23 =	sand.u32 $0x1F00, s19  }
0x2d3: {  	s23 =	sor.u32 s22, s23  }
0x2d4: {  	s21 =	sadd.s32 $0x10, s21;
	s22 =	sand.u32 $0xFF0, s20;
	[tilespmem:s23+$0x1C700] =	vst v0  }
0x2d5: {  	v0 =	vld [tilespmem:s22+$0x2000];
	_ =	sdelay $0x7  }
0x2d6: {  	v0 =	vld.idx.msk [tilespmem:v0+s18+$0x0], $0xffff;
	_ =	sdelay $0x1  }
0x2d7: {  	s19 =	sadd.s32 $0x20, s19  }
0x2d8: {  	s20 =	sand.u32 $0x70, s20;
	s19 =	sand.u32 $0x1F00, s19  }
0x2d9: {  	s22 =	sadd.s32 $0x0, s3;
	s20 =	sor.u32 s20, s19  }
0x2da: {  	s21 =	simm.s32 $0x1C800;
	s19 =	simm.s32 $0x1C700;
	[tilespmem:s20+$0x1C700] =	vst v0;
	s20 =	simm.s32 $0x80  }
.LBB2_92:
0x2db: {  	[hbm4b:s22+s1] =	stream.linear.scatter [tilespmem:s19], [sflag:$0x2], $0x80, $0x38;
	[tilespmem:$0x1E700] =	vst v63  }
0x2dc: {  	s22 =	smov.u32 s20;
	s19 =	smov.u32 s21;
	p1 =	sne.s32 s20, $0xF80  }
.Ltmp47:
0x2dd: {  	s20 =	sadd.s32 $0x80, s20;
	(pc) =	sbr.rel @p1 .LBB2_92-.Ltmp47, $2  }
0x2de: {  	_ =	sdelay $0x2  }
0x2df: {  	s21 =	sadd.s32 $0x100, s21;
	s22 =	sadd.s32 s22, s3  }
0x2e0: {  	[hbm4b:s22+s1] =	stream.linear.scatter [tilespmem:s19], [sflag:$0x2], $0x80, $0x38;
	[tilespmem:$0x1E700] =	vst v63  }
0x2e1: {  	_ =	swait.ge [sflag:s24], $0x1000  }
0x2e2: {  	s19 =	simm.s32 $0x0;
	[sflag:s24] =	ssyncset.done $0x0  }
0x2e3: {  	s20 =	sand.u32 $0xFF0, s19;
	[sflag:s24] =	ssyncadd.s32 $0xFFFFF000  }
0x2e4: {  	v0 =	vld [tilespmem:s20+$0x3000];
	_ =	sdelay $0x7  }
0x2e5: {  	v0 =	vld.idx.msk [tilespmem:v0+s18+$0x0], $0xffff;
	_ =	sdelay $0x2  }
0x2e6: {  	s21 =	sand.u32 $0x70, s19;
	s23 =	sand.u32 $0x1F00, s19  }
0x2e7: {  	s23 =	sor.u32 s21, s23;
	s20 =	simm.s32 $0x10  }
0x2e8: {  	s21 =	simm.s32 $0x20;
	s22 =	sand.u32 $0xFF0, s20;
	[tilespmem:s23+$0x1C780] =	vst v0  }
.LBB2_94:
0x2e9: {  	p1 =	sne.s32 s21, $0xFF0;
	v0 =	vld [tilespmem:s22+$0x3000];
	_ =	sdelay $0x7  }
0x2ea: {  	v0 =	vld.idx.msk [tilespmem:v0+s18+$0x0], $0xffff;
	_ =	sdelay $0x1  }
.Ltmp48:
0x2eb: {  	(pc) =	sbr.rel @p1 .LBB2_94-.Ltmp48, $4  }
0x2ec: {  	s19 =	sadd.s32 $0x20, s19  }
0x2ed: {  	s22 =	sand.u32 $0x70, s20;
	s20 =	smov.u32 s21;
	s23 =	sand.u32 $0x1F00, s19  }
0x2ee: {  	s23 =	sor.u32 s22, s23  }
0x2ef: {  	s21 =	sadd.s32 $0x10, s21;
	s22 =	sand.u32 $0xFF0, s20;
	[tilespmem:s23+$0x1C780] =	vst v0  }
0x2f0: {  	v0 =	vld [tilespmem:s22+$0x3000];
	_ =	sdelay $0x7  }
0x2f1: {  	v0 =	vld.idx.msk [tilespmem:v0+s18+$0x0], $0xffff;
	_ =	sdelay $0x1  }
0x2f2: {  	s19 =	sadd.s32 $0x20, s19  }
0x2f3: {  	s20 =	sand.u32 $0x70, s20;
	s19 =	sand.u32 $0x1F00, s19  }
0x2f4: {  	s22 =	sadd.s32 $0x0, s4;
	s20 =	sor.u32 s20, s19  }
0x2f5: {  	s21 =	simm.s32 $0x1C880;
	s19 =	simm.s32 $0x1C780;
	[tilespmem:s20+$0x1C780] =	vst v0;
	s20 =	simm.s32 $0x80  }
.LBB2_96:
0x2f6: {  	[hbm4b:s22+s1] =	stream.linear.scatter [tilespmem:s19], [sflag:$0x2], $0x80, $0x38;
	[tilespmem:$0x1E700] =	vst v63  }
0x2f7: {  	s22 =	smov.u32 s20;
	s19 =	smov.u32 s21;
	p1 =	sne.s32 s20, $0xF80  }
.Ltmp49:
0x2f8: {  	s20 =	sadd.s32 $0x80, s20;
	(pc) =	sbr.rel @p1 .LBB2_96-.Ltmp49, $2  }
0x2f9: {  	_ =	sdelay $0x2  }
0x2fa: {  	s21 =	sadd.s32 $0x100, s21;
	s22 =	sadd.s32 s22, s4  }
0x2fb: {  	[hbm4b:s22+s1] =	stream.linear.scatter [tilespmem:s19], [sflag:$0x2], $0x80, $0x38;
	[tilespmem:$0x1E700] =	vst v63  }
0x2fc: {  	s23 =	rddreg [dreg:$0xa];
	s20 =	simm.s32 $0x80;
	s21 =	simm.s32 $0x400  }
0x2fd: {  	[tilespmem:s18], [sflag:$0x1] =	stream.strided.gather [hbm4b:s23+s20], $0x18700, s21, s20, $0x38;
	[tilespmem:$0x1E700] =	vst v63  }
0x2fe: {  	_ =	swait.ge [sflag:s24], $0x1000  }
0x2ff: {  	[sflag:s24] =	ssyncset.done $0x0  }
0x300: {  	[sflag:s24] =	ssyncadd.s32 $0xFFFFF000  }
0x301: {  	_ =	swait.ge [sflag:s24], $0x1000  }
0x302: {  	[sflag:s24] =	ssyncset.done $0x0  }
0x303: {  	s22 =	simm.s32 $0x1;
	[sflag:s24] =	ssyncadd.s32 $0xFFFFF000  }
0x304: {  	_ =	swait.ge [sflag:s22], $0x18700  }
0x305: {  	[sflag:s22] =	ssyncset.done $0x0  }
0x306: {  	s19 =	simm.s32 $0x0;
	[sflag:s22] =	ssyncadd.s32 $0xFFFE7900  }
0x307: {  	v0 =	vld [tilespmem:s19+$0x0];
	_ =	sdelay $0x7  }
0x308: {  	v0 =	vld.idx.msk [tilespmem:v0+s18+$0x0], $0xffff;
	_ =	sdelay $0x2  }
0x309: {  	s23 =	sand.u32 $0x70, s19;
	s24 =	sand.u32 $0x1F00, s19  }
0x30a: {  	s21 =	sor.u32 s23, s24  }
0x30b: {  	s20 =	simm.s32 $0x10;
	[tilespmem:s21+$0x1C700] =	vst v0  }
0x30c: {  	s22 =	simm.s32 $0x10;
	s21 =	simm.s32 $0x20;
	v0 =	vld [tilespmem:s20+$0x0]  }
.LBB2_98:
0x30d: {  	p1 =	sne.s32 s21, $0xFF0;
	_ =	sdelay $0x6  }
0x30e: {  	v0 =	vld.idx.msk [tilespmem:v0+s18+$0x0], $0xffff;
	_ =	sdelay $0x2  }
.Ltmp50:
0x30f: {  	s19 =	sadd.s32 $0x20, s19;
	(pc) =	sbr.rel @p1 .LBB2_98-.Ltmp50, $4  }
0x310: {  	s23 =	sand.u32 $0x70, s20;
	s20 =	smov.u32 s21;
	s24 =	sand.u32 $0x1F00, s19  }
0x311: {  	s23 =	sor.u32 s23, s24  }
0x312: {  	s22 =	sadd.s32 $0x10, s22;
	[tilespmem:s23+$0x1C700] =	vst v0  }
0x313: {  	s21 =	sadd.s32 $0x10, s21;
	v0 =	vld [tilespmem:s22+$0x0]  }
0x314: {  	_ =	sdelay $0x7  }
0x315: {  	v0 =	vld.idx.msk [tilespmem:v0+s18+$0x0], $0xffff;
	_ =	sdelay $0x1  }
0x316: {  	s19 =	sadd.s32 $0x20, s19  }
0x317: {  	s20 =	sand.u32 $0x70, s20;
	s19 =	sand.u32 $0x1F00, s19  }
0x318: {  	s23 =	sadd.s32 $0x0, s5;
	s22 =	simm.s32 $0x1C800;
	s21 =	sor.u32 s20, s19  }
0x319: {  	s19 =	simm.s32 $0x0;
	s20 =	simm.s32 $0x1C700;
	[tilespmem:s21+$0x1C700] =	vst v0;
	s21 =	simm.s32 $0x80  }
.LBB2_100:
0x31a: {  	[hbm4b:s23+s19] =	stream.linear.scatter [tilespmem:s20], [sflag:$0x2], $0x80, $0x38;
	[tilespmem:$0x1E700] =	vst v63  }
0x31b: {  	s23 =	smov.u32 s21;
	s20 =	smov.u32 s22;
	p1 =	sne.s32 s21, $0xF80  }
.Ltmp51:
0x31c: {  	s21 =	sadd.s32 $0x80, s21;
	(pc) =	sbr.rel @p1 .LBB2_100-.Ltmp51, $2  }
0x31d: {  	_ =	sdelay $0x2  }
0x31e: {  	s22 =	sadd.s32 $0x100, s22;
	s23 =	sadd.s32 s23, s5  }
0x31f: {  	[hbm4b:s23+s19] =	stream.linear.scatter [tilespmem:s20], [sflag:$0x2], $0x80, $0x38;
	[tilespmem:$0x1E700] =	vst v63  }
0x320: {  	s23 =	sand.u32 $0xFF0, s19  }
0x321: {  	v0 =	vld [tilespmem:s23+$0x1000];
	_ =	sdelay $0x7  }
0x322: {  	v0 =	vld.idx.msk [tilespmem:v0+s18+$0x0], $0xffff;
	_ =	sdelay $0x2  }
0x323: {  	s21 =	sand.u32 $0x70, s19;
	s22 =	sand.u32 $0x1F00, s19  }
0x324: {  	s20 =	simm.s32 $0x10;
	s24 =	sor.u32 s21, s22  }
0x325: {  	s22 =	sand.u32 $0xFF0, s20;
	s21 =	simm.s32 $0x20;
	[tilespmem:s24+$0x1C780] =	vst v0  }
.LBB2_102:
0x326: {  	p1 =	sne.s32 s21, $0xFF0;
	v0 =	vld [tilespmem:s22+$0x1000];
	_ =	sdelay $0x7  }
0x327: {  	v0 =	vld.idx.msk [tilespmem:v0+s18+$0x0], $0xffff;
	_ =	sdelay $0x1  }
.Ltmp52:
0x328: {  	(pc) =	sbr.rel @p1 .LBB2_102-.Ltmp52, $4  }
0x329: {  	s19 =	sadd.s32 $0x20, s19  }
0x32a: {  	s22 =	sand.u32 $0x70, s20;
	s20 =	smov.u32 s21;
	s23 =	sand.u32 $0x1F00, s19  }
0x32b: {  	s23 =	sor.u32 s22, s23  }
0x32c: {  	s21 =	sadd.s32 $0x10, s21;
	s22 =	sand.u32 $0xFF0, s20;
	[tilespmem:s23+$0x1C780] =	vst v0  }
0x32d: {  	v0 =	vld [tilespmem:s22+$0x1000];
	_ =	sdelay $0x7  }
0x32e: {  	v0 =	vld.idx.msk [tilespmem:v0+s18+$0x0], $0xffff;
	_ =	sdelay $0x1  }
0x32f: {  	s19 =	sadd.s32 $0x20, s19  }
0x330: {  	s20 =	sand.u32 $0x70, s20;
	s19 =	sand.u32 $0x1F00, s19  }
0x331: {  	s22 =	sadd.s32 $0x0, s6;
	s21 =	simm.s32 $0x1C880;
	s20 =	sor.u32 s20, s19  }
0x332: {  	s24 =	simm.s32 $0x2;
	s19 =	simm.s32 $0x1C780;
	[tilespmem:s20+$0x1C780] =	vst v0;
	s20 =	simm.s32 $0x80  }
.LBB2_104:
0x333: {  	[hbm4b:s22+s1] =	stream.linear.scatter [tilespmem:s19], [sflag:$0x2], $0x80, $0x38;
	[tilespmem:$0x1E700] =	vst v63  }
0x334: {  	s22 =	smov.u32 s20;
	s19 =	smov.u32 s21;
	p1 =	sne.s32 s20, $0xF80  }
.Ltmp53:
0x335: {  	s20 =	sadd.s32 $0x80, s20;
	(pc) =	sbr.rel @p1 .LBB2_104-.Ltmp53, $2  }
0x336: {  	_ =	sdelay $0x2  }
0x337: {  	s21 =	sadd.s32 $0x100, s21;
	s22 =	sadd.s32 s22, s6  }
0x338: {  	[hbm4b:s22+s1] =	stream.linear.scatter [tilespmem:s19], [sflag:$0x2], $0x80, $0x38;
	[tilespmem:$0x1E700] =	vst v63  }
0x339: {  	_ =	swait.ge [sflag:s24], $0x1000  }
0x33a: {  	s19 =	simm.s32 $0x0;
	[sflag:s24] =	ssyncset.done $0x0  }
0x33b: {  	s20 =	sand.u32 $0xFF0, s19;
	[sflag:s24] =	ssyncadd.s32 $0xFFFFF000  }
0x33c: {  	v0 =	vld [tilespmem:s20+$0x2000];
	_ =	sdelay $0x7  }
0x33d: {  	v0 =	vld.idx.msk [tilespmem:v0+s18+$0x0], $0xffff;
	_ =	sdelay $0x2  }
0x33e: {  	s21 =	sand.u32 $0x70, s19;
	s23 =	sand.u32 $0x1F00, s19  }
0x33f: {  	s23 =	sor.u32 s21, s23;
	s20 =	simm.s32 $0x10  }
0x340: {  	s21 =	simm.s32 $0x20;
	s22 =	sand.u32 $0xFF0, s20;
	[tilespmem:s23+$0x1C700] =	vst v0  }
.LBB2_106:
0x341: {  	p1 =	sne.s32 s21, $0xFF0;
	v0 =	vld [tilespmem:s22+$0x2000];
	_ =	sdelay $0x7  }
0x342: {  	v0 =	vld.idx.msk [tilespmem:v0+s18+$0x0], $0xffff;
	_ =	sdelay $0x1  }
.Ltmp54:
0x343: {  	(pc) =	sbr.rel @p1 .LBB2_106-.Ltmp54, $4  }
0x344: {  	s19 =	sadd.s32 $0x20, s19  }
0x345: {  	s22 =	sand.u32 $0x70, s20;
	s20 =	smov.u32 s21;
	s23 =	sand.u32 $0x1F00, s19  }
0x346: {  	s23 =	sor.u32 s22, s23  }
0x347: {  	s21 =	sadd.s32 $0x10, s21;
	s22 =	sand.u32 $0xFF0, s20;
	[tilespmem:s23+$0x1C700] =	vst v0  }
0x348: {  	v0 =	vld [tilespmem:s22+$0x2000];
	_ =	sdelay $0x7  }
0x349: {  	v0 =	vld.idx.msk [tilespmem:v0+s18+$0x0], $0xffff;
	_ =	sdelay $0x1  }
0x34a: {  	s19 =	sadd.s32 $0x20, s19  }
0x34b: {  	s20 =	sand.u32 $0x70, s20;
	s19 =	sand.u32 $0x1F00, s19  }
0x34c: {  	s22 =	sadd.s32 $0x0, s7;
	s20 =	sor.u32 s20, s19  }
0x34d: {  	s21 =	simm.s32 $0x1C800;
	s19 =	simm.s32 $0x1C700;
	[tilespmem:s20+$0x1C700] =	vst v0;
	s20 =	simm.s32 $0x80  }
.LBB2_108:
0x34e: {  	[hbm4b:s22+s1] =	stream.linear.scatter [tilespmem:s19], [sflag:$0x2], $0x80, $0x38;
	[tilespmem:$0x1E700] =	vst v63  }
0x34f: {  	s22 =	smov.u32 s20;
	s19 =	smov.u32 s21;
	p1 =	sne.s32 s20, $0xF80  }
.Ltmp55:
0x350: {  	s20 =	sadd.s32 $0x80, s20;
	(pc) =	sbr.rel @p1 .LBB2_108-.Ltmp55, $2  }
0x351: {  	_ =	sdelay $0x2  }
0x352: {  	s21 =	sadd.s32 $0x100, s21;
	s22 =	sadd.s32 s22, s7  }
0x353: {  	[hbm4b:s22+s1] =	stream.linear.scatter [tilespmem:s19], [sflag:$0x2], $0x80, $0x38;
	[tilespmem:$0x1E700] =	vst v63  }
0x354: {  	_ =	swait.ge [sflag:s24], $0x1000  }
0x355: {  	s19 =	simm.s32 $0x0;
	[sflag:s24] =	ssyncset.done $0x0  }
0x356: {  	s20 =	sand.u32 $0xFF0, s19;
	[sflag:s24] =	ssyncadd.s32 $0xFFFFF000  }
0x357: {  	v0 =	vld [tilespmem:s20+$0x3000];
	_ =	sdelay $0x7  }
0x358: {  	v0 =	vld.idx.msk [tilespmem:v0+s18+$0x0], $0xffff;
	_ =	sdelay $0x2  }
0x359: {  	s21 =	sand.u32 $0x70, s19;
	s23 =	sand.u32 $0x1F00, s19  }
0x35a: {  	s23 =	sor.u32 s21, s23;
	s20 =	simm.s32 $0x10  }
0x35b: {  	s21 =	simm.s32 $0x20;
	s22 =	sand.u32 $0xFF0, s20;
	[tilespmem:s23+$0x1C780] =	vst v0  }
.LBB2_110:
0x35c: {  	p1 =	sne.s32 s21, $0xFF0;
	v0 =	vld [tilespmem:s22+$0x3000];
	_ =	sdelay $0x7  }
0x35d: {  	v0 =	vld.idx.msk [tilespmem:v0+s18+$0x0], $0xffff;
	_ =	sdelay $0x1  }
.Ltmp56:
0x35e: {  	(pc) =	sbr.rel @p1 .LBB2_110-.Ltmp56, $4  }
0x35f: {  	s19 =	sadd.s32 $0x20, s19  }
0x360: {  	s22 =	sand.u32 $0x70, s20;
	s20 =	smov.u32 s21;
	s23 =	sand.u32 $0x1F00, s19  }
0x361: {  	s23 =	sor.u32 s22, s23  }
0x362: {  	s21 =	sadd.s32 $0x10, s21;
	s22 =	sand.u32 $0xFF0, s20;
	[tilespmem:s23+$0x1C780] =	vst v0  }
0x363: {  	v0 =	vld [tilespmem:s22+$0x3000];
	_ =	sdelay $0x7  }
0x364: {  	v0 =	vld.idx.msk [tilespmem:v0+s18+$0x0], $0xffff;
	_ =	sdelay $0x1  }
0x365: {  	s19 =	sadd.s32 $0x20, s19  }
0x366: {  	s20 =	sand.u32 $0x70, s20;
	s19 =	sand.u32 $0x1F00, s19  }
0x367: {  	s22 =	sadd.s32 $0x0, s8;
	s20 =	sor.u32 s20, s19  }
0x368: {  	s21 =	simm.s32 $0x1C880;
	s19 =	simm.s32 $0x1C780;
	[tilespmem:s20+$0x1C780] =	vst v0;
	s20 =	simm.s32 $0x80  }
.LBB2_112:
0x369: {  	[hbm4b:s22+s1] =	stream.linear.scatter [tilespmem:s19], [sflag:$0x2], $0x80, $0x38;
	[tilespmem:$0x1E700] =	vst v63  }
0x36a: {  	s22 =	smov.u32 s20;
	s19 =	smov.u32 s21;
	p1 =	sne.s32 s20, $0xF80  }
.Ltmp57:
0x36b: {  	s20 =	sadd.s32 $0x80, s20;
	(pc) =	sbr.rel @p1 .LBB2_112-.Ltmp57, $2  }
0x36c: {  	_ =	sdelay $0x2  }
0x36d: {  	s21 =	sadd.s32 $0x100, s21;
	s22 =	sadd.s32 s22, s8  }
0x36e: {  	[hbm4b:s22+s1] =	stream.linear.scatter [tilespmem:s19], [sflag:$0x2], $0x80, $0x38;
	[tilespmem:$0x1E700] =	vst v63  }
0x36f: {  	s23 =	rddreg [dreg:$0xb];
	s20 =	simm.s32 $0x80;
	s21 =	simm.s32 $0x400  }
0x370: {  	[tilespmem:s18], [sflag:$0x1] =	stream.strided.gather [hbm4b:s23+s20], $0x18700, s21, s20, $0x38;
	[tilespmem:$0x1E700] =	vst v63  }
0x371: {  	_ =	swait.ge [sflag:s24], $0x1000  }
0x372: {  	[sflag:s24] =	ssyncset.done $0x0  }
0x373: {  	[sflag:s24] =	ssyncadd.s32 $0xFFFFF000  }
0x374: {  	_ =	swait.ge [sflag:s24], $0x1000  }
0x375: {  	[sflag:s24] =	ssyncset.done $0x0  }
0x376: {  	s22 =	simm.s32 $0x1;
	[sflag:s24] =	ssyncadd.s32 $0xFFFFF000  }
0x377: {  	_ =	swait.ge [sflag:s22], $0x18700  }
0x378: {  	[sflag:s22] =	ssyncset.done $0x0  }
0x379: {  	s19 =	simm.s32 $0x0;
	[sflag:s22] =	ssyncadd.s32 $0xFFFE7900  }
0x37a: {  	v0 =	vld [tilespmem:s19+$0x0];
	_ =	sdelay $0x7  }
0x37b: {  	v0 =	vld.idx.msk [tilespmem:v0+s18+$0x0], $0xffff;
	_ =	sdelay $0x2  }
0x37c: {  	s23 =	sand.u32 $0x70, s19;
	s24 =	sand.u32 $0x1F00, s19  }
0x37d: {  	s21 =	sor.u32 s23, s24  }
0x37e: {  	s20 =	simm.s32 $0x10;
	[tilespmem:s21+$0x1C700] =	vst v0  }
0x37f: {  	s22 =	simm.s32 $0x10;
	s21 =	simm.s32 $0x20;
	v0 =	vld [tilespmem:s20+$0x0]  }
.LBB2_114:
0x380: {  	p1 =	sne.s32 s21, $0xFF0;
	_ =	sdelay $0x6  }
0x381: {  	v0 =	vld.idx.msk [tilespmem:v0+s18+$0x0], $0xffff;
	_ =	sdelay $0x2  }
.Ltmp58:
0x382: {  	s19 =	sadd.s32 $0x20, s19;
	(pc) =	sbr.rel @p1 .LBB2_114-.Ltmp58, $4  }
0x383: {  	s23 =	sand.u32 $0x70, s20;
	s20 =	smov.u32 s21;
	s24 =	sand.u32 $0x1F00, s19  }
0x384: {  	s23 =	sor.u32 s23, s24  }
0x385: {  	s22 =	sadd.s32 $0x10, s22;
	[tilespmem:s23+$0x1C700] =	vst v0  }
0x386: {  	s21 =	sadd.s32 $0x10, s21;
	v0 =	vld [tilespmem:s22+$0x0]  }
0x387: {  	_ =	sdelay $0x7  }
0x388: {  	v0 =	vld.idx.msk [tilespmem:v0+s18+$0x0], $0xffff;
	_ =	sdelay $0x1  }
0x389: {  	s19 =	sadd.s32 $0x20, s19  }
0x38a: {  	s20 =	sand.u32 $0x70, s20;
	s19 =	sand.u32 $0x1F00, s19  }
0x38b: {  	s23 =	sadd.s32 $0x0, s9;
	s22 =	simm.s32 $0x1C800;
	s21 =	sor.u32 s20, s19  }
0x38c: {  	s19 =	simm.s32 $0x0;
	s20 =	simm.s32 $0x1C700;
	[tilespmem:s21+$0x1C700] =	vst v0;
	s21 =	simm.s32 $0x80  }
.LBB2_116:
0x38d: {  	[hbm4b:s23+s19] =	stream.linear.scatter [tilespmem:s20], [sflag:$0x2], $0x80, $0x38;
	[tilespmem:$0x1E700] =	vst v63  }
0x38e: {  	s23 =	smov.u32 s21;
	s20 =	smov.u32 s22;
	p1 =	sne.s32 s21, $0xF80  }
.Ltmp59:
0x38f: {  	s21 =	sadd.s32 $0x80, s21;
	(pc) =	sbr.rel @p1 .LBB2_116-.Ltmp59, $2  }
0x390: {  	_ =	sdelay $0x2  }
0x391: {  	s22 =	sadd.s32 $0x100, s22;
	s23 =	sadd.s32 s23, s9  }
0x392: {  	[hbm4b:s23+s19] =	stream.linear.scatter [tilespmem:s20], [sflag:$0x2], $0x80, $0x38;
	[tilespmem:$0x1E700] =	vst v63  }
0x393: {  	s23 =	sand.u32 $0xFF0, s19  }
0x394: {  	v0 =	vld [tilespmem:s23+$0x1000];
	_ =	sdelay $0x7  }
0x395: {  	v0 =	vld.idx.msk [tilespmem:v0+s18+$0x0], $0xffff;
	_ =	sdelay $0x2  }
0x396: {  	s21 =	sand.u32 $0x70, s19;
	s22 =	sand.u32 $0x1F00, s19  }
0x397: {  	s20 =	simm.s32 $0x10;
	s24 =	sor.u32 s21, s22  }
0x398: {  	s22 =	sand.u32 $0xFF0, s20;
	s21 =	simm.s32 $0x20;
	[tilespmem:s24+$0x1C780] =	vst v0  }
.LBB2_118:
0x399: {  	p1 =	sne.s32 s21, $0xFF0;
	v0 =	vld [tilespmem:s22+$0x1000];
	_ =	sdelay $0x7  }
0x39a: {  	v0 =	vld.idx.msk [tilespmem:v0+s18+$0x0], $0xffff;
	_ =	sdelay $0x1  }
.Ltmp60:
0x39b: {  	(pc) =	sbr.rel @p1 .LBB2_118-.Ltmp60, $4  }
0x39c: {  	s19 =	sadd.s32 $0x20, s19  }
0x39d: {  	s22 =	sand.u32 $0x70, s20;
	s20 =	smov.u32 s21;
	s23 =	sand.u32 $0x1F00, s19  }
0x39e: {  	s23 =	sor.u32 s22, s23  }
0x39f: {  	s21 =	sadd.s32 $0x10, s21;
	s22 =	sand.u32 $0xFF0, s20;
	[tilespmem:s23+$0x1C780] =	vst v0  }
0x3a0: {  	v0 =	vld [tilespmem:s22+$0x1000];
	_ =	sdelay $0x7  }
0x3a1: {  	v0 =	vld.idx.msk [tilespmem:v0+s18+$0x0], $0xffff;
	_ =	sdelay $0x1  }
0x3a2: {  	s19 =	sadd.s32 $0x20, s19  }
0x3a3: {  	s20 =	sand.u32 $0x70, s20;
	s19 =	sand.u32 $0x1F00, s19  }
0x3a4: {  	s22 =	sadd.s32 $0x0, s10;
	s21 =	simm.s32 $0x1C880;
	s20 =	sor.u32 s20, s19  }
0x3a5: {  	s24 =	simm.s32 $0x2;
	s19 =	simm.s32 $0x1C780;
	[tilespmem:s20+$0x1C780] =	vst v0;
	s20 =	simm.s32 $0x80  }
.LBB2_120:
0x3a6: {  	[hbm4b:s22+s1] =	stream.linear.scatter [tilespmem:s19], [sflag:$0x2], $0x80, $0x38;
	[tilespmem:$0x1E700] =	vst v63  }
0x3a7: {  	s22 =	smov.u32 s20;
	s19 =	smov.u32 s21;
	p1 =	sne.s32 s20, $0xF80  }
.Ltmp61:
0x3a8: {  	s20 =	sadd.s32 $0x80, s20;
	(pc) =	sbr.rel @p1 .LBB2_120-.Ltmp61, $2  }
0x3a9: {  	_ =	sdelay $0x2  }
0x3aa: {  	s21 =	sadd.s32 $0x100, s21;
	s22 =	sadd.s32 s22, s10  }
0x3ab: {  	[hbm4b:s22+s1] =	stream.linear.scatter [tilespmem:s19], [sflag:$0x2], $0x80, $0x38;
	[tilespmem:$0x1E700] =	vst v63  }
0x3ac: {  	_ =	swait.ge [sflag:s24], $0x1000  }
0x3ad: {  	s19 =	simm.s32 $0x0;
	[sflag:s24] =	ssyncset.done $0x0  }
0x3ae: {  	s20 =	sand.u32 $0xFF0, s19;
	[sflag:s24] =	ssyncadd.s32 $0xFFFFF000  }
0x3af: {  	v0 =	vld [tilespmem:s20+$0x2000];
	_ =	sdelay $0x7  }
0x3b0: {  	v0 =	vld.idx.msk [tilespmem:v0+s18+$0x0], $0xffff;
	_ =	sdelay $0x2  }
0x3b1: {  	s21 =	sand.u32 $0x70, s19;
	s23 =	sand.u32 $0x1F00, s19  }
0x3b2: {  	s23 =	sor.u32 s21, s23;
	s20 =	simm.s32 $0x10  }
0x3b3: {  	s21 =	simm.s32 $0x20;
	s22 =	sand.u32 $0xFF0, s20;
	[tilespmem:s23+$0x1C700] =	vst v0  }
.LBB2_122:
0x3b4: {  	p1 =	sne.s32 s21, $0xFF0;
	v0 =	vld [tilespmem:s22+$0x2000];
	_ =	sdelay $0x7  }
0x3b5: {  	v0 =	vld.idx.msk [tilespmem:v0+s18+$0x0], $0xffff;
	_ =	sdelay $0x1  }
.Ltmp62:
0x3b6: {  	(pc) =	sbr.rel @p1 .LBB2_122-.Ltmp62, $4  }
0x3b7: {  	s19 =	sadd.s32 $0x20, s19  }
0x3b8: {  	s22 =	sand.u32 $0x70, s20;
	s20 =	smov.u32 s21;
	s23 =	sand.u32 $0x1F00, s19  }
0x3b9: {  	s23 =	sor.u32 s22, s23  }
0x3ba: {  	s21 =	sadd.s32 $0x10, s21;
	s22 =	sand.u32 $0xFF0, s20;
	[tilespmem:s23+$0x1C700] =	vst v0  }
0x3bb: {  	v0 =	vld [tilespmem:s22+$0x2000];
	_ =	sdelay $0x7  }
0x3bc: {  	v0 =	vld.idx.msk [tilespmem:v0+s18+$0x0], $0xffff;
	_ =	sdelay $0x1  }
0x3bd: {  	s19 =	sadd.s32 $0x20, s19  }
0x3be: {  	s20 =	sand.u32 $0x70, s20;
	s19 =	sand.u32 $0x1F00, s19  }
0x3bf: {  	s22 =	sadd.s32 $0x0, s12;
	s20 =	sor.u32 s20, s19  }
0x3c0: {  	s21 =	simm.s32 $0x1C800;
	s19 =	simm.s32 $0x1C700;
	[tilespmem:s20+$0x1C700] =	vst v0;
	s20 =	simm.s32 $0x80  }
.LBB2_124:
0x3c1: {  	[hbm4b:s22+s1] =	stream.linear.scatter [tilespmem:s19], [sflag:$0x2], $0x80, $0x38;
	[tilespmem:$0x1E700] =	vst v63  }
0x3c2: {  	s22 =	smov.u32 s20;
	s19 =	smov.u32 s21;
	p1 =	sne.s32 s20, $0xF80  }
.Ltmp63:
0x3c3: {  	s20 =	sadd.s32 $0x80, s20;
	(pc) =	sbr.rel @p1 .LBB2_124-.Ltmp63, $2  }
0x3c4: {  	_ =	sdelay $0x2  }
0x3c5: {  	s21 =	sadd.s32 $0x100, s21;
	s22 =	sadd.s32 s22, s12  }
0x3c6: {  	[hbm4b:s22+s1] =	stream.linear.scatter [tilespmem:s19], [sflag:$0x2], $0x80, $0x38;
	[tilespmem:$0x1E700] =	vst v63  }
0x3c7: {  	_ =	swait.ge [sflag:s24], $0x1000  }
0x3c8: {  	s19 =	simm.s32 $0x0;
	[sflag:s24] =	ssyncset.done $0x0  }
0x3c9: {  	s20 =	sand.u32 $0xFF0, s19;
	[sflag:s24] =	ssyncadd.s32 $0xFFFFF000  }
0x3ca: {  	v0 =	vld [tilespmem:s20+$0x3000];
	_ =	sdelay $0x7  }
0x3cb: {  	v0 =	vld.idx.msk [tilespmem:v0+s18+$0x0], $0xffff;
	_ =	sdelay $0x2  }
0x3cc: {  	s21 =	sand.u32 $0x70, s19;
	s23 =	sand.u32 $0x1F00, s19  }
0x3cd: {  	s23 =	sor.u32 s21, s23;
	s20 =	simm.s32 $0x10  }
0x3ce: {  	s21 =	simm.s32 $0x20;
	s22 =	sand.u32 $0xFF0, s20;
	[tilespmem:s23+$0x1C780] =	vst v0  }
.LBB2_126:
0x3cf: {  	p1 =	sne.s32 s21, $0xFF0;
	v0 =	vld [tilespmem:s22+$0x3000];
	_ =	sdelay $0x7  }
0x3d0: {  	v0 =	vld.idx.msk [tilespmem:v0+s18+$0x0], $0xffff;
	_ =	sdelay $0x1  }
.Ltmp64:
0x3d1: {  	(pc) =	sbr.rel @p1 .LBB2_126-.Ltmp64, $4  }
0x3d2: {  	s19 =	sadd.s32 $0x20, s19  }
0x3d3: {  	s22 =	sand.u32 $0x70, s20;
	s20 =	smov.u32 s21;
	s23 =	sand.u32 $0x1F00, s19  }
0x3d4: {  	s23 =	sor.u32 s22, s23  }
0x3d5: {  	s21 =	sadd.s32 $0x10, s21;
	s22 =	sand.u32 $0xFF0, s20;
	[tilespmem:s23+$0x1C780] =	vst v0  }
0x3d6: {  	v0 =	vld [tilespmem:s22+$0x3000];
	_ =	sdelay $0x7  }
0x3d7: {  	v0 =	vld.idx.msk [tilespmem:v0+s18+$0x0], $0xffff;
	_ =	sdelay $0x1  }
0x3d8: {  	s19 =	sadd.s32 $0x20, s19  }
0x3d9: {  	s20 =	sand.u32 $0x70, s20;
	s19 =	sand.u32 $0x1F00, s19  }
0x3da: {  	s22 =	sadd.s32 $0x0, s13;
	s20 =	sor.u32 s20, s19  }
0x3db: {  	s21 =	simm.s32 $0x1C880;
	s19 =	simm.s32 $0x1C780;
	[tilespmem:s20+$0x1C780] =	vst v0;
	s20 =	simm.s32 $0x80  }
.LBB2_128:
0x3dc: {  	[hbm4b:s22+s1] =	stream.linear.scatter [tilespmem:s19], [sflag:$0x2], $0x80, $0x38;
	[tilespmem:$0x1E700] =	vst v63  }
0x3dd: {  	s22 =	smov.u32 s20;
	s19 =	smov.u32 s21;
	p1 =	sne.s32 s20, $0xF80  }
.Ltmp65:
0x3de: {  	s20 =	sadd.s32 $0x80, s20;
	(pc) =	sbr.rel @p1 .LBB2_128-.Ltmp65, $2  }
0x3df: {  	_ =	sdelay $0x2  }
0x3e0: {  	s21 =	sadd.s32 $0x100, s21;
	s22 =	sadd.s32 s22, s13  }
0x3e1: {  	[hbm4b:s22+s1] =	stream.linear.scatter [tilespmem:s19], [sflag:$0x2], $0x80, $0x38;
	[tilespmem:$0x1E700] =	vst v63  }
0x3e2: {  	s23 =	rddreg [dreg:$0xc];
	s20 =	simm.s32 $0x80;
	s21 =	simm.s32 $0x400  }
0x3e3: {  	[tilespmem:s18], [sflag:$0x1] =	stream.strided.gather [hbm4b:s23+s20], $0x18700, s21, s20, $0x38;
	[tilespmem:$0x1E700] =	vst v63  }
0x3e4: {  	_ =	swait.ge [sflag:s24], $0x1000  }
0x3e5: {  	[sflag:s24] =	ssyncset.done $0x0  }
0x3e6: {  	[sflag:s24] =	ssyncadd.s32 $0xFFFFF000  }
0x3e7: {  	_ =	swait.ge [sflag:s24], $0x1000  }
0x3e8: {  	[sflag:s24] =	ssyncset.done $0x0  }
0x3e9: {  	s22 =	simm.s32 $0x1;
	[sflag:s24] =	ssyncadd.s32 $0xFFFFF000  }
0x3ea: {  	_ =	swait.ge [sflag:s22], $0x18700  }
0x3eb: {  	[sflag:s22] =	ssyncset.done $0x0  }
0x3ec: {  	s19 =	simm.s32 $0x0;
	[sflag:s22] =	ssyncadd.s32 $0xFFFE7900  }
0x3ed: {  	v0 =	vld [tilespmem:s19+$0x0];
	_ =	sdelay $0x7  }
0x3ee: {  	v0 =	vld.idx.msk [tilespmem:v0+s18+$0x0], $0xffff;
	_ =	sdelay $0x2  }
0x3ef: {  	s23 =	sand.u32 $0x70, s19;
	s24 =	sand.u32 $0x1F00, s19  }
0x3f0: {  	s21 =	sor.u32 s23, s24  }
0x3f1: {  	s20 =	simm.s32 $0x10;
	[tilespmem:s21+$0x1C700] =	vst v0  }
0x3f2: {  	s22 =	simm.s32 $0x10;
	s21 =	simm.s32 $0x20;
	v0 =	vld [tilespmem:s20+$0x0]  }
.LBB2_130:
0x3f3: {  	p1 =	sne.s32 s21, $0xFF0;
	_ =	sdelay $0x6  }
0x3f4: {  	v0 =	vld.idx.msk [tilespmem:v0+s18+$0x0], $0xffff;
	_ =	sdelay $0x2  }
.Ltmp66:
0x3f5: {  	s19 =	sadd.s32 $0x20, s19;
	(pc) =	sbr.rel @p1 .LBB2_130-.Ltmp66, $4  }
0x3f6: {  	s23 =	sand.u32 $0x70, s20;
	s20 =	smov.u32 s21;
	s24 =	sand.u32 $0x1F00, s19  }
0x3f7: {  	s23 =	sor.u32 s23, s24  }
0x3f8: {  	s22 =	sadd.s32 $0x10, s22;
	[tilespmem:s23+$0x1C700] =	vst v0  }
0x3f9: {  	s21 =	sadd.s32 $0x10, s21;
	v0 =	vld [tilespmem:s22+$0x0]  }
0x3fa: {  	_ =	sdelay $0x7  }
0x3fb: {  	v0 =	vld.idx.msk [tilespmem:v0+s18+$0x0], $0xffff;
	_ =	sdelay $0x1  }
0x3fc: {  	s19 =	sadd.s32 $0x20, s19  }
0x3fd: {  	s20 =	sand.u32 $0x70, s20;
	s19 =	sand.u32 $0x1F00, s19  }
0x3fe: {  	s23 =	sadd.s32 $0x0, s14;
	s22 =	simm.s32 $0x1C800;
	s21 =	sor.u32 s20, s19  }
0x3ff: {  	s19 =	simm.s32 $0x0;
	s20 =	simm.s32 $0x1C700;
	[tilespmem:s21+$0x1C700] =	vst v0;
	s21 =	simm.s32 $0x80  }
.LBB2_132:
0x400: {  	[hbm4b:s23+s19] =	stream.linear.scatter [tilespmem:s20], [sflag:$0x2], $0x80, $0x38;
	[tilespmem:$0x1E700] =	vst v63  }
0x401: {  	s23 =	smov.u32 s21;
	s20 =	smov.u32 s22;
	p1 =	sne.s32 s21, $0xF80  }
.Ltmp67:
0x402: {  	s21 =	sadd.s32 $0x80, s21;
	(pc) =	sbr.rel @p1 .LBB2_132-.Ltmp67, $2  }
0x403: {  	_ =	sdelay $0x2  }
0x404: {  	s22 =	sadd.s32 $0x100, s22;
	s23 =	sadd.s32 s23, s14  }
0x405: {  	[hbm4b:s23+s19] =	stream.linear.scatter [tilespmem:s20], [sflag:$0x2], $0x80, $0x38;
	[tilespmem:$0x1E700] =	vst v63  }
0x406: {  	s23 =	sand.u32 $0xFF0, s19  }
0x407: {  	v0 =	vld [tilespmem:s23+$0x1000];
	_ =	sdelay $0x7  }
0x408: {  	v0 =	vld.idx.msk [tilespmem:v0+s18+$0x0], $0xffff;
	_ =	sdelay $0x2  }
0x409: {  	s21 =	sand.u32 $0x70, s19;
	s22 =	sand.u32 $0x1F00, s19  }
0x40a: {  	s20 =	simm.s32 $0x10;
	s24 =	sor.u32 s21, s22  }
0x40b: {  	s22 =	sand.u32 $0xFF0, s20;
	s21 =	simm.s32 $0x20;
	[tilespmem:s24+$0x1C780] =	vst v0  }
.LBB2_134:
0x40c: {  	p1 =	sne.s32 s21, $0xFF0;
	v0 =	vld [tilespmem:s22+$0x1000];
	_ =	sdelay $0x7  }
0x40d: {  	v0 =	vld.idx.msk [tilespmem:v0+s18+$0x0], $0xffff;
	_ =	sdelay $0x1  }
.Ltmp68:
0x40e: {  	(pc) =	sbr.rel @p1 .LBB2_134-.Ltmp68, $4  }
0x40f: {  	s19 =	sadd.s32 $0x20, s19  }
0x410: {  	s22 =	sand.u32 $0x70, s20;
	s20 =	smov.u32 s21;
	s23 =	sand.u32 $0x1F00, s19  }
0x411: {  	s23 =	sor.u32 s22, s23  }
0x412: {  	s21 =	sadd.s32 $0x10, s21;
	s22 =	sand.u32 $0xFF0, s20;
	[tilespmem:s23+$0x1C780] =	vst v0  }
0x413: {  	v0 =	vld [tilespmem:s22+$0x1000];
	_ =	sdelay $0x7  }
0x414: {  	v0 =	vld.idx.msk [tilespmem:v0+s18+$0x0], $0xffff;
	_ =	sdelay $0x1  }
0x415: {  	s19 =	sadd.s32 $0x20, s19  }
0x416: {  	s20 =	sand.u32 $0x70, s20;
	s19 =	sand.u32 $0x1F00, s19  }
0x417: {  	s22 =	sadd.s32 $0x0, s15;
	s20 =	sor.u32 s20, s19  }
0x418: {  	s21 =	simm.s32 $0x1C880;
	s19 =	simm.s32 $0x1C780;
	[tilespmem:s20+$0x1C780] =	vst v0;
	s20 =	simm.s32 $0x80  }
.LBB2_136:
0x419: {  	[hbm4b:s22+s1] =	stream.linear.scatter [tilespmem:s19], [sflag:$0x2], $0x80, $0x38;
	[tilespmem:$0x1E700] =	vst v63  }
0x41a: {  	s22 =	smov.u32 s20;
	s19 =	smov.u32 s21;
	p1 =	sne.s32 s20, $0xF80  }
.Ltmp69:
0x41b: {  	s20 =	sadd.s32 $0x80, s20;
	(pc) =	sbr.rel @p1 .LBB2_136-.Ltmp69, $2  }
0x41c: {  	_ =	sdelay $0x2  }
0x41d: {  	s21 =	sadd.s32 $0x100, s21;
	s22 =	sadd.s32 s22, s15  }
0x41e: {  	[hbm4b:s22+s1] =	stream.linear.scatter [tilespmem:s19], [sflag:$0x2], $0x80, $0x38;
	[tilespmem:$0x1E700] =	vst v63  }
0x41f: {  	s20 =	simm.s32 $0x2  }
0x420: {  	_ =	swait.ge [sflag:s20], $0x1000  }
0x421: {  	s19 =	simm.s32 $0x0;
	[sflag:s20] =	ssyncset.done $0x0  }
0x422: {  	s23 =	sand.u32 $0xFF0, s19;
	[sflag:s20] =	ssyncadd.s32 $0xFFFFF000  }
0x423: {  	v0 =	vld [tilespmem:s23+$0x2000];
	_ =	sdelay $0x7  }
0x424: {  	v0 =	vld.idx.msk [tilespmem:v0+s18+$0x0], $0xffff;
	_ =	sdelay $0x2  }
0x425: {  	s21 =	sand.u32 $0x70, s19;
	s24 =	sand.u32 $0x1F00, s19  }
0x426: {  	s20 =	simm.s32 $0x10;
	s23 =	sor.u32 s21, s24  }
0x427: {  	s22 =	sand.u32 $0xFF0, s20;
	s21 =	simm.s32 $0x20;
	[tilespmem:s23+$0x1C700] =	vst v0  }
.LBB2_138:
0x428: {  	p1 =	sne.s32 s21, $0xFF0;
	v0 =	vld [tilespmem:s22+$0x2000];
	_ =	sdelay $0x7  }
0x429: {  	v0 =	vld.idx.msk [tilespmem:v0+s18+$0x0], $0xffff;
	_ =	sdelay $0x1  }
.Ltmp70:
0x42a: {  	(pc) =	sbr.rel @p1 .LBB2_138-.Ltmp70, $4  }
0x42b: {  	s19 =	sadd.s32 $0x20, s19  }
0x42c: {  	s22 =	sand.u32 $0x70, s20;
	s20 =	smov.u32 s21;
	s23 =	sand.u32 $0x1F00, s19  }
0x42d: {  	s23 =	sor.u32 s22, s23  }
0x42e: {  	s21 =	sadd.s32 $0x10, s21;
	s22 =	sand.u32 $0xFF0, s20;
	[tilespmem:s23+$0x1C700] =	vst v0  }
0x42f: {  	v0 =	vld [tilespmem:s22+$0x2000];
	_ =	sdelay $0x7  }
0x430: {  	v0 =	vld.idx.msk [tilespmem:v0+s18+$0x0], $0xffff;
	_ =	sdelay $0x1  }
0x431: {  	s19 =	sadd.s32 $0x20, s19  }
0x432: {  	s20 =	sand.u32 $0x70, s20;
	s19 =	sand.u32 $0x1F00, s19  }
0x433: {  	s22 =	sadd.s32 $0x0, s16;
	s20 =	sor.u32 s20, s19  }
0x434: {  	s21 =	simm.s32 $0x1C800;
	s19 =	simm.s32 $0x1C700;
	[tilespmem:s20+$0x1C700] =	vst v0;
	s20 =	simm.s32 $0x80  }
.LBB2_140:
0x435: {  	[hbm4b:s22+s1] =	stream.linear.scatter [tilespmem:s19], [sflag:$0x2], $0x80, $0x38;
	[tilespmem:$0x1E700] =	vst v63  }
0x436: {  	s22 =	smov.u32 s20;
	s19 =	smov.u32 s21;
	p1 =	sne.s32 s20, $0xF80  }
.Ltmp71:
0x437: {  	s20 =	sadd.s32 $0x80, s20;
	(pc) =	sbr.rel @p1 .LBB2_140-.Ltmp71, $2  }
0x438: {  	_ =	sdelay $0x2  }
0x439: {  	s21 =	sadd.s32 $0x100, s21;
	s22 =	sadd.s32 s22, s16  }
0x43a: {  	[hbm4b:s22+s1] =	stream.linear.scatter [tilespmem:s19], [sflag:$0x2], $0x80, $0x38;
	[tilespmem:$0x1E700] =	vst v63  }
0x43b: {  	s20 =	simm.s32 $0x2  }
0x43c: {  	_ =	swait.ge [sflag:s20], $0x1000  }
0x43d: {  	s19 =	simm.s32 $0x0;
	[sflag:s20] =	ssyncset.done $0x0  }
0x43e: {  	s23 =	sand.u32 $0xFF0, s19;
	[sflag:s20] =	ssyncadd.s32 $0xFFFFF000  }
0x43f: {  	v0 =	vld [tilespmem:s23+$0x3000];
	_ =	sdelay $0x7  }
0x440: {  	v0 =	vld.idx.msk [tilespmem:v0+s18+$0x0], $0xffff;
	_ =	sdelay $0x2  }
0x441: {  	s21 =	sand.u32 $0x70, s19;
	s24 =	sand.u32 $0x1F00, s19  }
0x442: {  	s20 =	simm.s32 $0x10;
	s23 =	sor.u32 s21, s24  }
0x443: {  	s22 =	sand.u32 $0xFF0, s20;
	s21 =	simm.s32 $0x20;
	[tilespmem:s23+$0x1C780] =	vst v0  }
.LBB2_142:
0x444: {  	p1 =	sne.s32 s21, $0xFF0;
	v0 =	vld [tilespmem:s22+$0x3000];
	_ =	sdelay $0x7  }
0x445: {  	v0 =	vld.idx.msk [tilespmem:v0+s18+$0x0], $0xffff;
	_ =	sdelay $0x1  }
.Ltmp72:
0x446: {  	(pc) =	sbr.rel @p1 .LBB2_142-.Ltmp72, $4  }
0x447: {  	s19 =	sadd.s32 $0x20, s19  }
0x448: {  	s22 =	sand.u32 $0x70, s20;
	s20 =	smov.u32 s21;
	s23 =	sand.u32 $0x1F00, s19  }
0x449: {  	s23 =	sor.u32 s22, s23  }
0x44a: {  	s21 =	sadd.s32 $0x10, s21;
	s22 =	sand.u32 $0xFF0, s20;
	[tilespmem:s23+$0x1C780] =	vst v0  }
0x44b: {  	v0 =	vld [tilespmem:s22+$0x3000];
	_ =	sdelay $0x7  }
0x44c: {  	v0 =	vld.idx.msk [tilespmem:v0+s18+$0x0], $0xffff;
	_ =	sdelay $0x1  }
0x44d: {  	s19 =	sadd.s32 $0x20, s19  }
0x44e: {  	s20 =	sand.u32 $0x70, s20;
	s19 =	sand.u32 $0x1F00, s19  }
0x44f: {  	s22 =	sadd.s32 $0x0, s17;
	s20 =	sor.u32 s20, s19  }
0x450: {  	s21 =	simm.s32 $0x1C880;
	s19 =	simm.s32 $0x1C780;
	[tilespmem:s20+$0x1C780] =	vst v0;
	s20 =	simm.s32 $0x80  }
.LBB2_144:
0x451: {  	[hbm4b:s22+s1] =	stream.linear.scatter [tilespmem:s19], [sflag:$0x2], $0x80, $0x38;
	[tilespmem:$0x1E700] =	vst v63  }
0x452: {  	s22 =	smov.u32 s20;
	s19 =	smov.u32 s21;
	p1 =	sne.s32 s20, $0xF80  }
.Ltmp73:
0x453: {  	s20 =	sadd.s32 $0x80, s20;
	(pc) =	sbr.rel @p1 .LBB2_144-.Ltmp73, $2  }
0x454: {  	_ =	sdelay $0x2  }
0x455: {  	s21 =	sadd.s32 $0x100, s21;
	s22 =	sadd.s32 s22, s17  }
0x456: {  	[hbm4b:s22+s1] =	stream.linear.scatter [tilespmem:s19], [sflag:$0x2], $0x80, $0x38;
	[tilespmem:$0x1E700] =	vst v63  }
0x457: {  	s24 =	simm.s32 $0x2  }
0x458: {  	_ =	swait.ge [sflag:s24], $0x1000  }
.Ltmp74:
0x459: {  	[sflag:s24] =	ssyncset.done $0x0;
	(pc) =	sbr.rel @p0 .LBB2_163-.Ltmp74, $4  }
0x45a: {  	[sflag:s24] =	ssyncadd.s32 $0xFFFFF000  }
0x45b: {  	_ =	swait.ge [sflag:s24], $0x1000  }
0x45c: {  	[sflag:s24] =	ssyncset.done $0x0  }
0x45d: {  	s20 =	sld [smem:$0x7FC];
	[sflag:s24] =	ssyncadd.s32 $0xFFFFF000  }
0x45e: {  	s19 =	rddreg [dreg:$0xd]  }
0x45f: {  	s20 =	simm.s32 $0x80;
	s21 =	simm.s32 $0x400;
	s22 =	simm.s32 $0x1  }
0x460: {  	[tilespmem:s18], [sflag:$0x1] =	stream.strided.gather [hbm4b:s19+s20], $0x18700, s21, s20, $0x38;
	[tilespmem:$0x1E700] =	vst v63  }
0x461: {  	_ =	swait.ge [sflag:s22], $0x18700  }
0x462: {  	[sflag:s22] =	ssyncset.done $0x0  }
0x463: {  	s19 =	simm.s32 $0x0;
	[sflag:s22] =	ssyncadd.s32 $0xFFFE7900  }
0x464: {  	v0 =	vld [tilespmem:s19+$0x0];
	_ =	sdelay $0x7  }
0x465: {  	v0 =	vld.idx.msk [tilespmem:v0+s18+$0x0], $0xffff;
	_ =	sdelay $0x2  }
0x466: {  	s23 =	sand.u32 $0x70, s19;
	s24 =	sand.u32 $0x1F00, s19  }
0x467: {  	s21 =	sor.u32 s23, s24  }
0x468: {  	s20 =	simm.s32 $0x10;
	[tilespmem:s21+$0x1C700] =	vst v0  }
0x469: {  	s22 =	simm.s32 $0x10;
	s21 =	simm.s32 $0x20;
	v0 =	vld [tilespmem:s20+$0x0]  }
.LBB2_147:
0x46a: {  	p1 =	sne.s32 s21, $0xFF0;
	_ =	sdelay $0x6  }
0x46b: {  	v0 =	vld.idx.msk [tilespmem:v0+s18+$0x0], $0xffff;
	_ =	sdelay $0x2  }
.Ltmp75:
0x46c: {  	s19 =	sadd.s32 $0x20, s19;
	(pc) =	sbr.rel @p1 .LBB2_147-.Ltmp75, $4  }
0x46d: {  	s23 =	sand.u32 $0x70, s20;
	s20 =	smov.u32 s21;
	s24 =	sand.u32 $0x1F00, s19  }
0x46e: {  	s23 =	sor.u32 s23, s24  }
0x46f: {  	s22 =	sadd.s32 $0x10, s22;
	[tilespmem:s23+$0x1C700] =	vst v0  }
0x470: {  	s21 =	sadd.s32 $0x10, s21;
	v0 =	vld [tilespmem:s22+$0x0]  }
0x471: {  	_ =	sdelay $0x7  }
0x472: {  	v0 =	vld.idx.msk [tilespmem:v0+s18+$0x0], $0xffff;
	_ =	sdelay $0x1  }
0x473: {  	s19 =	sadd.s32 $0x20, s19  }
0x474: {  	s20 =	sand.u32 $0x70, s20;
	s24 =	rddreg [dreg:$0x1b];
	s19 =	sand.u32 $0x1F00, s19  }
0x475: {  	s22 =	simm.s32 $0x1C800;
	s23 =	sadd.s32 $0x0, s24;
	s21 =	sor.u32 s20, s19  }
0x476: {  	s19 =	simm.s32 $0x0;
	s20 =	simm.s32 $0x1C700;
	[tilespmem:s21+$0x1C700] =	vst v0;
	s21 =	simm.s32 $0x80  }
.LBB2_149:
0x477: {  	[hbm4b:s23+s19] =	stream.linear.scatter [tilespmem:s20], [sflag:$0x2], $0x80, $0x38;
	[tilespmem:$0x1E700] =	vst v63  }
0x478: {  	s23 =	smov.u32 s21;
	s20 =	smov.u32 s22;
	p1 =	sne.s32 s21, $0xF80  }
.Ltmp76:
0x479: {  	s21 =	sadd.s32 $0x80, s21;
	(pc) =	sbr.rel @p1 .LBB2_149-.Ltmp76, $2  }
0x47a: {  	_ =	sdelay $0x2  }
0x47b: {  	s22 =	sadd.s32 $0x100, s22;
	s23 =	sadd.s32 s23, s24  }
0x47c: {  	[hbm4b:s23+s19] =	stream.linear.scatter [tilespmem:s20], [sflag:$0x2], $0x80, $0x38;
	[tilespmem:$0x1E700] =	vst v63  }
0x47d: {  	s23 =	sand.u32 $0xFF0, s19  }
0x47e: {  	v0 =	vld [tilespmem:s23+$0x1000];
	_ =	sdelay $0x7  }
0x47f: {  	v0 =	vld.idx.msk [tilespmem:v0+s18+$0x0], $0xffff;
	_ =	sdelay $0x2  }
0x480: {  	s21 =	sand.u32 $0x70, s19;
	s22 =	sand.u32 $0x1F00, s19  }
0x481: {  	s20 =	simm.s32 $0x10;
	s24 =	sor.u32 s21, s22  }
0x482: {  	s22 =	sand.u32 $0xFF0, s20;
	s21 =	simm.s32 $0x20;
	[tilespmem:s24+$0x1C780] =	vst v0  }
.LBB2_151:
0x483: {  	p1 =	sne.s32 s21, $0xFF0;
	v0 =	vld [tilespmem:s22+$0x1000];
	_ =	sdelay $0x7  }
0x484: {  	v0 =	vld.idx.msk [tilespmem:v0+s18+$0x0], $0xffff;
	_ =	sdelay $0x1  }
.Ltmp77:
0x485: {  	(pc) =	sbr.rel @p1 .LBB2_151-.Ltmp77, $4  }
0x486: {  	s19 =	sadd.s32 $0x20, s19  }
0x487: {  	s22 =	sand.u32 $0x70, s20;
	s20 =	smov.u32 s21;
	s23 =	sand.u32 $0x1F00, s19  }
0x488: {  	s23 =	sor.u32 s22, s23  }
0x489: {  	s21 =	sadd.s32 $0x10, s21;
	s22 =	sand.u32 $0xFF0, s20;
	[tilespmem:s23+$0x1C780] =	vst v0  }
0x48a: {  	v0 =	vld [tilespmem:s22+$0x1000];
	_ =	sdelay $0x7  }
0x48b: {  	v0 =	vld.idx.msk [tilespmem:v0+s18+$0x0], $0xffff;
	_ =	sdelay $0x1  }
0x48c: {  	s19 =	sadd.s32 $0x20, s19  }
0x48d: {  	s20 =	sand.u32 $0x70, s20;
	s23 =	rddreg [dreg:$0x1c];
	s19 =	sand.u32 $0x1F00, s19  }
0x48e: {  	s21 =	simm.s32 $0x1C880;
	s24 =	simm.s32 $0x2;
	s20 =	sor.u32 s20, s19  }
0x48f: {  	s22 =	sadd.s32 $0x0, s23;
	s19 =	simm.s32 $0x1C780;
	[tilespmem:s20+$0x1C780] =	vst v0;
	s20 =	simm.s32 $0x80  }
.LBB2_153:
0x490: {  	[hbm4b:s22+s1] =	stream.linear.scatter [tilespmem:s19], [sflag:$0x2], $0x80, $0x38;
	[tilespmem:$0x1E700] =	vst v63  }
0x491: {  	s22 =	smov.u32 s20;
	s19 =	smov.u32 s21;
	p1 =	sne.s32 s20, $0xF80  }
.Ltmp78:
0x492: {  	s20 =	sadd.s32 $0x80, s20;
	(pc) =	sbr.rel @p1 .LBB2_153-.Ltmp78, $2  }
0x493: {  	_ =	sdelay $0x2  }
0x494: {  	s21 =	sadd.s32 $0x100, s21;
	s22 =	sadd.s32 s22, s23  }
0x495: {  	[hbm4b:s22+s1] =	stream.linear.scatter [tilespmem:s19], [sflag:$0x2], $0x80, $0x38;
	[tilespmem:$0x1E700] =	vst v63  }
0x496: {  	_ =	swait.ge [sflag:s24], $0x1000  }
0x497: {  	s19 =	simm.s32 $0x0;
	[sflag:s24] =	ssyncset.done $0x0  }
0x498: {  	s20 =	sand.u32 $0xFF0, s19;
	[sflag:s24] =	ssyncadd.s32 $0xFFFFF000  }
0x499: {  	v0 =	vld [tilespmem:s20+$0x2000];
	_ =	sdelay $0x7  }
0x49a: {  	v0 =	vld.idx.msk [tilespmem:v0+s18+$0x0], $0xffff;
	_ =	sdelay $0x2  }
0x49b: {  	s21 =	sand.u32 $0x70, s19;
	s24 =	sand.u32 $0x1F00, s19  }
0x49c: {  	s20 =	simm.s32 $0x10;
	s23 =	sor.u32 s21, s24  }
0x49d: {  	s21 =	simm.s32 $0x20;
	s22 =	sand.u32 $0xFF0, s20;
	[tilespmem:s23+$0x1C700] =	vst v0  }
.LBB2_155:
0x49e: {  	p1 =	sne.s32 s21, $0xFF0;
	v0 =	vld [tilespmem:s22+$0x2000];
	_ =	sdelay $0x7  }
0x49f: {  	v0 =	vld.idx.msk [tilespmem:v0+s18+$0x0], $0xffff;
	_ =	sdelay $0x1  }
.Ltmp79:
0x4a0: {  	(pc) =	sbr.rel @p1 .LBB2_155-.Ltmp79, $4  }
0x4a1: {  	s19 =	sadd.s32 $0x20, s19  }
0x4a2: {  	s22 =	sand.u32 $0x70, s20;
	s20 =	smov.u32 s21;
	s23 =	sand.u32 $0x1F00, s19  }
0x4a3: {  	s23 =	sor.u32 s22, s23  }
0x4a4: {  	s21 =	sadd.s32 $0x10, s21;
	s22 =	sand.u32 $0xFF0, s20;
	[tilespmem:s23+$0x1C700] =	vst v0  }
0x4a5: {  	v0 =	vld [tilespmem:s22+$0x2000];
	_ =	sdelay $0x7  }
0x4a6: {  	v0 =	vld.idx.msk [tilespmem:v0+s18+$0x0], $0xffff;
	_ =	sdelay $0x1  }
0x4a7: {  	s19 =	sadd.s32 $0x20, s19  }
0x4a8: {  	s20 =	sand.u32 $0x70, s20;
	s19 =	sand.u32 $0x1F00, s19  }
0x4a9: {  	s23 =	rddreg [dreg:$0x1d];
	s21 =	simm.s32 $0x1C800;
	s20 =	sor.u32 s20, s19  }
0x4aa: {  	s22 =	sadd.s32 $0x0, s23;
	s19 =	simm.s32 $0x1C700;
	[tilespmem:s20+$0x1C700] =	vst v0;
	s20 =	simm.s32 $0x80  }
.LBB2_157:
0x4ab: {  	[hbm4b:s22+s1] =	stream.linear.scatter [tilespmem:s19], [sflag:$0x2], $0x80, $0x38;
	[tilespmem:$0x1E700] =	vst v63  }
0x4ac: {  	s22 =	smov.u32 s20;
	s19 =	smov.u32 s21;
	p1 =	sne.s32 s20, $0xF80  }
.Ltmp80:
0x4ad: {  	s20 =	sadd.s32 $0x80, s20;
	(pc) =	sbr.rel @p1 .LBB2_157-.Ltmp80, $2  }
0x4ae: {  	_ =	sdelay $0x2  }
0x4af: {  	s21 =	sadd.s32 $0x100, s21;
	s22 =	sadd.s32 s22, s23  }
0x4b0: {  	[hbm4b:s22+s1] =	stream.linear.scatter [tilespmem:s19], [sflag:$0x2], $0x80, $0x38;
	[tilespmem:$0x1E700] =	vst v63  }
0x4b1: {  	s20 =	simm.s32 $0x2  }
0x4b2: {  	_ =	swait.ge [sflag:s20], $0x1000  }
0x4b3: {  	s19 =	simm.s32 $0x0;
	[sflag:s20] =	ssyncset.done $0x0  }
0x4b4: {  	s23 =	sand.u32 $0xFF0, s19;
	[sflag:s20] =	ssyncadd.s32 $0xFFFFF000  }
0x4b5: {  	v0 =	vld [tilespmem:s23+$0x3000];
	_ =	sdelay $0x7  }
0x4b6: {  	v0 =	vld.idx.msk [tilespmem:v0+s18+$0x0], $0xffff;
	_ =	sdelay $0x2  }
0x4b7: {  	s21 =	sand.u32 $0x70, s19;
	s24 =	sand.u32 $0x1F00, s19  }
0x4b8: {  	s20 =	simm.s32 $0x10;
	s23 =	sor.u32 s21, s24  }
0x4b9: {  	s22 =	sand.u32 $0xFF0, s20;
	s21 =	simm.s32 $0x20;
	[tilespmem:s23+$0x1C780] =	vst v0  }
.LBB2_159:
0x4ba: {  	p1 =	sne.s32 s21, $0xFF0;
	v0 =	vld [tilespmem:s22+$0x3000];
	_ =	sdelay $0x7  }
0x4bb: {  	v0 =	vld.idx.msk [tilespmem:v0+s18+$0x0], $0xffff;
	_ =	sdelay $0x1  }
.Ltmp81:
0x4bc: {  	(pc) =	sbr.rel @p1 .LBB2_159-.Ltmp81, $4  }
0x4bd: {  	s19 =	sadd.s32 $0x20, s19  }
0x4be: {  	s22 =	sand.u32 $0x70, s20;
	s20 =	smov.u32 s21;
	s23 =	sand.u32 $0x1F00, s19  }
0x4bf: {  	s23 =	sor.u32 s22, s23  }
0x4c0: {  	s21 =	sadd.s32 $0x10, s21;
	s22 =	sand.u32 $0xFF0, s20;
	[tilespmem:s23+$0x1C780] =	vst v0  }
0x4c1: {  	v0 =	vld [tilespmem:s22+$0x3000];
	_ =	sdelay $0x7  }
0x4c2: {  	v0 =	vld.idx.msk [tilespmem:v0+s18+$0x0], $0xffff;
	_ =	sdelay $0x1  }
0x4c3: {  	s19 =	sadd.s32 $0x20, s19  }
0x4c4: {  	s20 =	sand.u32 $0x70, s20;
	s19 =	sand.u32 $0x1F00, s19  }
0x4c5: {  	s23 =	rddreg [dreg:$0x1e];
	s21 =	simm.s32 $0x1C880;
	s20 =	sor.u32 s20, s19  }
0x4c6: {  	s22 =	sadd.s32 $0x0, s23;
	s19 =	simm.s32 $0x1C780;
	[tilespmem:s20+$0x1C780] =	vst v0;
	s20 =	simm.s32 $0x80  }
.LBB2_161:
0x4c7: {  	[hbm4b:s22+s1] =	stream.linear.scatter [tilespmem:s19], [sflag:$0x2], $0x80, $0x38;
	[tilespmem:$0x1E700] =	vst v63  }
0x4c8: {  	s22 =	smov.u32 s20;
	s19 =	smov.u32 s21;
	p1 =	sne.s32 s20, $0xF80  }
.Ltmp82:
0x4c9: {  	s20 =	sadd.s32 $0x80, s20;
	(pc) =	sbr.rel @p1 .LBB2_161-.Ltmp82, $2  }
0x4ca: {  	_ =	sdelay $0x2  }
0x4cb: {  	s21 =	sadd.s32 $0x100, s21;
	s22 =	sadd.s32 s22, s23  }
.Ltmp83:
0x4cc: {  	_ = 	snop;
	(pc) =	sbr.rel .LBB2_162-.Ltmp83, $1  }
0x4cd: {  	_ =	sdelay $0x3  }
.LBB2_164:
0x4ce: {  	_ =	sfence.sel $0x180000  }
0x4cf: {  	[bflag:$0x0] =	sbarrier.arrive $0xFFFF  }
0x4d0: {  	_ =	strace $0x90000047  }
0x4d1: {  	s0 =	stileid.u32;
	[bflag:$0x2] =	sbarrier.arrive $0xFFFF  }
0x4d2: {  	p0 =	sne.s32 s0, $0x0;
	s0 =	rddreg [dreg:$0x3]  }
0x4d3: {  	s0 =	sadd.s32 @!p0 $0x100000, s0  }
0x4d4: {  	[sflag:s0] =	ssyncadd.tile.s32 @!p0 $0x1;
	_ =	shalt  }
.Lfunc_end2:
_tile_overlayer_lowered:
.L_overlay_start_2:
0x4d5: {  	(tag) =	ssettag $0x2  }
0x4d6: {  	s0 =	rddreg [dreg:$0x0];
	s2 =	stileid.u32  }
0x4d7: {  	s1 =	rddreg [dreg:$0x1];
	p0 =	sne.s32 s2, $0x0  }
0x4d8: {  	s3 =	rddreg [dreg:$0x2];
	[bflag:$0x3] =	sbarrier.arrive $0xFFFF;
	s2 =	simm.s32 @!p0 $0x1C03  }
0x4d9: {  	[timem:s3], [sflag:s2] =	dma.local @!p0 [hbm:s0], s1  }
0x4da: {  	s0 =	simm.s32 @!p0 $0x3  }
0x4db: {  	_ =	swait.ge @!p0 [sflag:s0], s1  }
0x4dc: {  	s1 =	ssub.s32 @!p0 $0x0, s1;
	[sflag:s0] =	ssyncset.done @!p0 $0x0  }
0x4dd: {  	[sflag:s0] =	ssyncadd.s32 @!p0 s1  }
0x4de: {  	[bflag:$0x3] =	sbarrier.arrive $0xFFFF  }
0x4df: {  	_ =	shalt  }

</sc_bundles>
